<compile_context>
chip_gen: v7x
topology: tpu7x:2x2x1
jax: 0.10.2.dev20260603
libtpu: 0.0.44.dev20260713+nightly
codegen_flags: <defaults>
</compile_context>

<pallas_src>
import functools

import jax
import jax.numpy as jnp
from jax import lax
from jax.experimental import pallas as pl
from jax.experimental.pallas import tpu as pltpu
from jax.experimental.pallas import tpu_sc as plsc

N = 10000
NPAD = 10240
E = 320000
EPAD = 327680
NT = 16
NBLK = 160
K = 128
NPT = NPAD // NT
B = 8
T = 8
N_LAYERS = 2
VOCAB = 1000
NJ = 8
NB = NPAD // NJ

_mesh = plsc.VectorSubcoreMesh(core_axis_name="c", subcore_axis_name="s")


@functools.partial(
    pl.kernel,
    mesh=_mesh,
    compiler_params=pltpu.CompilerParams(needs_layout_passes=False,
                                         use_tc_tiling_on_sc=False),
    out_type=(
        jax.ShapeDtypeStruct((T, NPAD, B), jnp.float32),
        jax.ShapeDtypeStruct((NT, NBLK, K), jnp.float32),
    ),
    scratch_types=[
        pltpu.VMEM_SHARED((NPAD, B), jnp.float32),
        pltpu.VMEM_SHARED((NPAD, B), jnp.float32),
        pltpu.VMEM_SHARED((NPAD, B), jnp.float32),
        pltpu.VMEM_SHARED((NPAD, B), jnp.float32),
        pltpu.VMEM_SHARED((NPAD, B), jnp.float32),
        pltpu.VMEM((NBLK, K), jnp.int32),
        pltpu.VMEM((NBLK, K), jnp.int32),
        pltpu.VMEM((NBLK, K), jnp.float32),
        pltpu.VMEM((NBLK, K), jnp.float32),
        pltpu.VMEM((K, B), jnp.float32),
        pltpu.VMEM((K, B), jnp.float32),
        pltpu.VMEM((K, B), jnp.float32),
        pltpu.VMEM((K, B), jnp.float32),
        pltpu.VMEM((K, B), jnp.float32),
        pltpu.VMEM((K, B), jnp.float32),
        pltpu.VMEM((K, B), jnp.float32),
        pltpu.VMEM((K, B), jnp.float32),
        pltpu.VMEM((K, B), jnp.float32),
        pltpu.VMEM((NPT, B), jnp.float32),
        pltpu.VMEM((NPT, B), jnp.float32),
        pltpu.SemaphoreType.DMA,
        pltpu.SemaphoreType.DMA,
        pltpu.SemaphoreType.DMA,
        pltpu.SemaphoreType.DMA,
    ],
)
def _sc_recurrence(xt, srch, dsth, gsh, gyh, gxh, xout, sigout,
                   x_cur, y_cur, a_acc, x_new, y_new,
                   srcb, dstb, sigb, gbuf,
                   xs0, xs1, ys0, ys1, xd0, xd1, av0, av1, prod_v,
                   zbuf, fbuf, semg0, semg1, sems0, sems1):
    cid = lax.axis_index("c")
    sid = lax.axis_index("s")
    xs = (xs0, xs1)
    ys = (ys0, ys1)
    xd = (xd0, xd1)
    av = (av0, av1)
    semg = (semg0, semg1)
    sems = (sems0, sems1)

    @pl.when(cid == 0)
    def _body():
        iota = lax.iota(jnp.int32, 16)
        halfsel = lax.shift_right_logical(iota, 3)
        cols8 = lax.bitwise_and(iota, 7)
        zero16 = jnp.zeros((16,), jnp.float32)
        nbase = sid * NPT
        nslice = pl.ds(nbase, NPT)

        def idxref(use_src, blk):
            return (srcb if use_src else dstb).at[blk]

        def pipelined_sweep(gathers, compute, target):
            def issue(blk, par):
                for arr, use_src, bufs in gathers:
                    pltpu.async_copy(arr.at[idxref(use_src, blk)],
                                     bufs[par], semg[par])
            issue(0, 0)
            issue(1, 1)

            def pair_body(bi, c):
                for par in (0, 1):
                    blk = 2 * bi + par
                    for arr, use_src, bufs in gathers:
                        pltpu.make_async_copy(arr.at[idxref(use_src, blk)],
                                              bufs[par], semg[par]).wait()

                    @pl.when(bi > 0)
                    def _(par=par, blk=blk):
                        pltpu.make_async_copy(
                            av[par], target.at[dstb.at[blk - 2]],
                            sems[par]).wait()

                    compute(blk, par)
                    pltpu.async_copy(av[par], target.at[dstb.at[blk]],
                                     sems[par], add=True)

                    @pl.when(bi < NBLK // 2 - 1)
                    def _(par=par, blk=blk):
                        issue(blk + 2, par)
                return c

            lax.fori_loop(0, NBLK // 2, pair_body, 0)
            for par in (0, 1):
                pltpu.make_async_copy(av[par],
                                      target.at[dstb.at[NBLK - 2 + par]],
                                      sems[par]).wait()

        pltpu.sync_copy(srch.at[sid], srcb)
        pltpu.sync_copy(dsth.at[sid], dstb)

        def _zero_sig(i, c):
            row = jnp.full((16,), lax.shift_right_logical(i, 3), jnp.int32)
            col = iota + lax.bitwise_and(i, 7) * 16
            plsc.store_scatter(sigb, [row, col], zero16)
            return c
        lax.fori_loop(0, NBLK * K // 16, _zero_sig, 0)

        def _zero_z(i, c):
            rows = 2 * i + halfsel
            plsc.store_scatter(zbuf, [rows, cols8], zero16)
            return c
        lax.fori_loop(0, NPT * B // 16, _zero_z, 0)

        pltpu.sync_copy(xt.at[0, nslice, :], fbuf)
        pltpu.sync_copy(fbuf, y_cur.at[nslice])
        pltpu.sync_copy(zbuf, a_acc.at[nslice])
        plsc.subcore_barrier()

        pairsel = tuple(halfsel + 2 * j for j in range(8))
        z16i = jnp.zeros((16,), jnp.int32)

        def s1_compute(blk, par):
            def pair_grp(g, cc):
                gb = g * 16
                s16 = sigb[blk, pl.ds(gb, 16)]
                for jj in (0, 4):
                    addrs = [iota + ((gb + 2 * j) * 8)
                             for j in range(jj, jj + 4)]
                    xvs = [plsc.load_gather(xs[par], [z16i, a]) for a in addrs]
                    yvs = [plsc.load_gather(ys[par], [z16i, a]) for a in addrs]
                    xds = [plsc.load_gather(xd[par], [z16i, a]) for a in addrs]
                    for i, j in enumerate(range(jj, jj + 4)):
                        sg = s16.at[pairsel[j]].get(mode="promise_in_bounds")
                        plsc.store_scatter(av[par], [z16i, addrs[i]],
                                           xvs[i] * sg)
                        plsc.store_scatter(prod_v, [z16i, addrs[i]],
                                           yvs[i] * xds[i])
                return cc
            lax.fori_loop(0, K // 16, pair_grp, 0)

            def hebb_grp(g, cc):
                gb = g * 16
                ebase = (iota + gb) * 8
                hs = [plsc.load_gather(prod_v, [z16i, ebase + bb])
                      for bb in range(B)]
                h = ((hs[0] + hs[1]) + (hs[2] + hs[3])) + \
                    ((hs[4] + hs[5]) + (hs[6] + hs[7]))
                gs16 = gbuf[blk, pl.ds(gb, 16)]
                s16 = sigb[blk, pl.ds(gb, 16)]
                news = s16 * jnp.float32(0.99) + h * gs16 * jnp.float32(0.99 / B)
                sigb[blk, pl.ds(gb, 16)] = news
                return cc
            lax.fori_loop(0, K // 16, hebb_grp, 0)

        def mk_mul_compute(relu):
            def compute(blk, par):
                def grp(g, cc):
                    gb = g * 16
                    g16 = gbuf[blk, pl.ds(gb, 16)]
                    addrs = [iota + ((gb + 2 * j) * 8) for j in range(8)]
                    vs = [plsc.load_gather(xs[par], [z16i, a]) for a in addrs]
                    for j in range(8):
                        v = vs[j]
                        if relu:
                            v = jnp.maximum(v, jnp.float32(0.0))
                        gp = g16.at[pairsel[j]].get(mode="promise_in_bounds")
                        plsc.store_scatter(av[par], [z16i, addrs[j]], v * gp)
                    return cc
                lax.fori_loop(0, K // 16, grp, 0)
            return compute

        s2_compute = mk_mul_compute(relu=True)
        s3_compute = mk_mul_compute(relu=False)

        def step_body(step, carry):
            t = lax.shift_right_logical(step, 1)
            layer = lax.bitwise_and(step, 1)

            @pl.when(layer == 0)
            def _():
                pltpu.sync_copy(xt.at[t, nslice, :], fbuf)
                pltpu.sync_copy(fbuf, x_cur.at[nslice])
            plsc.subcore_barrier()

            pltpu.sync_copy(gsh.at[sid], gbuf)
            pltpu.sync_copy(zbuf, y_new.at[nslice])
            pipelined_sweep(
                [(x_cur, True, xs), (y_cur, True, ys), (x_cur, False, xd)],
                s1_compute, a_acc)
            plsc.subcore_barrier()

            pltpu.sync_copy(gyh.at[sid], gbuf)
            pltpu.sync_copy(zbuf, x_new.at[nslice])
            pipelined_sweep([(a_acc, True, xs)], s2_compute, y_new)
            plsc.subcore_barrier()

            pltpu.sync_copy(gxh.at[sid], gbuf)
            pltpu.sync_copy(zbuf, a_acc.at[nslice])
            pipelined_sweep([(y_new, True, xs)], s3_compute, x_new)
            plsc.subcore_barrier()

            pltpu.sync_copy(x_new.at[nslice], fbuf)

            def fin(i, c):
                offs = [iota + ((i * 4 + k) * 16) for k in range(4)]
                vs = [plsc.load_gather(fbuf, [z16i, o]) for o in offs]
                for k in range(4):
                    plsc.store_scatter(fbuf, [z16i, offs[k]],
                                       jnp.maximum(vs[k], jnp.float32(0.0)))
                return c
            lax.fori_loop(0, NPT * B // 64, fin, 0)

            pltpu.sync_copy(fbuf, x_cur.at[nslice])

            @pl.when(layer == 1)
            def _():
                pltpu.sync_copy(fbuf, xout.at[t, nslice, :])

            pltpu.sync_copy(y_new.at[nslice], fbuf)
            pltpu.sync_copy(fbuf, y_cur.at[nslice])
            plsc.subcore_barrier()
            return carry

        lax.fori_loop(0, T * N_LAYERS, step_body, 0)

        pltpu.sync_copy(sigb, sigout.at[sid])


def _readout_body(xs_ref, w_ref, b_ref, o_ref):
    j = pl.program_id(1)
    x = xs_ref[0]
    w = w_ref[...]
    part = lax.dot_general(w, x, (((1,), (0,)), ((), ())),
                           preferred_element_type=jnp.float32)

    @pl.when(j == 0)
    def _():
        o_ref[0] = part + b_ref[0][:, None]

    @pl.when(j > 0)
    def _():
        o_ref[0] = o_ref[0] + part


def _readout(xstates, w_pad, b2d):
    return pl.pallas_call(
        _readout_body,
        grid=(T, NJ),
        in_specs=[
            pl.BlockSpec((1, NB, B), lambda t, j: (t, j, 0)),
            pl.BlockSpec((VOCAB, NB), lambda t, j: (0, j)),
            pl.BlockSpec((1, VOCAB), lambda t, j: (0, 0)),
        ],
        out_specs=pl.BlockSpec((1, VOCAB, B), lambda t, j: (t, 0, 0)),
        out_shape=jax.ShapeDtypeStruct((T, VOCAB, B), jnp.float32),
    )(xstates, w_pad, b2d)


def kernel(idx, edge_index, Gx, Gy, Gs, emb, W, b):
    idx = idx.astype(jnp.int32)
    ei = edge_index.astype(jnp.int32)
    pad_n = EPAD - E
    pad_idx = N + (jnp.arange(pad_n, dtype=jnp.int32) % (NPAD - N))
    src_p = jnp.concatenate([ei[0], pad_idx]).reshape(NT, NBLK, K)
    dst_p = jnp.concatenate([ei[1], pad_idx]).reshape(NT, NBLK, K)
    zpad = jnp.zeros((pad_n,), jnp.float32)
    gs_p = jnp.concatenate([Gs, zpad]).reshape(NT, NBLK, K)
    gy_p = jnp.concatenate([Gy, zpad]).reshape(NT, NBLK, K)
    gx_p = jnp.concatenate([Gx, zpad]).reshape(NT, NBLK, K)

    Xt = jnp.transpose(jnp.take(emb, idx, axis=0), (1, 2, 0))
    Xt = jnp.pad(Xt, ((0, 0), (0, NPAD - N), (0, 0)))

    xstates, sig_p = _sc_recurrence(Xt, src_p, dst_p, gs_p, gy_p, gx_p)
    sigma = sig_p.reshape(-1)[:E]

    w_pad = jnp.pad(W, ((0, 0), (0, NPAD - N)))
    logits = _readout(xstates, w_pad, b.reshape(1, VOCAB))
    logits = jnp.transpose(logits, (2, 0, 1))
    return logits, jax.lax.stop_gradient(sigma)

# --- scband reference (transcript-rebuilt; emitter-appended) ---
"""Pipeline reference for scband-bdhgraph-model-36636071035465 (READ-ONLY COPY).

The authoritative reference and input builder live on the scoring server;
editing this copy changes nothing except your own understanding.
"""

import jax, jax.numpy as jnp
import numpy as np

N_NEURONS = 10000
N_EDGES = 320000
N_LAYERS = 2
VOCAB = 1000
B, T = 8, 8


def setup_inputs(seed: int = 0) -> dict:
    key = jax.random.key(seed)
    ks = jax.random.split(key, 8)
    idx = jax.random.randint(ks[0], (B, T), 0, VOCAB, dtype=jnp.int64 if jax.config.jax_enable_x64 else jnp.int32)
    edge_index = jax.random.randint(ks[1], (2, N_EDGES), 0, N_NEURONS)
    Gx = jax.random.normal(ks[2], (N_EDGES,), dtype=jnp.float32) * 0.02
    Gy = jax.random.normal(ks[3], (N_EDGES,), dtype=jnp.float32) * 0.02
    Gs = jnp.ones((N_EDGES,), dtype=jnp.float32)
    emb = jax.random.normal(ks[4], (VOCAB, N_NEURONS), dtype=jnp.float32) * 0.02
    W = jax.random.normal(ks[5], (VOCAB, N_NEURONS), dtype=jnp.float32) * 0.02
    b = jnp.zeros((VOCAB,), dtype=jnp.float32)
    return {"idx": idx, "edge_index": edge_index, "Gx": Gx, "Gy": Gy, "Gs": Gs, "emb": emb, "W": W, "b": b}


def reference(idx, edge_index, Gx, Gy, Gs, emb, W, b):
    # X = embedding(idx): [B, T, n]
    X = jnp.take(emb, idx, axis=0)
    sigma = jnp.zeros((N_EDGES,), dtype=X.dtype)
    src = edge_index[0]
    dst = edge_index[1]
    y_t = X[:, 0, :]
    logits_list = []
    for t in range(T):
        x_t = X[:, t, :]
        for _ in range(N_LAYERS):
            # A.index_add_(1, dst, x_t[:, src] * sigma)
            A = jnp.zeros_like(x_t).at[:, dst].add(x_t[:, src] * sigma)
            hebbian = (y_t[:, src] * x_t[:, dst]).mean(axis=0)
            sigma = (sigma + hebbian * Gs) * 0.99
            # y_new.index_add_(1, dst, relu(A[:, src]) * Gy)
            y_t = jnp.zeros_like(x_t).at[:, dst].add(jax.nn.relu(A[:, src]) * Gy)
            # x_next.index_add_(1, dst, y_t[:, src] * Gx)
            x_t = jax.nn.relu(jnp.zeros_like(x_t).at[:, dst].add(y_t[:, src] * Gx))
        # readout: Linear(n, vocab) with W [vocab, n]
        logits_list.append(x_t @ W.T + b)
    logits = jnp.stack(logits_list, axis=1)
    return logits, jax.lax.stop_gradient(sigma)

if __name__ == "__main__":
    import jax
    _d = setup_inputs()
    print(jax.jit(kernel)(*tuple(_d.values())))

</pallas_src>

<mosaic_0001>
#map = affine_map<(d0, d1) -> (0, 0, 0)>
module attributes {stable_mosaic.version = 14 : i64} {
  func.func @_sc_recurrence(%arg0: i32, %arg1: i32, %arg2: memref<8x10240x8xf32, #tpu.memory_space<hbm>>, %arg3: memref<16x160x128xi32, #tpu.memory_space<hbm>>, %arg4: memref<16x160x128xi32, #tpu.memory_space<hbm>>, %arg5: memref<16x160x128xf32, #tpu.memory_space<hbm>>, %arg6: memref<16x160x128xf32, #tpu.memory_space<hbm>>, %arg7: memref<16x160x128xf32, #tpu.memory_space<hbm>>, %arg8: memref<8x10240x8xf32, #tpu.memory_space<hbm>>, %arg9: memref<16x160x128xf32, #tpu.memory_space<hbm>>, %arg10: memref<10240x8xf32, #tpu.memory_space<vmem_shared>>, %arg11: memref<10240x8xf32, #tpu.memory_space<vmem_shared>>, %arg12: memref<10240x8xf32, #tpu.memory_space<vmem_shared>>, %arg13: memref<10240x8xf32, #tpu.memory_space<vmem_shared>>, %arg14: memref<10240x8xf32, #tpu.memory_space<vmem_shared>>, %arg15: memref<160x128xi32, #tpu.memory_space<vmem>>, %arg16: memref<160x128xi32, #tpu.memory_space<vmem>>, %arg17: memref<160x128xf32, #tpu.memory_space<vmem>>, %arg18: memref<160x128xf32, #tpu.memory_space<vmem>>, %arg19: memref<128x8xf32, #tpu.memory_space<vmem>>, %arg20: memref<128x8xf32, #tpu.memory_space<vmem>>, %arg21: memref<128x8xf32, #tpu.memory_space<vmem>>, %arg22: memref<128x8xf32, #tpu.memory_space<vmem>>, %arg23: memref<128x8xf32, #tpu.memory_space<vmem>>, %arg24: memref<128x8xf32, #tpu.memory_space<vmem>>, %arg25: memref<128x8xf32, #tpu.memory_space<vmem>>, %arg26: memref<128x8xf32, #tpu.memory_space<vmem>>, %arg27: memref<128x8xf32, #tpu.memory_space<vmem>>, %arg28: memref<640x8xf32, #tpu.memory_space<vmem>>, %arg29: memref<640x8xf32, #tpu.memory_space<vmem>>, %arg30: memref<!tpu.dma_semaphore, #tpu.memory_space<semaphore_mem>>, %arg31: memref<!tpu.dma_semaphore, #tpu.memory_space<semaphore_mem>>, %arg32: memref<!tpu.dma_semaphore, #tpu.memory_space<semaphore_mem>>, %arg33: memref<!tpu.dma_semaphore, #tpu.memory_space<semaphore_mem>>) attributes {dimension_semantics = [#tpu.dimension_semantics<core_parallel>, #tpu.dimension_semantics<subcore_parallel>], iteration_bounds = array<i64: 2, 16>, scalar_prefetch = 0 : i64, scratch_operands = 24 : i64, tpu.core_type = #tpu.core_type<sc_vector_subcore>, window_params = [{transform_indices = #map}, {transform_indices = #map}, {transform_indices = #map}, {transform_indices = #map}, {transform_indices = #map}, {transform_indices = #map}, {transform_indices = #map}, {transform_indices = #map}]} {
    %eq3A = arith.constant 0 : i32
    %eq3A_0 = arith.cmpi eq, %arg0, %eq3A : i32
    %convert_element_type3A = arith.extui %eq3A_0 : i1 to i32
    %cond3A = arith.constant 0 : i32
    %cond3A_1 = arith.cmpi ne, %convert_element_type3A, %cond3A : i32
    scf.if %cond3A_1 {
      %iota3A = tpu.iota {dimensions = array<i32: 0>} : vector<16xi32>
      %shift_right_logical3A = arith.constant 3 : i32
      %shift_right_logical3A_2 = vector.broadcast %shift_right_logical3A : i32 to vector<16xi32>
      %shift_right_logical3A_3 = arith.shrui %iota3A, %shift_right_logical3A_2 : vector<16xi32>
      %and3A = arith.constant 7 : i32
      %and3A_4 = vector.broadcast %and3A : i32 to vector<16xi32>
      %and3A_5 = arith.andi %iota3A, %and3A_4 : vector<16xi32>
      %broadcast_in_dim3A = arith.constant 0.000000e+00 : f32
      %broadcast_in_dim3A_6 = vector.broadcast %broadcast_in_dim3A : f32 to vector<16xf32>
      %mul3A = arith.constant 640 : i32
      %mul3A_7 = arith.muli %arg1, %mul3A : i32
      "tpu.region"() ({
        %run_scoped3A_50 = tpu.sem_alloc : memref<!tpu.dma_semaphore, #tpu.memory_space<semaphore_mem>>
        %dma_start3A = arith.constant 0 : i32
        %dma_start3A_51 = arith.constant 0 : i32
        %dma_start3A_52 = tpu.memref_slice %arg3[%arg1, %dma_start3A, %dma_start3A_51] : memref<16x160x128xi32, #tpu.memory_space<hbm>> -> memref<1x160x128xi32, #tpu.memory_space<hbm>>
        %dma_start3A_53 = tpu.memref_squeeze %dma_start3A_52 : memref<1x160x128xi32, #tpu.memory_space<hbm>> -> memref<160x128xi32, #tpu.memory_space<hbm>>
        %dma_start3A_54 = arith.constant 0 : i32
        %dma_start3A_55 = arith.constant 0 : i32
        %dma_start3A_56 = tpu.memref_slice %arg3[%arg1, %dma_start3A_54, %dma_start3A_55] : memref<16x160x128xi32, #tpu.memory_space<hbm>> -> memref<1x160x128xi32, #tpu.memory_space<hbm>>
        %dma_start3A_57 = tpu.memref_squeeze %dma_start3A_56 : memref<1x160x128xi32, #tpu.memory_space<hbm>> -> memref<160x128xi32, #tpu.memory_space<hbm>>
        tpu.enqueue_dma source(%dma_start3A_57 : memref<160x128xi32, #tpu.memory_space<hbm>>) target(%arg15 : memref<160x128xi32, #tpu.memory_space<vmem>>) target_semaphore(%run_scoped3A_50 : memref<!tpu.dma_semaphore, #tpu.memory_space<semaphore_mem>>)
        %dma_wait3A = arith.constant 0 : i32
        %dma_wait3A_58 = arith.constant 0 : i32
        %dma_wait3A_59 = tpu.memref_slice %arg3[%arg1, %dma_wait3A, %dma_wait3A_58] : memref<16x160x128xi32, #tpu.memory_space<hbm>> -> memref<1x160x128xi32, #tpu.memory_space<hbm>>
        %dma_wait3A_60 = tpu.memref_squeeze %dma_wait3A_59 : memref<1x160x128xi32, #tpu.memory_space<hbm>> -> memref<160x128xi32, #tpu.memory_space<hbm>>
        %dma_wait3A_61 = arith.constant 0 : i32
        %dma_wait3A_62 = arith.constant 0 : i32
        %dma_wait3A_63 = tpu.memref_slice %arg3[%arg1, %dma_wait3A_61, %dma_wait3A_62] : memref<16x160x128xi32, #tpu.memory_space<hbm>> -> memref<1x160x128xi32, #tpu.memory_space<hbm>>
        %dma_wait3A_64 = tpu.memref_squeeze %dma_wait3A_63 : memref<1x160x128xi32, #tpu.memory_space<hbm>> -> memref<160x128xi32, #tpu.memory_space<hbm>>
        tpu.wait_dma2 semaphore(%run_scoped3A_50 : memref<!tpu.dma_semaphore, #tpu.memory_space<semaphore_mem>>) src(%dma_wait3A_64 : memref<160x128xi32, #tpu.memory_space<hbm>>) dst(%arg15 : memref<160x128xi32, #tpu.memory_space<vmem>>)
        tpu.yield
      }) : () -> ()
      "tpu.region"() ({
        %run_scoped3A_50 = tpu.sem_alloc : memref<!tpu.dma_semaphore, #tpu.memory_space<semaphore_mem>>
        %dma_start3A = arith.constant 0 : i32
        %dma_start3A_51 = arith.constant 0 : i32
        %dma_start3A_52 = tpu.memref_slice %arg4[%arg1, %dma_start3A, %dma_start3A_51] : memref<16x160x128xi32, #tpu.memory_space<hbm>> -> memref<1x160x128xi32, #tpu.memory_space<hbm>>
        %dma_start3A_53 = tpu.memref_squeeze %dma_start3A_52 : memref<1x160x128xi32, #tpu.memory_space<hbm>> -> memref<160x128xi32, #tpu.memory_space<hbm>>
        %dma_start3A_54 = arith.constant 0 : i32
        %dma_start3A_55 = arith.constant 0 : i32
        %dma_start3A_56 = tpu.memref_slice %arg4[%arg1, %dma_start3A_54, %dma_start3A_55] : memref<16x160x128xi32, #tpu.memory_space<hbm>> -> memref<1x160x128xi32, #tpu.memory_space<hbm>>
        %dma_start3A_57 = tpu.memref_squeeze %dma_start3A_56 : memref<1x160x128xi32, #tpu.memory_space<hbm>> -> memref<160x128xi32, #tpu.memory_space<hbm>>
        tpu.enqueue_dma source(%dma_start3A_57 : memref<160x128xi32, #tpu.memory_space<hbm>>) target(%arg16 : memref<160x128xi32, #tpu.memory_space<vmem>>) target_semaphore(%run_scoped3A_50 : memref<!tpu.dma_semaphore, #tpu.memory_space<semaphore_mem>>)
        %dma_wait3A = arith.constant 0 : i32
        %dma_wait3A_58 = arith.constant 0 : i32
        %dma_wait3A_59 = tpu.memref_slice %arg4[%arg1, %dma_wait3A, %dma_wait3A_58] : memref<16x160x128xi32, #tpu.memory_space<hbm>> -> memref<1x160x128xi32, #tpu.memory_space<hbm>>
        %dma_wait3A_60 = tpu.memref_squeeze %dma_wait3A_59 : memref<1x160x128xi32, #tpu.memory_space<hbm>> -> memref<160x128xi32, #tpu.memory_space<hbm>>
        %dma_wait3A_61 = arith.constant 0 : i32
        %dma_wait3A_62 = arith.constant 0 : i32
        %dma_wait3A_63 = tpu.memref_slice %arg4[%arg1, %dma_wait3A_61, %dma_wait3A_62] : memref<16x160x128xi32, #tpu.memory_space<hbm>> -> memref<1x160x128xi32, #tpu.memory_space<hbm>>
        %dma_wait3A_64 = tpu.memref_squeeze %dma_wait3A_63 : memref<1x160x128xi32, #tpu.memory_space<hbm>> -> memref<160x128xi32, #tpu.memory_space<hbm>>
        tpu.wait_dma2 semaphore(%run_scoped3A_50 : memref<!tpu.dma_semaphore, #tpu.memory_space<semaphore_mem>>) src(%dma_wait3A_64 : memref<160x128xi32, #tpu.memory_space<hbm>>) dst(%arg16 : memref<160x128xi32, #tpu.memory_space<vmem>>)
        tpu.yield
      }) : () -> ()
      %scan3A = arith.constant 0 : i32
      %scan3A_8 = arith.constant 0 : i32
      %scan3A_9 = arith.constant 1280 : i32
      %scan3A_10 = arith.addi %scan3A_8, %scan3A_9 : i32
      %scan3A_11 = arith.constant 1 : i32
      scf.for %scan3A_50 = %scan3A_8 to %scan3A_10 step %scan3A_11  : i32 {
        %shift_right_logical3A_51 = arith.constant 3 : i32
        %shift_right_logical3A_52 = arith.shrui %scan3A_50, %shift_right_logical3A_51 : i32
        %broadcast_in_dim3A_53 = vector.broadcast %shift_right_logical3A_52 : i32 to vector<16xi32>
        %and3A_54 = arith.constant 7 : i32
        %and3A_55 = arith.andi %scan3A_50, %and3A_54 : i32
        %mul3A_56 = arith.constant 16 : i32
        %mul3A_57 = arith.muli %and3A_55, %mul3A_56 : i32
        %add3A_58 = vector.broadcast %mul3A_57 : i32 to vector<16xi32>
        %add3A_59 = arith.addi %iota3A, %add3A_58 : vector<16xi32>
        tpu.vector_store_idx %arg17[%broadcast_in_dim3A_53, %add3A_59], %broadcast_in_dim3A_6 : memref<160x128xf32, #tpu.memory_space<vmem>>[vector<16xi32>, vector<16xi32>], vector<16xf32>,
      }
      %scan3A_12 = arith.constant 1280 : i32
      %scan3A_13 = arith.constant 0 : i32
      %scan3A_14 = arith.constant 0 : i32
      %scan3A_15 = arith.constant 320 : i32
      %scan3A_16 = arith.addi %scan3A_14, %scan3A_15 : i32
      %scan3A_17 = arith.constant 1 : i32
      scf.for %scan3A_50 = %scan3A_14 to %scan3A_16 step %scan3A_17  : i32 {
        %mul3A_51 = arith.constant 2 : i32
        %mul3A_52 = arith.muli %mul3A_51, %scan3A_50 : i32
        %add3A_53 = vector.broadcast %mul3A_52 : i32 to vector<16xi32>
        %add3A_54 = arith.addi %add3A_53, %shift_right_logical3A_3 : vector<16xi32>
        tpu.vector_store_idx %arg28[%add3A_54, %and3A_5], %broadcast_in_dim3A_6 : memref<640x8xf32, #tpu.memory_space<vmem>>[vector<16xi32>, vector<16xi32>], vector<16xf32>,
      }
      %scan3A_18 = arith.constant 320 : i32
      %run_scoped3A = arith.constant 0 : i32
      "tpu.region"() ({
        %run_scoped3A_50 = tpu.sem_alloc : memref<!tpu.dma_semaphore, #tpu.memory_space<semaphore_mem>>
        %dma_start3A = arith.constant 0 : i32
        %dma_start3A_51 = tpu.memref_slice %arg2[%run_scoped3A, %mul3A_7, %dma_start3A] : memref<8x10240x8xf32, #tpu.memory_space<hbm>> -> memref<1x640x8xf32, #tpu.memory_space<hbm>>
        %dma_start3A_52 = tpu.memref_squeeze %dma_start3A_51 : memref<1x640x8xf32, #tpu.memory_space<hbm>> -> memref<640x8xf32, #tpu.memory_space<hbm>>
        %dma_start3A_53 = arith.constant 0 : i32
        %dma_start3A_54 = tpu.memref_slice %arg2[%run_scoped3A, %mul3A_7, %dma_start3A_53] : memref<8x10240x8xf32, #tpu.memory_space<hbm>> -> memref<1x640x8xf32, #tpu.memory_space<hbm>>
        %dma_start3A_55 = tpu.memref_squeeze %dma_start3A_54 : memref<1x640x8xf32, #tpu.memory_space<hbm>> -> memref<640x8xf32, #tpu.memory_space<hbm>>
        tpu.enqueue_dma source(%dma_start3A_55 : memref<640x8xf32, #tpu.memory_space<hbm>>) target(%arg29 : memref<640x8xf32, #tpu.memory_space<vmem>>) target_semaphore(%run_scoped3A_50 : memref<!tpu.dma_semaphore, #tpu.memory_space<semaphore_mem>>)
        %dma_wait3A = arith.constant 0 : i32
        %dma_wait3A_56 = tpu.memref_slice %arg2[%run_scoped3A, %mul3A_7, %dma_wait3A] : memref<8x10240x8xf32, #tpu.memory_space<hbm>> -> memref<1x640x8xf32, #tpu.memory_space<hbm>>
        %dma_wait3A_57 = tpu.memref_squeeze %dma_wait3A_56 : memref<1x640x8xf32, #tpu.memory_space<hbm>> -> memref<640x8xf32, #tpu.memory_space<hbm>>
        %dma_wait3A_58 = arith.constant 0 : i32
        %dma_wait3A_59 = tpu.memref_slice %arg2[%run_scoped3A, %mul3A_7, %dma_wait3A_58] : memref<8x10240x8xf32, #tpu.memory_space<hbm>> -> memref<1x640x8xf32, #tpu.memory_space<hbm>>
        %dma_wait3A_60 = tpu.memref_squeeze %dma_wait3A_59 : memref<1x640x8xf32, #tpu.memory_space<hbm>> -> memref<640x8xf32, #tpu.memory_space<hbm>>
        tpu.wait_dma2 semaphore(%run_scoped3A_50 : memref<!tpu.dma_semaphore, #tpu.memory_space<semaphore_mem>>) src(%dma_wait3A_60 : memref<640x8xf32, #tpu.memory_space<hbm>>) dst(%arg29 : memref<640x8xf32, #tpu.memory_space<vmem>>)
        tpu.yield
      }) : () -> ()
      "tpu.region"() ({
        %run_scoped3A_50 = tpu.sem_alloc : memref<!tpu.dma_semaphore, #tpu.memory_space<semaphore_mem>>
        %dma_start3A = arith.constant 0 : i32
        %dma_start3A_51 = tpu.memref_slice %arg11[%mul3A_7, %dma_start3A] : memref<10240x8xf32, #tpu.memory_space<vmem_shared>> -> memref<640x8xf32, #tpu.memory_space<vmem_shared>>
        %dma_start3A_52 = arith.constant 0 : i32
        %dma_start3A_53 = tpu.memref_slice %arg11[%mul3A_7, %dma_start3A_52] : memref<10240x8xf32, #tpu.memory_space<vmem_shared>> -> memref<640x8xf32, #tpu.memory_space<vmem_shared>>
        tpu.enqueue_dma source(%arg29 : memref<640x8xf32, #tpu.memory_space<vmem>>) target(%dma_start3A_53 : memref<640x8xf32, #tpu.memory_space<vmem_shared>>) target_semaphore(%run_scoped3A_50 : memref<!tpu.dma_semaphore, #tpu.memory_space<semaphore_mem>>)
        %dma_wait3A = arith.constant 0 : i32
        %dma_wait3A_54 = tpu.memref_slice %arg11[%mul3A_7, %dma_wait3A] : memref<10240x8xf32, #tpu.memory_space<vmem_shared>> -> memref<640x8xf32, #tpu.memory_space<vmem_shared>>
        %dma_wait3A_55 = arith.constant 0 : i32
        %dma_wait3A_56 = tpu.memref_slice %arg11[%mul3A_7, %dma_wait3A_55] : memref<10240x8xf32, #tpu.memory_space<vmem_shared>> -> memref<640x8xf32, #tpu.memory_space<vmem_shared>>
        tpu.wait_dma2 semaphore(%run_scoped3A_50 : memref<!tpu.dma_semaphore, #tpu.memory_space<semaphore_mem>>) src(%arg29 : memref<640x8xf32, #tpu.memory_space<vmem>>) dst(%dma_wait3A_56 : memref<640x8xf32, #tpu.memory_space<vmem_shared>>)
        tpu.yield
      }) : () -> ()
      "tpu.region"() ({
        %run_scoped3A_50 = tpu.sem_alloc : memref<!tpu.dma_semaphore, #tpu.memory_space<semaphore_mem>>
        %dma_start3A = arith.constant 0 : i32
        %dma_start3A_51 = tpu.memref_slice %arg12[%mul3A_7, %dma_start3A] : memref<10240x8xf32, #tpu.memory_space<vmem_shared>> -> memref<640x8xf32, #tpu.memory_space<vmem_shared>>
        %dma_start3A_52 = arith.constant 0 : i32
        %dma_start3A_53 = tpu.memref_slice %arg12[%mul3A_7, %dma_start3A_52] : memref<10240x8xf32, #tpu.memory_space<vmem_shared>> -> memref<640x8xf32, #tpu.memory_space<vmem_shared>>
        tpu.enqueue_dma source(%arg28 : memref<640x8xf32, #tpu.memory_space<vmem>>) target(%dma_start3A_53 : memref<640x8xf32, #tpu.memory_space<vmem_shared>>) target_semaphore(%run_scoped3A_50 : memref<!tpu.dma_semaphore, #tpu.memory_space<semaphore_mem>>)
        %dma_wait3A = arith.constant 0 : i32
        %dma_wait3A_54 = tpu.memref_slice %arg12[%mul3A_7, %dma_wait3A] : memref<10240x8xf32, #tpu.memory_space<vmem_shared>> -> memref<640x8xf32, #tpu.memory_space<vmem_shared>>
        %dma_wait3A_55 = arith.constant 0 : i32
        %dma_wait3A_56 = tpu.memref_slice %arg12[%mul3A_7, %dma_wait3A_55] : memref<10240x8xf32, #tpu.memory_space<vmem_shared>> -> memref<640x8xf32, #tpu.memory_space<vmem_shared>>
        tpu.wait_dma2 semaphore(%run_scoped3A_50 : memref<!tpu.dma_semaphore, #tpu.memory_space<semaphore_mem>>) src(%arg28 : memref<640x8xf32, #tpu.memory_space<vmem>>) dst(%dma_wait3A_56 : memref<640x8xf32, #tpu.memory_space<vmem_shared>>)
        tpu.yield
      }) : () -> ()
      %barrier3A = arith.constant 0 : index
      tpu.barrier barrier_id(%barrier3A)
      %add3A = arith.constant 0 : i32
      %add3A_19 = vector.broadcast %add3A : i32 to vector<16xi32>
      %add3A_20 = arith.addi %shift_right_logical3A_3, %add3A_19 : vector<16xi32>
      %add3A_21 = arith.constant 2 : i32
      %add3A_22 = vector.broadcast %add3A_21 : i32 to vector<16xi32>
      %add3A_23 = arith.addi %shift_right_logical3A_3, %add3A_22 : vector<16xi32>
      %add3A_24 = arith.constant 4 : i32
      %add3A_25 = vector.broadcast %add3A_24 : i32 to vector<16xi32>
      %add3A_26 = arith.addi %shift_right_logical3A_3, %add3A_25 : vector<16xi32>
      %add3A_27 = arith.constant 6 : i32
      %add3A_28 = vector.broadcast %add3A_27 : i32 to vector<16xi32>
      %add3A_29 = arith.addi %shift_right_logical3A_3, %add3A_28 : vector<16xi32>
      %add3A_30 = arith.constant 8 : i32
      %add3A_31 = vector.broadcast %add3A_30 : i32 to vector<16xi32>
      %add3A_32 = arith.addi %shift_right_logical3A_3, %add3A_31 : vector<16xi32>
      %add3A_33 = arith.constant 10 : i32
      %add3A_34 = vector.broadcast %add3A_33 : i32 to vector<16xi32>
      %add3A_35 = arith.addi %shift_right_logical3A_3, %add3A_34 : vector<16xi32>
      %add3A_36 = arith.constant 12 : i32
      %add3A_37 = vector.broadcast %add3A_36 : i32 to vector<16xi32>
      %add3A_38 = arith.addi %shift_right_logical3A_3, %add3A_37 : vector<16xi32>
      %add3A_39 = arith.constant 14 : i32
      %add3A_40 = vector.broadcast %add3A_39 : i32 to vector<16xi32>
      %add3A_41 = arith.addi %shift_right_logical3A_3, %add3A_40 : vector<16xi32>
      %broadcast_in_dim3A_42 = arith.constant 0 : i32
      %broadcast_in_dim3A_43 = vector.broadcast %broadcast_in_dim3A_42 : i32 to vector<16xi32>
      %scan3A_44 = arith.constant 0 : i32
      %scan3A_45 = arith.constant 0 : i32
      %scan3A_46 = arith.constant 16 : i32
      %scan3A_47 = arith.addi %scan3A_45, %scan3A_46 : i32
      %scan3A_48 = arith.constant 1 : i32
      scf.for %scan3A_50 = %scan3A_45 to %scan3A_47 step %scan3A_48  : i32 {
        %shift_right_logical3A_51 = arith.constant 1 : i32
        %shift_right_logical3A_52 = arith.shrui %scan3A_50, %shift_right_logical3A_51 : i32
        %and3A_53 = arith.constant 1 : i32
        %and3A_54 = arith.andi %scan3A_50, %and3A_53 : i32
        %eq3A_55 = arith.constant 0 : i32
        %eq3A_56 = arith.cmpi eq, %and3A_54, %eq3A_55 : i32
        %convert_element_type3A_57 = arith.extui %eq3A_56 : i1 to i32
        %cond3A_58 = arith.constant 0 : i32
        %cond3A_59 = arith.cmpi ne, %convert_element_type3A_57, %cond3A_58 : i32
        scf.if %cond3A_59 {
          "tpu.region"() ({
            %run_scoped3A_204 = tpu.sem_alloc : memref<!tpu.dma_semaphore, #tpu.memory_space<semaphore_mem>>
            %dma_start3A_205 = arith.constant 0 : i32
            %dma_start3A_206 = tpu.memref_slice %arg2[%shift_right_logical3A_52, %mul3A_7, %dma_start3A_205] : memref<8x10240x8xf32, #tpu.memory_space<hbm>> -> memref<1x640x8xf32, #tpu.memory_space<hbm>>
            %dma_start3A_207 = tpu.memref_squeeze %dma_start3A_206 : memref<1x640x8xf32, #tpu.memory_space<hbm>> -> memref<640x8xf32, #tpu.memory_space<hbm>>
            %dma_start3A_208 = arith.constant 0 : i32
            %dma_start3A_209 = tpu.memref_slice %arg2[%shift_right_logical3A_52, %mul3A_7, %dma_start3A_208] : memref<8x10240x8xf32, #tpu.memory_space<hbm>> -> memref<1x640x8xf32, #tpu.memory_space<hbm>>
            %dma_start3A_210 = tpu.memref_squeeze %dma_start3A_209 : memref<1x640x8xf32, #tpu.memory_space<hbm>> -> memref<640x8xf32, #tpu.memory_space<hbm>>
            tpu.enqueue_dma source(%dma_start3A_210 : memref<640x8xf32, #tpu.memory_space<hbm>>) target(%arg29 : memref<640x8xf32, #tpu.memory_space<vmem>>) target_semaphore(%run_scoped3A_204 : memref<!tpu.dma_semaphore, #tpu.memory_space<semaphore_mem>>)
            %dma_wait3A_211 = arith.constant 0 : i32
            %dma_wait3A_212 = tpu.memref_slice %arg2[%shift_right_logical3A_52, %mul3A_7, %dma_wait3A_211] : memref<8x10240x8xf32, #tpu.memory_space<hbm>> -> memref<1x640x8xf32, #tpu.memory_space<hbm>>
            %dma_wait3A_213 = tpu.memref_squeeze %dma_wait3A_212 : memref<1x640x8xf32, #tpu.memory_space<hbm>> -> memref<640x8xf32, #tpu.memory_space<hbm>>
            %dma_wait3A_214 = arith.constant 0 : i32
            %dma_wait3A_215 = tpu.memref_slice %arg2[%shift_right_logical3A_52, %mul3A_7, %dma_wait3A_214] : memref<8x10240x8xf32, #tpu.memory_space<hbm>> -> memref<1x640x8xf32, #tpu.memory_space<hbm>>
            %dma_wait3A_216 = tpu.memref_squeeze %dma_wait3A_215 : memref<1x640x8xf32, #tpu.memory_space<hbm>> -> memref<640x8xf32, #tpu.memory_space<hbm>>
            tpu.wait_dma2 semaphore(%run_scoped3A_204 : memref<!tpu.dma_semaphore, #tpu.memory_space<semaphore_mem>>) src(%dma_wait3A_216 : memref<640x8xf32, #tpu.memory_space<hbm>>) dst(%arg29 : memref<640x8xf32, #tpu.memory_space<vmem>>)
            tpu.yield
          }) : () -> ()
          "tpu.region"() ({
            %run_scoped3A_204 = tpu.sem_alloc : memref<!tpu.dma_semaphore, #tpu.memory_space<semaphore_mem>>
            %dma_start3A_205 = arith.constant 0 : i32
            %dma_start3A_206 = tpu.memref_slice %arg10[%mul3A_7, %dma_start3A_205] : memref<10240x8xf32, #tpu.memory_space<vmem_shared>> -> memref<640x8xf32, #tpu.memory_space<vmem_shared>>
            %dma_start3A_207 = arith.constant 0 : i32
            %dma_start3A_208 = tpu.memref_slice %arg10[%mul3A_7, %dma_start3A_207] : memref<10240x8xf32, #tpu.memory_space<vmem_shared>> -> memref<640x8xf32, #tpu.memory_space<vmem_shared>>
            tpu.enqueue_dma source(%arg29 : memref<640x8xf32, #tpu.memory_space<vmem>>) target(%dma_start3A_208 : memref<640x8xf32, #tpu.memory_space<vmem_shared>>) target_semaphore(%run_scoped3A_204 : memref<!tpu.dma_semaphore, #tpu.memory_space<semaphore_mem>>)
            %dma_wait3A_209 = arith.constant 0 : i32
            %dma_wait3A_210 = tpu.memref_slice %arg10[%mul3A_7, %dma_wait3A_209] : memref<10240x8xf32, #tpu.memory_space<vmem_shared>> -> memref<640x8xf32, #tpu.memory_space<vmem_shared>>
            %dma_wait3A_211 = arith.constant 0 : i32
            %dma_wait3A_212 = tpu.memref_slice %arg10[%mul3A_7, %dma_wait3A_211] : memref<10240x8xf32, #tpu.memory_space<vmem_shared>> -> memref<640x8xf32, #tpu.memory_space<vmem_shared>>
            tpu.wait_dma2 semaphore(%run_scoped3A_204 : memref<!tpu.dma_semaphore, #tpu.memory_space<semaphore_mem>>) src(%arg29 : memref<640x8xf32, #tpu.memory_space<vmem>>) dst(%dma_wait3A_212 : memref<640x8xf32, #tpu.memory_space<vmem_shared>>)
            tpu.yield
          }) : () -> ()
        } else {
        }
        %barrier3A_60 = arith.constant 0 : index
        tpu.barrier barrier_id(%barrier3A_60)
        "tpu.region"() ({
          %run_scoped3A_204 = tpu.sem_alloc : memref<!tpu.dma_semaphore, #tpu.memory_space<semaphore_mem>>
          %dma_start3A_205 = arith.constant 0 : i32
          %dma_start3A_206 = arith.constant 0 : i32
          %dma_start3A_207 = tpu.memref_slice %arg5[%arg1, %dma_start3A_205, %dma_start3A_206] : memref<16x160x128xf32, #tpu.memory_space<hbm>> -> memref<1x160x128xf32, #tpu.memory_space<hbm>>
          %dma_start3A_208 = tpu.memref_squeeze %dma_start3A_207 : memref<1x160x128xf32, #tpu.memory_space<hbm>> -> memref<160x128xf32, #tpu.memory_space<hbm>>
          %dma_start3A_209 = arith.constant 0 : i32
          %dma_start3A_210 = arith.constant 0 : i32
          %dma_start3A_211 = tpu.memref_slice %arg5[%arg1, %dma_start3A_209, %dma_start3A_210] : memref<16x160x128xf32, #tpu.memory_space<hbm>> -> memref<1x160x128xf32, #tpu.memory_space<hbm>>
          %dma_start3A_212 = tpu.memref_squeeze %dma_start3A_211 : memref<1x160x128xf32, #tpu.memory_space<hbm>> -> memref<160x128xf32, #tpu.memory_space<hbm>>
          tpu.enqueue_dma source(%dma_start3A_212 : memref<160x128xf32, #tpu.memory_space<hbm>>) target(%arg18 : memref<160x128xf32, #tpu.memory_space<vmem>>) target_semaphore(%run_scoped3A_204 : memref<!tpu.dma_semaphore, #tpu.memory_space<semaphore_mem>>)
          %dma_wait3A_213 = arith.constant 0 : i32
          %dma_wait3A_214 = arith.constant 0 : i32
          %dma_wait3A_215 = tpu.memref_slice %arg5[%arg1, %dma_wait3A_213, %dma_wait3A_214] : memref<16x160x128xf32, #tpu.memory_space<hbm>> -> memref<1x160x128xf32, #tpu.memory_space<hbm>>
          %dma_wait3A_216 = tpu.memref_squeeze %dma_wait3A_215 : memref<1x160x128xf32, #tpu.memory_space<hbm>> -> memref<160x128xf32, #tpu.memory_space<hbm>>
          %dma_wait3A_217 = arith.constant 0 : i32
          %dma_wait3A_218 = arith.constant 0 : i32
          %dma_wait3A_219 = tpu.memref_slice %arg5[%arg1, %dma_wait3A_217, %dma_wait3A_218] : memref<16x160x128xf32, #tpu.memory_space<hbm>> -> memref<1x160x128xf32, #tpu.memory_space<hbm>>
          %dma_wait3A_220 = tpu.memref_squeeze %dma_wait3A_219 : memref<1x160x128xf32, #tpu.memory_space<hbm>> -> memref<160x128xf32, #tpu.memory_space<hbm>>
          tpu.wait_dma2 semaphore(%run_scoped3A_204 : memref<!tpu.dma_semaphore, #tpu.memory_space<semaphore_mem>>) src(%dma_wait3A_220 : memref<160x128xf32, #tpu.memory_space<hbm>>) dst(%arg18 : memref<160x128xf32, #tpu.memory_space<vmem>>)
          tpu.yield
        }) : () -> ()
        "tpu.region"() ({
          %run_scoped3A_204 = tpu.sem_alloc : memref<!tpu.dma_semaphore, #tpu.memory_space<semaphore_mem>>
          %dma_start3A_205 = arith.constant 0 : i32
          %dma_start3A_206 = tpu.memref_slice %arg14[%mul3A_7, %dma_start3A_205] : memref<10240x8xf32, #tpu.memory_space<vmem_shared>> -> memref<640x8xf32, #tpu.memory_space<vmem_shared>>
          %dma_start3A_207 = arith.constant 0 : i32
          %dma_start3A_208 = tpu.memref_slice %arg14[%mul3A_7, %dma_start3A_207] : memref<10240x8xf32, #tpu.memory_space<vmem_shared>> -> memref<640x8xf32, #tpu.memory_space<vmem_shared>>
          tpu.enqueue_dma source(%arg28 : memref<640x8xf32, #tpu.memory_space<vmem>>) target(%dma_start3A_208 : memref<640x8xf32, #tpu.memory_space<vmem_shared>>) target_semaphore(%run_scoped3A_204 : memref<!tpu.dma_semaphore, #tpu.memory_space<semaphore_mem>>)
          %dma_wait3A_209 = arith.constant 0 : i32
          %dma_wait3A_210 = tpu.memref_slice %arg14[%mul3A_7, %dma_wait3A_209] : memref<10240x8xf32, #tpu.memory_space<vmem_shared>> -> memref<640x8xf32, #tpu.memory_space<vmem_shared>>
          %dma_wait3A_211 = arith.constant 0 : i32
          %dma_wait3A_212 = tpu.memref_slice %arg14[%mul3A_7, %dma_wait3A_211] : memref<10240x8xf32, #tpu.memory_space<vmem_shared>> -> memref<640x8xf32, #tpu.memory_space<vmem_shared>>
          tpu.wait_dma2 semaphore(%run_scoped3A_204 : memref<!tpu.dma_semaphore, #tpu.memory_space<semaphore_mem>>) src(%arg28 : memref<640x8xf32, #tpu.memory_space<vmem>>) dst(%dma_wait3A_212 : memref<640x8xf32, #tpu.memory_space<vmem_shared>>)
          tpu.yield
        }) : () -> ()
        %dma_start3A = arith.constant 0 : i32
        %dma_start3A_61 = arith.constant 0 : i32
        %dma_start3A_62 = tpu.memref_slice %arg15[%dma_start3A, %dma_start3A_61] : memref<160x128xi32, #tpu.memory_space<vmem>> -> memref<1x128xi32, #tpu.memory_space<vmem>>
        %dma_start3A_63 = tpu.memref_squeeze %dma_start3A_62 : memref<1x128xi32, #tpu.memory_space<vmem>> -> memref<128xi32, #tpu.memory_space<vmem>>
        %dma_start3A_64 = arith.constant 0 : i32
        %dma_start3A_65 = arith.constant 0 : i32
        %dma_start3A_66 = tpu.memref_slice %arg10[%dma_start3A_64, %dma_start3A_65] : memref<10240x8xf32, #tpu.memory_space<vmem_shared>> -> memref<10240x8xf32, #tpu.memory_space<vmem_shared>>
        tpu.enqueue_indirect_dma source(%dma_start3A_66 : memref<10240x8xf32, #tpu.memory_space<vmem_shared>>) target(%arg19 : memref<128x8xf32, #tpu.memory_space<vmem>>) offsets(%dma_start3A_63 : memref<128xi32, #tpu.memory_space<vmem>>) semaphore(%arg30 : memref<!tpu.dma_semaphore, #tpu.memory_space<semaphore_mem>>)
        %dma_start3A_67 = arith.constant 0 : i32
        %dma_start3A_68 = arith.constant 0 : i32
        %dma_start3A_69 = tpu.memref_slice %arg15[%dma_start3A_67, %dma_start3A_68] : memref<160x128xi32, #tpu.memory_space<vmem>> -> memref<1x128xi32, #tpu.memory_space<vmem>>
        %dma_start3A_70 = tpu.memref_squeeze %dma_start3A_69 : memref<1x128xi32, #tpu.memory_space<vmem>> -> memref<128xi32, #tpu.memory_space<vmem>>
        %dma_start3A_71 = arith.constant 0 : i32
        %dma_start3A_72 = arith.constant 0 : i32
        %dma_start3A_73 = tpu.memref_slice %arg11[%dma_start3A_71, %dma_start3A_72] : memref<10240x8xf32, #tpu.memory_space<vmem_shared>> -> memref<10240x8xf32, #tpu.memory_space<vmem_shared>>
        tpu.enqueue_indirect_dma source(%dma_start3A_73 : memref<10240x8xf32, #tpu.memory_space<vmem_shared>>) target(%arg21 : memref<128x8xf32, #tpu.memory_space<vmem>>) offsets(%dma_start3A_70 : memref<128xi32, #tpu.memory_space<vmem>>) semaphore(%arg30 : memref<!tpu.dma_semaphore, #tpu.memory_space<semaphore_mem>>)
        %dma_start3A_74 = arith.constant 0 : i32
        %dma_start3A_75 = arith.constant 0 : i32
        %dma_start3A_76 = tpu.memref_slice %arg16[%dma_start3A_74, %dma_start3A_75] : memref<160x128xi32, #tpu.memory_space<vmem>> -> memref<1x128xi32, #tpu.memory_space<vmem>>
        %dma_start3A_77 = tpu.memref_squeeze %dma_start3A_76 : memref<1x128xi32, #tpu.memory_space<vmem>> -> memref<128xi32, #tpu.memory_space<vmem>>
        %dma_start3A_78 = arith.constant 0 : i32
        %dma_start3A_79 = arith.constant 0 : i32
        %dma_start3A_80 = tpu.memref_slice %arg10[%dma_start3A_78, %dma_start3A_79] : memref<10240x8xf32, #tpu.memory_space<vmem_shared>> -> memref<10240x8xf32, #tpu.memory_space<vmem_shared>>
        tpu.enqueue_indirect_dma source(%dma_start3A_80 : memref<10240x8xf32, #tpu.memory_space<vmem_shared>>) target(%arg23 : memref<128x8xf32, #tpu.memory_space<vmem>>) offsets(%dma_start3A_77 : memref<128xi32, #tpu.memory_space<vmem>>) semaphore(%arg30 : memref<!tpu.dma_semaphore, #tpu.memory_space<semaphore_mem>>)
        %dma_start3A_81 = arith.constant 1 : i32
        %dma_start3A_82 = arith.constant 0 : i32
        %dma_start3A_83 = tpu.memref_slice %arg15[%dma_start3A_81, %dma_start3A_82] : memref<160x128xi32, #tpu.memory_space<vmem>> -> memref<1x128xi32, #tpu.memory_space<vmem>>
        %dma_start3A_84 = tpu.memref_squeeze %dma_start3A_83 : memref<1x128xi32, #tpu.memory_space<vmem>> -> memref<128xi32, #tpu.memory_space<vmem>>
        %dma_start3A_85 = arith.constant 0 : i32
        %dma_start3A_86 = arith.constant 0 : i32
        %dma_start3A_87 = tpu.memref_slice %arg10[%dma_start3A_85, %dma_start3A_86] : memref<10240x8xf32, #tpu.memory_space<vmem_shared>> -> memref<10240x8xf32, #tpu.memory_space<vmem_shared>>
        tpu.enqueue_indirect_dma source(%dma_start3A_87 : memref<10240x8xf32, #tpu.memory_space<vmem_shared>>) target(%arg20 : memref<128x8xf32, #tpu.memory_space<vmem>>) offsets(%dma_start3A_84 : memref<128xi32, #tpu.memory_space<vmem>>) semaphore(%arg31 : memref<!tpu.dma_semaphore, #tpu.memory_space<semaphore_mem>>)
        %dma_start3A_88 = arith.constant 1 : i32
        %dma_start3A_89 = arith.constant 0 : i32
        %dma_start3A_90 = tpu.memref_slice %arg15[%dma_start3A_88, %dma_start3A_89] : memref<160x128xi32, #tpu.memory_space<vmem>> -> memref<1x128xi32, #tpu.memory_space<vmem>>
        %dma_start3A_91 = tpu.memref_squeeze %dma_start3A_90 : memref<1x128xi32, #tpu.memory_space<vmem>> -> memref<128xi32, #tpu.memory_space<vmem>>
        %dma_start3A_92 = arith.constant 0 : i32
        %dma_start3A_93 = arith.constant 0 : i32
        %dma_start3A_94 = tpu.memref_slice %arg11[%dma_start3A_92, %dma_start3A_93] : memref<10240x8xf32, #tpu.memory_space<vmem_shared>> -> memref<10240x8xf32, #tpu.memory_space<vmem_shared>>
        tpu.enqueue_indirect_dma source(%dma_start3A_94 : memref<10240x8xf32, #tpu.memory_space<vmem_shared>>) target(%arg22 : memref<128x8xf32, #tpu.memory_space<vmem>>) offsets(%dma_start3A_91 : memref<128xi32, #tpu.memory_space<vmem>>) semaphore(%arg31 : memref<!tpu.dma_semaphore, #tpu.memory_space<semaphore_mem>>)
        %dma_start3A_95 = arith.constant 1 : i32
        %dma_start3A_96 = arith.constant 0 : i32
        %dma_start3A_97 = tpu.memref_slice %arg16[%dma_start3A_95, %dma_start3A_96] : memref<160x128xi32, #tpu.memory_space<vmem>> -> memref<1x128xi32, #tpu.memory_space<vmem>>
        %dma_start3A_98 = tpu.memref_squeeze %dma_start3A_97 : memref<1x128xi32, #tpu.memory_space<vmem>> -> memref<128xi32, #tpu.memory_space<vmem>>
        %dma_start3A_99 = arith.constant 0 : i32
        %dma_start3A_100 = arith.constant 0 : i32
        %dma_start3A_101 = tpu.memref_slice %arg10[%dma_start3A_99, %dma_start3A_100] : memref<10240x8xf32, #tpu.memory_space<vmem_shared>> -> memref<10240x8xf32, #tpu.memory_space<vmem_shared>>
        tpu.enqueue_indirect_dma source(%dma_start3A_101 : memref<10240x8xf32, #tpu.memory_space<vmem_shared>>) target(%arg24 : memref<128x8xf32, #tpu.memory_space<vmem>>) offsets(%dma_start3A_98 : memref<128xi32, #tpu.memory_space<vmem>>) semaphore(%arg31 : memref<!tpu.dma_semaphore, #tpu.memory_space<semaphore_mem>>)
        %scan3A_102 = arith.constant 0 : i32
        %scan3A_103 = arith.constant 0 : i32
        %scan3A_104 = arith.constant 80 : i32
        %scan3A_105 = arith.addi %scan3A_103, %scan3A_104 : i32
        %scan3A_106 = arith.constant 1 : i32
        scf.for %scan3A_204 = %scan3A_103 to %scan3A_105 step %scan3A_106  : i32 {
          %mul3A_205 = arith.constant 2 : i32
          %mul3A_206 = arith.muli %mul3A_205, %scan3A_204 : i32
          %add3A_207 = arith.constant 0 : i32
          %add3A_208 = arith.addi %mul3A_206, %add3A_207 : i32
          %dma_wait3A_209 = arith.constant 0 : i32
          %dma_wait3A_210 = tpu.memref_slice %arg15[%add3A_208, %dma_wait3A_209] : memref<160x128xi32, #tpu.memory_space<vmem>> -> memref<1x128xi32, #tpu.memory_space<vmem>>
          %dma_wait3A_211 = tpu.memref_squeeze %dma_wait3A_210 : memref<1x128xi32, #tpu.memory_space<vmem>> -> memref<128xi32, #tpu.memory_space<vmem>>
          %dma_wait3A_212 = arith.constant 0 : i32
          %dma_wait3A_213 = arith.constant 0 : i32
          %dma_wait3A_214 = tpu.memref_slice %arg10[%dma_wait3A_212, %dma_wait3A_213] : memref<10240x8xf32, #tpu.memory_space<vmem_shared>> -> memref<10240x8xf32, #tpu.memory_space<vmem_shared>>
          tpu.wait_indirect_dma semaphore(%arg30 : memref<!tpu.dma_semaphore, #tpu.memory_space<semaphore_mem>>) src(%dma_wait3A_214 : memref<10240x8xf32, #tpu.memory_space<vmem_shared>>) dst(%arg19 : memref<128x8xf32, #tpu.memory_space<vmem>>)
          %dma_wait3A_215 = arith.constant 0 : i32
          %dma_wait3A_216 = tpu.memref_slice %arg15[%add3A_208, %dma_wait3A_215] : memref<160x128xi32, #tpu.memory_space<vmem>> -> memref<1x128xi32, #tpu.memory_space<vmem>>
          %dma_wait3A_217 = tpu.memref_squeeze %dma_wait3A_216 : memref<1x128xi32, #tpu.memory_space<vmem>> -> memref<128xi32, #tpu.memory_space<vmem>>
          %dma_wait3A_218 = arith.constant 0 : i32
          %dma_wait3A_219 = arith.constant 0 : i32
          %dma_wait3A_220 = tpu.memref_slice %arg11[%dma_wait3A_218, %dma_wait3A_219] : memref<10240x8xf32, #tpu.memory_space<vmem_shared>> -> memref<10240x8xf32, #tpu.memory_space<vmem_shared>>
          tpu.wait_indirect_dma semaphore(%arg30 : memref<!tpu.dma_semaphore, #tpu.memory_space<semaphore_mem>>) src(%dma_wait3A_220 : memref<10240x8xf32, #tpu.memory_space<vmem_shared>>) dst(%arg21 : memref<128x8xf32, #tpu.memory_space<vmem>>)
          %dma_wait3A_221 = arith.constant 0 : i32
          %dma_wait3A_222 = tpu.memref_slice %arg16[%add3A_208, %dma_wait3A_221] : memref<160x128xi32, #tpu.memory_space<vmem>> -> memref<1x128xi32, #tpu.memory_space<vmem>>
          %dma_wait3A_223 = tpu.memref_squeeze %dma_wait3A_222 : memref<1x128xi32, #tpu.memory_space<vmem>> -> memref<128xi32, #tpu.memory_space<vmem>>
          %dma_wait3A_224 = arith.constant 0 : i32
          %dma_wait3A_225 = arith.constant 0 : i32
          %dma_wait3A_226 = tpu.memref_slice %arg10[%dma_wait3A_224, %dma_wait3A_225] : memref<10240x8xf32, #tpu.memory_space<vmem_shared>> -> memref<10240x8xf32, #tpu.memory_space<vmem_shared>>
          tpu.wait_indirect_dma semaphore(%arg30 : memref<!tpu.dma_semaphore, #tpu.memory_space<semaphore_mem>>) src(%dma_wait3A_226 : memref<10240x8xf32, #tpu.memory_space<vmem_shared>>) dst(%arg23 : memref<128x8xf32, #tpu.memory_space<vmem>>)
          %gt3A = arith.constant 0 : i32
          %gt3A_227 = arith.cmpi sgt, %scan3A_204, %gt3A : i32
          %convert_element_type3A_228 = arith.extui %gt3A_227 : i1 to i32
          %cond3A_229 = arith.constant 0 : i32
          %cond3A_230 = arith.cmpi ne, %convert_element_type3A_228, %cond3A_229 : i32
          scf.if %cond3A_230 {
            %sub3A = arith.constant 2 : i32
            %sub3A_303 = arith.subi %add3A_208, %sub3A : i32
            %dma_wait3A_304 = arith.constant 0 : i32
            %dma_wait3A_305 = tpu.memref_slice %arg16[%sub3A_303, %dma_wait3A_304] : memref<160x128xi32, #tpu.memory_space<vmem>> -> memref<1x128xi32, #tpu.memory_space<vmem>>
            %dma_wait3A_306 = tpu.memref_squeeze %dma_wait3A_305 : memref<1x128xi32, #tpu.memory_space<vmem>> -> memref<128xi32, #tpu.memory_space<vmem>>
            %dma_wait3A_307 = arith.constant 0 : i32
            %dma_wait3A_308 = arith.constant 0 : i32
            %dma_wait3A_309 = tpu.memref_slice %arg12[%dma_wait3A_307, %dma_wait3A_308] : memref<10240x8xf32, #tpu.memory_space<vmem_shared>> -> memref<10240x8xf32, #tpu.memory_space<vmem_shared>>
            tpu.wait_indirect_dma semaphore(%arg32 : memref<!tpu.dma_semaphore, #tpu.memory_space<semaphore_mem>>) src(%arg25 : memref<128x8xf32, #tpu.memory_space<vmem>>) dst(%dma_wait3A_309 : memref<10240x8xf32, #tpu.memory_space<vmem_shared>>)
          } else {
          }
          %scan3A_231 = arith.constant 0 : i32
          %scan3A_232 = arith.constant 0 : i32
          %scan3A_233 = arith.constant 8 : i32
          %scan3A_234 = arith.addi %scan3A_232, %scan3A_233 : i32
          %scan3A_235 = arith.constant 1 : i32
          scf.for %scan3A_303 = %scan3A_232 to %scan3A_234 step %scan3A_235  : i32 {
            %mul3A_304 = arith.constant 16 : i32
            %mul3A_305 = arith.muli %scan3A_303, %mul3A_304 : i32
            %get3A = arith.index_cast %add3A_208 : i32 to index
            %get3A_306 = arith.index_cast %mul3A_305 : i32 to index
            %get3A_307 = tpu.vector_load %arg17[%get3A, %get3A_306] {strides = array<i32>} : memref<160x128xf32, #tpu.memory_space<vmem>>, vector<16xf32>,
            %add3A_308 = arith.constant 0 : i32
            %add3A_309 = arith.addi %mul3A_305, %add3A_308 : i32
            %mul3A_310 = arith.constant 8 : i32
            %mul3A_311 = arith.muli %add3A_309, %mul3A_310 : i32
            %add3A_312 = vector.broadcast %mul3A_311 : i32 to vector<16xi32>
            %add3A_313 = arith.addi %iota3A, %add3A_312 : vector<16xi32>
            %add3A_314 = arith.constant 2 : i32
            %add3A_315 = arith.addi %mul3A_305, %add3A_314 : i32
            %mul3A_316 = arith.constant 8 : i32
            %mul3A_317 = arith.muli %add3A_315, %mul3A_316 : i32
            %add3A_318 = vector.broadcast %mul3A_317 : i32 to vector<16xi32>
            %add3A_319 = arith.addi %iota3A, %add3A_318 : vector<16xi32>
            %add3A_320 = arith.constant 4 : i32
            %add3A_321 = arith.addi %mul3A_305, %add3A_320 : i32
            %mul3A_322 = arith.constant 8 : i32
            %mul3A_323 = arith.muli %add3A_321, %mul3A_322 : i32
            %add3A_324 = vector.broadcast %mul3A_323 : i32 to vector<16xi32>
            %add3A_325 = arith.addi %iota3A, %add3A_324 : vector<16xi32>
            %add3A_326 = arith.constant 6 : i32
            %add3A_327 = arith.addi %mul3A_305, %add3A_326 : i32
            %mul3A_328 = arith.constant 8 : i32
            %mul3A_329 = arith.muli %add3A_327, %mul3A_328 : i32
            %add3A_330 = vector.broadcast %mul3A_329 : i32 to vector<16xi32>
            %add3A_331 = arith.addi %iota3A, %add3A_330 : vector<16xi32>
            %gather3A = tpu.vector_load_idx %arg19[%broadcast_in_dim3A_43, %add3A_313] : memref<128x8xf32, #tpu.memory_space<vmem>>[vector<16xi32>, vector<16xi32>], vector<16xf32>,
            %gather3A_332 = tpu.vector_load_idx %arg19[%broadcast_in_dim3A_43, %add3A_319] : memref<128x8xf32, #tpu.memory_space<vmem>>[vector<16xi32>, vector<16xi32>], vector<16xf32>,
            %gather3A_333 = tpu.vector_load_idx %arg19[%broadcast_in_dim3A_43, %add3A_325] : memref<128x8xf32, #tpu.memory_space<vmem>>[vector<16xi32>, vector<16xi32>], vector<16xf32>,
            %gather3A_334 = tpu.vector_load_idx %arg19[%broadcast_in_dim3A_43, %add3A_331] : memref<128x8xf32, #tpu.memory_space<vmem>>[vector<16xi32>, vector<16xi32>], vector<16xf32>,
            %gather3A_335 = tpu.vector_load_idx %arg21[%broadcast_in_dim3A_43, %add3A_313] : memref<128x8xf32, #tpu.memory_space<vmem>>[vector<16xi32>, vector<16xi32>], vector<16xf32>,
            %gather3A_336 = tpu.vector_load_idx %arg21[%broadcast_in_dim3A_43, %add3A_319] : memref<128x8xf32, #tpu.memory_space<vmem>>[vector<16xi32>, vector<16xi32>], vector<16xf32>,
            %gather3A_337 = tpu.vector_load_idx %arg21[%broadcast_in_dim3A_43, %add3A_325] : memref<128x8xf32, #tpu.memory_space<vmem>>[vector<16xi32>, vector<16xi32>], vector<16xf32>,
            %gather3A_338 = tpu.vector_load_idx %arg21[%broadcast_in_dim3A_43, %add3A_331] : memref<128x8xf32, #tpu.memory_space<vmem>>[vector<16xi32>, vector<16xi32>], vector<16xf32>,
            %gather3A_339 = tpu.vector_load_idx %arg23[%broadcast_in_dim3A_43, %add3A_313] : memref<128x8xf32, #tpu.memory_space<vmem>>[vector<16xi32>, vector<16xi32>], vector<16xf32>,
            %gather3A_340 = tpu.vector_load_idx %arg23[%broadcast_in_dim3A_43, %add3A_319] : memref<128x8xf32, #tpu.memory_space<vmem>>[vector<16xi32>, vector<16xi32>], vector<16xf32>,
            %gather3A_341 = tpu.vector_load_idx %arg23[%broadcast_in_dim3A_43, %add3A_325] : memref<128x8xf32, #tpu.memory_space<vmem>>[vector<16xi32>, vector<16xi32>], vector<16xf32>,
            %gather3A_342 = tpu.vector_load_idx %arg23[%broadcast_in_dim3A_43, %add3A_331] : memref<128x8xf32, #tpu.memory_space<vmem>>[vector<16xi32>, vector<16xi32>], vector<16xf32>,
            %lt3A_343 = arith.constant 0 : i32
            %lt3A_344 = vector.broadcast %lt3A_343 : i32 to vector<16xi32>
            %lt3A_345 = arith.cmpi slt, %add3A_20, %lt3A_344 : vector<16xi32>
            %add3A_346 = arith.constant 16 : i32
            %add3A_347 = vector.broadcast %add3A_346 : i32 to vector<16xi32>
            %add3A_348 = arith.addi %add3A_20, %add3A_347 : vector<16xi32>
            %select_n3A = arith.select %lt3A_345, %add3A_348, %add3A_20 : vector<16xi1>, vector<16xi32>
            %broadcast_in_dim3A_349 = vector.shape_cast %select_n3A : vector<16xi32> to vector<16x1xi32>
            %gather3A_350 = vector.shape_cast %broadcast_in_dim3A_349 : vector<16x1xi32> to vector<16xi32>
            %gather3A_351 = tpu.dynamic_gather %get3A_307[%gather3A_350] in [0] : vector<16xf32>, vector<16xi32> -> vector<16xf32>
            %mul3A_352 = arith.mulf %gather3A, %gather3A_351 : vector<16xf32>
            tpu.vector_store_idx %arg25[%broadcast_in_dim3A_43, %add3A_313], %mul3A_352 : memref<128x8xf32, #tpu.memory_space<vmem>>[vector<16xi32>, vector<16xi32>], vector<16xf32>,
            %mul3A_353 = arith.mulf %gather3A_335, %gather3A_339 : vector<16xf32>
            tpu.vector_store_idx %arg27[%broadcast_in_dim3A_43, %add3A_313], %mul3A_353 : memref<128x8xf32, #tpu.memory_space<vmem>>[vector<16xi32>, vector<16xi32>], vector<16xf32>,
            %lt3A_354 = arith.constant 0 : i32
            %lt3A_355 = vector.broadcast %lt3A_354 : i32 to vector<16xi32>
            %lt3A_356 = arith.cmpi slt, %add3A_23, %lt3A_355 : vector<16xi32>
            %add3A_357 = arith.constant 16 : i32
            %add3A_358 = vector.broadcast %add3A_357 : i32 to vector<16xi32>
            %add3A_359 = arith.addi %add3A_23, %add3A_358 : vector<16xi32>
            %select_n3A_360 = arith.select %lt3A_356, %add3A_359, %add3A_23 : vector<16xi1>, vector<16xi32>
            %broadcast_in_dim3A_361 = vector.shape_cast %select_n3A_360 : vector<16xi32> to vector<16x1xi32>
            %gather3A_362 = vector.shape_cast %broadcast_in_dim3A_361 : vector<16x1xi32> to vector<16xi32>
            %gather3A_363 = tpu.dynamic_gather %get3A_307[%gather3A_362] in [0] : vector<16xf32>, vector<16xi32> -> vector<16xf32>
            %mul3A_364 = arith.mulf %gather3A_332, %gather3A_363 : vector<16xf32>
            tpu.vector_store_idx %arg25[%broadcast_in_dim3A_43, %add3A_319], %mul3A_364 : memref<128x8xf32, #tpu.memory_space<vmem>>[vector<16xi32>, vector<16xi32>], vector<16xf32>,
            %mul3A_365 = arith.mulf %gather3A_336, %gather3A_340 : vector<16xf32>
            tpu.vector_store_idx %arg27[%broadcast_in_dim3A_43, %add3A_319], %mul3A_365 : memref<128x8xf32, #tpu.memory_space<vmem>>[vector<16xi32>, vector<16xi32>], vector<16xf32>,
            %lt3A_366 = arith.constant 0 : i32
            %lt3A_367 = vector.broadcast %lt3A_366 : i32 to vector<16xi32>
            %lt3A_368 = arith.cmpi slt, %add3A_26, %lt3A_367 : vector<16xi32>
            %add3A_369 = arith.constant 16 : i32
            %add3A_370 = vector.broadcast %add3A_369 : i32 to vector<16xi32>
            %add3A_371 = arith.addi %add3A_26, %add3A_370 : vector<16xi32>
            %select_n3A_372 = arith.select %lt3A_368, %add3A_371, %add3A_26 : vector<16xi1>, vector<16xi32>
            %broadcast_in_dim3A_373 = vector.shape_cast %select_n3A_372 : vector<16xi32> to vector<16x1xi32>
            %gather3A_374 = vector.shape_cast %broadcast_in_dim3A_373 : vector<16x1xi32> to vector<16xi32>
            %gather3A_375 = tpu.dynamic_gather %get3A_307[%gather3A_374] in [0] : vector<16xf32>, vector<16xi32> -> vector<16xf32>
            %mul3A_376 = arith.mulf %gather3A_333, %gather3A_375 : vector<16xf32>
            tpu.vector_store_idx %arg25[%broadcast_in_dim3A_43, %add3A_325], %mul3A_376 : memref<128x8xf32, #tpu.memory_space<vmem>>[vector<16xi32>, vector<16xi32>], vector<16xf32>,
            %mul3A_377 = arith.mulf %gather3A_337, %gather3A_341 : vector<16xf32>
            tpu.vector_store_idx %arg27[%broadcast_in_dim3A_43, %add3A_325], %mul3A_377 : memref<128x8xf32, #tpu.memory_space<vmem>>[vector<16xi32>, vector<16xi32>], vector<16xf32>,
            %lt3A_378 = arith.constant 0 : i32
            %lt3A_379 = vector.broadcast %lt3A_378 : i32 to vector<16xi32>
            %lt3A_380 = arith.cmpi slt, %add3A_29, %lt3A_379 : vector<16xi32>
            %add3A_381 = arith.constant 16 : i32
            %add3A_382 = vector.broadcast %add3A_381 : i32 to vector<16xi32>
            %add3A_383 = arith.addi %add3A_29, %add3A_382 : vector<16xi32>
            %select_n3A_384 = arith.select %lt3A_380, %add3A_383, %add3A_29 : vector<16xi1>, vector<16xi32>
            %broadcast_in_dim3A_385 = vector.shape_cast %select_n3A_384 : vector<16xi32> to vector<16x1xi32>
            %gather3A_386 = vector.shape_cast %broadcast_in_dim3A_385 : vector<16x1xi32> to vector<16xi32>
            %gather3A_387 = tpu.dynamic_gather %get3A_307[%gather3A_386] in [0] : vector<16xf32>, vector<16xi32> -> vector<16xf32>
            %mul3A_388 = arith.mulf %gather3A_334, %gather3A_387 : vector<16xf32>
            tpu.vector_store_idx %arg25[%broadcast_in_dim3A_43, %add3A_331], %mul3A_388 : memref<128x8xf32, #tpu.memory_space<vmem>>[vector<16xi32>, vector<16xi32>], vector<16xf32>,
            %mul3A_389 = arith.mulf %gather3A_338, %gather3A_342 : vector<16xf32>
            tpu.vector_store_idx %arg27[%broadcast_in_dim3A_43, %add3A_331], %mul3A_389 : memref<128x8xf32, #tpu.memory_space<vmem>>[vector<16xi32>, vector<16xi32>], vector<16xf32>,
            %add3A_390 = arith.constant 8 : i32
            %add3A_391 = arith.addi %mul3A_305, %add3A_390 : i32
            %mul3A_392 = arith.constant 8 : i32
            %mul3A_393 = arith.muli %add3A_391, %mul3A_392 : i32
            %add3A_394 = vector.broadcast %mul3A_393 : i32 to vector<16xi32>
            %add3A_395 = arith.addi %iota3A, %add3A_394 : vector<16xi32>
            %add3A_396 = arith.constant 10 : i32
            %add3A_397 = arith.addi %mul3A_305, %add3A_396 : i32
            %mul3A_398 = arith.constant 8 : i32
            %mul3A_399 = arith.muli %add3A_397, %mul3A_398 : i32
            %add3A_400 = vector.broadcast %mul3A_399 : i32 to vector<16xi32>
            %add3A_401 = arith.addi %iota3A, %add3A_400 : vector<16xi32>
            %add3A_402 = arith.constant 12 : i32
            %add3A_403 = arith.addi %mul3A_305, %add3A_402 : i32
            %mul3A_404 = arith.constant 8 : i32
            %mul3A_405 = arith.muli %add3A_403, %mul3A_404 : i32
            %add3A_406 = vector.broadcast %mul3A_405 : i32 to vector<16xi32>
            %add3A_407 = arith.addi %iota3A, %add3A_406 : vector<16xi32>
            %add3A_408 = arith.constant 14 : i32
            %add3A_409 = arith.addi %mul3A_305, %add3A_408 : i32
            %mul3A_410 = arith.constant 8 : i32
            %mul3A_411 = arith.muli %add3A_409, %mul3A_410 : i32
            %add3A_412 = vector.broadcast %mul3A_411 : i32 to vector<16xi32>
            %add3A_413 = arith.addi %iota3A, %add3A_412 : vector<16xi32>
            %gather3A_414 = tpu.vector_load_idx %arg19[%broadcast_in_dim3A_43, %add3A_395] : memref<128x8xf32, #tpu.memory_space<vmem>>[vector<16xi32>, vector<16xi32>], vector<16xf32>,
            %gather3A_415 = tpu.vector_load_idx %arg19[%broadcast_in_dim3A_43, %add3A_401] : memref<128x8xf32, #tpu.memory_space<vmem>>[vector<16xi32>, vector<16xi32>], vector<16xf32>,
            %gather3A_416 = tpu.vector_load_idx %arg19[%broadcast_in_dim3A_43, %add3A_407] : memref<128x8xf32, #tpu.memory_space<vmem>>[vector<16xi32>, vector<16xi32>], vector<16xf32>,
            %gather3A_417 = tpu.vector_load_idx %arg19[%broadcast_in_dim3A_43, %add3A_413] : memref<128x8xf32, #tpu.memory_space<vmem>>[vector<16xi32>, vector<16xi32>], vector<16xf32>,
            %gather3A_418 = tpu.vector_load_idx %arg21[%broadcast_in_dim3A_43, %add3A_395] : memref<128x8xf32, #tpu.memory_space<vmem>>[vector<16xi32>, vector<16xi32>], vector<16xf32>,
            %gather3A_419 = tpu.vector_load_idx %arg21[%broadcast_in_dim3A_43, %add3A_401] : memref<128x8xf32, #tpu.memory_space<vmem>>[vector<16xi32>, vector<16xi32>], vector<16xf32>,
            %gather3A_420 = tpu.vector_load_idx %arg21[%broadcast_in_dim3A_43, %add3A_407] : memref<128x8xf32, #tpu.memory_space<vmem>>[vector<16xi32>, vector<16xi32>], vector<16xf32>,
            %gather3A_421 = tpu.vector_load_idx %arg21[%broadcast_in_dim3A_43, %add3A_413] : memref<128x8xf32, #tpu.memory_space<vmem>>[vector<16xi32>, vector<16xi32>], vector<16xf32>,
            %gather3A_422 = tpu.vector_load_idx %arg23[%broadcast_in_dim3A_43, %add3A_395] : memref<128x8xf32, #tpu.memory_space<vmem>>[vector<16xi32>, vector<16xi32>], vector<16xf32>,
            %gather3A_423 = tpu.vector_load_idx %arg23[%broadcast_in_dim3A_43, %add3A_401] : memref<128x8xf32, #tpu.memory_space<vmem>>[vector<16xi32>, vector<16xi32>], vector<16xf32>,
            %gather3A_424 = tpu.vector_load_idx %arg23[%broadcast_in_dim3A_43, %add3A_407] : memref<128x8xf32, #tpu.memory_space<vmem>>[vector<16xi32>, vector<16xi32>], vector<16xf32>,
            %gather3A_425 = tpu.vector_load_idx %arg23[%broadcast_in_dim3A_43, %add3A_413] : memref<128x8xf32, #tpu.memory_space<vmem>>[vector<16xi32>, vector<16xi32>], vector<16xf32>,
            %lt3A_426 = arith.constant 0 : i32
            %lt3A_427 = vector.broadcast %lt3A_426 : i32 to vector<16xi32>
            %lt3A_428 = arith.cmpi slt, %add3A_32, %lt3A_427 : vector<16xi32>
            %add3A_429 = arith.constant 16 : i32
            %add3A_430 = vector.broadcast %add3A_429 : i32 to vector<16xi32>
            %add3A_431 = arith.addi %add3A_32, %add3A_430 : vector<16xi32>
            %select_n3A_432 = arith.select %lt3A_428, %add3A_431, %add3A_32 : vector<16xi1>, vector<16xi32>
            %broadcast_in_dim3A_433 = vector.shape_cast %select_n3A_432 : vector<16xi32> to vector<16x1xi32>
            %gather3A_434 = vector.shape_cast %broadcast_in_dim3A_433 : vector<16x1xi32> to vector<16xi32>
            %gather3A_435 = tpu.dynamic_gather %get3A_307[%gather3A_434] in [0] : vector<16xf32>, vector<16xi32> -> vector<16xf32>
            %mul3A_436 = arith.mulf %gather3A_414, %gather3A_435 : vector<16xf32>
            tpu.vector_store_idx %arg25[%broadcast_in_dim3A_43, %add3A_395], %mul3A_436 : memref<128x8xf32, #tpu.memory_space<vmem>>[vector<16xi32>, vector<16xi32>], vector<16xf32>,
            %mul3A_437 = arith.mulf %gather3A_418, %gather3A_422 : vector<16xf32>
            tpu.vector_store_idx %arg27[%broadcast_in_dim3A_43, %add3A_395], %mul3A_437 : memref<128x8xf32, #tpu.memory_space<vmem>>[vector<16xi32>, vector<16xi32>], vector<16xf32>,
            %lt3A_438 = arith.constant 0 : i32
            %lt3A_439 = vector.broadcast %lt3A_438 : i32 to vector<16xi32>
            %lt3A_440 = arith.cmpi slt, %add3A_35, %lt3A_439 : vector<16xi32>
            %add3A_441 = arith.constant 16 : i32
            %add3A_442 = vector.broadcast %add3A_441 : i32 to vector<16xi32>
            %add3A_443 = arith.addi %add3A_35, %add3A_442 : vector<16xi32>
            %select_n3A_444 = arith.select %lt3A_440, %add3A_443, %add3A_35 : vector<16xi1>, vector<16xi32>
            %broadcast_in_dim3A_445 = vector.shape_cast %select_n3A_444 : vector<16xi32> to vector<16x1xi32>
            %gather3A_446 = vector.shape_cast %broadcast_in_dim3A_445 : vector<16x1xi32> to vector<16xi32>
            %gather3A_447 = tpu.dynamic_gather %get3A_307[%gather3A_446] in [0] : vector<16xf32>, vector<16xi32> -> vector<16xf32>
            %mul3A_448 = arith.mulf %gather3A_415, %gather3A_447 : vector<16xf32>
            tpu.vector_store_idx %arg25[%broadcast_in_dim3A_43, %add3A_401], %mul3A_448 : memref<128x8xf32, #tpu.memory_space<vmem>>[vector<16xi32>, vector<16xi32>], vector<16xf32>,
            %mul3A_449 = arith.mulf %gather3A_419, %gather3A_423 : vector<16xf32>
            tpu.vector_store_idx %arg27[%broadcast_in_dim3A_43, %add3A_401], %mul3A_449 : memref<128x8xf32, #tpu.memory_space<vmem>>[vector<16xi32>, vector<16xi32>], vector<16xf32>,
            %lt3A_450 = arith.constant 0 : i32
            %lt3A_451 = vector.broadcast %lt3A_450 : i32 to vector<16xi32>
            %lt3A_452 = arith.cmpi slt, %add3A_38, %lt3A_451 : vector<16xi32>
            %add3A_453 = arith.constant 16 : i32
            %add3A_454 = vector.broadcast %add3A_453 : i32 to vector<16xi32>
            %add3A_455 = arith.addi %add3A_38, %add3A_454 : vector<16xi32>
            %select_n3A_456 = arith.select %lt3A_452, %add3A_455, %add3A_38 : vector<16xi1>, vector<16xi32>
            %broadcast_in_dim3A_457 = vector.shape_cast %select_n3A_456 : vector<16xi32> to vector<16x1xi32>
            %gather3A_458 = vector.shape_cast %broadcast_in_dim3A_457 : vector<16x1xi32> to vector<16xi32>
            %gather3A_459 = tpu.dynamic_gather %get3A_307[%gather3A_458] in [0] : vector<16xf32>, vector<16xi32> -> vector<16xf32>
            %mul3A_460 = arith.mulf %gather3A_416, %gather3A_459 : vector<16xf32>
            tpu.vector_store_idx %arg25[%broadcast_in_dim3A_43, %add3A_407], %mul3A_460 : memref<128x8xf32, #tpu.memory_space<vmem>>[vector<16xi32>, vector<16xi32>], vector<16xf32>,
            %mul3A_461 = arith.mulf %gather3A_420, %gather3A_424 : vector<16xf32>
            tpu.vector_store_idx %arg27[%broadcast_in_dim3A_43, %add3A_407], %mul3A_461 : memref<128x8xf32, #tpu.memory_space<vmem>>[vector<16xi32>, vector<16xi32>], vector<16xf32>,
            %lt3A_462 = arith.constant 0 : i32
            %lt3A_463 = vector.broadcast %lt3A_462 : i32 to vector<16xi32>
            %lt3A_464 = arith.cmpi slt, %add3A_41, %lt3A_463 : vector<16xi32>
            %add3A_465 = arith.constant 16 : i32
            %add3A_466 = vector.broadcast %add3A_465 : i32 to vector<16xi32>
            %add3A_467 = arith.addi %add3A_41, %add3A_466 : vector<16xi32>
            %select_n3A_468 = arith.select %lt3A_464, %add3A_467, %add3A_41 : vector<16xi1>, vector<16xi32>
            %broadcast_in_dim3A_469 = vector.shape_cast %select_n3A_468 : vector<16xi32> to vector<16x1xi32>
            %gather3A_470 = vector.shape_cast %broadcast_in_dim3A_469 : vector<16x1xi32> to vector<16xi32>
            %gather3A_471 = tpu.dynamic_gather %get3A_307[%gather3A_470] in [0] : vector<16xf32>, vector<16xi32> -> vector<16xf32>
            %mul3A_472 = arith.mulf %gather3A_417, %gather3A_471 : vector<16xf32>
            tpu.vector_store_idx %arg25[%broadcast_in_dim3A_43, %add3A_413], %mul3A_472 : memref<128x8xf32, #tpu.memory_space<vmem>>[vector<16xi32>, vector<16xi32>], vector<16xf32>,
            %mul3A_473 = arith.mulf %gather3A_421, %gather3A_425 : vector<16xf32>
            tpu.vector_store_idx %arg27[%broadcast_in_dim3A_43, %add3A_413], %mul3A_473 : memref<128x8xf32, #tpu.memory_space<vmem>>[vector<16xi32>, vector<16xi32>], vector<16xf32>,
          }
          %scan3A_236 = arith.constant 8 : i32
          %scan3A_237 = arith.constant 0 : i32
          %scan3A_238 = arith.constant 0 : i32
          %scan3A_239 = arith.constant 8 : i32
          %scan3A_240 = arith.addi %scan3A_238, %scan3A_239 : i32
          %scan3A_241 = arith.constant 1 : i32
          scf.for %scan3A_303 = %scan3A_238 to %scan3A_240 step %scan3A_241  : i32 {
            %mul3A_304 = arith.constant 16 : i32
            %mul3A_305 = arith.muli %scan3A_303, %mul3A_304 : i32
            %add3A_306 = vector.broadcast %mul3A_305 : i32 to vector<16xi32>
            %add3A_307 = arith.addi %iota3A, %add3A_306 : vector<16xi32>
            %mul3A_308 = arith.constant 8 : i32
            %mul3A_309 = vector.broadcast %mul3A_308 : i32 to vector<16xi32>
            %mul3A_310 = arith.muli %add3A_307, %mul3A_309 : vector<16xi32>
            %add3A_311 = arith.constant 0 : i32
            %add3A_312 = vector.broadcast %add3A_311 : i32 to vector<16xi32>
            %add3A_313 = arith.addi %mul3A_310, %add3A_312 : vector<16xi32>
            %gather3A = tpu.vector_load_idx %arg27[%broadcast_in_dim3A_43, %add3A_313] : memref<128x8xf32, #tpu.memory_space<vmem>>[vector<16xi32>, vector<16xi32>], vector<16xf32>,
            %add3A_314 = arith.constant 1 : i32
            %add3A_315 = vector.broadcast %add3A_314 : i32 to vector<16xi32>
            %add3A_316 = arith.addi %mul3A_310, %add3A_315 : vector<16xi32>
            %gather3A_317 = tpu.vector_load_idx %arg27[%broadcast_in_dim3A_43, %add3A_316] : memref<128x8xf32, #tpu.memory_space<vmem>>[vector<16xi32>, vector<16xi32>], vector<16xf32>,
            %add3A_318 = arith.constant 2 : i32
            %add3A_319 = vector.broadcast %add3A_318 : i32 to vector<16xi32>
            %add3A_320 = arith.addi %mul3A_310, %add3A_319 : vector<16xi32>
            %gather3A_321 = tpu.vector_load_idx %arg27[%broadcast_in_dim3A_43, %add3A_320] : memref<128x8xf32, #tpu.memory_space<vmem>>[vector<16xi32>, vector<16xi32>], vector<16xf32>,
            %add3A_322 = arith.constant 3 : i32
            %add3A_323 = vector.broadcast %add3A_322 : i32 to vector<16xi32>
            %add3A_324 = arith.addi %mul3A_310, %add3A_323 : vector<16xi32>
            %gather3A_325 = tpu.vector_load_idx %arg27[%broadcast_in_dim3A_43, %add3A_324] : memref<128x8xf32, #tpu.memory_space<vmem>>[vector<16xi32>, vector<16xi32>], vector<16xf32>,
            %add3A_326 = arith.constant 4 : i32
            %add3A_327 = vector.broadcast %add3A_326 : i32 to vector<16xi32>
            %add3A_328 = arith.addi %mul3A_310, %add3A_327 : vector<16xi32>
            %gather3A_329 = tpu.vector_load_idx %arg27[%broadcast_in_dim3A_43, %add3A_328] : memref<128x8xf32, #tpu.memory_space<vmem>>[vector<16xi32>, vector<16xi32>], vector<16xf32>,
            %add3A_330 = arith.constant 5 : i32
            %add3A_331 = vector.broadcast %add3A_330 : i32 to vector<16xi32>
            %add3A_332 = arith.addi %mul3A_310, %add3A_331 : vector<16xi32>
            %gather3A_333 = tpu.vector_load_idx %arg27[%broadcast_in_dim3A_43, %add3A_332] : memref<128x8xf32, #tpu.memory_space<vmem>>[vector<16xi32>, vector<16xi32>], vector<16xf32>,
            %add3A_334 = arith.constant 6 : i32
            %add3A_335 = vector.broadcast %add3A_334 : i32 to vector<16xi32>
            %add3A_336 = arith.addi %mul3A_310, %add3A_335 : vector<16xi32>
            %gather3A_337 = tpu.vector_load_idx %arg27[%broadcast_in_dim3A_43, %add3A_336] : memref<128x8xf32, #tpu.memory_space<vmem>>[vector<16xi32>, vector<16xi32>], vector<16xf32>,
            %add3A_338 = arith.constant 7 : i32
            %add3A_339 = vector.broadcast %add3A_338 : i32 to vector<16xi32>
            %add3A_340 = arith.addi %mul3A_310, %add3A_339 : vector<16xi32>
            %gather3A_341 = tpu.vector_load_idx %arg27[%broadcast_in_dim3A_43, %add3A_340] : memref<128x8xf32, #tpu.memory_space<vmem>>[vector<16xi32>, vector<16xi32>], vector<16xf32>,
            %add3A_342 = arith.addf %gather3A, %gather3A_317 : vector<16xf32>
            %add3A_343 = arith.addf %gather3A_321, %gather3A_325 : vector<16xf32>
            %add3A_344 = arith.addf %add3A_342, %add3A_343 : vector<16xf32>
            %add3A_345 = arith.addf %gather3A_329, %gather3A_333 : vector<16xf32>
            %add3A_346 = arith.addf %gather3A_337, %gather3A_341 : vector<16xf32>
            %add3A_347 = arith.addf %add3A_345, %add3A_346 : vector<16xf32>
            %add3A_348 = arith.addf %add3A_344, %add3A_347 : vector<16xf32>
            %get3A = arith.index_cast %add3A_208 : i32 to index
            %get3A_349 = arith.index_cast %mul3A_305 : i32 to index
            %get3A_350 = tpu.vector_load %arg18[%get3A, %get3A_349] {strides = array<i32>} : memref<160x128xf32, #tpu.memory_space<vmem>>, vector<16xf32>,
            %get3A_351 = arith.index_cast %add3A_208 : i32 to index
            %get3A_352 = arith.index_cast %mul3A_305 : i32 to index
            %get3A_353 = tpu.vector_load %arg17[%get3A_351, %get3A_352] {strides = array<i32>} : memref<160x128xf32, #tpu.memory_space<vmem>>, vector<16xf32>,
            %mul3A_354 = arith.constant 9.900000e-01 : f32
            %mul3A_355 = vector.broadcast %mul3A_354 : f32 to vector<16xf32>
            %mul3A_356 = arith.mulf %get3A_353, %mul3A_355 : vector<16xf32>
            %mul3A_357 = arith.mulf %add3A_348, %get3A_350 : vector<16xf32>
            %mul3A_358 = arith.constant 1.237500e-01 : f32
            %mul3A_359 = vector.broadcast %mul3A_358 : f32 to vector<16xf32>
            %mul3A_360 = arith.mulf %mul3A_357, %mul3A_359 : vector<16xf32>
            %add3A_361 = arith.addf %mul3A_356, %mul3A_360 : vector<16xf32>
            %swap3A = arith.index_cast %add3A_208 : i32 to index
            %swap3A_362 = arith.index_cast %mul3A_305 : i32 to index
            %swap3A_363 = tpu.vector_load %arg17[%swap3A, %swap3A_362] {strides = array<i32>} : memref<160x128xf32, #tpu.memory_space<vmem>>, vector<16xf32>,
            tpu.vector_store %arg17[%swap3A, %swap3A_362], %add3A_361 {strides = array<i32>} : memref<160x128xf32, #tpu.memory_space<vmem>>, vector<16xf32>,
          }
          %scan3A_242 = arith.constant 8 : i32
          %dma_start3A_243 = arith.constant 0 : i32
          %dma_start3A_244 = tpu.memref_slice %arg16[%add3A_208, %dma_start3A_243] : memref<160x128xi32, #tpu.memory_space<vmem>> -> memref<1x128xi32, #tpu.memory_space<vmem>>
          %dma_start3A_245 = tpu.memref_squeeze %dma_start3A_244 : memref<1x128xi32, #tpu.memory_space<vmem>> -> memref<128xi32, #tpu.memory_space<vmem>>
          %dma_start3A_246 = arith.constant 0 : i32
          %dma_start3A_247 = arith.constant 0 : i32
          %dma_start3A_248 = tpu.memref_slice %arg12[%dma_start3A_246, %dma_start3A_247] : memref<10240x8xf32, #tpu.memory_space<vmem_shared>> -> memref<10240x8xf32, #tpu.memory_space<vmem_shared>>
          tpu.enqueue_indirect_dma source(%arg25 : memref<128x8xf32, #tpu.memory_space<vmem>>) target(%dma_start3A_248 : memref<10240x8xf32, #tpu.memory_space<vmem_shared>>) offsets(%dma_start3A_245 : memref<128xi32, #tpu.memory_space<vmem>>) semaphore(%arg32 : memref<!tpu.dma_semaphore, #tpu.memory_space<semaphore_mem>>) {add = true}
          %lt3A = arith.constant 79 : i32
          %lt3A_249 = arith.cmpi slt, %scan3A_204, %lt3A : i32
          %convert_element_type3A_250 = arith.extui %lt3A_249 : i1 to i32
          %cond3A_251 = arith.constant 0 : i32
          %cond3A_252 = arith.cmpi ne, %convert_element_type3A_250, %cond3A_251 : i32
          scf.if %cond3A_252 {
            %add3A_303 = arith.constant 2 : i32
            %add3A_304 = arith.addi %add3A_208, %add3A_303 : i32
            %dma_start3A_305 = arith.constant 0 : i32
            %dma_start3A_306 = tpu.memref_slice %arg15[%add3A_304, %dma_start3A_305] : memref<160x128xi32, #tpu.memory_space<vmem>> -> memref<1x128xi32, #tpu.memory_space<vmem>>
            %dma_start3A_307 = tpu.memref_squeeze %dma_start3A_306 : memref<1x128xi32, #tpu.memory_space<vmem>> -> memref<128xi32, #tpu.memory_space<vmem>>
            %dma_start3A_308 = arith.constant 0 : i32
            %dma_start3A_309 = arith.constant 0 : i32
            %dma_start3A_310 = tpu.memref_slice %arg10[%dma_start3A_308, %dma_start3A_309] : memref<10240x8xf32, #tpu.memory_space<vmem_shared>> -> memref<10240x8xf32, #tpu.memory_space<vmem_shared>>
            tpu.enqueue_indirect_dma source(%dma_start3A_310 : memref<10240x8xf32, #tpu.memory_space<vmem_shared>>) target(%arg19 : memref<128x8xf32, #tpu.memory_space<vmem>>) offsets(%dma_start3A_307 : memref<128xi32, #tpu.memory_space<vmem>>) semaphore(%arg30 : memref<!tpu.dma_semaphore, #tpu.memory_space<semaphore_mem>>)
            %dma_start3A_311 = arith.constant 0 : i32
            %dma_start3A_312 = tpu.memref_slice %arg15[%add3A_304, %dma_start3A_311] : memref<160x128xi32, #tpu.memory_space<vmem>> -> memref<1x128xi32, #tpu.memory_space<vmem>>
            %dma_start3A_313 = tpu.memref_squeeze %dma_start3A_312 : memref<1x128xi32, #tpu.memory_space<vmem>> -> memref<128xi32, #tpu.memory_space<vmem>>
            %dma_start3A_314 = arith.constant 0 : i32
            %dma_start3A_315 = arith.constant 0 : i32
            %dma_start3A_316 = tpu.memref_slice %arg11[%dma_start3A_314, %dma_start3A_315] : memref<10240x8xf32, #tpu.memory_space<vmem_shared>> -> memref<10240x8xf32, #tpu.memory_space<vmem_shared>>
            tpu.enqueue_indirect_dma source(%dma_start3A_316 : memref<10240x8xf32, #tpu.memory_space<vmem_shared>>) target(%arg21 : memref<128x8xf32, #tpu.memory_space<vmem>>) offsets(%dma_start3A_313 : memref<128xi32, #tpu.memory_space<vmem>>) semaphore(%arg30 : memref<!tpu.dma_semaphore, #tpu.memory_space<semaphore_mem>>)
            %dma_start3A_317 = arith.constant 0 : i32
            %dma_start3A_318 = tpu.memref_slice %arg16[%add3A_304, %dma_start3A_317] : memref<160x128xi32, #tpu.memory_space<vmem>> -> memref<1x128xi32, #tpu.memory_space<vmem>>
            %dma_start3A_319 = tpu.memref_squeeze %dma_start3A_318 : memref<1x128xi32, #tpu.memory_space<vmem>> -> memref<128xi32, #tpu.memory_space<vmem>>
            %dma_start3A_320 = arith.constant 0 : i32
            %dma_start3A_321 = arith.constant 0 : i32
            %dma_start3A_322 = tpu.memref_slice %arg10[%dma_start3A_320, %dma_start3A_321] : memref<10240x8xf32, #tpu.memory_space<vmem_shared>> -> memref<10240x8xf32, #tpu.memory_space<vmem_shared>>
            tpu.enqueue_indirect_dma source(%dma_start3A_322 : memref<10240x8xf32, #tpu.memory_space<vmem_shared>>) target(%arg23 : memref<128x8xf32, #tpu.memory_space<vmem>>) offsets(%dma_start3A_319 : memref<128xi32, #tpu.memory_space<vmem>>) semaphore(%arg30 : memref<!tpu.dma_semaphore, #tpu.memory_space<semaphore_mem>>)
          } else {
          }
          %mul3A_253 = arith.constant 2 : i32
          %mul3A_254 = arith.muli %mul3A_253, %scan3A_204 : i32
          %add3A_255 = arith.constant 1 : i32
          %add3A_256 = arith.addi %mul3A_254, %add3A_255 : i32
          %dma_wait3A_257 = arith.constant 0 : i32
          %dma_wait3A_258 = tpu.memref_slice %arg15[%add3A_256, %dma_wait3A_257] : memref<160x128xi32, #tpu.memory_space<vmem>> -> memref<1x128xi32, #tpu.memory_space<vmem>>
          %dma_wait3A_259 = tpu.memref_squeeze %dma_wait3A_258 : memref<1x128xi32, #tpu.memory_space<vmem>> -> memref<128xi32, #tpu.memory_space<vmem>>
          %dma_wait3A_260 = arith.constant 0 : i32
          %dma_wait3A_261 = arith.constant 0 : i32
          %dma_wait3A_262 = tpu.memref_slice %arg10[%dma_wait3A_260, %dma_wait3A_261] : memref<10240x8xf32, #tpu.memory_space<vmem_shared>> -> memref<10240x8xf32, #tpu.memory_space<vmem_shared>>
          tpu.wait_indirect_dma semaphore(%arg31 : memref<!tpu.dma_semaphore, #tpu.memory_space<semaphore_mem>>) src(%dma_wait3A_262 : memref<10240x8xf32, #tpu.memory_space<vmem_shared>>) dst(%arg20 : memref<128x8xf32, #tpu.memory_space<vmem>>)
          %dma_wait3A_263 = arith.constant 0 : i32
          %dma_wait3A_264 = tpu.memref_slice %arg15[%add3A_256, %dma_wait3A_263] : memref<160x128xi32, #tpu.memory_space<vmem>> -> memref<1x128xi32, #tpu.memory_space<vmem>>
          %dma_wait3A_265 = tpu.memref_squeeze %dma_wait3A_264 : memref<1x128xi32, #tpu.memory_space<vmem>> -> memref<128xi32, #tpu.memory_space<vmem>>
          %dma_wait3A_266 = arith.constant 0 : i32
          %dma_wait3A_267 = arith.constant 0 : i32
          %dma_wait3A_268 = tpu.memref_slice %arg11[%dma_wait3A_266, %dma_wait3A_267] : memref<10240x8xf32, #tpu.memory_space<vmem_shared>> -> memref<10240x8xf32, #tpu.memory_space<vmem_shared>>
          tpu.wait_indirect_dma semaphore(%arg31 : memref<!tpu.dma_semaphore, #tpu.memory_space<semaphore_mem>>) src(%dma_wait3A_268 : memref<10240x8xf32, #tpu.memory_space<vmem_shared>>) dst(%arg22 : memref<128x8xf32, #tpu.memory_space<vmem>>)
          %dma_wait3A_269 = arith.constant 0 : i32
          %dma_wait3A_270 = tpu.memref_slice %arg16[%add3A_256, %dma_wait3A_269] : memref<160x128xi32, #tpu.memory_space<vmem>> -> memref<1x128xi32, #tpu.memory_space<vmem>>
          %dma_wait3A_271 = tpu.memref_squeeze %dma_wait3A_270 : memref<1x128xi32, #tpu.memory_space<vmem>> -> memref<128xi32, #tpu.memory_space<vmem>>
          %dma_wait3A_272 = arith.constant 0 : i32
          %dma_wait3A_273 = arith.constant 0 : i32
          %dma_wait3A_274 = tpu.memref_slice %arg10[%dma_wait3A_272, %dma_wait3A_273] : memref<10240x8xf32, #tpu.memory_space<vmem_shared>> -> memref<10240x8xf32, #tpu.memory_space<vmem_shared>>
          tpu.wait_indirect_dma semaphore(%arg31 : memref<!tpu.dma_semaphore, #tpu.memory_space<semaphore_mem>>) src(%dma_wait3A_274 : memref<10240x8xf32, #tpu.memory_space<vmem_shared>>) dst(%arg24 : memref<128x8xf32, #tpu.memory_space<vmem>>)
          %gt3A_275 = arith.constant 0 : i32
          %gt3A_276 = arith.cmpi sgt, %scan3A_204, %gt3A_275 : i32
          %convert_element_type3A_277 = arith.extui %gt3A_276 : i1 to i32
          %cond3A_278 = arith.constant 0 : i32
          %cond3A_279 = arith.cmpi ne, %convert_element_type3A_277, %cond3A_278 : i32
          scf.if %cond3A_279 {
            %sub3A = arith.constant 2 : i32
            %sub3A_303 = arith.subi %add3A_256, %sub3A : i32
            %dma_wait3A_304 = arith.constant 0 : i32
            %dma_wait3A_305 = tpu.memref_slice %arg16[%sub3A_303, %dma_wait3A_304] : memref<160x128xi32, #tpu.memory_space<vmem>> -> memref<1x128xi32, #tpu.memory_space<vmem>>
            %dma_wait3A_306 = tpu.memref_squeeze %dma_wait3A_305 : memref<1x128xi32, #tpu.memory_space<vmem>> -> memref<128xi32, #tpu.memory_space<vmem>>
            %dma_wait3A_307 = arith.constant 0 : i32
            %dma_wait3A_308 = arith.constant 0 : i32
            %dma_wait3A_309 = tpu.memref_slice %arg12[%dma_wait3A_307, %dma_wait3A_308] : memref<10240x8xf32, #tpu.memory_space<vmem_shared>> -> memref<10240x8xf32, #tpu.memory_space<vmem_shared>>
            tpu.wait_indirect_dma semaphore(%arg33 : memref<!tpu.dma_semaphore, #tpu.memory_space<semaphore_mem>>) src(%arg26 : memref<128x8xf32, #tpu.memory_space<vmem>>) dst(%dma_wait3A_309 : memref<10240x8xf32, #tpu.memory_space<vmem_shared>>)
          } else {
          }
          %scan3A_280 = arith.constant 0 : i32
          %scan3A_281 = arith.constant 0 : i32
          %scan3A_282 = arith.constant 8 : i32
          %scan3A_283 = arith.addi %scan3A_281, %scan3A_282 : i32
          %scan3A_284 = arith.constant 1 : i32
          scf.for %scan3A_303 = %scan3A_281 to %scan3A_283 step %scan3A_284  : i32 {
            %mul3A_304 = arith.constant 16 : i32
            %mul3A_305 = arith.muli %scan3A_303, %mul3A_304 : i32
            %get3A = arith.index_cast %add3A_256 : i32 to index
            %get3A_306 = arith.index_cast %mul3A_305 : i32 to index
            %get3A_307 = tpu.vector_load %arg17[%get3A, %get3A_306] {strides = array<i32>} : memref<160x128xf32, #tpu.memory_space<vmem>>, vector<16xf32>,
            %add3A_308 = arith.constant 0 : i32
            %add3A_309 = arith.addi %mul3A_305, %add3A_308 : i32
            %mul3A_310 = arith.constant 8 : i32
            %mul3A_311 = arith.muli %add3A_309, %mul3A_310 : i32
            %add3A_312 = vector.broadcast %mul3A_311 : i32 to vector<16xi32>
            %add3A_313 = arith.addi %iota3A, %add3A_312 : vector<16xi32>
            %add3A_314 = arith.constant 2 : i32
            %add3A_315 = arith.addi %mul3A_305, %add3A_314 : i32
            %mul3A_316 = arith.constant 8 : i32
            %mul3A_317 = arith.muli %add3A_315, %mul3A_316 : i32
            %add3A_318 = vector.broadcast %mul3A_317 : i32 to vector<16xi32>
            %add3A_319 = arith.addi %iota3A, %add3A_318 : vector<16xi32>
            %add3A_320 = arith.constant 4 : i32
            %add3A_321 = arith.addi %mul3A_305, %add3A_320 : i32
            %mul3A_322 = arith.constant 8 : i32
            %mul3A_323 = arith.muli %add3A_321, %mul3A_322 : i32
            %add3A_324 = vector.broadcast %mul3A_323 : i32 to vector<16xi32>
            %add3A_325 = arith.addi %iota3A, %add3A_324 : vector<16xi32>
            %add3A_326 = arith.constant 6 : i32
            %add3A_327 = arith.addi %mul3A_305, %add3A_326 : i32
            %mul3A_328 = arith.constant 8 : i32
            %mul3A_329 = arith.muli %add3A_327, %mul3A_328 : i32
            %add3A_330 = vector.broadcast %mul3A_329 : i32 to vector<16xi32>
            %add3A_331 = arith.addi %iota3A, %add3A_330 : vector<16xi32>
            %gather3A = tpu.vector_load_idx %arg20[%broadcast_in_dim3A_43, %add3A_313] : memref<128x8xf32, #tpu.memory_space<vmem>>[vector<16xi32>, vector<16xi32>], vector<16xf32>,
            %gather3A_332 = tpu.vector_load_idx %arg20[%broadcast_in_dim3A_43, %add3A_319] : memref<128x8xf32, #tpu.memory_space<vmem>>[vector<16xi32>, vector<16xi32>], vector<16xf32>,
            %gather3A_333 = tpu.vector_load_idx %arg20[%broadcast_in_dim3A_43, %add3A_325] : memref<128x8xf32, #tpu.memory_space<vmem>>[vector<16xi32>, vector<16xi32>], vector<16xf32>,
            %gather3A_334 = tpu.vector_load_idx %arg20[%broadcast_in_dim3A_43, %add3A_331] : memref<128x8xf32, #tpu.memory_space<vmem>>[vector<16xi32>, vector<16xi32>], vector<16xf32>,
            %gather3A_335 = tpu.vector_load_idx %arg22[%broadcast_in_dim3A_43, %add3A_313] : memref<128x8xf32, #tpu.memory_space<vmem>>[vector<16xi32>, vector<16xi32>], vector<16xf32>,
            %gather3A_336 = tpu.vector_load_idx %arg22[%broadcast_in_dim3A_43, %add3A_319] : memref<128x8xf32, #tpu.memory_space<vmem>>[vector<16xi32>, vector<16xi32>], vector<16xf32>,
            %gather3A_337 = tpu.vector_load_idx %arg22[%broadcast_in_dim3A_43, %add3A_325] : memref<128x8xf32, #tpu.memory_space<vmem>>[vector<16xi32>, vector<16xi32>], vector<16xf32>,
            %gather3A_338 = tpu.vector_load_idx %arg22[%broadcast_in_dim3A_43, %add3A_331] : memref<128x8xf32, #tpu.memory_space<vmem>>[vector<16xi32>, vector<16xi32>], vector<16xf32>,
            %gather3A_339 = tpu.vector_load_idx %arg24[%broadcast_in_dim3A_43, %add3A_313] : memref<128x8xf32, #tpu.memory_space<vmem>>[vector<16xi32>, vector<16xi32>], vector<16xf32>,
            %gather3A_340 = tpu.vector_load_idx %arg24[%broadcast_in_dim3A_43, %add3A_319] : memref<128x8xf32, #tpu.memory_space<vmem>>[vector<16xi32>, vector<16xi32>], vector<16xf32>,
            %gather3A_341 = tpu.vector_load_idx %arg24[%broadcast_in_dim3A_43, %add3A_325] : memref<128x8xf32, #tpu.memory_space<vmem>>[vector<16xi32>, vector<16xi32>], vector<16xf32>,
            %gather3A_342 = tpu.vector_load_idx %arg24[%broadcast_in_dim3A_43, %add3A_331] : memref<128x8xf32, #tpu.memory_space<vmem>>[vector<16xi32>, vector<16xi32>], vector<16xf32>,
            %lt3A_343 = arith.constant 0 : i32
            %lt3A_344 = vector.broadcast %lt3A_343 : i32 to vector<16xi32>
            %lt3A_345 = arith.cmpi slt, %add3A_20, %lt3A_344 : vector<16xi32>
            %add3A_346 = arith.constant 16 : i32
            %add3A_347 = vector.broadcast %add3A_346 : i32 to vector<16xi32>
            %add3A_348 = arith.addi %add3A_20, %add3A_347 : vector<16xi32>
            %select_n3A = arith.select %lt3A_345, %add3A_348, %add3A_20 : vector<16xi1>, vector<16xi32>
            %broadcast_in_dim3A_349 = vector.shape_cast %select_n3A : vector<16xi32> to vector<16x1xi32>
            %gather3A_350 = vector.shape_cast %broadcast_in_dim3A_349 : vector<16x1xi32> to vector<16xi32>
            %gather3A_351 = tpu.dynamic_gather %get3A_307[%gather3A_350] in [0] : vector<16xf32>, vector<16xi32> -> vector<16xf32>
            %mul3A_352 = arith.mulf %gather3A, %gather3A_351 : vector<16xf32>
            tpu.vector_store_idx %arg26[%broadcast_in_dim3A_43, %add3A_313], %mul3A_352 : memref<128x8xf32, #tpu.memory_space<vmem>>[vector<16xi32>, vector<16xi32>], vector<16xf32>,
            %mul3A_353 = arith.mulf %gather3A_335, %gather3A_339 : vector<16xf32>
            tpu.vector_store_idx %arg27[%broadcast_in_dim3A_43, %add3A_313], %mul3A_353 : memref<128x8xf32, #tpu.memory_space<vmem>>[vector<16xi32>, vector<16xi32>], vector<16xf32>,
            %lt3A_354 = arith.constant 0 : i32
            %lt3A_355 = vector.broadcast %lt3A_354 : i32 to vector<16xi32>
            %lt3A_356 = arith.cmpi slt, %add3A_23, %lt3A_355 : vector<16xi32>
            %add3A_357 = arith.constant 16 : i32
            %add3A_358 = vector.broadcast %add3A_357 : i32 to vector<16xi32>
            %add3A_359 = arith.addi %add3A_23, %add3A_358 : vector<16xi32>
            %select_n3A_360 = arith.select %lt3A_356, %add3A_359, %add3A_23 : vector<16xi1>, vector<16xi32>
            %broadcast_in_dim3A_361 = vector.shape_cast %select_n3A_360 : vector<16xi32> to vector<16x1xi32>
            %gather3A_362 = vector.shape_cast %broadcast_in_dim3A_361 : vector<16x1xi32> to vector<16xi32>
            %gather3A_363 = tpu.dynamic_gather %get3A_307[%gather3A_362] in [0] : vector<16xf32>, vector<16xi32> -> vector<16xf32>
            %mul3A_364 = arith.mulf %gather3A_332, %gather3A_363 : vector<16xf32>
            tpu.vector_store_idx %arg26[%broadcast_in_dim3A_43, %add3A_319], %mul3A_364 : memref<128x8xf32, #tpu.memory_space<vmem>>[vector<16xi32>, vector<16xi32>], vector<16xf32>,
            %mul3A_365 = arith.mulf %gather3A_336, %gather3A_340 : vector<16xf32>
            tpu.vector_store_idx %arg27[%broadcast_in_dim3A_43, %add3A_319], %mul3A_365 : memref<128x8xf32, #tpu.memory_space<vmem>>[vector<16xi32>, vector<16xi32>], vector<16xf32>,
            %lt3A_366 = arith.constant 0 : i32
            %lt3A_367 = vector.broadcast %lt3A_366 : i32 to vector<16xi32>
            %lt3A_368 = arith.cmpi slt, %add3A_26, %lt3A_367 : vector<16xi32>
            %add3A_369 = arith.constant 16 : i32
            %add3A_370 = vector.broadcast %add3A_369 : i32 to vector<16xi32>
            %add3A_371 = arith.addi %add3A_26, %add3A_370 : vector<16xi32>
            %select_n3A_372 = arith.select %lt3A_368, %add3A_371, %add3A_26 : vector<16xi1>, vector<16xi32>
            %broadcast_in_dim3A_373 = vector.shape_cast %select_n3A_372 : vector<16xi32> to vector<16x1xi32>
            %gather3A_374 = vector.shape_cast %broadcast_in_dim3A_373 : vector<16x1xi32> to vector<16xi32>
            %gather3A_375 = tpu.dynamic_gather %get3A_307[%gather3A_374] in [0] : vector<16xf32>, vector<16xi32> -> vector<16xf32>
            %mul3A_376 = arith.mulf %gather3A_333, %gather3A_375 : vector<16xf32>
            tpu.vector_store_idx %arg26[%broadcast_in_dim3A_43, %add3A_325], %mul3A_376 : memref<128x8xf32, #tpu.memory_space<vmem>>[vector<16xi32>, vector<16xi32>], vector<16xf32>,
            %mul3A_377 = arith.mulf %gather3A_337, %gather3A_341 : vector<16xf32>
            tpu.vector_store_idx %arg27[%broadcast_in_dim3A_43, %add3A_325], %mul3A_377 : memref<128x8xf32, #tpu.memory_space<vmem>>[vector<16xi32>, vector<16xi32>], vector<16xf32>,
            %lt3A_378 = arith.constant 0 : i32
            %lt3A_379 = vector.broadcast %lt3A_378 : i32 to vector<16xi32>
            %lt3A_380 = arith.cmpi slt, %add3A_29, %lt3A_379 : vector<16xi32>
            %add3A_381 = arith.constant 16 : i32
            %add3A_382 = vector.broadcast %add3A_381 : i32 to vector<16xi32>
            %add3A_383 = arith.addi %add3A_29, %add3A_382 : vector<16xi32>
            %select_n3A_384 = arith.select %lt3A_380, %add3A_383, %add3A_29 : vector<16xi1>, vector<16xi32>
            %broadcast_in_dim3A_385 = vector.shape_cast %select_n3A_384 : vector<16xi32> to vector<16x1xi32>
            %gather3A_386 = vector.shape_cast %broadcast_in_dim3A_385 : vector<16x1xi32> to vector<16xi32>
            %gather3A_387 = tpu.dynamic_gather %get3A_307[%gather3A_386] in [0] : vector<16xf32>, vector<16xi32> -> vector<16xf32>
            %mul3A_388 = arith.mulf %gather3A_334, %gather3A_387 : vector<16xf32>
            tpu.vector_store_idx %arg26[%broadcast_in_dim3A_43, %add3A_331], %mul3A_388 : memref<128x8xf32, #tpu.memory_space<vmem>>[vector<16xi32>, vector<16xi32>], vector<16xf32>,
            %mul3A_389 = arith.mulf %gather3A_338, %gather3A_342 : vector<16xf32>
            tpu.vector_store_idx %arg27[%broadcast_in_dim3A_43, %add3A_331], %mul3A_389 : memref<128x8xf32, #tpu.memory_space<vmem>>[vector<16xi32>, vector<16xi32>], vector<16xf32>,
            %add3A_390 = arith.constant 8 : i32
            %add3A_391 = arith.addi %mul3A_305, %add3A_390 : i32
            %mul3A_392 = arith.constant 8 : i32
            %mul3A_393 = arith.muli %add3A_391, %mul3A_392 : i32
            %add3A_394 = vector.broadcast %mul3A_393 : i32 to vector<16xi32>
            %add3A_395 = arith.addi %iota3A, %add3A_394 : vector<16xi32>
            %add3A_396 = arith.constant 10 : i32
            %add3A_397 = arith.addi %mul3A_305, %add3A_396 : i32
            %mul3A_398 = arith.constant 8 : i32
            %mul3A_399 = arith.muli %add3A_397, %mul3A_398 : i32
            %add3A_400 = vector.broadcast %mul3A_399 : i32 to vector<16xi32>
            %add3A_401 = arith.addi %iota3A, %add3A_400 : vector<16xi32>
            %add3A_402 = arith.constant 12 : i32
            %add3A_403 = arith.addi %mul3A_305, %add3A_402 : i32
            %mul3A_404 = arith.constant 8 : i32
            %mul3A_405 = arith.muli %add3A_403, %mul3A_404 : i32
            %add3A_406 = vector.broadcast %mul3A_405 : i32 to vector<16xi32>
            %add3A_407 = arith.addi %iota3A, %add3A_406 : vector<16xi32>
            %add3A_408 = arith.constant 14 : i32
            %add3A_409 = arith.addi %mul3A_305, %add3A_408 : i32
            %mul3A_410 = arith.constant 8 : i32
            %mul3A_411 = arith.muli %add3A_409, %mul3A_410 : i32
            %add3A_412 = vector.broadcast %mul3A_411 : i32 to vector<16xi32>
            %add3A_413 = arith.addi %iota3A, %add3A_412 : vector<16xi32>
            %gather3A_414 = tpu.vector_load_idx %arg20[%broadcast_in_dim3A_43, %add3A_395] : memref<128x8xf32, #tpu.memory_space<vmem>>[vector<16xi32>, vector<16xi32>], vector<16xf32>,
            %gather3A_415 = tpu.vector_load_idx %arg20[%broadcast_in_dim3A_43, %add3A_401] : memref<128x8xf32, #tpu.memory_space<vmem>>[vector<16xi32>, vector<16xi32>], vector<16xf32>,
            %gather3A_416 = tpu.vector_load_idx %arg20[%broadcast_in_dim3A_43, %add3A_407] : memref<128x8xf32, #tpu.memory_space<vmem>>[vector<16xi32>, vector<16xi32>], vector<16xf32>,
            %gather3A_417 = tpu.vector_load_idx %arg20[%broadcast_in_dim3A_43, %add3A_413] : memref<128x8xf32, #tpu.memory_space<vmem>>[vector<16xi32>, vector<16xi32>], vector<16xf32>,
            %gather3A_418 = tpu.vector_load_idx %arg22[%broadcast_in_dim3A_43, %add3A_395] : memref<128x8xf32, #tpu.memory_space<vmem>>[vector<16xi32>, vector<16xi32>], vector<16xf32>,
            %gather3A_419 = tpu.vector_load_idx %arg22[%broadcast_in_dim3A_43, %add3A_401] : memref<128x8xf32, #tpu.memory_space<vmem>>[vector<16xi32>, vector<16xi32>], vector<16xf32>,
            %gather3A_420 = tpu.vector_load_idx %arg22[%broadcast_in_dim3A_43, %add3A_407] : memref<128x8xf32, #tpu.memory_space<vmem>>[vector<16xi32>, vector<16xi32>], vector<16xf32>,
            %gather3A_421 = tpu.vector_load_idx %arg22[%broadcast_in_dim3A_43, %add3A_413] : memref<128x8xf32, #tpu.memory_space<vmem>>[vector<16xi32>, vector<16xi32>], vector<16xf32>,
            %gather3A_422 = tpu.vector_load_idx %arg24[%broadcast_in_dim3A_43, %add3A_395] : memref<128x8xf32, #tpu.memory_space<vmem>>[vector<16xi32>, vector<16xi32>], vector<16xf32>,
            %gather3A_423 = tpu.vector_load_idx %arg24[%broadcast_in_dim3A_43, %add3A_401] : memref<128x8xf32, #tpu.memory_space<vmem>>[vector<16xi32>, vector<16xi32>], vector<16xf32>,
            %gather3A_424 = tpu.vector_load_idx %arg24[%broadcast_in_dim3A_43, %add3A_407] : memref<128x8xf32, #tpu.memory_space<vmem>>[vector<16xi32>, vector<16xi32>], vector<16xf32>,
            %gather3A_425 = tpu.vector_load_idx %arg24[%broadcast_in_dim3A_43, %add3A_413] : memref<128x8xf32, #tpu.memory_space<vmem>>[vector<16xi32>, vector<16xi32>], vector<16xf32>,
            %lt3A_426 = arith.constant 0 : i32
            %lt3A_427 = vector.broadcast %lt3A_426 : i32 to vector<16xi32>
            %lt3A_428 = arith.cmpi slt, %add3A_32, %lt3A_427 : vector<16xi32>
            %add3A_429 = arith.constant 16 : i32
            %add3A_430 = vector.broadcast %add3A_429 : i32 to vector<16xi32>
            %add3A_431 = arith.addi %add3A_32, %add3A_430 : vector<16xi32>
            %select_n3A_432 = arith.select %lt3A_428, %add3A_431, %add3A_32 : vector<16xi1>, vector<16xi32>
            %broadcast_in_dim3A_433 = vector.shape_cast %select_n3A_432 : vector<16xi32> to vector<16x1xi32>
            %gather3A_434 = vector.shape_cast %broadcast_in_dim3A_433 : vector<16x1xi32> to vector<16xi32>
            %gather3A_435 = tpu.dynamic_gather %get3A_307[%gather3A_434] in [0] : vector<16xf32>, vector<16xi32> -> vector<16xf32>
            %mul3A_436 = arith.mulf %gather3A_414, %gather3A_435 : vector<16xf32>
            tpu.vector_store_idx %arg26[%broadcast_in_dim3A_43, %add3A_395], %mul3A_436 : memref<128x8xf32, #tpu.memory_space<vmem>>[vector<16xi32>, vector<16xi32>], vector<16xf32>,
            %mul3A_437 = arith.mulf %gather3A_418, %gather3A_422 : vector<16xf32>
            tpu.vector_store_idx %arg27[%broadcast_in_dim3A_43, %add3A_395], %mul3A_437 : memref<128x8xf32, #tpu.memory_space<vmem>>[vector<16xi32>, vector<16xi32>], vector<16xf32>,
            %lt3A_438 = arith.constant 0 : i32
            %lt3A_439 = vector.broadcast %lt3A_438 : i32 to vector<16xi32>
            %lt3A_440 = arith.cmpi slt, %add3A_35, %lt3A_439 : vector<16xi32>
            %add3A_441 = arith.constant 16 : i32
            %add3A_442 = vector.broadcast %add3A_441 : i32 to vector<16xi32>
            %add3A_443 = arith.addi %add3A_35, %add3A_442 : vector<16xi32>
            %select_n3A_444 = arith.select %lt3A_440, %add3A_443, %add3A_35 : vector<16xi1>, vector<16xi32>
            %broadcast_in_dim3A_445 = vector.shape_cast %select_n3A_444 : vector<16xi32> to vector<16x1xi32>
            %gather3A_446 = vector.shape_cast %broadcast_in_dim3A_445 : vector<16x1xi32> to vector<16xi32>
            %gather3A_447 = tpu.dynamic_gather %get3A_307[%gather3A_446] in [0] : vector<16xf32>, vector<16xi32> -> vector<16xf32>
            %mul3A_448 = arith.mulf %gather3A_415, %gather3A_447 : vector<16xf32>
            tpu.vector_store_idx %arg26[%broadcast_in_dim3A_43, %add3A_401], %mul3A_448 : memref<128x8xf32, #tpu.memory_space<vmem>>[vector<16xi32>, vector<16xi32>], vector<16xf32>,
            %mul3A_449 = arith.mulf %gather3A_419, %gather3A_423 : vector<16xf32>
            tpu.vector_store_idx %arg27[%broadcast_in_dim3A_43, %add3A_401], %mul3A_449 : memref<128x8xf32, #tpu.memory_space<vmem>>[vector<16xi32>, vector<16xi32>], vector<16xf32>,
            %lt3A_450 = arith.constant 0 : i32
            %lt3A_451 = vector.broadcast %lt3A_450 : i32 to vector<16xi32>
            %lt3A_452 = arith.cmpi slt, %add3A_38, %lt3A_451 : vector<16xi32>
            %add3A_453 = arith.constant 16 : i32
            %add3A_454 = vector.broadcast %add3A_453 : i32 to vector<16xi32>
            %add3A_455 = arith.addi %add3A_38, %add3A_454 : vector<16xi32>
            %select_n3A_456 = arith.select %lt3A_452, %add3A_455, %add3A_38 : vector<16xi1>, vector<16xi32>
            %broadcast_in_dim3A_457 = vector.shape_cast %select_n3A_456 : vector<16xi32> to vector<16x1xi32>
            %gather3A_458 = vector.shape_cast %broadcast_in_dim3A_457 : vector<16x1xi32> to vector<16xi32>
            %gather3A_459 = tpu.dynamic_gather %get3A_307[%gather3A_458] in [0] : vector<16xf32>, vector<16xi32> -> vector<16xf32>
            %mul3A_460 = arith.mulf %gather3A_416, %gather3A_459 : vector<16xf32>
            tpu.vector_store_idx %arg26[%broadcast_in_dim3A_43, %add3A_407], %mul3A_460 : memref<128x8xf32, #tpu.memory_space<vmem>>[vector<16xi32>, vector<16xi32>], vector<16xf32>,
            %mul3A_461 = arith.mulf %gather3A_420, %gather3A_424 : vector<16xf32>
            tpu.vector_store_idx %arg27[%broadcast_in_dim3A_43, %add3A_407], %mul3A_461 : memref<128x8xf32, #tpu.memory_space<vmem>>[vector<16xi32>, vector<16xi32>], vector<16xf32>,
            %lt3A_462 = arith.constant 0 : i32
            %lt3A_463 = vector.broadcast %lt3A_462 : i32 to vector<16xi32>
            %lt3A_464 = arith.cmpi slt, %add3A_41, %lt3A_463 : vector<16xi32>
            %add3A_465 = arith.constant 16 : i32
            %add3A_466 = vector.broadcast %add3A_465 : i32 to vector<16xi32>
            %add3A_467 = arith.addi %add3A_41, %add3A_466 : vector<16xi32>
            %select_n3A_468 = arith.select %lt3A_464, %add3A_467, %add3A_41 : vector<16xi1>, vector<16xi32>
            %broadcast_in_dim3A_469 = vector.shape_cast %select_n3A_468 : vector<16xi32> to vector<16x1xi32>
            %gather3A_470 = vector.shape_cast %broadcast_in_dim3A_469 : vector<16x1xi32> to vector<16xi32>
            %gather3A_471 = tpu.dynamic_gather %get3A_307[%gather3A_470] in [0] : vector<16xf32>, vector<16xi32> -> vector<16xf32>
            %mul3A_472 = arith.mulf %gather3A_417, %gather3A_471 : vector<16xf32>
            tpu.vector_store_idx %arg26[%broadcast_in_dim3A_43, %add3A_413], %mul3A_472 : memref<128x8xf32, #tpu.memory_space<vmem>>[vector<16xi32>, vector<16xi32>], vector<16xf32>,
            %mul3A_473 = arith.mulf %gather3A_421, %gather3A_425 : vector<16xf32>
            tpu.vector_store_idx %arg27[%broadcast_in_dim3A_43, %add3A_413], %mul3A_473 : memref<128x8xf32, #tpu.memory_space<vmem>>[vector<16xi32>, vector<16xi32>], vector<16xf32>,
          }
          %scan3A_285 = arith.constant 8 : i32
          %scan3A_286 = arith.constant 0 : i32
          %scan3A_287 = arith.constant 0 : i32
          %scan3A_288 = arith.constant 8 : i32
          %scan3A_289 = arith.addi %scan3A_287, %scan3A_288 : i32
          %scan3A_290 = arith.constant 1 : i32
          scf.for %scan3A_303 = %scan3A_287 to %scan3A_289 step %scan3A_290  : i32 {
            %mul3A_304 = arith.constant 16 : i32
            %mul3A_305 = arith.muli %scan3A_303, %mul3A_304 : i32
            %add3A_306 = vector.broadcast %mul3A_305 : i32 to vector<16xi32>
            %add3A_307 = arith.addi %iota3A, %add3A_306 : vector<16xi32>
            %mul3A_308 = arith.constant 8 : i32
            %mul3A_309 = vector.broadcast %mul3A_308 : i32 to vector<16xi32>
            %mul3A_310 = arith.muli %add3A_307, %mul3A_309 : vector<16xi32>
            %add3A_311 = arith.constant 0 : i32
            %add3A_312 = vector.broadcast %add3A_311 : i32 to vector<16xi32>
            %add3A_313 = arith.addi %mul3A_310, %add3A_312 : vector<16xi32>
            %gather3A = tpu.vector_load_idx %arg27[%broadcast_in_dim3A_43, %add3A_313] : memref<128x8xf32, #tpu.memory_space<vmem>>[vector<16xi32>, vector<16xi32>], vector<16xf32>,
            %add3A_314 = arith.constant 1 : i32
            %add3A_315 = vector.broadcast %add3A_314 : i32 to vector<16xi32>
            %add3A_316 = arith.addi %mul3A_310, %add3A_315 : vector<16xi32>
            %gather3A_317 = tpu.vector_load_idx %arg27[%broadcast_in_dim3A_43, %add3A_316] : memref<128x8xf32, #tpu.memory_space<vmem>>[vector<16xi32>, vector<16xi32>], vector<16xf32>,
            %add3A_318 = arith.constant 2 : i32
            %add3A_319 = vector.broadcast %add3A_318 : i32 to vector<16xi32>
            %add3A_320 = arith.addi %mul3A_310, %add3A_319 : vector<16xi32>
            %gather3A_321 = tpu.vector_load_idx %arg27[%broadcast_in_dim3A_43, %add3A_320] : memref<128x8xf32, #tpu.memory_space<vmem>>[vector<16xi32>, vector<16xi32>], vector<16xf32>,
            %add3A_322 = arith.constant 3 : i32
            %add3A_323 = vector.broadcast %add3A_322 : i32 to vector<16xi32>
            %add3A_324 = arith.addi %mul3A_310, %add3A_323 : vector<16xi32>
            %gather3A_325 = tpu.vector_load_idx %arg27[%broadcast_in_dim3A_43, %add3A_324] : memref<128x8xf32, #tpu.memory_space<vmem>>[vector<16xi32>, vector<16xi32>], vector<16xf32>,
            %add3A_326 = arith.constant 4 : i32
            %add3A_327 = vector.broadcast %add3A_326 : i32 to vector<16xi32>
            %add3A_328 = arith.addi %mul3A_310, %add3A_327 : vector<16xi32>
            %gather3A_329 = tpu.vector_load_idx %arg27[%broadcast_in_dim3A_43, %add3A_328] : memref<128x8xf32, #tpu.memory_space<vmem>>[vector<16xi32>, vector<16xi32>], vector<16xf32>,
            %add3A_330 = arith.constant 5 : i32
            %add3A_331 = vector.broadcast %add3A_330 : i32 to vector<16xi32>
            %add3A_332 = arith.addi %mul3A_310, %add3A_331 : vector<16xi32>
            %gather3A_333 = tpu.vector_load_idx %arg27[%broadcast_in_dim3A_43, %add3A_332] : memref<128x8xf32, #tpu.memory_space<vmem>>[vector<16xi32>, vector<16xi32>], vector<16xf32>,
            %add3A_334 = arith.constant 6 : i32
            %add3A_335 = vector.broadcast %add3A_334 : i32 to vector<16xi32>
            %add3A_336 = arith.addi %mul3A_310, %add3A_335 : vector<16xi32>
            %gather3A_337 = tpu.vector_load_idx %arg27[%broadcast_in_dim3A_43, %add3A_336] : memref<128x8xf32, #tpu.memory_space<vmem>>[vector<16xi32>, vector<16xi32>], vector<16xf32>,
            %add3A_338 = arith.constant 7 : i32
            %add3A_339 = vector.broadcast %add3A_338 : i32 to vector<16xi32>
            %add3A_340 = arith.addi %mul3A_310, %add3A_339 : vector<16xi32>
            %gather3A_341 = tpu.vector_load_idx %arg27[%broadcast_in_dim3A_43, %add3A_340] : memref<128x8xf32, #tpu.memory_space<vmem>>[vector<16xi32>, vector<16xi32>], vector<16xf32>,
            %add3A_342 = arith.addf %gather3A, %gather3A_317 : vector<16xf32>
            %add3A_343 = arith.addf %gather3A_321, %gather3A_325 : vector<16xf32>
            %add3A_344 = arith.addf %add3A_342, %add3A_343 : vector<16xf32>
            %add3A_345 = arith.addf %gather3A_329, %gather3A_333 : vector<16xf32>
            %add3A_346 = arith.addf %gather3A_337, %gather3A_341 : vector<16xf32>
            %add3A_347 = arith.addf %add3A_345, %add3A_346 : vector<16xf32>
            %add3A_348 = arith.addf %add3A_344, %add3A_347 : vector<16xf32>
            %get3A = arith.index_cast %add3A_256 : i32 to index
            %get3A_349 = arith.index_cast %mul3A_305 : i32 to index
            %get3A_350 = tpu.vector_load %arg18[%get3A, %get3A_349] {strides = array<i32>} : memref<160x128xf32, #tpu.memory_space<vmem>>, vector<16xf32>,
            %get3A_351 = arith.index_cast %add3A_256 : i32 to index
            %get3A_352 = arith.index_cast %mul3A_305 : i32 to index
            %get3A_353 = tpu.vector_load %arg17[%get3A_351, %get3A_352] {strides = array<i32>} : memref<160x128xf32, #tpu.memory_space<vmem>>, vector<16xf32>,
            %mul3A_354 = arith.constant 9.900000e-01 : f32
            %mul3A_355 = vector.broadcast %mul3A_354 : f32 to vector<16xf32>
            %mul3A_356 = arith.mulf %get3A_353, %mul3A_355 : vector<16xf32>
            %mul3A_357 = arith.mulf %add3A_348, %get3A_350 : vector<16xf32>
            %mul3A_358 = arith.constant 1.237500e-01 : f32
            %mul3A_359 = vector.broadcast %mul3A_358 : f32 to vector<16xf32>
            %mul3A_360 = arith.mulf %mul3A_357, %mul3A_359 : vector<16xf32>
            %add3A_361 = arith.addf %mul3A_356, %mul3A_360 : vector<16xf32>
            %swap3A = arith.index_cast %add3A_256 : i32 to index
            %swap3A_362 = arith.index_cast %mul3A_305 : i32 to index
            %swap3A_363 = tpu.vector_load %arg17[%swap3A, %swap3A_362] {strides = array<i32>} : memref<160x128xf32, #tpu.memory_space<vmem>>, vector<16xf32>,
            tpu.vector_store %arg17[%swap3A, %swap3A_362], %add3A_361 {strides = array<i32>} : memref<160x128xf32, #tpu.memory_space<vmem>>, vector<16xf32>,
          }
          %scan3A_291 = arith.constant 8 : i32
          %dma_start3A_292 = arith.constant 0 : i32
          %dma_start3A_293 = tpu.memref_slice %arg16[%add3A_256, %dma_start3A_292] : memref<160x128xi32, #tpu.memory_space<vmem>> -> memref<1x128xi32, #tpu.memory_space<vmem>>
          %dma_start3A_294 = tpu.memref_squeeze %dma_start3A_293 : memref<1x128xi32, #tpu.memory_space<vmem>> -> memref<128xi32, #tpu.memory_space<vmem>>
          %dma_start3A_295 = arith.constant 0 : i32
          %dma_start3A_296 = arith.constant 0 : i32
          %dma_start3A_297 = tpu.memref_slice %arg12[%dma_start3A_295, %dma_start3A_296] : memref<10240x8xf32, #tpu.memory_space<vmem_shared>> -> memref<10240x8xf32, #tpu.memory_space<vmem_shared>>
          tpu.enqueue_indirect_dma source(%arg26 : memref<128x8xf32, #tpu.memory_space<vmem>>) target(%dma_start3A_297 : memref<10240x8xf32, #tpu.memory_space<vmem_shared>>) offsets(%dma_start3A_294 : memref<128xi32, #tpu.memory_space<vmem>>) semaphore(%arg33 : memref<!tpu.dma_semaphore, #tpu.memory_space<semaphore_mem>>) {add = true}
          %lt3A_298 = arith.constant 79 : i32
          %lt3A_299 = arith.cmpi slt, %scan3A_204, %lt3A_298 : i32
          %convert_element_type3A_300 = arith.extui %lt3A_299 : i1 to i32
          %cond3A_301 = arith.constant 0 : i32
          %cond3A_302 = arith.cmpi ne, %convert_element_type3A_300, %cond3A_301 : i32
          scf.if %cond3A_302 {
            %add3A_303 = arith.constant 2 : i32
            %add3A_304 = arith.addi %add3A_256, %add3A_303 : i32
            %dma_start3A_305 = arith.constant 0 : i32
            %dma_start3A_306 = tpu.memref_slice %arg15[%add3A_304, %dma_start3A_305] : memref<160x128xi32, #tpu.memory_space<vmem>> -> memref<1x128xi32, #tpu.memory_space<vmem>>
            %dma_start3A_307 = tpu.memref_squeeze %dma_start3A_306 : memref<1x128xi32, #tpu.memory_space<vmem>> -> memref<128xi32, #tpu.memory_space<vmem>>
            %dma_start3A_308 = arith.constant 0 : i32
            %dma_start3A_309 = arith.constant 0 : i32
            %dma_start3A_310 = tpu.memref_slice %arg10[%dma_start3A_308, %dma_start3A_309] : memref<10240x8xf32, #tpu.memory_space<vmem_shared>> -> memref<10240x8xf32, #tpu.memory_space<vmem_shared>>
            tpu.enqueue_indirect_dma source(%dma_start3A_310 : memref<10240x8xf32, #tpu.memory_space<vmem_shared>>) target(%arg20 : memref<128x8xf32, #tpu.memory_space<vmem>>) offsets(%dma_start3A_307 : memref<128xi32, #tpu.memory_space<vmem>>) semaphore(%arg31 : memref<!tpu.dma_semaphore, #tpu.memory_space<semaphore_mem>>)
            %dma_start3A_311 = arith.constant 0 : i32
            %dma_start3A_312 = tpu.memref_slice %arg15[%add3A_304, %dma_start3A_311] : memref<160x128xi32, #tpu.memory_space<vmem>> -> memref<1x128xi32, #tpu.memory_space<vmem>>
            %dma_start3A_313 = tpu.memref_squeeze %dma_start3A_312 : memref<1x128xi32, #tpu.memory_space<vmem>> -> memref<128xi32, #tpu.memory_space<vmem>>
            %dma_start3A_314 = arith.constant 0 : i32
            %dma_start3A_315 = arith.constant 0 : i32
            %dma_start3A_316 = tpu.memref_slice %arg11[%dma_start3A_314, %dma_start3A_315] : memref<10240x8xf32, #tpu.memory_space<vmem_shared>> -> memref<10240x8xf32, #tpu.memory_space<vmem_shared>>
            tpu.enqueue_indirect_dma source(%dma_start3A_316 : memref<10240x8xf32, #tpu.memory_space<vmem_shared>>) target(%arg22 : memref<128x8xf32, #tpu.memory_space<vmem>>) offsets(%dma_start3A_313 : memref<128xi32, #tpu.memory_space<vmem>>) semaphore(%arg31 : memref<!tpu.dma_semaphore, #tpu.memory_space<semaphore_mem>>)
            %dma_start3A_317 = arith.constant 0 : i32
            %dma_start3A_318 = tpu.memref_slice %arg16[%add3A_304, %dma_start3A_317] : memref<160x128xi32, #tpu.memory_space<vmem>> -> memref<1x128xi32, #tpu.memory_space<vmem>>
            %dma_start3A_319 = tpu.memref_squeeze %dma_start3A_318 : memref<1x128xi32, #tpu.memory_space<vmem>> -> memref<128xi32, #tpu.memory_space<vmem>>
            %dma_start3A_320 = arith.constant 0 : i32
            %dma_start3A_321 = arith.constant 0 : i32
            %dma_start3A_322 = tpu.memref_slice %arg10[%dma_start3A_320, %dma_start3A_321] : memref<10240x8xf32, #tpu.memory_space<vmem_shared>> -> memref<10240x8xf32, #tpu.memory_space<vmem_shared>>
            tpu.enqueue_indirect_dma source(%dma_start3A_322 : memref<10240x8xf32, #tpu.memory_space<vmem_shared>>) target(%arg24 : memref<128x8xf32, #tpu.memory_space<vmem>>) offsets(%dma_start3A_319 : memref<128xi32, #tpu.memory_space<vmem>>) semaphore(%arg31 : memref<!tpu.dma_semaphore, #tpu.memory_space<semaphore_mem>>)
          } else {
          }
        }
        %scan3A_107 = arith.constant 80 : i32
        %dma_wait3A = arith.constant 158 : i32
        %dma_wait3A_108 = arith.constant 0 : i32
        %dma_wait3A_109 = tpu.memref_slice %arg16[%dma_wait3A, %dma_wait3A_108] : memref<160x128xi32, #tpu.memory_space<vmem>> -> memref<1x128xi32, #tpu.memory_space<vmem>>
        %dma_wait3A_110 = tpu.memref_squeeze %dma_wait3A_109 : memref<1x128xi32, #tpu.memory_space<vmem>> -> memref<128xi32, #tpu.memory_space<vmem>>
        %dma_wait3A_111 = arith.constant 0 : i32
        %dma_wait3A_112 = arith.constant 0 : i32
        %dma_wait3A_113 = tpu.memref_slice %arg12[%dma_wait3A_111, %dma_wait3A_112] : memref<10240x8xf32, #tpu.memory_space<vmem_shared>> -> memref<10240x8xf32, #tpu.memory_space<vmem_shared>>
        tpu.wait_indirect_dma semaphore(%arg32 : memref<!tpu.dma_semaphore, #tpu.memory_space<semaphore_mem>>) src(%arg25 : memref<128x8xf32, #tpu.memory_space<vmem>>) dst(%dma_wait3A_113 : memref<10240x8xf32, #tpu.memory_space<vmem_shared>>)
        %dma_wait3A_114 = arith.constant 159 : i32
        %dma_wait3A_115 = arith.constant 0 : i32
        %dma_wait3A_116 = tpu.memref_slice %arg16[%dma_wait3A_114, %dma_wait3A_115] : memref<160x128xi32, #tpu.memory_space<vmem>> -> memref<1x128xi32, #tpu.memory_space<vmem>>
        %dma_wait3A_117 = tpu.memref_squeeze %dma_wait3A_116 : memref<1x128xi32, #tpu.memory_space<vmem>> -> memref<128xi32, #tpu.memory_space<vmem>>
        %dma_wait3A_118 = arith.constant 0 : i32
        %dma_wait3A_119 = arith.constant 0 : i32
        %dma_wait3A_120 = tpu.memref_slice %arg12[%dma_wait3A_118, %dma_wait3A_119] : memref<10240x8xf32, #tpu.memory_space<vmem_shared>> -> memref<10240x8xf32, #tpu.memory_space<vmem_shared>>
        tpu.wait_indirect_dma semaphore(%arg33 : memref<!tpu.dma_semaphore, #tpu.memory_space<semaphore_mem>>) src(%arg26 : memref<128x8xf32, #tpu.memory_space<vmem>>) dst(%dma_wait3A_120 : memref<10240x8xf32, #tpu.memory_space<vmem_shared>>)
        %barrier3A_121 = arith.constant 0 : index
        tpu.barrier barrier_id(%barrier3A_121)
        "tpu.region"() ({
          %run_scoped3A_204 = tpu.sem_alloc : memref<!tpu.dma_semaphore, #tpu.memory_space<semaphore_mem>>
          %dma_start3A_205 = arith.constant 0 : i32
          %dma_start3A_206 = arith.constant 0 : i32
          %dma_start3A_207 = tpu.memref_slice %arg6[%arg1, %dma_start3A_205, %dma_start3A_206] : memref<16x160x128xf32, #tpu.memory_space<hbm>> -> memref<1x160x128xf32, #tpu.memory_space<hbm>>
          %dma_start3A_208 = tpu.memref_squeeze %dma_start3A_207 : memref<1x160x128xf32, #tpu.memory_space<hbm>> -> memref<160x128xf32, #tpu.memory_space<hbm>>
          %dma_start3A_209 = arith.constant 0 : i32
          %dma_start3A_210 = arith.constant 0 : i32
          %dma_start3A_211 = tpu.memref_slice %arg6[%arg1, %dma_start3A_209, %dma_start3A_210] : memref<16x160x128xf32, #tpu.memory_space<hbm>> -> memref<1x160x128xf32, #tpu.memory_space<hbm>>
          %dma_start3A_212 = tpu.memref_squeeze %dma_start3A_211 : memref<1x160x128xf32, #tpu.memory_space<hbm>> -> memref<160x128xf32, #tpu.memory_space<hbm>>
          tpu.enqueue_dma source(%dma_start3A_212 : memref<160x128xf32, #tpu.memory_space<hbm>>) target(%arg18 : memref<160x128xf32, #tpu.memory_space<vmem>>) target_semaphore(%run_scoped3A_204 : memref<!tpu.dma_semaphore, #tpu.memory_space<semaphore_mem>>)
          %dma_wait3A_213 = arith.constant 0 : i32
          %dma_wait3A_214 = arith.constant 0 : i32
          %dma_wait3A_215 = tpu.memref_slice %arg6[%arg1, %dma_wait3A_213, %dma_wait3A_214] : memref<16x160x128xf32, #tpu.memory_space<hbm>> -> memref<1x160x128xf32, #tpu.memory_space<hbm>>
          %dma_wait3A_216 = tpu.memref_squeeze %dma_wait3A_215 : memref<1x160x128xf32, #tpu.memory_space<hbm>> -> memref<160x128xf32, #tpu.memory_space<hbm>>
          %dma_wait3A_217 = arith.constant 0 : i32
          %dma_wait3A_218 = arith.constant 0 : i32
          %dma_wait3A_219 = tpu.memref_slice %arg6[%arg1, %dma_wait3A_217, %dma_wait3A_218] : memref<16x160x128xf32, #tpu.memory_space<hbm>> -> memref<1x160x128xf32, #tpu.memory_space<hbm>>
          %dma_wait3A_220 = tpu.memref_squeeze %dma_wait3A_219 : memref<1x160x128xf32, #tpu.memory_space<hbm>> -> memref<160x128xf32, #tpu.memory_space<hbm>>
          tpu.wait_dma2 semaphore(%run_scoped3A_204 : memref<!tpu.dma_semaphore, #tpu.memory_space<semaphore_mem>>) src(%dma_wait3A_220 : memref<160x128xf32, #tpu.memory_space<hbm>>) dst(%arg18 : memref<160x128xf32, #tpu.memory_space<vmem>>)
          tpu.yield
        }) : () -> ()
        "tpu.region"() ({
          %run_scoped3A_204 = tpu.sem_alloc : memref<!tpu.dma_semaphore, #tpu.memory_space<semaphore_mem>>
          %dma_start3A_205 = arith.constant 0 : i32
          %dma_start3A_206 = tpu.memref_slice %arg13[%mul3A_7, %dma_start3A_205] : memref<10240x8xf32, #tpu.memory_space<vmem_shared>> -> memref<640x8xf32, #tpu.memory_space<vmem_shared>>
          %dma_start3A_207 = arith.constant 0 : i32
          %dma_start3A_208 = tpu.memref_slice %arg13[%mul3A_7, %dma_start3A_207] : memref<10240x8xf32, #tpu.memory_space<vmem_shared>> -> memref<640x8xf32, #tpu.memory_space<vmem_shared>>
          tpu.enqueue_dma source(%arg28 : memref<640x8xf32, #tpu.memory_space<vmem>>) target(%dma_start3A_208 : memref<640x8xf32, #tpu.memory_space<vmem_shared>>) target_semaphore(%run_scoped3A_204 : memref<!tpu.dma_semaphore, #tpu.memory_space<semaphore_mem>>)
          %dma_wait3A_209 = arith.constant 0 : i32
          %dma_wait3A_210 = tpu.memref_slice %arg13[%mul3A_7, %dma_wait3A_209] : memref<10240x8xf32, #tpu.memory_space<vmem_shared>> -> memref<640x8xf32, #tpu.memory_space<vmem_shared>>
          %dma_wait3A_211 = arith.constant 0 : i32
          %dma_wait3A_212 = tpu.memref_slice %arg13[%mul3A_7, %dma_wait3A_211] : memref<10240x8xf32, #tpu.memory_space<vmem_shared>> -> memref<640x8xf32, #tpu.memory_space<vmem_shared>>
          tpu.wait_dma2 semaphore(%run_scoped3A_204 : memref<!tpu.dma_semaphore, #tpu.memory_space<semaphore_mem>>) src(%arg28 : memref<640x8xf32, #tpu.memory_space<vmem>>) dst(%dma_wait3A_212 : memref<640x8xf32, #tpu.memory_space<vmem_shared>>)
          tpu.yield
        }) : () -> ()
        %dma_start3A_122 = arith.constant 0 : i32
        %dma_start3A_123 = arith.constant 0 : i32
        %dma_start3A_124 = tpu.memref_slice %arg15[%dma_start3A_122, %dma_start3A_123] : memref<160x128xi32, #tpu.memory_space<vmem>> -> memref<1x128xi32, #tpu.memory_space<vmem>>
        %dma_start3A_125 = tpu.memref_squeeze %dma_start3A_124 : memref<1x128xi32, #tpu.memory_space<vmem>> -> memref<128xi32, #tpu.memory_space<vmem>>
        %dma_start3A_126 = arith.constant 0 : i32
        %dma_start3A_127 = arith.constant 0 : i32
        %dma_start3A_128 = tpu.memref_slice %arg12[%dma_start3A_126, %dma_start3A_127] : memref<10240x8xf32, #tpu.memory_space<vmem_shared>> -> memref<10240x8xf32, #tpu.memory_space<vmem_shared>>
        tpu.enqueue_indirect_dma source(%dma_start3A_128 : memref<10240x8xf32, #tpu.memory_space<vmem_shared>>) target(%arg19 : memref<128x8xf32, #tpu.memory_space<vmem>>) offsets(%dma_start3A_125 : memref<128xi32, #tpu.memory_space<vmem>>) semaphore(%arg30 : memref<!tpu.dma_semaphore, #tpu.memory_space<semaphore_mem>>)
        %dma_start3A_129 = arith.constant 1 : i32
        %dma_start3A_130 = arith.constant 0 : i32
        %dma_start3A_131 = tpu.memref_slice %arg15[%dma_start3A_129, %dma_start3A_130] : memref<160x128xi32, #tpu.memory_space<vmem>> -> memref<1x128xi32, #tpu.memory_space<vmem>>
        %dma_start3A_132 = tpu.memref_squeeze %dma_start3A_131 : memref<1x128xi32, #tpu.memory_space<vmem>> -> memref<128xi32, #tpu.memory_space<vmem>>
        %dma_start3A_133 = arith.constant 0 : i32
        %dma_start3A_134 = arith.constant 0 : i32
        %dma_start3A_135 = tpu.memref_slice %arg12[%dma_start3A_133, %dma_start3A_134] : memref<10240x8xf32, #tpu.memory_space<vmem_shared>> -> memref<10240x8xf32, #tpu.memory_space<vmem_shared>>
        tpu.enqueue_indirect_dma source(%dma_start3A_135 : memref<10240x8xf32, #tpu.memory_space<vmem_shared>>) target(%arg20 : memref<128x8xf32, #tpu.memory_space<vmem>>) offsets(%dma_start3A_132 : memref<128xi32, #tpu.memory_space<vmem>>) semaphore(%arg31 : memref<!tpu.dma_semaphore, #tpu.memory_space<semaphore_mem>>)
        %scan3A_136 = arith.constant 0 : i32
        %scan3A_137 = arith.constant 0 : i32
        %scan3A_138 = arith.constant 80 : i32
        %scan3A_139 = arith.addi %scan3A_137, %scan3A_138 : i32
        %scan3A_140 = arith.constant 1 : i32
        scf.for %scan3A_204 = %scan3A_137 to %scan3A_139 step %scan3A_140  : i32 {
          %mul3A_205 = arith.constant 2 : i32
          %mul3A_206 = arith.muli %mul3A_205, %scan3A_204 : i32
          %add3A_207 = arith.constant 0 : i32
          %add3A_208 = arith.addi %mul3A_206, %add3A_207 : i32
          %dma_wait3A_209 = arith.constant 0 : i32
          %dma_wait3A_210 = tpu.memref_slice %arg15[%add3A_208, %dma_wait3A_209] : memref<160x128xi32, #tpu.memory_space<vmem>> -> memref<1x128xi32, #tpu.memory_space<vmem>>
          %dma_wait3A_211 = tpu.memref_squeeze %dma_wait3A_210 : memref<1x128xi32, #tpu.memory_space<vmem>> -> memref<128xi32, #tpu.memory_space<vmem>>
          %dma_wait3A_212 = arith.constant 0 : i32
          %dma_wait3A_213 = arith.constant 0 : i32
          %dma_wait3A_214 = tpu.memref_slice %arg12[%dma_wait3A_212, %dma_wait3A_213] : memref<10240x8xf32, #tpu.memory_space<vmem_shared>> -> memref<10240x8xf32, #tpu.memory_space<vmem_shared>>
          tpu.wait_indirect_dma semaphore(%arg30 : memref<!tpu.dma_semaphore, #tpu.memory_space<semaphore_mem>>) src(%dma_wait3A_214 : memref<10240x8xf32, #tpu.memory_space<vmem_shared>>) dst(%arg19 : memref<128x8xf32, #tpu.memory_space<vmem>>)
          %gt3A = arith.constant 0 : i32
          %gt3A_215 = arith.cmpi sgt, %scan3A_204, %gt3A : i32
          %convert_element_type3A_216 = arith.extui %gt3A_215 : i1 to i32
          %cond3A_217 = arith.constant 0 : i32
          %cond3A_218 = arith.cmpi ne, %convert_element_type3A_216, %cond3A_217 : i32
          scf.if %cond3A_218 {
            %sub3A = arith.constant 2 : i32
            %sub3A_267 = arith.subi %add3A_208, %sub3A : i32
            %dma_wait3A_268 = arith.constant 0 : i32
            %dma_wait3A_269 = tpu.memref_slice %arg16[%sub3A_267, %dma_wait3A_268] : memref<160x128xi32, #tpu.memory_space<vmem>> -> memref<1x128xi32, #tpu.memory_space<vmem>>
            %dma_wait3A_270 = tpu.memref_squeeze %dma_wait3A_269 : memref<1x128xi32, #tpu.memory_space<vmem>> -> memref<128xi32, #tpu.memory_space<vmem>>
            %dma_wait3A_271 = arith.constant 0 : i32
            %dma_wait3A_272 = arith.constant 0 : i32
            %dma_wait3A_273 = tpu.memref_slice %arg14[%dma_wait3A_271, %dma_wait3A_272] : memref<10240x8xf32, #tpu.memory_space<vmem_shared>> -> memref<10240x8xf32, #tpu.memory_space<vmem_shared>>
            tpu.wait_indirect_dma semaphore(%arg32 : memref<!tpu.dma_semaphore, #tpu.memory_space<semaphore_mem>>) src(%arg25 : memref<128x8xf32, #tpu.memory_space<vmem>>) dst(%dma_wait3A_273 : memref<10240x8xf32, #tpu.memory_space<vmem_shared>>)
          } else {
          }
          %scan3A_219 = arith.constant 0 : i32
          %scan3A_220 = arith.constant 0 : i32
          %scan3A_221 = arith.constant 8 : i32
          %scan3A_222 = arith.addi %scan3A_220, %scan3A_221 : i32
          %scan3A_223 = arith.constant 1 : i32
          scf.for %scan3A_267 = %scan3A_220 to %scan3A_222 step %scan3A_223  : i32 {
            %mul3A_268 = arith.constant 16 : i32
            %mul3A_269 = arith.muli %scan3A_267, %mul3A_268 : i32
            %get3A = arith.index_cast %add3A_208 : i32 to index
            %get3A_270 = arith.index_cast %mul3A_269 : i32 to index
            %get3A_271 = tpu.vector_load %arg18[%get3A, %get3A_270] {strides = array<i32>} : memref<160x128xf32, #tpu.memory_space<vmem>>, vector<16xf32>,
            %add3A_272 = arith.constant 0 : i32
            %add3A_273 = arith.addi %mul3A_269, %add3A_272 : i32
            %mul3A_274 = arith.constant 8 : i32
            %mul3A_275 = arith.muli %add3A_273, %mul3A_274 : i32
            %add3A_276 = vector.broadcast %mul3A_275 : i32 to vector<16xi32>
            %add3A_277 = arith.addi %iota3A, %add3A_276 : vector<16xi32>
            %add3A_278 = arith.constant 2 : i32
            %add3A_279 = arith.addi %mul3A_269, %add3A_278 : i32
            %mul3A_280 = arith.constant 8 : i32
            %mul3A_281 = arith.muli %add3A_279, %mul3A_280 : i32
            %add3A_282 = vector.broadcast %mul3A_281 : i32 to vector<16xi32>
            %add3A_283 = arith.addi %iota3A, %add3A_282 : vector<16xi32>
            %add3A_284 = arith.constant 4 : i32
            %add3A_285 = arith.addi %mul3A_269, %add3A_284 : i32
            %mul3A_286 = arith.constant 8 : i32
            %mul3A_287 = arith.muli %add3A_285, %mul3A_286 : i32
            %add3A_288 = vector.broadcast %mul3A_287 : i32 to vector<16xi32>
            %add3A_289 = arith.addi %iota3A, %add3A_288 : vector<16xi32>
            %add3A_290 = arith.constant 6 : i32
            %add3A_291 = arith.addi %mul3A_269, %add3A_290 : i32
            %mul3A_292 = arith.constant 8 : i32
            %mul3A_293 = arith.muli %add3A_291, %mul3A_292 : i32
            %add3A_294 = vector.broadcast %mul3A_293 : i32 to vector<16xi32>
            %add3A_295 = arith.addi %iota3A, %add3A_294 : vector<16xi32>
            %add3A_296 = arith.constant 8 : i32
            %add3A_297 = arith.addi %mul3A_269, %add3A_296 : i32
            %mul3A_298 = arith.constant 8 : i32
            %mul3A_299 = arith.muli %add3A_297, %mul3A_298 : i32
            %add3A_300 = vector.broadcast %mul3A_299 : i32 to vector<16xi32>
            %add3A_301 = arith.addi %iota3A, %add3A_300 : vector<16xi32>
            %add3A_302 = arith.constant 10 : i32
            %add3A_303 = arith.addi %mul3A_269, %add3A_302 : i32
            %mul3A_304 = arith.constant 8 : i32
            %mul3A_305 = arith.muli %add3A_303, %mul3A_304 : i32
            %add3A_306 = vector.broadcast %mul3A_305 : i32 to vector<16xi32>
            %add3A_307 = arith.addi %iota3A, %add3A_306 : vector<16xi32>
            %add3A_308 = arith.constant 12 : i32
            %add3A_309 = arith.addi %mul3A_269, %add3A_308 : i32
            %mul3A_310 = arith.constant 8 : i32
            %mul3A_311 = arith.muli %add3A_309, %mul3A_310 : i32
            %add3A_312 = vector.broadcast %mul3A_311 : i32 to vector<16xi32>
            %add3A_313 = arith.addi %iota3A, %add3A_312 : vector<16xi32>
            %add3A_314 = arith.constant 14 : i32
            %add3A_315 = arith.addi %mul3A_269, %add3A_314 : i32
            %mul3A_316 = arith.constant 8 : i32
            %mul3A_317 = arith.muli %add3A_315, %mul3A_316 : i32
            %add3A_318 = vector.broadcast %mul3A_317 : i32 to vector<16xi32>
            %add3A_319 = arith.addi %iota3A, %add3A_318 : vector<16xi32>
            %gather3A = tpu.vector_load_idx %arg19[%broadcast_in_dim3A_43, %add3A_277] : memref<128x8xf32, #tpu.memory_space<vmem>>[vector<16xi32>, vector<16xi32>], vector<16xf32>,
            %gather3A_320 = tpu.vector_load_idx %arg19[%broadcast_in_dim3A_43, %add3A_283] : memref<128x8xf32, #tpu.memory_space<vmem>>[vector<16xi32>, vector<16xi32>], vector<16xf32>,
            %gather3A_321 = tpu.vector_load_idx %arg19[%broadcast_in_dim3A_43, %add3A_289] : memref<128x8xf32, #tpu.memory_space<vmem>>[vector<16xi32>, vector<16xi32>], vector<16xf32>,
            %gather3A_322 = tpu.vector_load_idx %arg19[%broadcast_in_dim3A_43, %add3A_295] : memref<128x8xf32, #tpu.memory_space<vmem>>[vector<16xi32>, vector<16xi32>], vector<16xf32>,
            %gather3A_323 = tpu.vector_load_idx %arg19[%broadcast_in_dim3A_43, %add3A_301] : memref<128x8xf32, #tpu.memory_space<vmem>>[vector<16xi32>, vector<16xi32>], vector<16xf32>,
            %gather3A_324 = tpu.vector_load_idx %arg19[%broadcast_in_dim3A_43, %add3A_307] : memref<128x8xf32, #tpu.memory_space<vmem>>[vector<16xi32>, vector<16xi32>], vector<16xf32>,
            %gather3A_325 = tpu.vector_load_idx %arg19[%broadcast_in_dim3A_43, %add3A_313] : memref<128x8xf32, #tpu.memory_space<vmem>>[vector<16xi32>, vector<16xi32>], vector<16xf32>,
            %gather3A_326 = tpu.vector_load_idx %arg19[%broadcast_in_dim3A_43, %add3A_319] : memref<128x8xf32, #tpu.memory_space<vmem>>[vector<16xi32>, vector<16xi32>], vector<16xf32>,
            %max3A = arith.constant 0.000000e+00 : f32
            %max3A_327 = vector.broadcast %max3A : f32 to vector<16xf32>
            %max3A_328 = arith.maximumf %gather3A, %max3A_327 : vector<16xf32>
            %lt3A_329 = arith.constant 0 : i32
            %lt3A_330 = vector.broadcast %lt3A_329 : i32 to vector<16xi32>
            %lt3A_331 = arith.cmpi slt, %add3A_20, %lt3A_330 : vector<16xi32>
            %add3A_332 = arith.constant 16 : i32
            %add3A_333 = vector.broadcast %add3A_332 : i32 to vector<16xi32>
            %add3A_334 = arith.addi %add3A_20, %add3A_333 : vector<16xi32>
            %select_n3A = arith.select %lt3A_331, %add3A_334, %add3A_20 : vector<16xi1>, vector<16xi32>
            %broadcast_in_dim3A_335 = vector.shape_cast %select_n3A : vector<16xi32> to vector<16x1xi32>
            %gather3A_336 = vector.shape_cast %broadcast_in_dim3A_335 : vector<16x1xi32> to vector<16xi32>
            %gather3A_337 = tpu.dynamic_gather %get3A_271[%gather3A_336] in [0] : vector<16xf32>, vector<16xi32> -> vector<16xf32>
            %mul3A_338 = arith.mulf %max3A_328, %gather3A_337 : vector<16xf32>
            tpu.vector_store_idx %arg25[%broadcast_in_dim3A_43, %add3A_277], %mul3A_338 : memref<128x8xf32, #tpu.memory_space<vmem>>[vector<16xi32>, vector<16xi32>], vector<16xf32>,
            %max3A_339 = arith.constant 0.000000e+00 : f32
            %max3A_340 = vector.broadcast %max3A_339 : f32 to vector<16xf32>
            %max3A_341 = arith.maximumf %gather3A_320, %max3A_340 : vector<16xf32>
            %lt3A_342 = arith.constant 0 : i32
            %lt3A_343 = vector.broadcast %lt3A_342 : i32 to vector<16xi32>
            %lt3A_344 = arith.cmpi slt, %add3A_23, %lt3A_343 : vector<16xi32>
            %add3A_345 = arith.constant 16 : i32
            %add3A_346 = vector.broadcast %add3A_345 : i32 to vector<16xi32>
            %add3A_347 = arith.addi %add3A_23, %add3A_346 : vector<16xi32>
            %select_n3A_348 = arith.select %lt3A_344, %add3A_347, %add3A_23 : vector<16xi1>, vector<16xi32>
            %broadcast_in_dim3A_349 = vector.shape_cast %select_n3A_348 : vector<16xi32> to vector<16x1xi32>
            %gather3A_350 = vector.shape_cast %broadcast_in_dim3A_349 : vector<16x1xi32> to vector<16xi32>
            %gather3A_351 = tpu.dynamic_gather %get3A_271[%gather3A_350] in [0] : vector<16xf32>, vector<16xi32> -> vector<16xf32>
            %mul3A_352 = arith.mulf %max3A_341, %gather3A_351 : vector<16xf32>
            tpu.vector_store_idx %arg25[%broadcast_in_dim3A_43, %add3A_283], %mul3A_352 : memref<128x8xf32, #tpu.memory_space<vmem>>[vector<16xi32>, vector<16xi32>], vector<16xf32>,
            %max3A_353 = arith.constant 0.000000e+00 : f32
            %max3A_354 = vector.broadcast %max3A_353 : f32 to vector<16xf32>
            %max3A_355 = arith.maximumf %gather3A_321, %max3A_354 : vector<16xf32>
            %lt3A_356 = arith.constant 0 : i32
            %lt3A_357 = vector.broadcast %lt3A_356 : i32 to vector<16xi32>
            %lt3A_358 = arith.cmpi slt, %add3A_26, %lt3A_357 : vector<16xi32>
            %add3A_359 = arith.constant 16 : i32
            %add3A_360 = vector.broadcast %add3A_359 : i32 to vector<16xi32>
            %add3A_361 = arith.addi %add3A_26, %add3A_360 : vector<16xi32>
            %select_n3A_362 = arith.select %lt3A_358, %add3A_361, %add3A_26 : vector<16xi1>, vector<16xi32>
            %broadcast_in_dim3A_363 = vector.shape_cast %select_n3A_362 : vector<16xi32> to vector<16x1xi32>
            %gather3A_364 = vector.shape_cast %broadcast_in_dim3A_363 : vector<16x1xi32> to vector<16xi32>
            %gather3A_365 = tpu.dynamic_gather %get3A_271[%gather3A_364] in [0] : vector<16xf32>, vector<16xi32> -> vector<16xf32>
            %mul3A_366 = arith.mulf %max3A_355, %gather3A_365 : vector<16xf32>
            tpu.vector_store_idx %arg25[%broadcast_in_dim3A_43, %add3A_289], %mul3A_366 : memref<128x8xf32, #tpu.memory_space<vmem>>[vector<16xi32>, vector<16xi32>], vector<16xf32>,
            %max3A_367 = arith.constant 0.000000e+00 : f32
            %max3A_368 = vector.broadcast %max3A_367 : f32 to vector<16xf32>
            %max3A_369 = arith.maximumf %gather3A_322, %max3A_368 : vector<16xf32>
            %lt3A_370 = arith.constant 0 : i32
            %lt3A_371 = vector.broadcast %lt3A_370 : i32 to vector<16xi32>
            %lt3A_372 = arith.cmpi slt, %add3A_29, %lt3A_371 : vector<16xi32>
            %add3A_373 = arith.constant 16 : i32
            %add3A_374 = vector.broadcast %add3A_373 : i32 to vector<16xi32>
            %add3A_375 = arith.addi %add3A_29, %add3A_374 : vector<16xi32>
            %select_n3A_376 = arith.select %lt3A_372, %add3A_375, %add3A_29 : vector<16xi1>, vector<16xi32>
            %broadcast_in_dim3A_377 = vector.shape_cast %select_n3A_376 : vector<16xi32> to vector<16x1xi32>
            %gather3A_378 = vector.shape_cast %broadcast_in_dim3A_377 : vector<16x1xi32> to vector<16xi32>
            %gather3A_379 = tpu.dynamic_gather %get3A_271[%gather3A_378] in [0] : vector<16xf32>, vector<16xi32> -> vector<16xf32>
            %mul3A_380 = arith.mulf %max3A_369, %gather3A_379 : vector<16xf32>
            tpu.vector_store_idx %arg25[%broadcast_in_dim3A_43, %add3A_295], %mul3A_380 : memref<128x8xf32, #tpu.memory_space<vmem>>[vector<16xi32>, vector<16xi32>], vector<16xf32>,
            %max3A_381 = arith.constant 0.000000e+00 : f32
            %max3A_382 = vector.broadcast %max3A_381 : f32 to vector<16xf32>
            %max3A_383 = arith.maximumf %gather3A_323, %max3A_382 : vector<16xf32>
            %lt3A_384 = arith.constant 0 : i32
            %lt3A_385 = vector.broadcast %lt3A_384 : i32 to vector<16xi32>
            %lt3A_386 = arith.cmpi slt, %add3A_32, %lt3A_385 : vector<16xi32>
            %add3A_387 = arith.constant 16 : i32
            %add3A_388 = vector.broadcast %add3A_387 : i32 to vector<16xi32>
            %add3A_389 = arith.addi %add3A_32, %add3A_388 : vector<16xi32>
            %select_n3A_390 = arith.select %lt3A_386, %add3A_389, %add3A_32 : vector<16xi1>, vector<16xi32>
            %broadcast_in_dim3A_391 = vector.shape_cast %select_n3A_390 : vector<16xi32> to vector<16x1xi32>
            %gather3A_392 = vector.shape_cast %broadcast_in_dim3A_391 : vector<16x1xi32> to vector<16xi32>
            %gather3A_393 = tpu.dynamic_gather %get3A_271[%gather3A_392] in [0] : vector<16xf32>, vector<16xi32> -> vector<16xf32>
            %mul3A_394 = arith.mulf %max3A_383, %gather3A_393 : vector<16xf32>
            tpu.vector_store_idx %arg25[%broadcast_in_dim3A_43, %add3A_301], %mul3A_394 : memref<128x8xf32, #tpu.memory_space<vmem>>[vector<16xi32>, vector<16xi32>], vector<16xf32>,
            %max3A_395 = arith.constant 0.000000e+00 : f32
            %max3A_396 = vector.broadcast %max3A_395 : f32 to vector<16xf32>
            %max3A_397 = arith.maximumf %gather3A_324, %max3A_396 : vector<16xf32>
            %lt3A_398 = arith.constant 0 : i32
            %lt3A_399 = vector.broadcast %lt3A_398 : i32 to vector<16xi32>
            %lt3A_400 = arith.cmpi slt, %add3A_35, %lt3A_399 : vector<16xi32>
            %add3A_401 = arith.constant 16 : i32
            %add3A_402 = vector.broadcast %add3A_401 : i32 to vector<16xi32>
            %add3A_403 = arith.addi %add3A_35, %add3A_402 : vector<16xi32>
            %select_n3A_404 = arith.select %lt3A_400, %add3A_403, %add3A_35 : vector<16xi1>, vector<16xi32>
            %broadcast_in_dim3A_405 = vector.shape_cast %select_n3A_404 : vector<16xi32> to vector<16x1xi32>
            %gather3A_406 = vector.shape_cast %broadcast_in_dim3A_405 : vector<16x1xi32> to vector<16xi32>
            %gather3A_407 = tpu.dynamic_gather %get3A_271[%gather3A_406] in [0] : vector<16xf32>, vector<16xi32> -> vector<16xf32>
            %mul3A_408 = arith.mulf %max3A_397, %gather3A_407 : vector<16xf32>
            tpu.vector_store_idx %arg25[%broadcast_in_dim3A_43, %add3A_307], %mul3A_408 : memref<128x8xf32, #tpu.memory_space<vmem>>[vector<16xi32>, vector<16xi32>], vector<16xf32>,
            %max3A_409 = arith.constant 0.000000e+00 : f32
            %max3A_410 = vector.broadcast %max3A_409 : f32 to vector<16xf32>
            %max3A_411 = arith.maximumf %gather3A_325, %max3A_410 : vector<16xf32>
            %lt3A_412 = arith.constant 0 : i32
            %lt3A_413 = vector.broadcast %lt3A_412 : i32 to vector<16xi32>
            %lt3A_414 = arith.cmpi slt, %add3A_38, %lt3A_413 : vector<16xi32>
            %add3A_415 = arith.constant 16 : i32
            %add3A_416 = vector.broadcast %add3A_415 : i32 to vector<16xi32>
            %add3A_417 = arith.addi %add3A_38, %add3A_416 : vector<16xi32>
            %select_n3A_418 = arith.select %lt3A_414, %add3A_417, %add3A_38 : vector<16xi1>, vector<16xi32>
            %broadcast_in_dim3A_419 = vector.shape_cast %select_n3A_418 : vector<16xi32> to vector<16x1xi32>
            %gather3A_420 = vector.shape_cast %broadcast_in_dim3A_419 : vector<16x1xi32> to vector<16xi32>
            %gather3A_421 = tpu.dynamic_gather %get3A_271[%gather3A_420] in [0] : vector<16xf32>, vector<16xi32> -> vector<16xf32>
            %mul3A_422 = arith.mulf %max3A_411, %gather3A_421 : vector<16xf32>
            tpu.vector_store_idx %arg25[%broadcast_in_dim3A_43, %add3A_313], %mul3A_422 : memref<128x8xf32, #tpu.memory_space<vmem>>[vector<16xi32>, vector<16xi32>], vector<16xf32>,
            %max3A_423 = arith.constant 0.000000e+00 : f32
            %max3A_424 = vector.broadcast %max3A_423 : f32 to vector<16xf32>
            %max3A_425 = arith.maximumf %gather3A_326, %max3A_424 : vector<16xf32>
            %lt3A_426 = arith.constant 0 : i32
            %lt3A_427 = vector.broadcast %lt3A_426 : i32 to vector<16xi32>
            %lt3A_428 = arith.cmpi slt, %add3A_41, %lt3A_427 : vector<16xi32>
            %add3A_429 = arith.constant 16 : i32
            %add3A_430 = vector.broadcast %add3A_429 : i32 to vector<16xi32>
            %add3A_431 = arith.addi %add3A_41, %add3A_430 : vector<16xi32>
            %select_n3A_432 = arith.select %lt3A_428, %add3A_431, %add3A_41 : vector<16xi1>, vector<16xi32>
            %broadcast_in_dim3A_433 = vector.shape_cast %select_n3A_432 : vector<16xi32> to vector<16x1xi32>
            %gather3A_434 = vector.shape_cast %broadcast_in_dim3A_433 : vector<16x1xi32> to vector<16xi32>
            %gather3A_435 = tpu.dynamic_gather %get3A_271[%gather3A_434] in [0] : vector<16xf32>, vector<16xi32> -> vector<16xf32>
            %mul3A_436 = arith.mulf %max3A_425, %gather3A_435 : vector<16xf32>
            tpu.vector_store_idx %arg25[%broadcast_in_dim3A_43, %add3A_319], %mul3A_436 : memref<128x8xf32, #tpu.memory_space<vmem>>[vector<16xi32>, vector<16xi32>], vector<16xf32>,
          }
          %scan3A_224 = arith.constant 8 : i32
          %dma_start3A_225 = arith.constant 0 : i32
          %dma_start3A_226 = tpu.memref_slice %arg16[%add3A_208, %dma_start3A_225] : memref<160x128xi32, #tpu.memory_space<vmem>> -> memref<1x128xi32, #tpu.memory_space<vmem>>
          %dma_start3A_227 = tpu.memref_squeeze %dma_start3A_226 : memref<1x128xi32, #tpu.memory_space<vmem>> -> memref<128xi32, #tpu.memory_space<vmem>>
          %dma_start3A_228 = arith.constant 0 : i32
          %dma_start3A_229 = arith.constant 0 : i32
          %dma_start3A_230 = tpu.memref_slice %arg14[%dma_start3A_228, %dma_start3A_229] : memref<10240x8xf32, #tpu.memory_space<vmem_shared>> -> memref<10240x8xf32, #tpu.memory_space<vmem_shared>>
          tpu.enqueue_indirect_dma source(%arg25 : memref<128x8xf32, #tpu.memory_space<vmem>>) target(%dma_start3A_230 : memref<10240x8xf32, #tpu.memory_space<vmem_shared>>) offsets(%dma_start3A_227 : memref<128xi32, #tpu.memory_space<vmem>>) semaphore(%arg32 : memref<!tpu.dma_semaphore, #tpu.memory_space<semaphore_mem>>) {add = true}
          %lt3A = arith.constant 79 : i32
          %lt3A_231 = arith.cmpi slt, %scan3A_204, %lt3A : i32
          %convert_element_type3A_232 = arith.extui %lt3A_231 : i1 to i32
          %cond3A_233 = arith.constant 0 : i32
          %cond3A_234 = arith.cmpi ne, %convert_element_type3A_232, %cond3A_233 : i32
          scf.if %cond3A_234 {
            %add3A_267 = arith.constant 2 : i32
            %add3A_268 = arith.addi %add3A_208, %add3A_267 : i32
            %dma_start3A_269 = arith.constant 0 : i32
            %dma_start3A_270 = tpu.memref_slice %arg15[%add3A_268, %dma_start3A_269] : memref<160x128xi32, #tpu.memory_space<vmem>> -> memref<1x128xi32, #tpu.memory_space<vmem>>
            %dma_start3A_271 = tpu.memref_squeeze %dma_start3A_270 : memref<1x128xi32, #tpu.memory_space<vmem>> -> memref<128xi32, #tpu.memory_space<vmem>>
            %dma_start3A_272 = arith.constant 0 : i32
            %dma_start3A_273 = arith.constant 0 : i32
            %dma_start3A_274 = tpu.memref_slice %arg12[%dma_start3A_272, %dma_start3A_273] : memref<10240x8xf32, #tpu.memory_space<vmem_shared>> -> memref<10240x8xf32, #tpu.memory_space<vmem_shared>>
            tpu.enqueue_indirect_dma source(%dma_start3A_274 : memref<10240x8xf32, #tpu.memory_space<vmem_shared>>) target(%arg19 : memref<128x8xf32, #tpu.memory_space<vmem>>) offsets(%dma_start3A_271 : memref<128xi32, #tpu.memory_space<vmem>>) semaphore(%arg30 : memref<!tpu.dma_semaphore, #tpu.memory_space<semaphore_mem>>)
          } else {
          }
          %mul3A_235 = arith.constant 2 : i32
          %mul3A_236 = arith.muli %mul3A_235, %scan3A_204 : i32
          %add3A_237 = arith.constant 1 : i32
          %add3A_238 = arith.addi %mul3A_236, %add3A_237 : i32
          %dma_wait3A_239 = arith.constant 0 : i32
          %dma_wait3A_240 = tpu.memref_slice %arg15[%add3A_238, %dma_wait3A_239] : memref<160x128xi32, #tpu.memory_space<vmem>> -> memref<1x128xi32, #tpu.memory_space<vmem>>
          %dma_wait3A_241 = tpu.memref_squeeze %dma_wait3A_240 : memref<1x128xi32, #tpu.memory_space<vmem>> -> memref<128xi32, #tpu.memory_space<vmem>>
          %dma_wait3A_242 = arith.constant 0 : i32
          %dma_wait3A_243 = arith.constant 0 : i32
          %dma_wait3A_244 = tpu.memref_slice %arg12[%dma_wait3A_242, %dma_wait3A_243] : memref<10240x8xf32, #tpu.memory_space<vmem_shared>> -> memref<10240x8xf32, #tpu.memory_space<vmem_shared>>
          tpu.wait_indirect_dma semaphore(%arg31 : memref<!tpu.dma_semaphore, #tpu.memory_space<semaphore_mem>>) src(%dma_wait3A_244 : memref<10240x8xf32, #tpu.memory_space<vmem_shared>>) dst(%arg20 : memref<128x8xf32, #tpu.memory_space<vmem>>)
          %gt3A_245 = arith.constant 0 : i32
          %gt3A_246 = arith.cmpi sgt, %scan3A_204, %gt3A_245 : i32
          %convert_element_type3A_247 = arith.extui %gt3A_246 : i1 to i32
          %cond3A_248 = arith.constant 0 : i32
          %cond3A_249 = arith.cmpi ne, %convert_element_type3A_247, %cond3A_248 : i32
          scf.if %cond3A_249 {
            %sub3A = arith.constant 2 : i32
            %sub3A_267 = arith.subi %add3A_238, %sub3A : i32
            %dma_wait3A_268 = arith.constant 0 : i32
            %dma_wait3A_269 = tpu.memref_slice %arg16[%sub3A_267, %dma_wait3A_268] : memref<160x128xi32, #tpu.memory_space<vmem>> -> memref<1x128xi32, #tpu.memory_space<vmem>>
            %dma_wait3A_270 = tpu.memref_squeeze %dma_wait3A_269 : memref<1x128xi32, #tpu.memory_space<vmem>> -> memref<128xi32, #tpu.memory_space<vmem>>
            %dma_wait3A_271 = arith.constant 0 : i32
            %dma_wait3A_272 = arith.constant 0 : i32
            %dma_wait3A_273 = tpu.memref_slice %arg14[%dma_wait3A_271, %dma_wait3A_272] : memref<10240x8xf32, #tpu.memory_space<vmem_shared>> -> memref<10240x8xf32, #tpu.memory_space<vmem_shared>>
            tpu.wait_indirect_dma semaphore(%arg33 : memref<!tpu.dma_semaphore, #tpu.memory_space<semaphore_mem>>) src(%arg26 : memref<128x8xf32, #tpu.memory_space<vmem>>) dst(%dma_wait3A_273 : memref<10240x8xf32, #tpu.memory_space<vmem_shared>>)
          } else {
          }
          %scan3A_250 = arith.constant 0 : i32
          %scan3A_251 = arith.constant 0 : i32
          %scan3A_252 = arith.constant 8 : i32
          %scan3A_253 = arith.addi %scan3A_251, %scan3A_252 : i32
          %scan3A_254 = arith.constant 1 : i32
          scf.for %scan3A_267 = %scan3A_251 to %scan3A_253 step %scan3A_254  : i32 {
            %mul3A_268 = arith.constant 16 : i32
            %mul3A_269 = arith.muli %scan3A_267, %mul3A_268 : i32
            %get3A = arith.index_cast %add3A_238 : i32 to index
            %get3A_270 = arith.index_cast %mul3A_269 : i32 to index
            %get3A_271 = tpu.vector_load %arg18[%get3A, %get3A_270] {strides = array<i32>} : memref<160x128xf32, #tpu.memory_space<vmem>>, vector<16xf32>,
            %add3A_272 = arith.constant 0 : i32
            %add3A_273 = arith.addi %mul3A_269, %add3A_272 : i32
            %mul3A_274 = arith.constant 8 : i32
            %mul3A_275 = arith.muli %add3A_273, %mul3A_274 : i32
            %add3A_276 = vector.broadcast %mul3A_275 : i32 to vector<16xi32>
            %add3A_277 = arith.addi %iota3A, %add3A_276 : vector<16xi32>
            %add3A_278 = arith.constant 2 : i32
            %add3A_279 = arith.addi %mul3A_269, %add3A_278 : i32
            %mul3A_280 = arith.constant 8 : i32
            %mul3A_281 = arith.muli %add3A_279, %mul3A_280 : i32
            %add3A_282 = vector.broadcast %mul3A_281 : i32 to vector<16xi32>
            %add3A_283 = arith.addi %iota3A, %add3A_282 : vector<16xi32>
            %add3A_284 = arith.constant 4 : i32
            %add3A_285 = arith.addi %mul3A_269, %add3A_284 : i32
            %mul3A_286 = arith.constant 8 : i32
            %mul3A_287 = arith.muli %add3A_285, %mul3A_286 : i32
            %add3A_288 = vector.broadcast %mul3A_287 : i32 to vector<16xi32>
            %add3A_289 = arith.addi %iota3A, %add3A_288 : vector<16xi32>
            %add3A_290 = arith.constant 6 : i32
            %add3A_291 = arith.addi %mul3A_269, %add3A_290 : i32
            %mul3A_292 = arith.constant 8 : i32
            %mul3A_293 = arith.muli %add3A_291, %mul3A_292 : i32
            %add3A_294 = vector.broadcast %mul3A_293 : i32 to vector<16xi32>
            %add3A_295 = arith.addi %iota3A, %add3A_294 : vector<16xi32>
            %add3A_296 = arith.constant 8 : i32
            %add3A_297 = arith.addi %mul3A_269, %add3A_296 : i32
            %mul3A_298 = arith.constant 8 : i32
            %mul3A_299 = arith.muli %add3A_297, %mul3A_298 : i32
            %add3A_300 = vector.broadcast %mul3A_299 : i32 to vector<16xi32>
            %add3A_301 = arith.addi %iota3A, %add3A_300 : vector<16xi32>
            %add3A_302 = arith.constant 10 : i32
            %add3A_303 = arith.addi %mul3A_269, %add3A_302 : i32
            %mul3A_304 = arith.constant 8 : i32
            %mul3A_305 = arith.muli %add3A_303, %mul3A_304 : i32
            %add3A_306 = vector.broadcast %mul3A_305 : i32 to vector<16xi32>
            %add3A_307 = arith.addi %iota3A, %add3A_306 : vector<16xi32>
            %add3A_308 = arith.constant 12 : i32
            %add3A_309 = arith.addi %mul3A_269, %add3A_308 : i32
            %mul3A_310 = arith.constant 8 : i32
            %mul3A_311 = arith.muli %add3A_309, %mul3A_310 : i32
            %add3A_312 = vector.broadcast %mul3A_311 : i32 to vector<16xi32>
            %add3A_313 = arith.addi %iota3A, %add3A_312 : vector<16xi32>
            %add3A_314 = arith.constant 14 : i32
            %add3A_315 = arith.addi %mul3A_269, %add3A_314 : i32
            %mul3A_316 = arith.constant 8 : i32
            %mul3A_317 = arith.muli %add3A_315, %mul3A_316 : i32
            %add3A_318 = vector.broadcast %mul3A_317 : i32 to vector<16xi32>
            %add3A_319 = arith.addi %iota3A, %add3A_318 : vector<16xi32>
            %gather3A = tpu.vector_load_idx %arg20[%broadcast_in_dim3A_43, %add3A_277] : memref<128x8xf32, #tpu.memory_space<vmem>>[vector<16xi32>, vector<16xi32>], vector<16xf32>,
            %gather3A_320 = tpu.vector_load_idx %arg20[%broadcast_in_dim3A_43, %add3A_283] : memref<128x8xf32, #tpu.memory_space<vmem>>[vector<16xi32>, vector<16xi32>], vector<16xf32>,
            %gather3A_321 = tpu.vector_load_idx %arg20[%broadcast_in_dim3A_43, %add3A_289] : memref<128x8xf32, #tpu.memory_space<vmem>>[vector<16xi32>, vector<16xi32>], vector<16xf32>,
            %gather3A_322 = tpu.vector_load_idx %arg20[%broadcast_in_dim3A_43, %add3A_295] : memref<128x8xf32, #tpu.memory_space<vmem>>[vector<16xi32>, vector<16xi32>], vector<16xf32>,
            %gather3A_323 = tpu.vector_load_idx %arg20[%broadcast_in_dim3A_43, %add3A_301] : memref<128x8xf32, #tpu.memory_space<vmem>>[vector<16xi32>, vector<16xi32>], vector<16xf32>,
            %gather3A_324 = tpu.vector_load_idx %arg20[%broadcast_in_dim3A_43, %add3A_307] : memref<128x8xf32, #tpu.memory_space<vmem>>[vector<16xi32>, vector<16xi32>], vector<16xf32>,
            %gather3A_325 = tpu.vector_load_idx %arg20[%broadcast_in_dim3A_43, %add3A_313] : memref<128x8xf32, #tpu.memory_space<vmem>>[vector<16xi32>, vector<16xi32>], vector<16xf32>,
            %gather3A_326 = tpu.vector_load_idx %arg20[%broadcast_in_dim3A_43, %add3A_319] : memref<128x8xf32, #tpu.memory_space<vmem>>[vector<16xi32>, vector<16xi32>], vector<16xf32>,
            %max3A = arith.constant 0.000000e+00 : f32
            %max3A_327 = vector.broadcast %max3A : f32 to vector<16xf32>
            %max3A_328 = arith.maximumf %gather3A, %max3A_327 : vector<16xf32>
            %lt3A_329 = arith.constant 0 : i32
            %lt3A_330 = vector.broadcast %lt3A_329 : i32 to vector<16xi32>
            %lt3A_331 = arith.cmpi slt, %add3A_20, %lt3A_330 : vector<16xi32>
            %add3A_332 = arith.constant 16 : i32
            %add3A_333 = vector.broadcast %add3A_332 : i32 to vector<16xi32>
            %add3A_334 = arith.addi %add3A_20, %add3A_333 : vector<16xi32>
            %select_n3A = arith.select %lt3A_331, %add3A_334, %add3A_20 : vector<16xi1>, vector<16xi32>
            %broadcast_in_dim3A_335 = vector.shape_cast %select_n3A : vector<16xi32> to vector<16x1xi32>
            %gather3A_336 = vector.shape_cast %broadcast_in_dim3A_335 : vector<16x1xi32> to vector<16xi32>
            %gather3A_337 = tpu.dynamic_gather %get3A_271[%gather3A_336] in [0] : vector<16xf32>, vector<16xi32> -> vector<16xf32>
            %mul3A_338 = arith.mulf %max3A_328, %gather3A_337 : vector<16xf32>
            tpu.vector_store_idx %arg26[%broadcast_in_dim3A_43, %add3A_277], %mul3A_338 : memref<128x8xf32, #tpu.memory_space<vmem>>[vector<16xi32>, vector<16xi32>], vector<16xf32>,
            %max3A_339 = arith.constant 0.000000e+00 : f32
            %max3A_340 = vector.broadcast %max3A_339 : f32 to vector<16xf32>
            %max3A_341 = arith.maximumf %gather3A_320, %max3A_340 : vector<16xf32>
            %lt3A_342 = arith.constant 0 : i32
            %lt3A_343 = vector.broadcast %lt3A_342 : i32 to vector<16xi32>
            %lt3A_344 = arith.cmpi slt, %add3A_23, %lt3A_343 : vector<16xi32>
            %add3A_345 = arith.constant 16 : i32
            %add3A_346 = vector.broadcast %add3A_345 : i32 to vector<16xi32>
            %add3A_347 = arith.addi %add3A_23, %add3A_346 : vector<16xi32>
            %select_n3A_348 = arith.select %lt3A_344, %add3A_347, %add3A_23 : vector<16xi1>, vector<16xi32>
            %broadcast_in_dim3A_349 = vector.shape_cast %select_n3A_348 : vector<16xi32> to vector<16x1xi32>
            %gather3A_350 = vector.shape_cast %broadcast_in_dim3A_349 : vector<16x1xi32> to vector<16xi32>
            %gather3A_351 = tpu.dynamic_gather %get3A_271[%gather3A_350] in [0] : vector<16xf32>, vector<16xi32> -> vector<16xf32>
            %mul3A_352 = arith.mulf %max3A_341, %gather3A_351 : vector<16xf32>
            tpu.vector_store_idx %arg26[%broadcast_in_dim3A_43, %add3A_283], %mul3A_352 : memref<128x8xf32, #tpu.memory_space<vmem>>[vector<16xi32>, vector<16xi32>], vector<16xf32>,
            %max3A_353 = arith.constant 0.000000e+00 : f32
            %max3A_354 = vector.broadcast %max3A_353 : f32 to vector<16xf32>
            %max3A_355 = arith.maximumf %gather3A_321, %max3A_354 : vector<16xf32>
            %lt3A_356 = arith.constant 0 : i32
            %lt3A_357 = vector.broadcast %lt3A_356 : i32 to vector<16xi32>
            %lt3A_358 = arith.cmpi slt, %add3A_26, %lt3A_357 : vector<16xi32>
            %add3A_359 = arith.constant 16 : i32
            %add3A_360 = vector.broadcast %add3A_359 : i32 to vector<16xi32>
            %add3A_361 = arith.addi %add3A_26, %add3A_360 : vector<16xi32>
            %select_n3A_362 = arith.select %lt3A_358, %add3A_361, %add3A_26 : vector<16xi1>, vector<16xi32>
            %broadcast_in_dim3A_363 = vector.shape_cast %select_n3A_362 : vector<16xi32> to vector<16x1xi32>
            %gather3A_364 = vector.shape_cast %broadcast_in_dim3A_363 : vector<16x1xi32> to vector<16xi32>
            %gather3A_365 = tpu.dynamic_gather %get3A_271[%gather3A_364] in [0] : vector<16xf32>, vector<16xi32> -> vector<16xf32>
            %mul3A_366 = arith.mulf %max3A_355, %gather3A_365 : vector<16xf32>
            tpu.vector_store_idx %arg26[%broadcast_in_dim3A_43, %add3A_289], %mul3A_366 : memref<128x8xf32, #tpu.memory_space<vmem>>[vector<16xi32>, vector<16xi32>], vector<16xf32>,
            %max3A_367 = arith.constant 0.000000e+00 : f32
            %max3A_368 = vector.broadcast %max3A_367 : f32 to vector<16xf32>
            %max3A_369 = arith.maximumf %gather3A_322, %max3A_368 : vector<16xf32>
            %lt3A_370 = arith.constant 0 : i32
            %lt3A_371 = vector.broadcast %lt3A_370 : i32 to vector<16xi32>
            %lt3A_372 = arith.cmpi slt, %add3A_29, %lt3A_371 : vector<16xi32>
            %add3A_373 = arith.constant 16 : i32
            %add3A_374 = vector.broadcast %add3A_373 : i32 to vector<16xi32>
            %add3A_375 = arith.addi %add3A_29, %add3A_374 : vector<16xi32>
            %select_n3A_376 = arith.select %lt3A_372, %add3A_375, %add3A_29 : vector<16xi1>, vector<16xi32>
            %broadcast_in_dim3A_377 = vector.shape_cast %select_n3A_376 : vector<16xi32> to vector<16x1xi32>
            %gather3A_378 = vector.shape_cast %broadcast_in_dim3A_377 : vector<16x1xi32> to vector<16xi32>
            %gather3A_379 = tpu.dynamic_gather %get3A_271[%gather3A_378] in [0] : vector<16xf32>, vector<16xi32> -> vector<16xf32>
            %mul3A_380 = arith.mulf %max3A_369, %gather3A_379 : vector<16xf32>
            tpu.vector_store_idx %arg26[%broadcast_in_dim3A_43, %add3A_295], %mul3A_380 : memref<128x8xf32, #tpu.memory_space<vmem>>[vector<16xi32>, vector<16xi32>], vector<16xf32>,
            %max3A_381 = arith.constant 0.000000e+00 : f32
            %max3A_382 = vector.broadcast %max3A_381 : f32 to vector<16xf32>
            %max3A_383 = arith.maximumf %gather3A_323, %max3A_382 : vector<16xf32>
            %lt3A_384 = arith.constant 0 : i32
            %lt3A_385 = vector.broadcast %lt3A_384 : i32 to vector<16xi32>
            %lt3A_386 = arith.cmpi slt, %add3A_32, %lt3A_385 : vector<16xi32>
            %add3A_387 = arith.constant 16 : i32
            %add3A_388 = vector.broadcast %add3A_387 : i32 to vector<16xi32>
            %add3A_389 = arith.addi %add3A_32, %add3A_388 : vector<16xi32>
            %select_n3A_390 = arith.select %lt3A_386, %add3A_389, %add3A_32 : vector<16xi1>, vector<16xi32>
            %broadcast_in_dim3A_391 = vector.shape_cast %select_n3A_390 : vector<16xi32> to vector<16x1xi32>
            %gather3A_392 = vector.shape_cast %broadcast_in_dim3A_391 : vector<16x1xi32> to vector<16xi32>
            %gather3A_393 = tpu.dynamic_gather %get3A_271[%gather3A_392] in [0] : vector<16xf32>, vector<16xi32> -> vector<16xf32>
            %mul3A_394 = arith.mulf %max3A_383, %gather3A_393 : vector<16xf32>
            tpu.vector_store_idx %arg26[%broadcast_in_dim3A_43, %add3A_301], %mul3A_394 : memref<128x8xf32, #tpu.memory_space<vmem>>[vector<16xi32>, vector<16xi32>], vector<16xf32>,
            %max3A_395 = arith.constant 0.000000e+00 : f32
            %max3A_396 = vector.broadcast %max3A_395 : f32 to vector<16xf32>
            %max3A_397 = arith.maximumf %gather3A_324, %max3A_396 : vector<16xf32>
            %lt3A_398 = arith.constant 0 : i32
            %lt3A_399 = vector.broadcast %lt3A_398 : i32 to vector<16xi32>
            %lt3A_400 = arith.cmpi slt, %add3A_35, %lt3A_399 : vector<16xi32>
            %add3A_401 = arith.constant 16 : i32
            %add3A_402 = vector.broadcast %add3A_401 : i32 to vector<16xi32>
            %add3A_403 = arith.addi %add3A_35, %add3A_402 : vector<16xi32>
            %select_n3A_404 = arith.select %lt3A_400, %add3A_403, %add3A_35 : vector<16xi1>, vector<16xi32>
            %broadcast_in_dim3A_405 = vector.shape_cast %select_n3A_404 : vector<16xi32> to vector<16x1xi32>
            %gather3A_406 = vector.shape_cast %broadcast_in_dim3A_405 : vector<16x1xi32> to vector<16xi32>
            %gather3A_407 = tpu.dynamic_gather %get3A_271[%gather3A_406] in [0] : vector<16xf32>, vector<16xi32> -> vector<16xf32>
            %mul3A_408 = arith.mulf %max3A_397, %gather3A_407 : vector<16xf32>
            tpu.vector_store_idx %arg26[%broadcast_in_dim3A_43, %add3A_307], %mul3A_408 : memref<128x8xf32, #tpu.memory_space<vmem>>[vector<16xi32>, vector<16xi32>], vector<16xf32>,
            %max3A_409 = arith.constant 0.000000e+00 : f32
            %max3A_410 = vector.broadcast %max3A_409 : f32 to vector<16xf32>
            %max3A_411 = arith.maximumf %gather3A_325, %max3A_410 : vector<16xf32>
            %lt3A_412 = arith.constant 0 : i32
            %lt3A_413 = vector.broadcast %lt3A_412 : i32 to vector<16xi32>
            %lt3A_414 = arith.cmpi slt, %add3A_38, %lt3A_413 : vector<16xi32>
            %add3A_415 = arith.constant 16 : i32
            %add3A_416 = vector.broadcast %add3A_415 : i32 to vector<16xi32>
            %add3A_417 = arith.addi %add3A_38, %add3A_416 : vector<16xi32>
            %select_n3A_418 = arith.select %lt3A_414, %add3A_417, %add3A_38 : vector<16xi1>, vector<16xi32>
            %broadcast_in_dim3A_419 = vector.shape_cast %select_n3A_418 : vector<16xi32> to vector<16x1xi32>
            %gather3A_420 = vector.shape_cast %broadcast_in_dim3A_419 : vector<16x1xi32> to vector<16xi32>
            %gather3A_421 = tpu.dynamic_gather %get3A_271[%gather3A_420] in [0] : vector<16xf32>, vector<16xi32> -> vector<16xf32>
            %mul3A_422 = arith.mulf %max3A_411, %gather3A_421 : vector<16xf32>
            tpu.vector_store_idx %arg26[%broadcast_in_dim3A_43, %add3A_313], %mul3A_422 : memref<128x8xf32, #tpu.memory_space<vmem>>[vector<16xi32>, vector<16xi32>], vector<16xf32>,
            %max3A_423 = arith.constant 0.000000e+00 : f32
            %max3A_424 = vector.broadcast %max3A_423 : f32 to vector<16xf32>
            %max3A_425 = arith.maximumf %gather3A_326, %max3A_424 : vector<16xf32>
            %lt3A_426 = arith.constant 0 : i32
            %lt3A_427 = vector.broadcast %lt3A_426 : i32 to vector<16xi32>
            %lt3A_428 = arith.cmpi slt, %add3A_41, %lt3A_427 : vector<16xi32>
            %add3A_429 = arith.constant 16 : i32
            %add3A_430 = vector.broadcast %add3A_429 : i32 to vector<16xi32>
            %add3A_431 = arith.addi %add3A_41, %add3A_430 : vector<16xi32>
            %select_n3A_432 = arith.select %lt3A_428, %add3A_431, %add3A_41 : vector<16xi1>, vector<16xi32>
            %broadcast_in_dim3A_433 = vector.shape_cast %select_n3A_432 : vector<16xi32> to vector<16x1xi32>
            %gather3A_434 = vector.shape_cast %broadcast_in_dim3A_433 : vector<16x1xi32> to vector<16xi32>
            %gather3A_435 = tpu.dynamic_gather %get3A_271[%gather3A_434] in [0] : vector<16xf32>, vector<16xi32> -> vector<16xf32>
            %mul3A_436 = arith.mulf %max3A_425, %gather3A_435 : vector<16xf32>
            tpu.vector_store_idx %arg26[%broadcast_in_dim3A_43, %add3A_319], %mul3A_436 : memref<128x8xf32, #tpu.memory_space<vmem>>[vector<16xi32>, vector<16xi32>], vector<16xf32>,
          }
          %scan3A_255 = arith.constant 8 : i32
          %dma_start3A_256 = arith.constant 0 : i32
          %dma_start3A_257 = tpu.memref_slice %arg16[%add3A_238, %dma_start3A_256] : memref<160x128xi32, #tpu.memory_space<vmem>> -> memref<1x128xi32, #tpu.memory_space<vmem>>
          %dma_start3A_258 = tpu.memref_squeeze %dma_start3A_257 : memref<1x128xi32, #tpu.memory_space<vmem>> -> memref<128xi32, #tpu.memory_space<vmem>>
          %dma_start3A_259 = arith.constant 0 : i32
          %dma_start3A_260 = arith.constant 0 : i32
          %dma_start3A_261 = tpu.memref_slice %arg14[%dma_start3A_259, %dma_start3A_260] : memref<10240x8xf32, #tpu.memory_space<vmem_shared>> -> memref<10240x8xf32, #tpu.memory_space<vmem_shared>>
          tpu.enqueue_indirect_dma source(%arg26 : memref<128x8xf32, #tpu.memory_space<vmem>>) target(%dma_start3A_261 : memref<10240x8xf32, #tpu.memory_space<vmem_shared>>) offsets(%dma_start3A_258 : memref<128xi32, #tpu.memory_space<vmem>>) semaphore(%arg33 : memref<!tpu.dma_semaphore, #tpu.memory_space<semaphore_mem>>) {add = true}
          %lt3A_262 = arith.constant 79 : i32
          %lt3A_263 = arith.cmpi slt, %scan3A_204, %lt3A_262 : i32
          %convert_element_type3A_264 = arith.extui %lt3A_263 : i1 to i32
          %cond3A_265 = arith.constant 0 : i32
          %cond3A_266 = arith.cmpi ne, %convert_element_type3A_264, %cond3A_265 : i32
          scf.if %cond3A_266 {
            %add3A_267 = arith.constant 2 : i32
            %add3A_268 = arith.addi %add3A_238, %add3A_267 : i32
            %dma_start3A_269 = arith.constant 0 : i32
            %dma_start3A_270 = tpu.memref_slice %arg15[%add3A_268, %dma_start3A_269] : memref<160x128xi32, #tpu.memory_space<vmem>> -> memref<1x128xi32, #tpu.memory_space<vmem>>
            %dma_start3A_271 = tpu.memref_squeeze %dma_start3A_270 : memref<1x128xi32, #tpu.memory_space<vmem>> -> memref<128xi32, #tpu.memory_space<vmem>>
            %dma_start3A_272 = arith.constant 0 : i32
            %dma_start3A_273 = arith.constant 0 : i32
            %dma_start3A_274 = tpu.memref_slice %arg12[%dma_start3A_272, %dma_start3A_273] : memref<10240x8xf32, #tpu.memory_space<vmem_shared>> -> memref<10240x8xf32, #tpu.memory_space<vmem_shared>>
            tpu.enqueue_indirect_dma source(%dma_start3A_274 : memref<10240x8xf32, #tpu.memory_space<vmem_shared>>) target(%arg20 : memref<128x8xf32, #tpu.memory_space<vmem>>) offsets(%dma_start3A_271 : memref<128xi32, #tpu.memory_space<vmem>>) semaphore(%arg31 : memref<!tpu.dma_semaphore, #tpu.memory_space<semaphore_mem>>)
          } else {
          }
        }
        %scan3A_141 = arith.constant 80 : i32
        %dma_wait3A_142 = arith.constant 158 : i32
        %dma_wait3A_143 = arith.constant 0 : i32
        %dma_wait3A_144 = tpu.memref_slice %arg16[%dma_wait3A_142, %dma_wait3A_143] : memref<160x128xi32, #tpu.memory_space<vmem>> -> memref<1x128xi32, #tpu.memory_space<vmem>>
        %dma_wait3A_145 = tpu.memref_squeeze %dma_wait3A_144 : memref<1x128xi32, #tpu.memory_space<vmem>> -> memref<128xi32, #tpu.memory_space<vmem>>
        %dma_wait3A_146 = arith.constant 0 : i32
        %dma_wait3A_147 = arith.constant 0 : i32
        %dma_wait3A_148 = tpu.memref_slice %arg14[%dma_wait3A_146, %dma_wait3A_147] : memref<10240x8xf32, #tpu.memory_space<vmem_shared>> -> memref<10240x8xf32, #tpu.memory_space<vmem_shared>>
        tpu.wait_indirect_dma semaphore(%arg32 : memref<!tpu.dma_semaphore, #tpu.memory_space<semaphore_mem>>) src(%arg25 : memref<128x8xf32, #tpu.memory_space<vmem>>) dst(%dma_wait3A_148 : memref<10240x8xf32, #tpu.memory_space<vmem_shared>>)
        %dma_wait3A_149 = arith.constant 159 : i32
        %dma_wait3A_150 = arith.constant 0 : i32
        %dma_wait3A_151 = tpu.memref_slice %arg16[%dma_wait3A_149, %dma_wait3A_150] : memref<160x128xi32, #tpu.memory_space<vmem>> -> memref<1x128xi32, #tpu.memory_space<vmem>>
        %dma_wait3A_152 = tpu.memref_squeeze %dma_wait3A_151 : memref<1x128xi32, #tpu.memory_space<vmem>> -> memref<128xi32, #tpu.memory_space<vmem>>
        %dma_wait3A_153 = arith.constant 0 : i32
        %dma_wait3A_154 = arith.constant 0 : i32
        %dma_wait3A_155 = tpu.memref_slice %arg14[%dma_wait3A_153, %dma_wait3A_154] : memref<10240x8xf32, #tpu.memory_space<vmem_shared>> -> memref<10240x8xf32, #tpu.memory_space<vmem_shared>>
        tpu.wait_indirect_dma semaphore(%arg33 : memref<!tpu.dma_semaphore, #tpu.memory_space<semaphore_mem>>) src(%arg26 : memref<128x8xf32, #tpu.memory_space<vmem>>) dst(%dma_wait3A_155 : memref<10240x8xf32, #tpu.memory_space<vmem_shared>>)
        %barrier3A_156 = arith.constant 0 : index
        tpu.barrier barrier_id(%barrier3A_156)
        "tpu.region"() ({
          %run_scoped3A_204 = tpu.sem_alloc : memref<!tpu.dma_semaphore, #tpu.memory_space<semaphore_mem>>
          %dma_start3A_205 = arith.constant 0 : i32
          %dma_start3A_206 = arith.constant 0 : i32
          %dma_start3A_207 = tpu.memref_slice %arg7[%arg1, %dma_start3A_205, %dma_start3A_206] : memref<16x160x128xf32, #tpu.memory_space<hbm>> -> memref<1x160x128xf32, #tpu.memory_space<hbm>>
          %dma_start3A_208 = tpu.memref_squeeze %dma_start3A_207 : memref<1x160x128xf32, #tpu.memory_space<hbm>> -> memref<160x128xf32, #tpu.memory_space<hbm>>
          %dma_start3A_209 = arith.constant 0 : i32
          %dma_start3A_210 = arith.constant 0 : i32
          %dma_start3A_211 = tpu.memref_slice %arg7[%arg1, %dma_start3A_209, %dma_start3A_210] : memref<16x160x128xf32, #tpu.memory_space<hbm>> -> memref<1x160x128xf32, #tpu.memory_space<hbm>>
          %dma_start3A_212 = tpu.memref_squeeze %dma_start3A_211 : memref<1x160x128xf32, #tpu.memory_space<hbm>> -> memref<160x128xf32, #tpu.memory_space<hbm>>
          tpu.enqueue_dma source(%dma_start3A_212 : memref<160x128xf32, #tpu.memory_space<hbm>>) target(%arg18 : memref<160x128xf32, #tpu.memory_space<vmem>>) target_semaphore(%run_scoped3A_204 : memref<!tpu.dma_semaphore, #tpu.memory_space<semaphore_mem>>)
          %dma_wait3A_213 = arith.constant 0 : i32
          %dma_wait3A_214 = arith.constant 0 : i32
          %dma_wait3A_215 = tpu.memref_slice %arg7[%arg1, %dma_wait3A_213, %dma_wait3A_214] : memref<16x160x128xf32, #tpu.memory_space<hbm>> -> memref<1x160x128xf32, #tpu.memory_space<hbm>>
          %dma_wait3A_216 = tpu.memref_squeeze %dma_wait3A_215 : memref<1x160x128xf32, #tpu.memory_space<hbm>> -> memref<160x128xf32, #tpu.memory_space<hbm>>
          %dma_wait3A_217 = arith.constant 0 : i32
          %dma_wait3A_218 = arith.constant 0 : i32
          %dma_wait3A_219 = tpu.memref_slice %arg7[%arg1, %dma_wait3A_217, %dma_wait3A_218] : memref<16x160x128xf32, #tpu.memory_space<hbm>> -> memref<1x160x128xf32, #tpu.memory_space<hbm>>
          %dma_wait3A_220 = tpu.memref_squeeze %dma_wait3A_219 : memref<1x160x128xf32, #tpu.memory_space<hbm>> -> memref<160x128xf32, #tpu.memory_space<hbm>>
          tpu.wait_dma2 semaphore(%run_scoped3A_204 : memref<!tpu.dma_semaphore, #tpu.memory_space<semaphore_mem>>) src(%dma_wait3A_220 : memref<160x128xf32, #tpu.memory_space<hbm>>) dst(%arg18 : memref<160x128xf32, #tpu.memory_space<vmem>>)
          tpu.yield
        }) : () -> ()
        "tpu.region"() ({
          %run_scoped3A_204 = tpu.sem_alloc : memref<!tpu.dma_semaphore, #tpu.memory_space<semaphore_mem>>
          %dma_start3A_205 = arith.constant 0 : i32
          %dma_start3A_206 = tpu.memref_slice %arg12[%mul3A_7, %dma_start3A_205] : memref<10240x8xf32, #tpu.memory_space<vmem_shared>> -> memref<640x8xf32, #tpu.memory_space<vmem_shared>>
          %dma_start3A_207 = arith.constant 0 : i32
          %dma_start3A_208 = tpu.memref_slice %arg12[%mul3A_7, %dma_start3A_207] : memref<10240x8xf32, #tpu.memory_space<vmem_shared>> -> memref<640x8xf32, #tpu.memory_space<vmem_shared>>
          tpu.enqueue_dma source(%arg28 : memref<640x8xf32, #tpu.memory_space<vmem>>) target(%dma_start3A_208 : memref<640x8xf32, #tpu.memory_space<vmem_shared>>) target_semaphore(%run_scoped3A_204 : memref<!tpu.dma_semaphore, #tpu.memory_space<semaphore_mem>>)
          %dma_wait3A_209 = arith.constant 0 : i32
          %dma_wait3A_210 = tpu.memref_slice %arg12[%mul3A_7, %dma_wait3A_209] : memref<10240x8xf32, #tpu.memory_space<vmem_shared>> -> memref<640x8xf32, #tpu.memory_space<vmem_shared>>
          %dma_wait3A_211 = arith.constant 0 : i32
          %dma_wait3A_212 = tpu.memref_slice %arg12[%mul3A_7, %dma_wait3A_211] : memref<10240x8xf32, #tpu.memory_space<vmem_shared>> -> memref<640x8xf32, #tpu.memory_space<vmem_shared>>
          tpu.wait_dma2 semaphore(%run_scoped3A_204 : memref<!tpu.dma_semaphore, #tpu.memory_space<semaphore_mem>>) src(%arg28 : memref<640x8xf32, #tpu.memory_space<vmem>>) dst(%dma_wait3A_212 : memref<640x8xf32, #tpu.memory_space<vmem_shared>>)
          tpu.yield
        }) : () -> ()
        %dma_start3A_157 = arith.constant 0 : i32
        %dma_start3A_158 = arith.constant 0 : i32
        %dma_start3A_159 = tpu.memref_slice %arg15[%dma_start3A_157, %dma_start3A_158] : memref<160x128xi32, #tpu.memory_space<vmem>> -> memref<1x128xi32, #tpu.memory_space<vmem>>
        %dma_start3A_160 = tpu.memref_squeeze %dma_start3A_159 : memref<1x128xi32, #tpu.memory_space<vmem>> -> memref<128xi32, #tpu.memory_space<vmem>>
        %dma_start3A_161 = arith.constant 0 : i32
        %dma_start3A_162 = arith.constant 0 : i32
        %dma_start3A_163 = tpu.memref_slice %arg14[%dma_start3A_161, %dma_start3A_162] : memref<10240x8xf32, #tpu.memory_space<vmem_shared>> -> memref<10240x8xf32, #tpu.memory_space<vmem_shared>>
        tpu.enqueue_indirect_dma source(%dma_start3A_163 : memref<10240x8xf32, #tpu.memory_space<vmem_shared>>) target(%arg19 : memref<128x8xf32, #tpu.memory_space<vmem>>) offsets(%dma_start3A_160 : memref<128xi32, #tpu.memory_space<vmem>>) semaphore(%arg30 : memref<!tpu.dma_semaphore, #tpu.memory_space<semaphore_mem>>)
        %dma_start3A_164 = arith.constant 1 : i32
        %dma_start3A_165 = arith.constant 0 : i32
        %dma_start3A_166 = tpu.memref_slice %arg15[%dma_start3A_164, %dma_start3A_165] : memref<160x128xi32, #tpu.memory_space<vmem>> -> memref<1x128xi32, #tpu.memory_space<vmem>>
        %dma_start3A_167 = tpu.memref_squeeze %dma_start3A_166 : memref<1x128xi32, #tpu.memory_space<vmem>> -> memref<128xi32, #tpu.memory_space<vmem>>
        %dma_start3A_168 = arith.constant 0 : i32
        %dma_start3A_169 = arith.constant 0 : i32
        %dma_start3A_170 = tpu.memref_slice %arg14[%dma_start3A_168, %dma_start3A_169] : memref<10240x8xf32, #tpu.memory_space<vmem_shared>> -> memref<10240x8xf32, #tpu.memory_space<vmem_shared>>
        tpu.enqueue_indirect_dma source(%dma_start3A_170 : memref<10240x8xf32, #tpu.memory_space<vmem_shared>>) target(%arg20 : memref<128x8xf32, #tpu.memory_space<vmem>>) offsets(%dma_start3A_167 : memref<128xi32, #tpu.memory_space<vmem>>) semaphore(%arg31 : memref<!tpu.dma_semaphore, #tpu.memory_space<semaphore_mem>>)
        %scan3A_171 = arith.constant 0 : i32
        %scan3A_172 = arith.constant 0 : i32
        %scan3A_173 = arith.constant 80 : i32
        %scan3A_174 = arith.addi %scan3A_172, %scan3A_173 : i32
        %scan3A_175 = arith.constant 1 : i32
        scf.for %scan3A_204 = %scan3A_172 to %scan3A_174 step %scan3A_175  : i32 {
          %mul3A_205 = arith.constant 2 : i32
          %mul3A_206 = arith.muli %mul3A_205, %scan3A_204 : i32
          %add3A_207 = arith.constant 0 : i32
          %add3A_208 = arith.addi %mul3A_206, %add3A_207 : i32
          %dma_wait3A_209 = arith.constant 0 : i32
          %dma_wait3A_210 = tpu.memref_slice %arg15[%add3A_208, %dma_wait3A_209] : memref<160x128xi32, #tpu.memory_space<vmem>> -> memref<1x128xi32, #tpu.memory_space<vmem>>
          %dma_wait3A_211 = tpu.memref_squeeze %dma_wait3A_210 : memref<1x128xi32, #tpu.memory_space<vmem>> -> memref<128xi32, #tpu.memory_space<vmem>>
          %dma_wait3A_212 = arith.constant 0 : i32
          %dma_wait3A_213 = arith.constant 0 : i32
          %dma_wait3A_214 = tpu.memref_slice %arg14[%dma_wait3A_212, %dma_wait3A_213] : memref<10240x8xf32, #tpu.memory_space<vmem_shared>> -> memref<10240x8xf32, #tpu.memory_space<vmem_shared>>
          tpu.wait_indirect_dma semaphore(%arg30 : memref<!tpu.dma_semaphore, #tpu.memory_space<semaphore_mem>>) src(%dma_wait3A_214 : memref<10240x8xf32, #tpu.memory_space<vmem_shared>>) dst(%arg19 : memref<128x8xf32, #tpu.memory_space<vmem>>)
          %gt3A = arith.constant 0 : i32
          %gt3A_215 = arith.cmpi sgt, %scan3A_204, %gt3A : i32
          %convert_element_type3A_216 = arith.extui %gt3A_215 : i1 to i32
          %cond3A_217 = arith.constant 0 : i32
          %cond3A_218 = arith.cmpi ne, %convert_element_type3A_216, %cond3A_217 : i32
          scf.if %cond3A_218 {
            %sub3A = arith.constant 2 : i32
            %sub3A_267 = arith.subi %add3A_208, %sub3A : i32
            %dma_wait3A_268 = arith.constant 0 : i32
            %dma_wait3A_269 = tpu.memref_slice %arg16[%sub3A_267, %dma_wait3A_268] : memref<160x128xi32, #tpu.memory_space<vmem>> -> memref<1x128xi32, #tpu.memory_space<vmem>>
            %dma_wait3A_270 = tpu.memref_squeeze %dma_wait3A_269 : memref<1x128xi32, #tpu.memory_space<vmem>> -> memref<128xi32, #tpu.memory_space<vmem>>
            %dma_wait3A_271 = arith.constant 0 : i32
            %dma_wait3A_272 = arith.constant 0 : i32
            %dma_wait3A_273 = tpu.memref_slice %arg13[%dma_wait3A_271, %dma_wait3A_272] : memref<10240x8xf32, #tpu.memory_space<vmem_shared>> -> memref<10240x8xf32, #tpu.memory_space<vmem_shared>>
            tpu.wait_indirect_dma semaphore(%arg32 : memref<!tpu.dma_semaphore, #tpu.memory_space<semaphore_mem>>) src(%arg25 : memref<128x8xf32, #tpu.memory_space<vmem>>) dst(%dma_wait3A_273 : memref<10240x8xf32, #tpu.memory_space<vmem_shared>>)
          } else {
          }
          %scan3A_219 = arith.constant 0 : i32
          %scan3A_220 = arith.constant 0 : i32
          %scan3A_221 = arith.constant 8 : i32
          %scan3A_222 = arith.addi %scan3A_220, %scan3A_221 : i32
          %scan3A_223 = arith.constant 1 : i32
          scf.for %scan3A_267 = %scan3A_220 to %scan3A_222 step %scan3A_223  : i32 {
            %mul3A_268 = arith.constant 16 : i32
            %mul3A_269 = arith.muli %scan3A_267, %mul3A_268 : i32
            %get3A = arith.index_cast %add3A_208 : i32 to index
            %get3A_270 = arith.index_cast %mul3A_269 : i32 to index
            %get3A_271 = tpu.vector_load %arg18[%get3A, %get3A_270] {strides = array<i32>} : memref<160x128xf32, #tpu.memory_space<vmem>>, vector<16xf32>,
            %add3A_272 = arith.constant 0 : i32
            %add3A_273 = arith.addi %mul3A_269, %add3A_272 : i32
            %mul3A_274 = arith.constant 8 : i32
            %mul3A_275 = arith.muli %add3A_273, %mul3A_274 : i32
            %add3A_276 = vector.broadcast %mul3A_275 : i32 to vector<16xi32>
            %add3A_277 = arith.addi %iota3A, %add3A_276 : vector<16xi32>
            %add3A_278 = arith.constant 2 : i32
            %add3A_279 = arith.addi %mul3A_269, %add3A_278 : i32
            %mul3A_280 = arith.constant 8 : i32
            %mul3A_281 = arith.muli %add3A_279, %mul3A_280 : i32
            %add3A_282 = vector.broadcast %mul3A_281 : i32 to vector<16xi32>
            %add3A_283 = arith.addi %iota3A, %add3A_282 : vector<16xi32>
            %add3A_284 = arith.constant 4 : i32
            %add3A_285 = arith.addi %mul3A_269, %add3A_284 : i32
            %mul3A_286 = arith.constant 8 : i32
            %mul3A_287 = arith.muli %add3A_285, %mul3A_286 : i32
            %add3A_288 = vector.broadcast %mul3A_287 : i32 to vector<16xi32>
            %add3A_289 = arith.addi %iota3A, %add3A_288 : vector<16xi32>
            %add3A_290 = arith.constant 6 : i32
            %add3A_291 = arith.addi %mul3A_269, %add3A_290 : i32
            %mul3A_292 = arith.constant 8 : i32
            %mul3A_293 = arith.muli %add3A_291, %mul3A_292 : i32
            %add3A_294 = vector.broadcast %mul3A_293 : i32 to vector<16xi32>
            %add3A_295 = arith.addi %iota3A, %add3A_294 : vector<16xi32>
            %add3A_296 = arith.constant 8 : i32
            %add3A_297 = arith.addi %mul3A_269, %add3A_296 : i32
            %mul3A_298 = arith.constant 8 : i32
            %mul3A_299 = arith.muli %add3A_297, %mul3A_298 : i32
            %add3A_300 = vector.broadcast %mul3A_299 : i32 to vector<16xi32>
            %add3A_301 = arith.addi %iota3A, %add3A_300 : vector<16xi32>
            %add3A_302 = arith.constant 10 : i32
            %add3A_303 = arith.addi %mul3A_269, %add3A_302 : i32
            %mul3A_304 = arith.constant 8 : i32
            %mul3A_305 = arith.muli %add3A_303, %mul3A_304 : i32
            %add3A_306 = vector.broadcast %mul3A_305 : i32 to vector<16xi32>
            %add3A_307 = arith.addi %iota3A, %add3A_306 : vector<16xi32>
            %add3A_308 = arith.constant 12 : i32
            %add3A_309 = arith.addi %mul3A_269, %add3A_308 : i32
            %mul3A_310 = arith.constant 8 : i32
            %mul3A_311 = arith.muli %add3A_309, %mul3A_310 : i32
            %add3A_312 = vector.broadcast %mul3A_311 : i32 to vector<16xi32>
            %add3A_313 = arith.addi %iota3A, %add3A_312 : vector<16xi32>
            %add3A_314 = arith.constant 14 : i32
            %add3A_315 = arith.addi %mul3A_269, %add3A_314 : i32
            %mul3A_316 = arith.constant 8 : i32
            %mul3A_317 = arith.muli %add3A_315, %mul3A_316 : i32
            %add3A_318 = vector.broadcast %mul3A_317 : i32 to vector<16xi32>
            %add3A_319 = arith.addi %iota3A, %add3A_318 : vector<16xi32>
            %gather3A = tpu.vector_load_idx %arg19[%broadcast_in_dim3A_43, %add3A_277] : memref<128x8xf32, #tpu.memory_space<vmem>>[vector<16xi32>, vector<16xi32>], vector<16xf32>,
            %gather3A_320 = tpu.vector_load_idx %arg19[%broadcast_in_dim3A_43, %add3A_283] : memref<128x8xf32, #tpu.memory_space<vmem>>[vector<16xi32>, vector<16xi32>], vector<16xf32>,
            %gather3A_321 = tpu.vector_load_idx %arg19[%broadcast_in_dim3A_43, %add3A_289] : memref<128x8xf32, #tpu.memory_space<vmem>>[vector<16xi32>, vector<16xi32>], vector<16xf32>,
            %gather3A_322 = tpu.vector_load_idx %arg19[%broadcast_in_dim3A_43, %add3A_295] : memref<128x8xf32, #tpu.memory_space<vmem>>[vector<16xi32>, vector<16xi32>], vector<16xf32>,
            %gather3A_323 = tpu.vector_load_idx %arg19[%broadcast_in_dim3A_43, %add3A_301] : memref<128x8xf32, #tpu.memory_space<vmem>>[vector<16xi32>, vector<16xi32>], vector<16xf32>,
            %gather3A_324 = tpu.vector_load_idx %arg19[%broadcast_in_dim3A_43, %add3A_307] : memref<128x8xf32, #tpu.memory_space<vmem>>[vector<16xi32>, vector<16xi32>], vector<16xf32>,
            %gather3A_325 = tpu.vector_load_idx %arg19[%broadcast_in_dim3A_43, %add3A_313] : memref<128x8xf32, #tpu.memory_space<vmem>>[vector<16xi32>, vector<16xi32>], vector<16xf32>,
            %gather3A_326 = tpu.vector_load_idx %arg19[%broadcast_in_dim3A_43, %add3A_319] : memref<128x8xf32, #tpu.memory_space<vmem>>[vector<16xi32>, vector<16xi32>], vector<16xf32>,
            %lt3A_327 = arith.constant 0 : i32
            %lt3A_328 = vector.broadcast %lt3A_327 : i32 to vector<16xi32>
            %lt3A_329 = arith.cmpi slt, %add3A_20, %lt3A_328 : vector<16xi32>
            %add3A_330 = arith.constant 16 : i32
            %add3A_331 = vector.broadcast %add3A_330 : i32 to vector<16xi32>
            %add3A_332 = arith.addi %add3A_20, %add3A_331 : vector<16xi32>
            %select_n3A = arith.select %lt3A_329, %add3A_332, %add3A_20 : vector<16xi1>, vector<16xi32>
            %broadcast_in_dim3A_333 = vector.shape_cast %select_n3A : vector<16xi32> to vector<16x1xi32>
            %gather3A_334 = vector.shape_cast %broadcast_in_dim3A_333 : vector<16x1xi32> to vector<16xi32>
            %gather3A_335 = tpu.dynamic_gather %get3A_271[%gather3A_334] in [0] : vector<16xf32>, vector<16xi32> -> vector<16xf32>
            %mul3A_336 = arith.mulf %gather3A, %gather3A_335 : vector<16xf32>
            tpu.vector_store_idx %arg25[%broadcast_in_dim3A_43, %add3A_277], %mul3A_336 : memref<128x8xf32, #tpu.memory_space<vmem>>[vector<16xi32>, vector<16xi32>], vector<16xf32>,
            %lt3A_337 = arith.constant 0 : i32
            %lt3A_338 = vector.broadcast %lt3A_337 : i32 to vector<16xi32>
            %lt3A_339 = arith.cmpi slt, %add3A_23, %lt3A_338 : vector<16xi32>
            %add3A_340 = arith.constant 16 : i32
            %add3A_341 = vector.broadcast %add3A_340 : i32 to vector<16xi32>
            %add3A_342 = arith.addi %add3A_23, %add3A_341 : vector<16xi32>
            %select_n3A_343 = arith.select %lt3A_339, %add3A_342, %add3A_23 : vector<16xi1>, vector<16xi32>
            %broadcast_in_dim3A_344 = vector.shape_cast %select_n3A_343 : vector<16xi32> to vector<16x1xi32>
            %gather3A_345 = vector.shape_cast %broadcast_in_dim3A_344 : vector<16x1xi32> to vector<16xi32>
            %gather3A_346 = tpu.dynamic_gather %get3A_271[%gather3A_345] in [0] : vector<16xf32>, vector<16xi32> -> vector<16xf32>
            %mul3A_347 = arith.mulf %gather3A_320, %gather3A_346 : vector<16xf32>
            tpu.vector_store_idx %arg25[%broadcast_in_dim3A_43, %add3A_283], %mul3A_347 : memref<128x8xf32, #tpu.memory_space<vmem>>[vector<16xi32>, vector<16xi32>], vector<16xf32>,
            %lt3A_348 = arith.constant 0 : i32
            %lt3A_349 = vector.broadcast %lt3A_348 : i32 to vector<16xi32>
            %lt3A_350 = arith.cmpi slt, %add3A_26, %lt3A_349 : vector<16xi32>
            %add3A_351 = arith.constant 16 : i32
            %add3A_352 = vector.broadcast %add3A_351 : i32 to vector<16xi32>
            %add3A_353 = arith.addi %add3A_26, %add3A_352 : vector<16xi32>
            %select_n3A_354 = arith.select %lt3A_350, %add3A_353, %add3A_26 : vector<16xi1>, vector<16xi32>
            %broadcast_in_dim3A_355 = vector.shape_cast %select_n3A_354 : vector<16xi32> to vector<16x1xi32>
            %gather3A_356 = vector.shape_cast %broadcast_in_dim3A_355 : vector<16x1xi32> to vector<16xi32>
            %gather3A_357 = tpu.dynamic_gather %get3A_271[%gather3A_356] in [0] : vector<16xf32>, vector<16xi32> -> vector<16xf32>
            %mul3A_358 = arith.mulf %gather3A_321, %gather3A_357 : vector<16xf32>
            tpu.vector_store_idx %arg25[%broadcast_in_dim3A_43, %add3A_289], %mul3A_358 : memref<128x8xf32, #tpu.memory_space<vmem>>[vector<16xi32>, vector<16xi32>], vector<16xf32>,
            %lt3A_359 = arith.constant 0 : i32
            %lt3A_360 = vector.broadcast %lt3A_359 : i32 to vector<16xi32>
            %lt3A_361 = arith.cmpi slt, %add3A_29, %lt3A_360 : vector<16xi32>
            %add3A_362 = arith.constant 16 : i32
            %add3A_363 = vector.broadcast %add3A_362 : i32 to vector<16xi32>
            %add3A_364 = arith.addi %add3A_29, %add3A_363 : vector<16xi32>
            %select_n3A_365 = arith.select %lt3A_361, %add3A_364, %add3A_29 : vector<16xi1>, vector<16xi32>
            %broadcast_in_dim3A_366 = vector.shape_cast %select_n3A_365 : vector<16xi32> to vector<16x1xi32>
            %gather3A_367 = vector.shape_cast %broadcast_in_dim3A_366 : vector<16x1xi32> to vector<16xi32>
            %gather3A_368 = tpu.dynamic_gather %get3A_271[%gather3A_367] in [0] : vector<16xf32>, vector<16xi32> -> vector<16xf32>
            %mul3A_369 = arith.mulf %gather3A_322, %gather3A_368 : vector<16xf32>
            tpu.vector_store_idx %arg25[%broadcast_in_dim3A_43, %add3A_295], %mul3A_369 : memref<128x8xf32, #tpu.memory_space<vmem>>[vector<16xi32>, vector<16xi32>], vector<16xf32>,
            %lt3A_370 = arith.constant 0 : i32
            %lt3A_371 = vector.broadcast %lt3A_370 : i32 to vector<16xi32>
            %lt3A_372 = arith.cmpi slt, %add3A_32, %lt3A_371 : vector<16xi32>
            %add3A_373 = arith.constant 16 : i32
            %add3A_374 = vector.broadcast %add3A_373 : i32 to vector<16xi32>
            %add3A_375 = arith.addi %add3A_32, %add3A_374 : vector<16xi32>
            %select_n3A_376 = arith.select %lt3A_372, %add3A_375, %add3A_32 : vector<16xi1>, vector<16xi32>
            %broadcast_in_dim3A_377 = vector.shape_cast %select_n3A_376 : vector<16xi32> to vector<16x1xi32>
            %gather3A_378 = vector.shape_cast %broadcast_in_dim3A_377 : vector<16x1xi32> to vector<16xi32>
            %gather3A_379 = tpu.dynamic_gather %get3A_271[%gather3A_378] in [0] : vector<16xf32>, vector<16xi32> -> vector<16xf32>
            %mul3A_380 = arith.mulf %gather3A_323, %gather3A_379 : vector<16xf32>
            tpu.vector_store_idx %arg25[%broadcast_in_dim3A_43, %add3A_301], %mul3A_380 : memref<128x8xf32, #tpu.memory_space<vmem>>[vector<16xi32>, vector<16xi32>], vector<16xf32>,
            %lt3A_381 = arith.constant 0 : i32
            %lt3A_382 = vector.broadcast %lt3A_381 : i32 to vector<16xi32>
            %lt3A_383 = arith.cmpi slt, %add3A_35, %lt3A_382 : vector<16xi32>
            %add3A_384 = arith.constant 16 : i32
            %add3A_385 = vector.broadcast %add3A_384 : i32 to vector<16xi32>
            %add3A_386 = arith.addi %add3A_35, %add3A_385 : vector<16xi32>
            %select_n3A_387 = arith.select %lt3A_383, %add3A_386, %add3A_35 : vector<16xi1>, vector<16xi32>
            %broadcast_in_dim3A_388 = vector.shape_cast %select_n3A_387 : vector<16xi32> to vector<16x1xi32>
            %gather3A_389 = vector.shape_cast %broadcast_in_dim3A_388 : vector<16x1xi32> to vector<16xi32>
            %gather3A_390 = tpu.dynamic_gather %get3A_271[%gather3A_389] in [0] : vector<16xf32>, vector<16xi32> -> vector<16xf32>
            %mul3A_391 = arith.mulf %gather3A_324, %gather3A_390 : vector<16xf32>
            tpu.vector_store_idx %arg25[%broadcast_in_dim3A_43, %add3A_307], %mul3A_391 : memref<128x8xf32, #tpu.memory_space<vmem>>[vector<16xi32>, vector<16xi32>], vector<16xf32>,
            %lt3A_392 = arith.constant 0 : i32
            %lt3A_393 = vector.broadcast %lt3A_392 : i32 to vector<16xi32>
            %lt3A_394 = arith.cmpi slt, %add3A_38, %lt3A_393 : vector<16xi32>
            %add3A_395 = arith.constant 16 : i32
            %add3A_396 = vector.broadcast %add3A_395 : i32 to vector<16xi32>
            %add3A_397 = arith.addi %add3A_38, %add3A_396 : vector<16xi32>
            %select_n3A_398 = arith.select %lt3A_394, %add3A_397, %add3A_38 : vector<16xi1>, vector<16xi32>
            %broadcast_in_dim3A_399 = vector.shape_cast %select_n3A_398 : vector<16xi32> to vector<16x1xi32>
            %gather3A_400 = vector.shape_cast %broadcast_in_dim3A_399 : vector<16x1xi32> to vector<16xi32>
            %gather3A_401 = tpu.dynamic_gather %get3A_271[%gather3A_400] in [0] : vector<16xf32>, vector<16xi32> -> vector<16xf32>
            %mul3A_402 = arith.mulf %gather3A_325, %gather3A_401 : vector<16xf32>
            tpu.vector_store_idx %arg25[%broadcast_in_dim3A_43, %add3A_313], %mul3A_402 : memref<128x8xf32, #tpu.memory_space<vmem>>[vector<16xi32>, vector<16xi32>], vector<16xf32>,
            %lt3A_403 = arith.constant 0 : i32
            %lt3A_404 = vector.broadcast %lt3A_403 : i32 to vector<16xi32>
            %lt3A_405 = arith.cmpi slt, %add3A_41, %lt3A_404 : vector<16xi32>
            %add3A_406 = arith.constant 16 : i32
            %add3A_407 = vector.broadcast %add3A_406 : i32 to vector<16xi32>
            %add3A_408 = arith.addi %add3A_41, %add3A_407 : vector<16xi32>
            %select_n3A_409 = arith.select %lt3A_405, %add3A_408, %add3A_41 : vector<16xi1>, vector<16xi32>
            %broadcast_in_dim3A_410 = vector.shape_cast %select_n3A_409 : vector<16xi32> to vector<16x1xi32>
            %gather3A_411 = vector.shape_cast %broadcast_in_dim3A_410 : vector<16x1xi32> to vector<16xi32>
            %gather3A_412 = tpu.dynamic_gather %get3A_271[%gather3A_411] in [0] : vector<16xf32>, vector<16xi32> -> vector<16xf32>
            %mul3A_413 = arith.mulf %gather3A_326, %gather3A_412 : vector<16xf32>
            tpu.vector_store_idx %arg25[%broadcast_in_dim3A_43, %add3A_319], %mul3A_413 : memref<128x8xf32, #tpu.memory_space<vmem>>[vector<16xi32>, vector<16xi32>], vector<16xf32>,
          }
          %scan3A_224 = arith.constant 8 : i32
          %dma_start3A_225 = arith.constant 0 : i32
          %dma_start3A_226 = tpu.memref_slice %arg16[%add3A_208, %dma_start3A_225] : memref<160x128xi32, #tpu.memory_space<vmem>> -> memref<1x128xi32, #tpu.memory_space<vmem>>
          %dma_start3A_227 = tpu.memref_squeeze %dma_start3A_226 : memref<1x128xi32, #tpu.memory_space<vmem>> -> memref<128xi32, #tpu.memory_space<vmem>>
          %dma_start3A_228 = arith.constant 0 : i32
          %dma_start3A_229 = arith.constant 0 : i32
          %dma_start3A_230 = tpu.memref_slice %arg13[%dma_start3A_228, %dma_start3A_229] : memref<10240x8xf32, #tpu.memory_space<vmem_shared>> -> memref<10240x8xf32, #tpu.memory_space<vmem_shared>>
          tpu.enqueue_indirect_dma source(%arg25 : memref<128x8xf32, #tpu.memory_space<vmem>>) target(%dma_start3A_230 : memref<10240x8xf32, #tpu.memory_space<vmem_shared>>) offsets(%dma_start3A_227 : memref<128xi32, #tpu.memory_space<vmem>>) semaphore(%arg32 : memref<!tpu.dma_semaphore, #tpu.memory_space<semaphore_mem>>) {add = true}
          %lt3A = arith.constant 79 : i32
          %lt3A_231 = arith.cmpi slt, %scan3A_204, %lt3A : i32
          %convert_element_type3A_232 = arith.extui %lt3A_231 : i1 to i32
          %cond3A_233 = arith.constant 0 : i32
          %cond3A_234 = arith.cmpi ne, %convert_element_type3A_232, %cond3A_233 : i32
          scf.if %cond3A_234 {
            %add3A_267 = arith.constant 2 : i32
            %add3A_268 = arith.addi %add3A_208, %add3A_267 : i32
            %dma_start3A_269 = arith.constant 0 : i32
            %dma_start3A_270 = tpu.memref_slice %arg15[%add3A_268, %dma_start3A_269] : memref<160x128xi32, #tpu.memory_space<vmem>> -> memref<1x128xi32, #tpu.memory_space<vmem>>
            %dma_start3A_271 = tpu.memref_squeeze %dma_start3A_270 : memref<1x128xi32, #tpu.memory_space<vmem>> -> memref<128xi32, #tpu.memory_space<vmem>>
            %dma_start3A_272 = arith.constant 0 : i32
            %dma_start3A_273 = arith.constant 0 : i32
            %dma_start3A_274 = tpu.memref_slice %arg14[%dma_start3A_272, %dma_start3A_273] : memref<10240x8xf32, #tpu.memory_space<vmem_shared>> -> memref<10240x8xf32, #tpu.memory_space<vmem_shared>>
            tpu.enqueue_indirect_dma source(%dma_start3A_274 : memref<10240x8xf32, #tpu.memory_space<vmem_shared>>) target(%arg19 : memref<128x8xf32, #tpu.memory_space<vmem>>) offsets(%dma_start3A_271 : memref<128xi32, #tpu.memory_space<vmem>>) semaphore(%arg30 : memref<!tpu.dma_semaphore, #tpu.memory_space<semaphore_mem>>)
          } else {
          }
          %mul3A_235 = arith.constant 2 : i32
          %mul3A_236 = arith.muli %mul3A_235, %scan3A_204 : i32
          %add3A_237 = arith.constant 1 : i32
          %add3A_238 = arith.addi %mul3A_236, %add3A_237 : i32
          %dma_wait3A_239 = arith.constant 0 : i32
          %dma_wait3A_240 = tpu.memref_slice %arg15[%add3A_238, %dma_wait3A_239] : memref<160x128xi32, #tpu.memory_space<vmem>> -> memref<1x128xi32, #tpu.memory_space<vmem>>
          %dma_wait3A_241 = tpu.memref_squeeze %dma_wait3A_240 : memref<1x128xi32, #tpu.memory_space<vmem>> -> memref<128xi32, #tpu.memory_space<vmem>>
          %dma_wait3A_242 = arith.constant 0 : i32
          %dma_wait3A_243 = arith.constant 0 : i32
          %dma_wait3A_244 = tpu.memref_slice %arg14[%dma_wait3A_242, %dma_wait3A_243] : memref<10240x8xf32, #tpu.memory_space<vmem_shared>> -> memref<10240x8xf32, #tpu.memory_space<vmem_shared>>
          tpu.wait_indirect_dma semaphore(%arg31 : memref<!tpu.dma_semaphore, #tpu.memory_space<semaphore_mem>>) src(%dma_wait3A_244 : memref<10240x8xf32, #tpu.memory_space<vmem_shared>>) dst(%arg20 : memref<128x8xf32, #tpu.memory_space<vmem>>)
          %gt3A_245 = arith.constant 0 : i32
          %gt3A_246 = arith.cmpi sgt, %scan3A_204, %gt3A_245 : i32
          %convert_element_type3A_247 = arith.extui %gt3A_246 : i1 to i32
          %cond3A_248 = arith.constant 0 : i32
          %cond3A_249 = arith.cmpi ne, %convert_element_type3A_247, %cond3A_248 : i32
          scf.if %cond3A_249 {
            %sub3A = arith.constant 2 : i32
            %sub3A_267 = arith.subi %add3A_238, %sub3A : i32
            %dma_wait3A_268 = arith.constant 0 : i32
            %dma_wait3A_269 = tpu.memref_slice %arg16[%sub3A_267, %dma_wait3A_268] : memref<160x128xi32, #tpu.memory_space<vmem>> -> memref<1x128xi32, #tpu.memory_space<vmem>>
            %dma_wait3A_270 = tpu.memref_squeeze %dma_wait3A_269 : memref<1x128xi32, #tpu.memory_space<vmem>> -> memref<128xi32, #tpu.memory_space<vmem>>
            %dma_wait3A_271 = arith.constant 0 : i32
            %dma_wait3A_272 = arith.constant 0 : i32
            %dma_wait3A_273 = tpu.memref_slice %arg13[%dma_wait3A_271, %dma_wait3A_272] : memref<10240x8xf32, #tpu.memory_space<vmem_shared>> -> memref<10240x8xf32, #tpu.memory_space<vmem_shared>>
            tpu.wait_indirect_dma semaphore(%arg33 : memref<!tpu.dma_semaphore, #tpu.memory_space<semaphore_mem>>) src(%arg26 : memref<128x8xf32, #tpu.memory_space<vmem>>) dst(%dma_wait3A_273 : memref<10240x8xf32, #tpu.memory_space<vmem_shared>>)
          } else {
          }
          %scan3A_250 = arith.constant 0 : i32
          %scan3A_251 = arith.constant 0 : i32
          %scan3A_252 = arith.constant 8 : i32
          %scan3A_253 = arith.addi %scan3A_251, %scan3A_252 : i32
          %scan3A_254 = arith.constant 1 : i32
          scf.for %scan3A_267 = %scan3A_251 to %scan3A_253 step %scan3A_254  : i32 {
            %mul3A_268 = arith.constant 16 : i32
            %mul3A_269 = arith.muli %scan3A_267, %mul3A_268 : i32
            %get3A = arith.index_cast %add3A_238 : i32 to index
            %get3A_270 = arith.index_cast %mul3A_269 : i32 to index
            %get3A_271 = tpu.vector_load %arg18[%get3A, %get3A_270] {strides = array<i32>} : memref<160x128xf32, #tpu.memory_space<vmem>>, vector<16xf32>,
            %add3A_272 = arith.constant 0 : i32
            %add3A_273 = arith.addi %mul3A_269, %add3A_272 : i32
            %mul3A_274 = arith.constant 8 : i32
            %mul3A_275 = arith.muli %add3A_273, %mul3A_274 : i32
            %add3A_276 = vector.broadcast %mul3A_275 : i32 to vector<16xi32>
            %add3A_277 = arith.addi %iota3A, %add3A_276 : vector<16xi32>
            %add3A_278 = arith.constant 2 : i32
            %add3A_279 = arith.addi %mul3A_269, %add3A_278 : i32
            %mul3A_280 = arith.constant 8 : i32
            %mul3A_281 = arith.muli %add3A_279, %mul3A_280 : i32
            %add3A_282 = vector.broadcast %mul3A_281 : i32 to vector<16xi32>
            %add3A_283 = arith.addi %iota3A, %add3A_282 : vector<16xi32>
            %add3A_284 = arith.constant 4 : i32
            %add3A_285 = arith.addi %mul3A_269, %add3A_284 : i32
            %mul3A_286 = arith.constant 8 : i32
            %mul3A_287 = arith.muli %add3A_285, %mul3A_286 : i32
            %add3A_288 = vector.broadcast %mul3A_287 : i32 to vector<16xi32>
            %add3A_289 = arith.addi %iota3A, %add3A_288 : vector<16xi32>
            %add3A_290 = arith.constant 6 : i32
            %add3A_291 = arith.addi %mul3A_269, %add3A_290 : i32
            %mul3A_292 = arith.constant 8 : i32
            %mul3A_293 = arith.muli %add3A_291, %mul3A_292 : i32
            %add3A_294 = vector.broadcast %mul3A_293 : i32 to vector<16xi32>
            %add3A_295 = arith.addi %iota3A, %add3A_294 : vector<16xi32>
            %add3A_296 = arith.constant 8 : i32
            %add3A_297 = arith.addi %mul3A_269, %add3A_296 : i32
            %mul3A_298 = arith.constant 8 : i32
            %mul3A_299 = arith.muli %add3A_297, %mul3A_298 : i32
            %add3A_300 = vector.broadcast %mul3A_299 : i32 to vector<16xi32>
            %add3A_301 = arith.addi %iota3A, %add3A_300 : vector<16xi32>
            %add3A_302 = arith.constant 10 : i32
            %add3A_303 = arith.addi %mul3A_269, %add3A_302 : i32
            %mul3A_304 = arith.constant 8 : i32
            %mul3A_305 = arith.muli %add3A_303, %mul3A_304 : i32
            %add3A_306 = vector.broadcast %mul3A_305 : i32 to vector<16xi32>
            %add3A_307 = arith.addi %iota3A, %add3A_306 : vector<16xi32>
            %add3A_308 = arith.constant 12 : i32
            %add3A_309 = arith.addi %mul3A_269, %add3A_308 : i32
            %mul3A_310 = arith.constant 8 : i32
            %mul3A_311 = arith.muli %add3A_309, %mul3A_310 : i32
            %add3A_312 = vector.broadcast %mul3A_311 : i32 to vector<16xi32>
            %add3A_313 = arith.addi %iota3A, %add3A_312 : vector<16xi32>
            %add3A_314 = arith.constant 14 : i32
            %add3A_315 = arith.addi %mul3A_269, %add3A_314 : i32
            %mul3A_316 = arith.constant 8 : i32
            %mul3A_317 = arith.muli %add3A_315, %mul3A_316 : i32
            %add3A_318 = vector.broadcast %mul3A_317 : i32 to vector<16xi32>
            %add3A_319 = arith.addi %iota3A, %add3A_318 : vector<16xi32>
            %gather3A = tpu.vector_load_idx %arg20[%broadcast_in_dim3A_43, %add3A_277] : memref<128x8xf32, #tpu.memory_space<vmem>>[vector<16xi32>, vector<16xi32>], vector<16xf32>,
            %gather3A_320 = tpu.vector_load_idx %arg20[%broadcast_in_dim3A_43, %add3A_283] : memref<128x8xf32, #tpu.memory_space<vmem>>[vector<16xi32>, vector<16xi32>], vector<16xf32>,
            %gather3A_321 = tpu.vector_load_idx %arg20[%broadcast_in_dim3A_43, %add3A_289] : memref<128x8xf32, #tpu.memory_space<vmem>>[vector<16xi32>, vector<16xi32>], vector<16xf32>,
            %gather3A_322 = tpu.vector_load_idx %arg20[%broadcast_in_dim3A_43, %add3A_295] : memref<128x8xf32, #tpu.memory_space<vmem>>[vector<16xi32>, vector<16xi32>], vector<16xf32>,
            %gather3A_323 = tpu.vector_load_idx %arg20[%broadcast_in_dim3A_43, %add3A_301] : memref<128x8xf32, #tpu.memory_space<vmem>>[vector<16xi32>, vector<16xi32>], vector<16xf32>,
            %gather3A_324 = tpu.vector_load_idx %arg20[%broadcast_in_dim3A_43, %add3A_307] : memref<128x8xf32, #tpu.memory_space<vmem>>[vector<16xi32>, vector<16xi32>], vector<16xf32>,
            %gather3A_325 = tpu.vector_load_idx %arg20[%broadcast_in_dim3A_43, %add3A_313] : memref<128x8xf32, #tpu.memory_space<vmem>>[vector<16xi32>, vector<16xi32>], vector<16xf32>,
            %gather3A_326 = tpu.vector_load_idx %arg20[%broadcast_in_dim3A_43, %add3A_319] : memref<128x8xf32, #tpu.memory_space<vmem>>[vector<16xi32>, vector<16xi32>], vector<16xf32>,
            %lt3A_327 = arith.constant 0 : i32
            %lt3A_328 = vector.broadcast %lt3A_327 : i32 to vector<16xi32>
            %lt3A_329 = arith.cmpi slt, %add3A_20, %lt3A_328 : vector<16xi32>
            %add3A_330 = arith.constant 16 : i32
            %add3A_331 = vector.broadcast %add3A_330 : i32 to vector<16xi32>
            %add3A_332 = arith.addi %add3A_20, %add3A_331 : vector<16xi32>
            %select_n3A = arith.select %lt3A_329, %add3A_332, %add3A_20 : vector<16xi1>, vector<16xi32>
            %broadcast_in_dim3A_333 = vector.shape_cast %select_n3A : vector<16xi32> to vector<16x1xi32>
            %gather3A_334 = vector.shape_cast %broadcast_in_dim3A_333 : vector<16x1xi32> to vector<16xi32>
            %gather3A_335 = tpu.dynamic_gather %get3A_271[%gather3A_334] in [0] : vector<16xf32>, vector<16xi32> -> vector<16xf32>
            %mul3A_336 = arith.mulf %gather3A, %gather3A_335 : vector<16xf32>
            tpu.vector_store_idx %arg26[%broadcast_in_dim3A_43, %add3A_277], %mul3A_336 : memref<128x8xf32, #tpu.memory_space<vmem>>[vector<16xi32>, vector<16xi32>], vector<16xf32>,
            %lt3A_337 = arith.constant 0 : i32
            %lt3A_338 = vector.broadcast %lt3A_337 : i32 to vector<16xi32>
            %lt3A_339 = arith.cmpi slt, %add3A_23, %lt3A_338 : vector<16xi32>
            %add3A_340 = arith.constant 16 : i32
            %add3A_341 = vector.broadcast %add3A_340 : i32 to vector<16xi32>
            %add3A_342 = arith.addi %add3A_23, %add3A_341 : vector<16xi32>
            %select_n3A_343 = arith.select %lt3A_339, %add3A_342, %add3A_23 : vector<16xi1>, vector<16xi32>
            %broadcast_in_dim3A_344 = vector.shape_cast %select_n3A_343 : vector<16xi32> to vector<16x1xi32>
            %gather3A_345 = vector.shape_cast %broadcast_in_dim3A_344 : vector<16x1xi32> to vector<16xi32>
            %gather3A_346 = tpu.dynamic_gather %get3A_271[%gather3A_345] in [0] : vector<16xf32>, vector<16xi32> -> vector<16xf32>
            %mul3A_347 = arith.mulf %gather3A_320, %gather3A_346 : vector<16xf32>
            tpu.vector_store_idx %arg26[%broadcast_in_dim3A_43, %add3A_283], %mul3A_347 : memref<128x8xf32, #tpu.memory_space<vmem>>[vector<16xi32>, vector<16xi32>], vector<16xf32>,
            %lt3A_348 = arith.constant 0 : i32
            %lt3A_349 = vector.broadcast %lt3A_348 : i32 to vector<16xi32>
            %lt3A_350 = arith.cmpi slt, %add3A_26, %lt3A_349 : vector<16xi32>
            %add3A_351 = arith.constant 16 : i32
            %add3A_352 = vector.broadcast %add3A_351 : i32 to vector<16xi32>
            %add3A_353 = arith.addi %add3A_26, %add3A_352 : vector<16xi32>
            %select_n3A_354 = arith.select %lt3A_350, %add3A_353, %add3A_26 : vector<16xi1>, vector<16xi32>
            %broadcast_in_dim3A_355 = vector.shape_cast %select_n3A_354 : vector<16xi32> to vector<16x1xi32>
            %gather3A_356 = vector.shape_cast %broadcast_in_dim3A_355 : vector<16x1xi32> to vector<16xi32>
            %gather3A_357 = tpu.dynamic_gather %get3A_271[%gather3A_356] in [0] : vector<16xf32>, vector<16xi32> -> vector<16xf32>
            %mul3A_358 = arith.mulf %gather3A_321, %gather3A_357 : vector<16xf32>
            tpu.vector_store_idx %arg26[%broadcast_in_dim3A_43, %add3A_289], %mul3A_358 : memref<128x8xf32, #tpu.memory_space<vmem>>[vector<16xi32>, vector<16xi32>], vector<16xf32>,
            %lt3A_359 = arith.constant 0 : i32
            %lt3A_360 = vector.broadcast %lt3A_359 : i32 to vector<16xi32>
            %lt3A_361 = arith.cmpi slt, %add3A_29, %lt3A_360 : vector<16xi32>
            %add3A_362 = arith.constant 16 : i32
            %add3A_363 = vector.broadcast %add3A_362 : i32 to vector<16xi32>
            %add3A_364 = arith.addi %add3A_29, %add3A_363 : vector<16xi32>
            %select_n3A_365 = arith.select %lt3A_361, %add3A_364, %add3A_29 : vector<16xi1>, vector<16xi32>
            %broadcast_in_dim3A_366 = vector.shape_cast %select_n3A_365 : vector<16xi32> to vector<16x1xi32>
            %gather3A_367 = vector.shape_cast %broadcast_in_dim3A_366 : vector<16x1xi32> to vector<16xi32>
            %gather3A_368 = tpu.dynamic_gather %get3A_271[%gather3A_367] in [0] : vector<16xf32>, vector<16xi32> -> vector<16xf32>
            %mul3A_369 = arith.mulf %gather3A_322, %gather3A_368 : vector<16xf32>
            tpu.vector_store_idx %arg26[%broadcast_in_dim3A_43, %add3A_295], %mul3A_369 : memref<128x8xf32, #tpu.memory_space<vmem>>[vector<16xi32>, vector<16xi32>], vector<16xf32>,
            %lt3A_370 = arith.constant 0 : i32
            %lt3A_371 = vector.broadcast %lt3A_370 : i32 to vector<16xi32>
            %lt3A_372 = arith.cmpi slt, %add3A_32, %lt3A_371 : vector<16xi32>
            %add3A_373 = arith.constant 16 : i32
            %add3A_374 = vector.broadcast %add3A_373 : i32 to vector<16xi32>
            %add3A_375 = arith.addi %add3A_32, %add3A_374 : vector<16xi32>
            %select_n3A_376 = arith.select %lt3A_372, %add3A_375, %add3A_32 : vector<16xi1>, vector<16xi32>
            %broadcast_in_dim3A_377 = vector.shape_cast %select_n3A_376 : vector<16xi32> to vector<16x1xi32>
            %gather3A_378 = vector.shape_cast %broadcast_in_dim3A_377 : vector<16x1xi32> to vector<16xi32>
            %gather3A_379 = tpu.dynamic_gather %get3A_271[%gather3A_378] in [0] : vector<16xf32>, vector<16xi32> -> vector<16xf32>
            %mul3A_380 = arith.mulf %gather3A_323, %gather3A_379 : vector<16xf32>
            tpu.vector_store_idx %arg26[%broadcast_in_dim3A_43, %add3A_301], %mul3A_380 : memref<128x8xf32, #tpu.memory_space<vmem>>[vector<16xi32>, vector<16xi32>], vector<16xf32>,
            %lt3A_381 = arith.constant 0 : i32
            %lt3A_382 = vector.broadcast %lt3A_381 : i32 to vector<16xi32>
            %lt3A_383 = arith.cmpi slt, %add3A_35, %lt3A_382 : vector<16xi32>
            %add3A_384 = arith.constant 16 : i32
            %add3A_385 = vector.broadcast %add3A_384 : i32 to vector<16xi32>
            %add3A_386 = arith.addi %add3A_35, %add3A_385 : vector<16xi32>
            %select_n3A_387 = arith.select %lt3A_383, %add3A_386, %add3A_35 : vector<16xi1>, vector<16xi32>
            %broadcast_in_dim3A_388 = vector.shape_cast %select_n3A_387 : vector<16xi32> to vector<16x1xi32>
            %gather3A_389 = vector.shape_cast %broadcast_in_dim3A_388 : vector<16x1xi32> to vector<16xi32>
            %gather3A_390 = tpu.dynamic_gather %get3A_271[%gather3A_389] in [0] : vector<16xf32>, vector<16xi32> -> vector<16xf32>
            %mul3A_391 = arith.mulf %gather3A_324, %gather3A_390 : vector<16xf32>
            tpu.vector_store_idx %arg26[%broadcast_in_dim3A_43, %add3A_307], %mul3A_391 : memref<128x8xf32, #tpu.memory_space<vmem>>[vector<16xi32>, vector<16xi32>], vector<16xf32>,
            %lt3A_392 = arith.constant 0 : i32
            %lt3A_393 = vector.broadcast %lt3A_392 : i32 to vector<16xi32>
            %lt3A_394 = arith.cmpi slt, %add3A_38, %lt3A_393 : vector<16xi32>
            %add3A_395 = arith.constant 16 : i32
            %add3A_396 = vector.broadcast %add3A_395 : i32 to vector<16xi32>
            %add3A_397 = arith.addi %add3A_38, %add3A_396 : vector<16xi32>
            %select_n3A_398 = arith.select %lt3A_394, %add3A_397, %add3A_38 : vector<16xi1>, vector<16xi32>
            %broadcast_in_dim3A_399 = vector.shape_cast %select_n3A_398 : vector<16xi32> to vector<16x1xi32>
            %gather3A_400 = vector.shape_cast %broadcast_in_dim3A_399 : vector<16x1xi32> to vector<16xi32>
            %gather3A_401 = tpu.dynamic_gather %get3A_271[%gather3A_400] in [0] : vector<16xf32>, vector<16xi32> -> vector<16xf32>
            %mul3A_402 = arith.mulf %gather3A_325, %gather3A_401 : vector<16xf32>
            tpu.vector_store_idx %arg26[%broadcast_in_dim3A_43, %add3A_313], %mul3A_402 : memref<128x8xf32, #tpu.memory_space<vmem>>[vector<16xi32>, vector<16xi32>], vector<16xf32>,
            %lt3A_403 = arith.constant 0 : i32
            %lt3A_404 = vector.broadcast %lt3A_403 : i32 to vector<16xi32>
            %lt3A_405 = arith.cmpi slt, %add3A_41, %lt3A_404 : vector<16xi32>
            %add3A_406 = arith.constant 16 : i32
            %add3A_407 = vector.broadcast %add3A_406 : i32 to vector<16xi32>
            %add3A_408 = arith.addi %add3A_41, %add3A_407 : vector<16xi32>
            %select_n3A_409 = arith.select %lt3A_405, %add3A_408, %add3A_41 : vector<16xi1>, vector<16xi32>
            %broadcast_in_dim3A_410 = vector.shape_cast %select_n3A_409 : vector<16xi32> to vector<16x1xi32>
            %gather3A_411 = vector.shape_cast %broadcast_in_dim3A_410 : vector<16x1xi32> to vector<16xi32>
            %gather3A_412 = tpu.dynamic_gather %get3A_271[%gather3A_411] in [0] : vector<16xf32>, vector<16xi32> -> vector<16xf32>
            %mul3A_413 = arith.mulf %gather3A_326, %gather3A_412 : vector<16xf32>
            tpu.vector_store_idx %arg26[%broadcast_in_dim3A_43, %add3A_319], %mul3A_413 : memref<128x8xf32, #tpu.memory_space<vmem>>[vector<16xi32>, vector<16xi32>], vector<16xf32>,
          }
          %scan3A_255 = arith.constant 8 : i32
          %dma_start3A_256 = arith.constant 0 : i32
          %dma_start3A_257 = tpu.memref_slice %arg16[%add3A_238, %dma_start3A_256] : memref<160x128xi32, #tpu.memory_space<vmem>> -> memref<1x128xi32, #tpu.memory_space<vmem>>
          %dma_start3A_258 = tpu.memref_squeeze %dma_start3A_257 : memref<1x128xi32, #tpu.memory_space<vmem>> -> memref<128xi32, #tpu.memory_space<vmem>>
          %dma_start3A_259 = arith.constant 0 : i32
          %dma_start3A_260 = arith.constant 0 : i32
          %dma_start3A_261 = tpu.memref_slice %arg13[%dma_start3A_259, %dma_start3A_260] : memref<10240x8xf32, #tpu.memory_space<vmem_shared>> -> memref<10240x8xf32, #tpu.memory_space<vmem_shared>>
          tpu.enqueue_indirect_dma source(%arg26 : memref<128x8xf32, #tpu.memory_space<vmem>>) target(%dma_start3A_261 : memref<10240x8xf32, #tpu.memory_space<vmem_shared>>) offsets(%dma_start3A_258 : memref<128xi32, #tpu.memory_space<vmem>>) semaphore(%arg33 : memref<!tpu.dma_semaphore, #tpu.memory_space<semaphore_mem>>) {add = true}
          %lt3A_262 = arith.constant 79 : i32
          %lt3A_263 = arith.cmpi slt, %scan3A_204, %lt3A_262 : i32
          %convert_element_type3A_264 = arith.extui %lt3A_263 : i1 to i32
          %cond3A_265 = arith.constant 0 : i32
          %cond3A_266 = arith.cmpi ne, %convert_element_type3A_264, %cond3A_265 : i32
          scf.if %cond3A_266 {
            %add3A_267 = arith.constant 2 : i32
            %add3A_268 = arith.addi %add3A_238, %add3A_267 : i32
            %dma_start3A_269 = arith.constant 0 : i32
            %dma_start3A_270 = tpu.memref_slice %arg15[%add3A_268, %dma_start3A_269] : memref<160x128xi32, #tpu.memory_space<vmem>> -> memref<1x128xi32, #tpu.memory_space<vmem>>
            %dma_start3A_271 = tpu.memref_squeeze %dma_start3A_270 : memref<1x128xi32, #tpu.memory_space<vmem>> -> memref<128xi32, #tpu.memory_space<vmem>>
            %dma_start3A_272 = arith.constant 0 : i32
            %dma_start3A_273 = arith.constant 0 : i32
            %dma_start3A_274 = tpu.memref_slice %arg14[%dma_start3A_272, %dma_start3A_273] : memref<10240x8xf32, #tpu.memory_space<vmem_shared>> -> memref<10240x8xf32, #tpu.memory_space<vmem_shared>>
            tpu.enqueue_indirect_dma source(%dma_start3A_274 : memref<10240x8xf32, #tpu.memory_space<vmem_shared>>) target(%arg20 : memref<128x8xf32, #tpu.memory_space<vmem>>) offsets(%dma_start3A_271 : memref<128xi32, #tpu.memory_space<vmem>>) semaphore(%arg31 : memref<!tpu.dma_semaphore, #tpu.memory_space<semaphore_mem>>)
          } else {
          }
        }
        %scan3A_176 = arith.constant 80 : i32
        %dma_wait3A_177 = arith.constant 158 : i32
        %dma_wait3A_178 = arith.constant 0 : i32
        %dma_wait3A_179 = tpu.memref_slice %arg16[%dma_wait3A_177, %dma_wait3A_178] : memref<160x128xi32, #tpu.memory_space<vmem>> -> memref<1x128xi32, #tpu.memory_space<vmem>>
        %dma_wait3A_180 = tpu.memref_squeeze %dma_wait3A_179 : memref<1x128xi32, #tpu.memory_space<vmem>> -> memref<128xi32, #tpu.memory_space<vmem>>
        %dma_wait3A_181 = arith.constant 0 : i32
        %dma_wait3A_182 = arith.constant 0 : i32
        %dma_wait3A_183 = tpu.memref_slice %arg13[%dma_wait3A_181, %dma_wait3A_182] : memref<10240x8xf32, #tpu.memory_space<vmem_shared>> -> memref<10240x8xf32, #tpu.memory_space<vmem_shared>>
        tpu.wait_indirect_dma semaphore(%arg32 : memref<!tpu.dma_semaphore, #tpu.memory_space<semaphore_mem>>) src(%arg25 : memref<128x8xf32, #tpu.memory_space<vmem>>) dst(%dma_wait3A_183 : memref<10240x8xf32, #tpu.memory_space<vmem_shared>>)
        %dma_wait3A_184 = arith.constant 159 : i32
        %dma_wait3A_185 = arith.constant 0 : i32
        %dma_wait3A_186 = tpu.memref_slice %arg16[%dma_wait3A_184, %dma_wait3A_185] : memref<160x128xi32, #tpu.memory_space<vmem>> -> memref<1x128xi32, #tpu.memory_space<vmem>>
        %dma_wait3A_187 = tpu.memref_squeeze %dma_wait3A_186 : memref<1x128xi32, #tpu.memory_space<vmem>> -> memref<128xi32, #tpu.memory_space<vmem>>
        %dma_wait3A_188 = arith.constant 0 : i32
        %dma_wait3A_189 = arith.constant 0 : i32
        %dma_wait3A_190 = tpu.memref_slice %arg13[%dma_wait3A_188, %dma_wait3A_189] : memref<10240x8xf32, #tpu.memory_space<vmem_shared>> -> memref<10240x8xf32, #tpu.memory_space<vmem_shared>>
        tpu.wait_indirect_dma semaphore(%arg33 : memref<!tpu.dma_semaphore, #tpu.memory_space<semaphore_mem>>) src(%arg26 : memref<128x8xf32, #tpu.memory_space<vmem>>) dst(%dma_wait3A_190 : memref<10240x8xf32, #tpu.memory_space<vmem_shared>>)
        %barrier3A_191 = arith.constant 0 : index
        tpu.barrier barrier_id(%barrier3A_191)
        "tpu.region"() ({
          %run_scoped3A_204 = tpu.sem_alloc : memref<!tpu.dma_semaphore, #tpu.memory_space<semaphore_mem>>
          %dma_start3A_205 = arith.constant 0 : i32
          %dma_start3A_206 = tpu.memref_slice %arg13[%mul3A_7, %dma_start3A_205] : memref<10240x8xf32, #tpu.memory_space<vmem_shared>> -> memref<640x8xf32, #tpu.memory_space<vmem_shared>>
          %dma_start3A_207 = arith.constant 0 : i32
          %dma_start3A_208 = tpu.memref_slice %arg13[%mul3A_7, %dma_start3A_207] : memref<10240x8xf32, #tpu.memory_space<vmem_shared>> -> memref<640x8xf32, #tpu.memory_space<vmem_shared>>
          tpu.enqueue_dma source(%dma_start3A_208 : memref<640x8xf32, #tpu.memory_space<vmem_shared>>) target(%arg29 : memref<640x8xf32, #tpu.memory_space<vmem>>) target_semaphore(%run_scoped3A_204 : memref<!tpu.dma_semaphore, #tpu.memory_space<semaphore_mem>>)
          %dma_wait3A_209 = arith.constant 0 : i32
          %dma_wait3A_210 = tpu.memref_slice %arg13[%mul3A_7, %dma_wait3A_209] : memref<10240x8xf32, #tpu.memory_space<vmem_shared>> -> memref<640x8xf32, #tpu.memory_space<vmem_shared>>
          %dma_wait3A_211 = arith.constant 0 : i32
          %dma_wait3A_212 = tpu.memref_slice %arg13[%mul3A_7, %dma_wait3A_211] : memref<10240x8xf32, #tpu.memory_space<vmem_shared>> -> memref<640x8xf32, #tpu.memory_space<vmem_shared>>
          tpu.wait_dma2 semaphore(%run_scoped3A_204 : memref<!tpu.dma_semaphore, #tpu.memory_space<semaphore_mem>>) src(%dma_wait3A_212 : memref<640x8xf32, #tpu.memory_space<vmem_shared>>) dst(%arg29 : memref<640x8xf32, #tpu.memory_space<vmem>>)
          tpu.yield
        }) : () -> ()
        %scan3A_192 = arith.constant 0 : i32
        %scan3A_193 = arith.constant 0 : i32
        %scan3A_194 = arith.constant 80 : i32
        %scan3A_195 = arith.addi %scan3A_193, %scan3A_194 : i32
        %scan3A_196 = arith.constant 1 : i32
        scf.for %scan3A_204 = %scan3A_193 to %scan3A_195 step %scan3A_196  : i32 {
          %mul3A_205 = arith.constant 4 : i32
          %mul3A_206 = arith.muli %scan3A_204, %mul3A_205 : i32
          %add3A_207 = arith.constant 0 : i32
          %add3A_208 = arith.addi %mul3A_206, %add3A_207 : i32
          %mul3A_209 = arith.constant 16 : i32
          %mul3A_210 = arith.muli %add3A_208, %mul3A_209 : i32
          %add3A_211 = vector.broadcast %mul3A_210 : i32 to vector<16xi32>
          %add3A_212 = arith.addi %iota3A, %add3A_211 : vector<16xi32>
          %mul3A_213 = arith.constant 4 : i32
          %mul3A_214 = arith.muli %scan3A_204, %mul3A_213 : i32
          %add3A_215 = arith.constant 1 : i32
          %add3A_216 = arith.addi %mul3A_214, %add3A_215 : i32
          %mul3A_217 = arith.constant 16 : i32
          %mul3A_218 = arith.muli %add3A_216, %mul3A_217 : i32
          %add3A_219 = vector.broadcast %mul3A_218 : i32 to vector<16xi32>
          %add3A_220 = arith.addi %iota3A, %add3A_219 : vector<16xi32>
          %mul3A_221 = arith.constant 4 : i32
          %mul3A_222 = arith.muli %scan3A_204, %mul3A_221 : i32
          %add3A_223 = arith.constant 2 : i32
          %add3A_224 = arith.addi %mul3A_222, %add3A_223 : i32
          %mul3A_225 = arith.constant 16 : i32
          %mul3A_226 = arith.muli %add3A_224, %mul3A_225 : i32
          %add3A_227 = vector.broadcast %mul3A_226 : i32 to vector<16xi32>
          %add3A_228 = arith.addi %iota3A, %add3A_227 : vector<16xi32>
          %mul3A_229 = arith.constant 4 : i32
          %mul3A_230 = arith.muli %scan3A_204, %mul3A_229 : i32
          %add3A_231 = arith.constant 3 : i32
          %add3A_232 = arith.addi %mul3A_230, %add3A_231 : i32
          %mul3A_233 = arith.constant 16 : i32
          %mul3A_234 = arith.muli %add3A_232, %mul3A_233 : i32
          %add3A_235 = vector.broadcast %mul3A_234 : i32 to vector<16xi32>
          %add3A_236 = arith.addi %iota3A, %add3A_235 : vector<16xi32>
          %gather3A = tpu.vector_load_idx %arg29[%broadcast_in_dim3A_43, %add3A_212] : memref<640x8xf32, #tpu.memory_space<vmem>>[vector<16xi32>, vector<16xi32>], vector<16xf32>,
          %gather3A_237 = tpu.vector_load_idx %arg29[%broadcast_in_dim3A_43, %add3A_220] : memref<640x8xf32, #tpu.memory_space<vmem>>[vector<16xi32>, vector<16xi32>], vector<16xf32>,
          %gather3A_238 = tpu.vector_load_idx %arg29[%broadcast_in_dim3A_43, %add3A_228] : memref<640x8xf32, #tpu.memory_space<vmem>>[vector<16xi32>, vector<16xi32>], vector<16xf32>,
          %gather3A_239 = tpu.vector_load_idx %arg29[%broadcast_in_dim3A_43, %add3A_236] : memref<640x8xf32, #tpu.memory_space<vmem>>[vector<16xi32>, vector<16xi32>], vector<16xf32>,
          %max3A = arith.constant 0.000000e+00 : f32
          %max3A_240 = vector.broadcast %max3A : f32 to vector<16xf32>
          %max3A_241 = arith.maximumf %gather3A, %max3A_240 : vector<16xf32>
          tpu.vector_store_idx %arg29[%broadcast_in_dim3A_43, %add3A_212], %max3A_241 : memref<640x8xf32, #tpu.memory_space<vmem>>[vector<16xi32>, vector<16xi32>], vector<16xf32>,
          %max3A_242 = arith.constant 0.000000e+00 : f32
          %max3A_243 = vector.broadcast %max3A_242 : f32 to vector<16xf32>
          %max3A_244 = arith.maximumf %gather3A_237, %max3A_243 : vector<16xf32>
          tpu.vector_store_idx %arg29[%broadcast_in_dim3A_43, %add3A_220], %max3A_244 : memref<640x8xf32, #tpu.memory_space<vmem>>[vector<16xi32>, vector<16xi32>], vector<16xf32>,
          %max3A_245 = arith.constant 0.000000e+00 : f32
          %max3A_246 = vector.broadcast %max3A_245 : f32 to vector<16xf32>
          %max3A_247 = arith.maximumf %gather3A_238, %max3A_246 : vector<16xf32>
          tpu.vector_store_idx %arg29[%broadcast_in_dim3A_43, %add3A_228], %max3A_247 : memref<640x8xf32, #tpu.memory_space<vmem>>[vector<16xi32>, vector<16xi32>], vector<16xf32>,
          %max3A_248 = arith.constant 0.000000e+00 : f32
          %max3A_249 = vector.broadcast %max3A_248 : f32 to vector<16xf32>
          %max3A_250 = arith.maximumf %gather3A_239, %max3A_249 : vector<16xf32>
          tpu.vector_store_idx %arg29[%broadcast_in_dim3A_43, %add3A_236], %max3A_250 : memref<640x8xf32, #tpu.memory_space<vmem>>[vector<16xi32>, vector<16xi32>], vector<16xf32>,
        }
        %scan3A_197 = arith.constant 80 : i32
        "tpu.region"() ({
          %run_scoped3A_204 = tpu.sem_alloc : memref<!tpu.dma_semaphore, #tpu.memory_space<semaphore_mem>>
          %dma_start3A_205 = arith.constant 0 : i32
          %dma_start3A_206 = tpu.memref_slice %arg10[%mul3A_7, %dma_start3A_205] : memref<10240x8xf32, #tpu.memory_space<vmem_shared>> -> memref<640x8xf32, #tpu.memory_space<vmem_shared>>
          %dma_start3A_207 = arith.constant 0 : i32
          %dma_start3A_208 = tpu.memref_slice %arg10[%mul3A_7, %dma_start3A_207] : memref<10240x8xf32, #tpu.memory_space<vmem_shared>> -> memref<640x8xf32, #tpu.memory_space<vmem_shared>>
          tpu.enqueue_dma source(%arg29 : memref<640x8xf32, #tpu.memory_space<vmem>>) target(%dma_start3A_208 : memref<640x8xf32, #tpu.memory_space<vmem_shared>>) target_semaphore(%run_scoped3A_204 : memref<!tpu.dma_semaphore, #tpu.memory_space<semaphore_mem>>)
          %dma_wait3A_209 = arith.constant 0 : i32
          %dma_wait3A_210 = tpu.memref_slice %arg10[%mul3A_7, %dma_wait3A_209] : memref<10240x8xf32, #tpu.memory_space<vmem_shared>> -> memref<640x8xf32, #tpu.memory_space<vmem_shared>>
          %dma_wait3A_211 = arith.constant 0 : i32
          %dma_wait3A_212 = tpu.memref_slice %arg10[%mul3A_7, %dma_wait3A_211] : memref<10240x8xf32, #tpu.memory_space<vmem_shared>> -> memref<640x8xf32, #tpu.memory_space<vmem_shared>>
          tpu.wait_dma2 semaphore(%run_scoped3A_204 : memref<!tpu.dma_semaphore, #tpu.memory_space<semaphore_mem>>) src(%arg29 : memref<640x8xf32, #tpu.memory_space<vmem>>) dst(%dma_wait3A_212 : memref<640x8xf32, #tpu.memory_space<vmem_shared>>)
          tpu.yield
        }) : () -> ()
        %eq3A_198 = arith.constant 1 : i32
        %eq3A_199 = arith.cmpi eq, %and3A_54, %eq3A_198 : i32
        %convert_element_type3A_200 = arith.extui %eq3A_199 : i1 to i32
        %cond3A_201 = arith.constant 0 : i32
        %cond3A_202 = arith.cmpi ne, %convert_element_type3A_200, %cond3A_201 : i32
        scf.if %cond3A_202 {
          "tpu.region"() ({
            %run_scoped3A_204 = tpu.sem_alloc : memref<!tpu.dma_semaphore, #tpu.memory_space<semaphore_mem>>
            %dma_start3A_205 = arith.constant 0 : i32
            %dma_start3A_206 = tpu.memref_slice %arg8[%shift_right_logical3A_52, %mul3A_7, %dma_start3A_205] : memref<8x10240x8xf32, #tpu.memory_space<hbm>> -> memref<1x640x8xf32, #tpu.memory_space<hbm>>
            %dma_start3A_207 = tpu.memref_squeeze %dma_start3A_206 : memref<1x640x8xf32, #tpu.memory_space<hbm>> -> memref<640x8xf32, #tpu.memory_space<hbm>>
            %dma_start3A_208 = arith.constant 0 : i32
            %dma_start3A_209 = tpu.memref_slice %arg8[%shift_right_logical3A_52, %mul3A_7, %dma_start3A_208] : memref<8x10240x8xf32, #tpu.memory_space<hbm>> -> memref<1x640x8xf32, #tpu.memory_space<hbm>>
            %dma_start3A_210 = tpu.memref_squeeze %dma_start3A_209 : memref<1x640x8xf32, #tpu.memory_space<hbm>> -> memref<640x8xf32, #tpu.memory_space<hbm>>
            tpu.enqueue_dma source(%arg29 : memref<640x8xf32, #tpu.memory_space<vmem>>) target(%dma_start3A_210 : memref<640x8xf32, #tpu.memory_space<hbm>>) target_semaphore(%run_scoped3A_204 : memref<!tpu.dma_semaphore, #tpu.memory_space<semaphore_mem>>)
            %dma_wait3A_211 = arith.constant 0 : i32
            %dma_wait3A_212 = tpu.memref_slice %arg8[%shift_right_logical3A_52, %mul3A_7, %dma_wait3A_211] : memref<8x10240x8xf32, #tpu.memory_space<hbm>> -> memref<1x640x8xf32, #tpu.memory_space<hbm>>
            %dma_wait3A_213 = tpu.memref_squeeze %dma_wait3A_212 : memref<1x640x8xf32, #tpu.memory_space<hbm>> -> memref<640x8xf32, #tpu.memory_space<hbm>>
            %dma_wait3A_214 = arith.constant 0 : i32
            %dma_wait3A_215 = tpu.memref_slice %arg8[%shift_right_logical3A_52, %mul3A_7, %dma_wait3A_214] : memref<8x10240x8xf32, #tpu.memory_space<hbm>> -> memref<1x640x8xf32, #tpu.memory_space<hbm>>
            %dma_wait3A_216 = tpu.memref_squeeze %dma_wait3A_215 : memref<1x640x8xf32, #tpu.memory_space<hbm>> -> memref<640x8xf32, #tpu.memory_space<hbm>>
            tpu.wait_dma2 semaphore(%run_scoped3A_204 : memref<!tpu.dma_semaphore, #tpu.memory_space<semaphore_mem>>) src(%arg29 : memref<640x8xf32, #tpu.memory_space<vmem>>) dst(%dma_wait3A_216 : memref<640x8xf32, #tpu.memory_space<hbm>>)
            tpu.yield
          }) : () -> ()
        } else {
        }
        "tpu.region"() ({
          %run_scoped3A_204 = tpu.sem_alloc : memref<!tpu.dma_semaphore, #tpu.memory_space<semaphore_mem>>
          %dma_start3A_205 = arith.constant 0 : i32
          %dma_start3A_206 = tpu.memref_slice %arg14[%mul3A_7, %dma_start3A_205] : memref<10240x8xf32, #tpu.memory_space<vmem_shared>> -> memref<640x8xf32, #tpu.memory_space<vmem_shared>>
          %dma_start3A_207 = arith.constant 0 : i32
          %dma_start3A_208 = tpu.memref_slice %arg14[%mul3A_7, %dma_start3A_207] : memref<10240x8xf32, #tpu.memory_space<vmem_shared>> -> memref<640x8xf32, #tpu.memory_space<vmem_shared>>
          tpu.enqueue_dma source(%dma_start3A_208 : memref<640x8xf32, #tpu.memory_space<vmem_shared>>) target(%arg29 : memref<640x8xf32, #tpu.memory_space<vmem>>) target_semaphore(%run_scoped3A_204 : memref<!tpu.dma_semaphore, #tpu.memory_space<semaphore_mem>>)
          %dma_wait3A_209 = arith.constant 0 : i32
          %dma_wait3A_210 = tpu.memref_slice %arg14[%mul3A_7, %dma_wait3A_209] : memref<10240x8xf32, #tpu.memory_space<vmem_shared>> -> memref<640x8xf32, #tpu.memory_space<vmem_shared>>
          %dma_wait3A_211 = arith.constant 0 : i32
          %dma_wait3A_212 = tpu.memref_slice %arg14[%mul3A_7, %dma_wait3A_211] : memref<10240x8xf32, #tpu.memory_space<vmem_shared>> -> memref<640x8xf32, #tpu.memory_space<vmem_shared>>
          tpu.wait_dma2 semaphore(%run_scoped3A_204 : memref<!tpu.dma_semaphore, #tpu.memory_space<semaphore_mem>>) src(%dma_wait3A_212 : memref<640x8xf32, #tpu.memory_space<vmem_shared>>) dst(%arg29 : memref<640x8xf32, #tpu.memory_space<vmem>>)
          tpu.yield
        }) : () -> ()
        "tpu.region"() ({
          %run_scoped3A_204 = tpu.sem_alloc : memref<!tpu.dma_semaphore, #tpu.memory_space<semaphore_mem>>
          %dma_start3A_205 = arith.constant 0 : i32
          %dma_start3A_206 = tpu.memref_slice %arg11[%mul3A_7, %dma_start3A_205] : memref<10240x8xf32, #tpu.memory_space<vmem_shared>> -> memref<640x8xf32, #tpu.memory_space<vmem_shared>>
          %dma_start3A_207 = arith.constant 0 : i32
          %dma_start3A_208 = tpu.memref_slice %arg11[%mul3A_7, %dma_start3A_207] : memref<10240x8xf32, #tpu.memory_space<vmem_shared>> -> memref<640x8xf32, #tpu.memory_space<vmem_shared>>
          tpu.enqueue_dma source(%arg29 : memref<640x8xf32, #tpu.memory_space<vmem>>) target(%dma_start3A_208 : memref<640x8xf32, #tpu.memory_space<vmem_shared>>) target_semaphore(%run_scoped3A_204 : memref<!tpu.dma_semaphore, #tpu.memory_space<semaphore_mem>>)
          %dma_wait3A_209 = arith.constant 0 : i32
          %dma_wait3A_210 = tpu.memref_slice %arg11[%mul3A_7, %dma_wait3A_209] : memref<10240x8xf32, #tpu.memory_space<vmem_shared>> -> memref<640x8xf32, #tpu.memory_space<vmem_shared>>
          %dma_wait3A_211 = arith.constant 0 : i32
          %dma_wait3A_212 = tpu.memref_slice %arg11[%mul3A_7, %dma_wait3A_211] : memref<10240x8xf32, #tpu.memory_space<vmem_shared>> -> memref<640x8xf32, #tpu.memory_space<vmem_shared>>
          tpu.wait_dma2 semaphore(%run_scoped3A_204 : memref<!tpu.dma_semaphore, #tpu.memory_space<semaphore_mem>>) src(%arg29 : memref<640x8xf32, #tpu.memory_space<vmem>>) dst(%dma_wait3A_212 : memref<640x8xf32, #tpu.memory_space<vmem_shared>>)
          tpu.yield
        }) : () -> ()
        %barrier3A_203 = arith.constant 0 : index
        tpu.barrier barrier_id(%barrier3A_203)
      }
      %scan3A_49 = arith.constant 16 : i32
      "tpu.region"() ({
        %run_scoped3A_50 = tpu.sem_alloc : memref<!tpu.dma_semaphore, #tpu.memory_space<semaphore_mem>>
        %dma_start3A = arith.constant 0 : i32
        %dma_start3A_51 = arith.constant 0 : i32
        %dma_start3A_52 = tpu.memref_slice %arg9[%arg1, %dma_start3A, %dma_start3A_51] : memref<16x160x128xf32, #tpu.memory_space<hbm>> -> memref<1x160x128xf32, #tpu.memory_space<hbm>>
        %dma_start3A_53 = tpu.memref_squeeze %dma_start3A_52 : memref<1x160x128xf32, #tpu.memory_space<hbm>> -> memref<160x128xf32, #tpu.memory_space<hbm>>
        %dma_start3A_54 = arith.constant 0 : i32
        %dma_start3A_55 = arith.constant 0 : i32
        %dma_start3A_56 = tpu.memref_slice %arg9[%arg1, %dma_start3A_54, %dma_start3A_55] : memref<16x160x128xf32, #tpu.memory_space<hbm>> -> memref<1x160x128xf32, #tpu.memory_space<hbm>>
        %dma_start3A_57 = tpu.memref_squeeze %dma_start3A_56 : memref<1x160x128xf32, #tpu.memory_space<hbm>> -> memref<160x128xf32, #tpu.memory_space<hbm>>
        tpu.enqueue_dma source(%arg17 : memref<160x128xf32, #tpu.memory_space<vmem>>) target(%dma_start3A_57 : memref<160x128xf32, #tpu.memory_space<hbm>>) target_semaphore(%run_scoped3A_50 : memref<!tpu.dma_semaphore, #tpu.memory_space<semaphore_mem>>)
        %dma_wait3A = arith.constant 0 : i32
        %dma_wait3A_58 = arith.constant 0 : i32
        %dma_wait3A_59 = tpu.memref_slice %arg9[%arg1, %dma_wait3A, %dma_wait3A_58] : memref<16x160x128xf32, #tpu.memory_space<hbm>> -> memref<1x160x128xf32, #tpu.memory_space<hbm>>
        %dma_wait3A_60 = tpu.memref_squeeze %dma_wait3A_59 : memref<1x160x128xf32, #tpu.memory_space<hbm>> -> memref<160x128xf32, #tpu.memory_space<hbm>>
        %dma_wait3A_61 = arith.constant 0 : i32
        %dma_wait3A_62 = arith.constant 0 : i32
        %dma_wait3A_63 = tpu.memref_slice %arg9[%arg1, %dma_wait3A_61, %dma_wait3A_62] : memref<16x160x128xf32, #tpu.memory_space<hbm>> -> memref<1x160x128xf32, #tpu.memory_space<hbm>>
        %dma_wait3A_64 = tpu.memref_squeeze %dma_wait3A_63 : memref<1x160x128xf32, #tpu.memory_space<hbm>> -> memref<160x128xf32, #tpu.memory_space<hbm>>
        tpu.wait_dma2 semaphore(%run_scoped3A_50 : memref<!tpu.dma_semaphore, #tpu.memory_space<semaphore_mem>>) src(%arg17 : memref<160x128xf32, #tpu.memory_space<vmem>>) dst(%dma_wait3A_64 : memref<160x128xf32, #tpu.memory_space<hbm>>)
        tpu.yield
      }) : () -> ()
    } else {
    }
    return
  }
}

module attributes {stable_mosaic.version = 14 : i64} {
  func.func @_readout_body(%arg0: i32, %arg1: i32, %arg2: memref<1x1280x8xf32, #tpu.memory_space<vmem>>, %arg3: memref<1000x1280xf32, #tpu.memory_space<vmem>>, %arg4: memref<1x1000xf32, #tpu.memory_space<vmem>>, %arg5: memref<1x1000x8xf32, #tpu.memory_space<vmem>>) attributes {dimension_semantics = [#tpu.dimension_semantics<arbitrary>, #tpu.dimension_semantics<arbitrary>], iteration_bounds = array<i64: 8, 8>, scalar_prefetch = 0 : i64, scratch_operands = 0 : i64, tpu.core_type = #tpu.core_type<tc>, window_params = [{transform_indices = @transform_0, window_bounds = array<i64: 1, 1280, 8>}, {transform_indices = @transform_1, window_bounds = array<i64: 1000, 1280>}, {pipeline_mode = #tpu.pipeline_mode<synchronous>, transform_indices = @transform_2, window_bounds = array<i64: 1, 1000>}, {transform_indices = @transform_3, window_bounds = array<i64: 1, 1000, 8>}]} {
    %get3A = arith.constant 0 : index
    %get3A_0 = arith.constant 0 : index
    %get3A_1 = arith.constant 0 : index
    %get3A_2 = vector.load %arg2[%get3A, %get3A_0, %get3A_1] : memref<1x1280x8xf32, #tpu.memory_space<vmem>>, vector<1x1280x8xf32>
    %get3A_3 = vector.shape_cast %get3A_2 : vector<1x1280x8xf32> to vector<1280x8xf32>
    %get3A_4 = arith.constant 0 : index
    %get3A_5 = arith.constant 0 : index
    %get3A_6 = vector.load %arg3[%get3A_4, %get3A_5] : memref<1000x1280xf32, #tpu.memory_space<vmem>>, vector<1000x1280xf32>
    %dot_general3A = arith.constant dense<0.000000e+00> : vector<1000x8xf32>
    %dot_general3A_7 = tpu.matmul %get3A_6, %get3A_3, %dot_general3A {dimension_numbers = #tpu.dot_dimension_numbers<[1], [0], [0], [1], [0, 0, 1, 1], [], []>, transpose_lhs_hint = false} : vector<1000x1280xf32>, vector<1280x8xf32>, vector<1000x8xf32> -> vector<1000x8xf32>
    %eq3A = arith.constant 0 : i32
    %eq3A_8 = arith.cmpi eq, %arg1, %eq3A : i32
    %convert_element_type3A = arith.extui %eq3A_8 : i1 to i32
    %cond3A = arith.constant 0 : i32
    %cond3A_9 = arith.cmpi ne, %convert_element_type3A, %cond3A : i32
    scf.if %cond3A_9 {
      %get3A_14 = arith.constant 0 : index
      %get3A_15 = arith.constant 0 : index
      %get3A_16 = vector.load %arg4[%get3A_14, %get3A_15] : memref<1x1000xf32, #tpu.memory_space<vmem>>, vector<1x1000xf32>
      %get3A_17 = vector.shape_cast %get3A_16 : vector<1x1000xf32> to vector<1000xf32>
      %broadcast_in_dim3A = vector.shape_cast %get3A_17 : vector<1000xf32> to vector<1000x1xf32>
      %add3A = vector.broadcast %broadcast_in_dim3A : vector<1000x1xf32> to vector<1000x8xf32>
      %add3A_18 = arith.addf %dot_general3A_7, %add3A : vector<1000x8xf32>
      %swap3A = arith.constant 0 : index
      %swap3A_19 = arith.constant 0 : index
      %swap3A_20 = arith.constant 0 : index
      %swap3A_21 = vector.load %arg5[%swap3A, %swap3A_19, %swap3A_20] : memref<1x1000x8xf32, #tpu.memory_space<vmem>>, vector<1x1000x8xf32>
      %swap3A_22 = vector.shape_cast %swap3A_21 : vector<1x1000x8xf32> to vector<1000x8xf32>
      %swap3A_23 = vector.shape_cast %add3A_18 : vector<1000x8xf32> to vector<1x1000x8xf32>
      tpu.vector_store %arg5[%swap3A, %swap3A_19, %swap3A_20], %swap3A_23 {strides = array<i32>} : memref<1x1000x8xf32, #tpu.memory_space<vmem>>, vector<1x1000x8xf32>,
    } else {
    }
    %gt3A = arith.constant 0 : i32
    %gt3A_10 = arith.cmpi sgt, %arg1, %gt3A : i32
    %convert_element_type3A_11 = arith.extui %gt3A_10 : i1 to i32
    %cond3A_12 = arith.constant 0 : i32
    %cond3A_13 = arith.cmpi ne, %convert_element_type3A_11, %cond3A_12 : i32
    scf.if %cond3A_13 {
      %get3A_14 = arith.constant 0 : index
      %get3A_15 = arith.constant 0 : index
      %get3A_16 = arith.constant 0 : index
      %get3A_17 = vector.load %arg5[%get3A_14, %get3A_15, %get3A_16] : memref<1x1000x8xf32, #tpu.memory_space<vmem>>, vector<1x1000x8xf32>
      %get3A_18 = vector.shape_cast %get3A_17 : vector<1x1000x8xf32> to vector<1000x8xf32>
      %add3A = arith.addf %get3A_18, %dot_general3A_7 : vector<1000x8xf32>
      %swap3A = arith.constant 0 : index
      %swap3A_19 = arith.constant 0 : index
      %swap3A_20 = arith.constant 0 : index
      %swap3A_21 = vector.load %arg5[%swap3A, %swap3A_19, %swap3A_20] : memref<1x1000x8xf32, #tpu.memory_space<vmem>>, vector<1x1000x8xf32>
      %swap3A_22 = vector.shape_cast %swap3A_21 : vector<1x1000x8xf32> to vector<1000x8xf32>
      %swap3A_23 = vector.shape_cast %add3A : vector<1000x8xf32> to vector<1x1000x8xf32>
      tpu.vector_store %arg5[%swap3A, %swap3A_19, %swap3A_20], %swap3A_23 {strides = array<i32>} : memref<1x1000x8xf32, #tpu.memory_space<vmem>>, vector<1x1000x8xf32>,
    } else {
    }
    return
  }
  func.func @transform_0(%arg0: i32, %arg1: i32) -> (i32, i32, i32) {
    %c0_i32 = arith.constant 0 : i32
    %c0_i32_0 = arith.constant 0 : i32
    return %arg0, %arg1, %c0_i32 : i32, i32, i32
  }
  func.func @transform_1(%arg0: i32, %arg1: i32) -> (i32, i32) {
    %c0_i32 = arith.constant 0 : i32
    %c0_i32_0 = arith.constant 0 : i32
    return %c0_i32, %arg1 : i32, i32
  }
  func.func @transform_2(%arg0: i32, %arg1: i32) -> (i32, i32) {
    %c0_i32 = arith.constant 0 : i32
    %c0_i32_0 = arith.constant 0 : i32
    %c0_i32_1 = arith.constant 0 : i32
    return %c0_i32, %c0_i32_0 : i32, i32
  }
  func.func @transform_3(%arg0: i32, %arg1: i32) -> (i32, i32, i32) {
    %c0_i32 = arith.constant 0 : i32
    %c0_i32_0 = arith.constant 0 : i32
    %c0_i32_1 = arith.constant 0 : i32
    return %arg0, %c0_i32, %c0_i32_0 : i32, i32, i32
  }
}

</mosaic_0001>

<sc_bundles>
// kernel: kernel.4.cloned.1.call-start
scs
__scs_entry_jumppad:
0x0: {  	(pc) =	sbr.rel $0x88, $3  }
0x1: {  	(tag) =	ssettag $0x0;
	lr =	simm.s32 $0x1  }
0x2: {  	[smem:$0x3F99] =	sst lr;
	_ =	strace $0xD0000000  }
0x3: {  	_ = 	snop  }
0x4: {  	_ = 	snop  }
0x5: {  	_ = 	snop  }
0x6: {  	_ = 	snop  }
0x7: {  	_ = 	snop  }
__scs_overlays_trampoline_lowered:
0x8: {  	[smem:$0x3FA8] =	sst s0  }
0x9: {  	[smem:$0x3FA9] =	sst s1  }
0xa: {  	[smem:$0x3FAA] =	sst s2  }
0xb: {  	[smem:$0x3FAB] =	sst s3  }
0xc: {  	[smem:$0x3FAC] =	sst s4  }
0xd: {  	[smem:$0x3FAD] =	sst s5  }
0xe: {  	[smem:$0x3FAE] =	sst s6  }
0xf: {  	[smem:$0x3FAF] =	sst s7  }
0x10: {  	[smem:$0x3FB0] =	sst s8  }
0x11: {  	[smem:$0x3FB1] =	sst s9;
	s0 =	simm.s32 @!p0 $0x0  }
0x12: {  	s1 =	sld [smem:$0x3F97];
	s0 =	simm.s32 @p0 $0x1  }
0x13: {  	[smem:$0x3FB2] =	sst s0;
	s0 =	simm.s32 @!p1 $0x0  }
0x14: {  	s2 =	sld [smem:$0x3F96];
	s0 =	simm.s32 @p1 $0x1  }
0x15: {  	[smem:$0x3FB3] =	sst s0;
	s0 =	simm.s32 @!p2 $0x0  }
0x16: {  	s3 =	sld [smem:$0x3FDB];
	s0 =	simm.s32 @p2 $0x1  }
0x17: {  	s4 =	simm.s32 $0x1BF5;
	[smem:$0x3FB5] =	sst s0  }
0x18: {  	s0 =	sld [smem:$0x3F98];
	_ =	swait.ge [sflag:s4], $0x0  }
0x19: {  	s7 =	sld [smem:$0x3F99]  }
0x1a: {  	s8 =	sadd.s32 $0xFFFFE003, lr  }
0x1b: {  	s9 =	sadd.s32 $0xFFFFFEF7, lr;
	s5 =	simm.s32 $0xFFFFFFFF;
	p2 =	slt.u32 s8, $0xFFFFF086  }
0x1c: {  	p1 =	slt.u32 s9, $0xF7A;
	s5 =	simm.s32 @!p2 $0x0  }
0x1d: {  	s5 =	simm.s32 @p1 $0x1;
	p0 =	seq.s32 s7, s2  }
0x1e: {  	s7 =	smul.u32 @!p0 $0xF7A, s2;
	p2 =	seq.s32 @!p0 s5, $0x0  }
0x1f: {  	s9 =	smul.u32 $0xF7A, s1;
	s8 =	simm.s32 @!p0 $0x1BF5;
	p2 =	por !p2, p0  }
0x20: {  	[sflag:s8] =	ssyncset.s32 @!p0 $0xFFFFF086;
	s6 =	sadd.s32 @!p0 s3, s7;
	s7 =	simm.s32 @!p0 $0x108  }
0x21: {  	s3 =	sadd.s32 s3, s9;
	s6 =	sadd.s32 @!p0 $0x88, s6;
	s7 =	simm.s32 @p2 $0x1082  }
0x22: {  	[simem:s7], [sflag:s8] =	dma.local @!p0 [hbm:s6], $0xF7A  }
0x23: {  	s9 =	sor.u32 $0xD0000000, s2;
	s6 =	simm.s32 $0x108;
	_ =	swait.ge @!p0 [sflag:s8], $0x0  }
0x24: {  	s3 =	sadd.s32 $0x88, s3;
	s6 =	simm.s32 @!p1 $0x1082;
	[sflag:s4] =	ssyncset.s32 $0xFFFFF086  }
0x25: {  	[simem:s6], [sflag:s4] =	dma.local [hbm:s3], $0xF7A  }
0x26: {  	[smem:$0x3F99] =	sst s1;
	(tag) =	ssettag s2;
	_ =	strace s9  }
0x27: {  	s1 =	sld [smem:$0x3FA9]  }
0x28: {  	s2 =	sld [smem:$0x3FAA]  }
0x29: {  	s4 =	sld [smem:$0x3FAC]  }
0x2a: {  	p0 =	seq.s32 s5, $0x0;
	s5 =	sld [smem:$0x3FAD]  }
0x2b: {  	s6 =	sld [smem:$0x3FAE]  }
0x2c: {  	s7 =	sld [smem:$0x3FAF]  }
0x2d: {  	s3 =	simm.s32 $0x108;
	s8 =	sld [smem:$0x3FB0]  }
0x2e: {  	s3 =	simm.s32 @!p0 $0x1082;
	s9 =	sld [smem:$0x3FB1]  }
0x2f: {  	lr =	sadd.s32 s0, s3;
	s0 =	sld [smem:$0x3FA8]  }
0x30: {  	s3 =	sld [smem:$0x3FAB]  }
0x31: {  	[smem:$0x3FB4] =	sst s10  }
0x32: {  	s10 =	sld [smem:$0x3FB2];
	_ =	sdelay $0x3  }
0x33: {  	p0 =	seq.s32 s10, $0x1;
	s10 =	sld [smem:$0x3FB4];
	_ =	sdelay $0x3  }
0x34: {  	[smem:$0x3FB4] =	sst s10  }
0x35: {  	s10 =	sld [smem:$0x3FB3];
	_ =	sdelay $0x3  }
0x36: {  	p1 =	seq.s32 s10, $0x1;
	s10 =	sld [smem:$0x3FB4];
	_ =	sdelay $0x3  }
0x37: {  	[smem:$0x3FB4] =	sst s10  }
0x38: {  	s10 =	sld [smem:$0x3FB5]  }
0x39: {  	_ = 	snop;
	(pc) =	sbr.ind lr, $3  }
0x3a: {  	_ = 	snop  }
0x3b: {  	_ = 	snop  }
0x3c: {  	p2 =	seq.s32 s10, $0x1;
	s10 =	sld [smem:$0x3FB4]  }
0x3d: {  	_ =	shalt  }
0x3e: {  	_ =	shalt  }
0x3f: {  	_ =	shalt  }
0x40: {  	_ =	shalt  }
0x41: {  	_ =	shalt  }
0x42: {  	_ =	shalt  }
0x43: {  	_ =	shalt  }
0x44: {  	_ =	shalt  }
0x45: {  	_ =	shalt  }
0x46: {  	_ =	shalt  }
0x47: {  	_ =	shalt  }
0x48: {  	_ =	shalt  }
0x49: {  	_ =	shalt  }
0x4a: {  	_ =	shalt  }
0x4b: {  	_ =	shalt  }
0x4c: {  	_ =	shalt  }
0x4d: {  	_ =	shalt  }
0x4e: {  	_ =	shalt  }
0x4f: {  	_ =	shalt  }
0x50: {  	_ =	shalt  }
0x51: {  	_ =	shalt  }
0x52: {  	_ =	shalt  }
0x53: {  	_ =	shalt  }
0x54: {  	_ =	shalt  }
0x55: {  	_ =	shalt  }
0x56: {  	_ =	shalt  }
0x57: {  	_ =	shalt  }
0x58: {  	_ =	shalt  }
0x59: {  	_ =	shalt  }
0x5a: {  	_ =	shalt  }
0x5b: {  	_ =	shalt  }
0x5c: {  	_ =	shalt  }
0x5d: {  	_ =	shalt  }
0x5e: {  	_ =	shalt  }
0x5f: {  	_ =	shalt  }
0x60: {  	_ =	shalt  }
0x61: {  	_ =	shalt  }
0x62: {  	_ =	shalt  }
0x63: {  	_ =	shalt  }
0x64: {  	_ =	shalt  }
0x65: {  	_ =	shalt  }
0x66: {  	_ =	shalt  }
0x67: {  	_ =	shalt  }
0x68: {  	_ =	shalt  }
0x69: {  	_ =	shalt  }
0x6a: {  	_ =	shalt  }
0x6b: {  	_ =	shalt  }
0x6c: {  	_ =	shalt  }
0x6d: {  	_ =	shalt  }
0x6e: {  	_ =	shalt  }
0x6f: {  	_ =	shalt  }
0x70: {  	_ =	shalt  }
0x71: {  	_ =	shalt  }
0x72: {  	_ =	shalt  }
0x73: {  	_ =	shalt  }
0x74: {  	_ =	shalt  }
0x75: {  	_ =	shalt  }
0x76: {  	_ =	shalt  }
0x77: {  	_ =	shalt  }
0x78: {  	_ =	shalt  }
0x79: {  	_ =	shalt  }
0x7a: {  	_ =	shalt  }
0x7b: {  	_ =	shalt  }
0x7c: {  	_ =	shalt  }
0x7d: {  	_ =	shalt  }
0x7e: {  	_ =	shalt  }
0x7f: {  	_ =	shalt  }
0x80: {  	_ =	shalt  }
0x81: {  	_ =	shalt  }
0x82: {  	_ =	shalt  }
0x83: {  	_ =	shalt  }
0x84: {  	_ =	shalt  }
0x85: {  	_ =	shalt  }
0x86: {  	_ =	shalt  }
0x87: {  	_ =	shalt  }
.Lfunc_end0:
.L_simem_size_0:
called_computation_lowered:
.L_overlay_start_0:
0x88: {  	s2 =	sld [smem:$0x3FD9]  }
0x89: {  	s3 =	sld [smem:$0x3FFE];
	_ =	sdelay $0x1  }
0x8a: {  	s1 =	srdreg.scid  }
0x8b: {  	s0 =	sand.u32 $0x1, s1  }
0x8c: {  	s16 =	sshll.u32 s0, $0xA;
	s2 =	sadd.s32 s3, s2  }
0x8d: {  	s2 =	sadd.s32 s2, s16  }
0x8e: {  	[smem:$0x3FC0] =	sst s2  }
0x8f: {  	_ = 	snop  }
0x90: {  	(tm) =	ssettm $0x1  }
0x91: {  	s17 =	sld [smem:$0x3FFB];
	_ =	sdelay $0x3  }
0x92: {  	_ =	strace s17  }
0x93: {  	s2 =	sld [smem:$0x3FFC];
	_ =	sdelay $0x3  }
0x94: {  	_ =	strace s2  }
0x95: {  	s2 =	sld [smem:$0x3FFD];
	_ =	sdelay $0x3  }
0x96: {  	_ =	strace s2  }
0x97: {  	_ =	strace $0x8FFFFFFF  }
0x98: {  	s18 =	sld [smem:$0x3FDB];
	_ =	sdelay $0x1  }
0x99: {  	s19 =	simm.s32 $_scs_section_size  }
0x9a: {  	s4 =	simm.s32 $_size__tile_overlayer_lowered;
	s5 =	simm.s32 $_tile_overlayer_lowered  }
0x9b: {  	s22 =	simm.s32 $0x1BFF;
	s21 =	sshll.u32 s5, $0x1;
	s2 =	sadd.s32 s19, s18  }
0x9c: {  	s6 =	simm.s32 $0x0;
	s20 =	sshll.u32 s4, $0x1;
	s4 =	sadd.s32 s21, s2  }
0x9d: {  	[timem:s6], [sflag:s22] =	dma.local [hbm:s4], s20  }
0x9e: {  	_ =	swait.ge [sflag:s22], s20  }
0x9f: {  	s3 =	ssub.s32 $0x0, s20;
	[sflag:s22] =	ssyncset.done $0x0  }
0xa0: {  	[sflag:s22] =	ssyncadd.s32 s3;
	_ =	sdelay $0x1  }
0xa1: {  	s23 =	simm.s32 $0x1B8B  }
0xa2: {  	_ =	swait.ge [sflag:s23], $0x1  }
0xa3: {  	[sflag:s23] =	ssyncset.done $0x0  }
0xa4: {  	s25 =	simm.s32 $0x1B8E;
	s24 =	sld [smem:$0x3FFE];
	[sflag:s23] =	ssyncadd.s32 $0xFFFFFFFF  }
0xa5: {  	s26 =	simm.s32 $execute0_lowered;
	[smem:$0x3FD2] =	sst s25  }
0xa6: {  	s4 =	sshll.u32 s26, $0x1;
	_ =	strace $0x80000046;
	[dreg:$0x1] =	wrdreg $0xFFFFFFFF  }
0xa7: {  	s28 =	simm.s32 $_size_execute0_lowered;
	s2 =	sadd.s32 s2, s4;
	[dreg:$0x0] =	wrdreg $0x0  }
0xa8: {  	s4 =	sshll.u32 s28, $0x1;
	[dreg:$0x2] =	wrdreg s2  }
0xa9: {  	[dreg:$0x3] =	wrdreg s4  }
0xaa: {  	[dreg:$0x4] =	wrdreg $0xC0  }
0xab: {  	_ =	task [dreg:s6], $0x5FFFF  }
0xac: {  	[dreg:$0x1] =	wrdreg $0xFFFFFFFF  }
0xad: {  	[dreg:$0x0] =	wrdreg $0x60  }
0xae: {  	[dreg:$0x2] =	wrdreg s24  }
0xaf: {  	[dreg:$0x3] =	wrdreg $0x14000  }
0xb0: {  	[dreg:$0x4] =	wrdreg $0x28000  }
0xb1: {  	[dreg:$0x5] =	wrdreg $0x0  }
0xb2: {  	[dreg:$0x6] =	wrdreg $0x50000  }
0xb3: {  	[dreg:$0x7] =	wrdreg $0x3C000  }
0xb4: {  	[dreg:$0x8] =	wrdreg $0x9  }
0xb5: {  	_ =	task.clear_ibuf [dreg:s6], $0x9FFFF;
	_ =	strace $0x90000046  }
0xb6: {  	s29 =	simm.s32 $0x9;
	_ =	strace $0x80000048  }
0xb7: {  	_ =	swait.ge [sflag:s29], $0x1  }
0xb8: {  	[sflag:s29] =	ssyncadd.s32 $0xFFFFFFFF  }
0xb9: {  	_ =	strace $0x90000048  }
0xba: {  	_ =	sfence  }
0xbb: {  	s30 =	sld [smem:$0x0];
	_ =	sdelay $0x2  }
0xbc: {  	s31 =	sshll.u32 s1, $0xD;
	s1 =	sshrl.u32 s1, $0x2  }
0xbd: {  	s3 =	sand.u32 $0x4000, s31;
	s1 =	sadd.s32 s1, s30  }
0xbe: {  	s0 =	sor.u32 s3, s0;
	s1 =	sshll.u32 s1, $0x11  }
0xbf: {  	s0 =	sor.u32 s1, s0  }
0xc0: {  	s0 =	sadd.s32 $0x8F2B, s0  }
0xc1: {  	[sflag:s0] =	ssyncadd.remote.s32 $0x1  }
0xc2: {  	_ =	sfence.sel $0xFFFF  }
0xc3: {  	[dreg:$0x0] =	wrdreg $0xFFFFFFFF;
	(pc) =	sbr.abs _section_cstart, $3  }
0xc4: {  	[dreg:$0x1] =	wrdreg $0xFFFFFFFF  }
0xc5: {  	_ =	task.clear_ibuf [dreg:s6], $0x2FFFF;
	_ =	strace $0x9FFFFFFF  }
0xc6: {  	(tm) =	ssettm $0x7FFFFFFF  }
0xc7: {  	_ =	shalt  }
tec
execute0_lowered:
.L_overlay_start_1:
0x0: {  	(tag) =	ssettag $0x1  }
0x1: {  	s0 =	rddreg [dreg:$0x0];
	s7 =	srdreg.scid  }
0x2: {  	s2 =	rddreg [dreg:$0x1];
	s7 =	sand.u32 $0x1, s7  }
0x3: {  	s3 =	rddreg [dreg:$0x2];
	p0 =	seq.s32 s7, $0x1  }
.Ltmp0:
0x4: {  	s4 =	rddreg [dreg:$0x3];
	(pc) =	sbr.rel @p0 .LBB2_35-.Ltmp0, $4  }
0x5: {  	s5 =	rddreg [dreg:$0x4]  }
0x6: {  	s12 =	rddreg [dreg:$0x5];
	s1 =	simm.s32 $0x0  }
0x7: {  	[smem:$0x7FF] =	sst s1  }
0x8: {  	s6 =	rddreg [dreg:$0x6];
	s9 =	stileid.u32;
	_ =	strace $0x80000047  }
0x9: {  	s7 =	smul.u32 $0xA00, s9;
	s6 =	sadd.s32 $0x140C00, s0;
	s8 =	sadd.s32 $0x28C00, s0  }
0xa: {  	s14 =	smul.u32 $0x1400, s9;
	s19 =	sadd.s32 $0x1EC00, s0;
	s10 =	sadd.s32 $0x32C00, s0  }
0xb: {  	s11 =	simm.s32 $0x6400;
	s23 =	simm.s32 $0x5;
	[dreg:$0x9] =	wrdreg s10  }
0xc: {  	s26 =	simm.s32 $0xB400;
	[dreg:$0x7] =	wrdreg s6;
	s20 =	sadd.s32 s7, s0  }
0xd: {  	s21 =	sshrl.u32 s14, $0x3;
	s8 =	sadd.s32 s8, s7;
	s22 =	sadd.s32 s14, s2  }
0xe: {  	[tilespmem:s11], [sflag:$0x5] =	stream.linear.gather [hbm4b:s8+s1], $0x5000, $0x38;
	[tilespmem:$0x1F000] =	vst v63  }
0xf: {  	s24 =	sadd.s32 s14, s3;
	s15 =	sadd.s32 s14, s5;
	[dreg:$0xa] =	wrdreg s22  }
0x10: {  	s7 =	sadd.s32 s19, s7;
	s30 =	sadd.s32 s14, s12;
	[dreg:$0xb] =	wrdreg s24  }
0x11: {  	s0 =	sadd.s32 s6, s21;
	s25 =	sadd.s32 $0x14C00, s20;
	_ =	swait.ge [sflag:s23], $0x5000  }
0x12: {  	s28 =	sadd.s32 $0xAC00, s20;
	[dreg:$0xd] =	wrdreg s25;
	[sflag:s23] =	ssyncset.done $0x0  }
0x13: {  	s11 =	sadd.s32 s14, s4;
	[dreg:$0xf] =	wrdreg s28;
	[sflag:s23] =	ssyncadd.s32 $0xFFFFB000  }
0x14: {  	[tilespmem:s26], [sflag:$0x5] =	stream.linear.gather [hbm4b:s7+s1], $0x5000, $0x38;
	[tilespmem:$0x1F000] =	vst v63  }
0x15: {  	s29 =	sadd.s32 $0xC00, s20;
	s31 =	sadd.s32 $0x46C00, s20;
	_ =	swait.ge [sflag:s23], $0x5000  }
0x16: {  	s8 =	simm.s32 $0x0;
	[dreg:$0x12] =	wrdreg s29;
	[sflag:s23] =	ssyncset.done $0x0  }
0x17: {  	v0 =	vlaneseq.u32;
	v1 =	vimm.f32 $0.0e+00;
	s7 =	simm.s32 $0x10400;
	[dreg:$0x10] =	wrdreg s31;
	[sflag:s23] =	ssyncadd.s32 $0xFFFFB000  }
.LBB2_2:
0x18: {  	s9 =	sshll.u32 s8, $0x4  }
0x19: {  	s10 =	sand.u32 $0x70, s1;
	s9 =	sand.u32 $0xFFFFFF80, s9  }
0x1a: {  	s9 =	sor.u32 s10, s9  }
0x1b: {  	p0 =	sne.s32 s8, $0x4FF;
	v2 =	vor.u32 s9, v0  }
.Ltmp1:
0x1c: {  	_ = 	snop;
	(pc) =	sbr.rel @p0 .LBB2_2-.Ltmp1, $2  }
0x1d: {  	_ =	sdelay $0x2  }
0x1e: {  	s1 =	sadd.s32 $0x10, s1;
	s8 =	sadd.s32 $0x1, s8;
	[tilespmem:v2+s7+$0x0] =	vst.idx.msk $0xffff, v1  }
0x1f: {  	v1 =	vlaneseq.u32  }
0x20: {  	s1 =	simm.s32 $0x0;
	v0 =	vshrl.u32 v1, $0x3  }
0x21: {  	v2 =	vmov s1;
	v0 =	vmul.u32 $0x8, v0  }
0x22: {  	v2 =	vshll.u32 v2, $0x3  }
0x23: {  	v1 =	vand.u32 $0x7, v1;
	v3 =	vor.u32 v0, v2  }
0x24: {  	s7 =	simm.s32 $0x2;
	s1 =	simm.s32 $0x1C800;
	v2 =	vimm.f32 $0.0e+00;
	v3 =	vor.u32 v1, v3  }
.LBB2_4:
0x25: {  	p0 =	sne.s32 s7, $0x27E  }
.Ltmp2:
0x26: {  	_ = 	snop;
	(pc) =	sbr.rel @p0 .LBB2_4-.Ltmp2, $4  }
0x27: {  	v4 =	vmov s7  }
0x28: {  	v4 =	vshll.u32 v4, $0x3  }
0x29: {  	v4 =	vor.u32 v0, v4  }
0x2a: {  	s7 =	sadd.s32 $0x2, s7;
	[tilespmem:v3+s1+$0x0] =	vst.idx.msk $0xffff, v2;
	v3 =	vor.u32 v1, v4  }
0x2b: {  	_ =	sdelay $0x3  }
0x2c: {  	[tilespmem:v3+s1+$0x0] =	vst.idx.msk $0xffff, v2;
	s23 =	simm.s32 $0x0;
	s20 =	simm.s32 $0x1DC00;
	s12 =	simm.s32 $0x5  }
0x2d: {  	[tilespmem:s20], [sflag:$0x5] =	stream.linear.gather [hbm4b:s0+s23], $0x1400, $0x38;
	[tilespmem:$0x1F000] =	vst v63  }
0x2e: {  	_ =	swait.ge [sflag:s12], $0x1400  }
0x2f: {  	[sflag:s12] =	ssyncset.done $0x0  }
0x30: {  	s24 =	rddreg [dreg:$0xa];
	[sflag:s12] =	ssyncadd.s32 $0xFFFFEC00  }
0x31: {  	[spmem:s24] =	stream.linear.scatter [tilespmem:s20], [sflag:$0x5], $0x1400, $0x38;
	[tilespmem:$0x1F000] =	vst v63  }
0x32: {  	_ =	swait.ge [sflag:s12], $0x1400  }
0x33: {  	[sflag:s12] =	ssyncset.done $0x0  }
0x34: {  	s25 =	simm.s32 $0x1C800;
	s26 =	rddreg [dreg:$0xb];
	[sflag:s12] =	ssyncadd.s32 $0xFFFFEC00  }
0x35: {  	[spmem:s26] =	stream.linear.scatter [tilespmem:s25], [sflag:$0x5], $0x1400, $0x38;
	[tilespmem:$0x1F000] =	vst v63  }
0x36: {  	_ =	swait.ge [sflag:s12], $0x1400  }
0x37: {  	s29 =	simm.s32 $0x1B400;
	[sflag:s12] =	ssyncset.done $0x0  }
0x38: {  	s31 =	simm.s32 $0x1A800;
	s1 =	simm.s32 $0x1B800;
	[sflag:s12] =	ssyncadd.s32 $0xFFFFEC00  }
0x39: {  	v0 =	vlaneseq.u32;
	s28 =	simm.s32 $0x1;
	s16 =	simm.s32 $0x1BC00;
	[bflag:$0x0] =	sbarrier.arrive $0xFFFF  }
0x3a: {  	s19 =	simm.s32 $0x1C400;
	s9 =	simm.s32 $0x2;
	v1 =	vshrl.u32 v0, $0x3;
	[dreg:$0x8] =	wrdreg s14  }
0x3b: {  	s13 =	simm.s32 $0x1C000;
	s6 =	simm.s32 $0x0;
	v9 =	vmul.u32 $0x8, v0;
	v2 =	vor.u32 $0x2, v1;
	[dreg:$0xc] =	wrdreg s11  }
0x3c: {  	s23 =	simm.s32 $0x80;
	s0 =	simm.s32 $0x1B000;
	v3 =	vor.u32 $0x4, v1;
	v4 =	vor.u32 $0x6, v1;
	v5 =	vor.u32 $0x8, v1;
	[dreg:$0xe] =	wrdreg s15  }
0x3d: {  	v6 =	vor.u32 $0xA, v1;
	v7 =	vor.u32 $0xC, v1;
	v8 =	vor.u32 $0xE, v1;
	s25 =	simm.s32 $0x1A400;
	s26 =	simm.s32 $0x1AC00;
	[dreg:$0x11] =	wrdreg s30  }
.LBB2_6:
0x3e: {  	s7 =	sand.u32 $0x1, s6  }
0x3f: {  	[dreg:$0x13] =	wrdreg s6;
	s6 =	sshrl.u32 s6, $0x1;
	p0 =	seq.s32 s7, $0x1  }
0x40: {  	[dreg:$0x15] =	wrdreg s7;
	s7 =	smul.u32 @!p0 $0x14000, s6  }
0x41: {  	_ = 	snop  }
0x42: {  	[dreg:$0x14] =	wrdreg s6;
	s7 =	sadd.s32 @!p0 s14, s7  }
0x43: {  	s6 =	rddreg [dreg:$0x7];
	s7 =	sshrl.u32 @!p0 s7, $0x3  }
0x44: {  	s8 =	simm.s32 @!p0 $0x0;
	s10 =	simm.s32 @!p0 $0x1DC00;
	s7 =	sadd.s32 @!p0 s6, s7  }
0x45: {  	[tilespmem:s10], [sflag:$0x5] =	stream.linear.gather @!p0 [hbm4b:s7+s8], $0x1400, $0x38;
	[tilespmem:$0x1F000] =	vst v63  }
0x46: {  	s7 =	simm.s32 @!p0 $0x5  }
0x47: {  	_ =	swait.ge @!p0 [sflag:s7], $0x1400  }
0x48: {  	[sflag:s7] =	ssyncset.done @!p0 $0x0  }
0x49: {  	[sflag:s7] =	ssyncadd.s32 @!p0 $0xFFFFEC00  }
0x4a: {  	[spmem:s11] =	stream.linear.scatter @!p0 [tilespmem:s10], [sflag:$0x5], $0x1400, $0x38;
	[tilespmem:$0x1F000] =	vst v63  }
0x4b: {  	_ =	swait.ge @!p0 [sflag:s7], $0x1400  }
0x4c: {  	[sflag:s7] =	ssyncset.done @!p0 $0x0  }
0x4d: {  	[sflag:s7] =	ssyncadd.s32 @!p0 $0xFFFFEC00  }
0x4e: {  	[bflag:$0x0] =	sbarrier.arrive $0xFFFF  }
0x4f: {  	s22 =	simm.s32 $0x15400;
	s14 =	simm.s32 $0x0;
	s11 =	rddreg [dreg:$0xd]  }
0x50: {  	[tilespmem:s22], [sflag:$0x5] =	stream.linear.gather [hbm4b:s11+s14], $0x5000, $0x38;
	[tilespmem:$0x1F000] =	vst v63  }
0x51: {  	_ =	swait.ge [sflag:s12], $0x5000  }
0x52: {  	[sflag:s12] =	ssyncset.done $0x0  }
0x53: {  	s17 =	simm.s32 $0x1C800;
	[sflag:s12] =	ssyncadd.s32 $0xFFFFB000  }
0x54: {  	[spmem:s15] =	stream.linear.scatter [tilespmem:s17], [sflag:$0x5], $0x1400, $0x38;
	[tilespmem:$0x1F000] =	vst v63  }
0x55: {  	_ =	swait.ge [sflag:s12], $0x1400  }
0x56: {  	[sflag:s12] =	ssyncset.done $0x0  }
0x57: {  	s18 =	simm.s32 $0x6400;
	[sflag:s12] =	ssyncadd.s32 $0xFFFFEC00  }
0x58: {  	[tilespmem:s25], [sflag:$0x1] =	stream.indirect.gather [spmem:s4], $0x8, s18, s23, $0xb8;
	[tilespmem:$0x1F000] =	vst v63  }
0x59: {  	_ = 	snop  }
0x5a: {  	[tilespmem:s26], [sflag:$0x1] =	stream.indirect.gather [spmem:s2], $0x8, s18, s23, $0xb8;
	[tilespmem:$0x1F000] =	vst v63  }
0x5b: {  	s21 =	simm.s32 $0xB400  }
0x5c: {  	[tilespmem:s29], [sflag:$0x1] =	stream.indirect.gather [spmem:s4], $0x8, s21, s23, $0xb8;
	[tilespmem:$0x1F000] =	vst v63  }
0x5d: {  	s24 =	simm.s32 $0x6480  }
0x5e: {  	[tilespmem:s31], [sflag:$0x2] =	stream.indirect.gather [spmem:s4], $0x8, s24, s23, $0xb8;
	[tilespmem:$0x1F000] =	vst v63  }
0x5f: {  	s30 =	simm.s32 $0xB480;
	s14 =	simm.s32 $0x10480  }
0x60: {  	[tilespmem:s0], [sflag:$0x2] =	stream.indirect.gather [spmem:s2], $0x8, s24, s23, $0xb8;
	[tilespmem:$0x1F000] =	vst v63  }
0x61: {  	s17 =	simm.s32 $0x15480;
	s18 =	simm.s32 $0x10400;
	s24 =	simm.s32 $0x0  }
0x62: {  	[tilespmem:s1], [sflag:$0x2] =	stream.indirect.gather [spmem:s4], $0x8, s30, s23, $0xb8;
	[tilespmem:$0x1F000] =	vst v63  }
.LBB2_7:
0x63: {  	_ =	swait.ge [sflag:s28], $0x400  }
0x64: {  	[sflag:s28] =	ssyncset.done $0x0  }
0x65: {  	[sflag:s28] =	ssyncadd.s32 $0xFFFFFC00  }
0x66: {  	_ =	swait.ge [sflag:s28], $0x400  }
0x67: {  	[sflag:s28] =	ssyncset.done $0x0  }
0x68: {  	[sflag:s28] =	ssyncadd.s32 $0xFFFFFC00  }
0x69: {  	p0 =	seq.s32 s24, $0x0;
	s8 =	sshll.u32 s24, $0x1;
	_ =	swait.ge [sflag:s28], $0x400  }
0x6a: {  	s10 =	sshll.u32 s24, $0xA;
	s21 =	simm.s32 $0x0;
	[sflag:s28] =	ssyncset.done $0x0  }
0x6b: {  	s30 =	simm.s32 $0x70;
	s7 =	simm.s32 @!p0 $0x3;
	v13 =	vor.u32 s21, v0;
	[sflag:s28] =	ssyncadd.s32 $0xFFFFFC00  }
0x6c: {  	s15 =	simm.s32 $0x30;
	s12 =	simm.s32 $0x20;
	_ =	swait.ge @!p0 [sflag:s7], $0x400  }
0x6d: {  	s11 =	simm.s32 $0xF0;
	v10 =	vor.u32 s15, v0;
	s15 =	simm.s32 $0x10;
	[sflag:s7] =	ssyncset.done @!p0 $0x0  }
0x6e: {  	v11 =	vor.u32 s12, v0;
	s12 =	smov.u32 s18;
	v12 =	vor.u32 s15, v0;
	s15 =	smov.u32 s18;
	[sflag:s7] =	ssyncadd.s32 @!p0 $0xFFFFFC00  }
.LBB2_8:
0x6f: {  	p1 =	seq.s32 s11, $0x3F0  }
0x70: {  	v14 =	vld.idx.msk [tilespmem:v13+s25+$0x0], $0xffff;
	s15 =	sadd.s32 $0x10, s15;
	s7 =	smov.u32 s11;
	s11 =	sadd.s32 $0x80, s11  }
0x71: {  	s21 =	sadd.s32 $0xFFFFFFC0, s7;
	v15 =	vld.idx.msk [tilespmem:v13+s29+$0x0], $0xffff  }
0x72: {  	s6 =	sadd.s32 $0xFFFFFFB0, s7;
	v16 =	vor.u32 s21, v0;
	v17 =	vld.idx.msk [tilespmem:v13+s26+$0x0], $0xffff  }
0x73: {  	v18 =	vor.u32 s6, v0;
	v19 =	vld.idx.msk [tilespmem:v10+s29+$0x0], $0xffff  }
0x74: {  	s6 =	sadd.s32 $0xFFFFFF90, s7;
	v20 =	vld [tilespmem:s12+$0x0];
	s12 =	smov.u32 s15  }
0x75: {  	v21 =	vor.u32 s6, v0;
	v22 =	vld.idx.msk [tilespmem:v11+s25+$0x0], $0xffff  }
0x76: {  	v23 =	vld.idx.msk [tilespmem:v12+s29+$0x0], $0xffff  }
0x77: {  	s6 =	sadd.s32 $0xFFFFFFA0, s7;
	v24 =	vld.idx.msk [tilespmem:v12+s25+$0x0], $0xffff  }
0x78: {  	v25 =	vor.u32 s6, v0;
	v26 =	vld.idx.msk [tilespmem:v12+s26+$0x0], $0xffff  }
0x79: {  	v27 =	vld.idx.msk [tilespmem:v11+s29+$0x0], $0xffff;
	v28 =	vperm.xlane v20, v1;
	v29 =	vperm.xlane v20, v4  }
0x7a: {  	v31 =	vperm.xlane v20, v2;
	v32 =	vperm.xlane v20, v3;
	v30 =	vld.idx.msk [tilespmem:v11+s26+$0x0], $0xffff  }
0x7b: {  	v15 =	vmul.f32 v15, v17;
	v33 =	vld.idx.msk [tilespmem:v10+s25+$0x0], $0xffff;
	v14 =	vmul.f32 v28, v14  }
0x7c: {  	v22 =	vmul.f32 v32, v22;
	v17 =	vld.idx.msk [tilespmem:v10+s26+$0x0], $0xffff  }
0x7d: {  	[tilespmem:v13+s16+$0x0] =	vst.idx.msk $0xffff, v14;
	v14 =	vmul.f32 v31, v24  }
0x7e: {  	[tilespmem:v13+s19+$0x0] =	vst.idx.msk $0xffff, v15;
	v15 =	vmul.f32 v23, v26;
	v13 =	vmov v21  }
0x7f: {  	s6 =	sadd.s32 $0xFFFFFFF0, s30;
	[tilespmem:v12+s16+$0x0] =	vst.idx.msk $0xffff, v14  }
0x80: {  	s21 =	sadd.s32 $0xFFFFFFE0, s30;
	v14 =	vmul.f32 v27, v30;
	[tilespmem:v12+s19+$0x0] =	vst.idx.msk $0xffff, v15;
	v15 =	vor.u32 s6, v0;
	v12 =	vmov v25  }
0x81: {  	v21 =	vmul.f32 v29, v33;
	[tilespmem:v11+s16+$0x0] =	vst.idx.msk $0xffff, v22;
	v22 =	vor.u32 s21, v0  }
0x82: {  	s6 =	sadd.s32 $0xFFFFFFD0, s30;
	[tilespmem:v11+s19+$0x0] =	vst.idx.msk $0xffff, v14;
	v14 =	vmul.f32 v19, v17;
	v11 =	vmov v18  }
0x83: {  	v17 =	vor.u32 s6, v0;
	[tilespmem:v10+s16+$0x0] =	vst.idx.msk $0xffff, v21  }
0x84: {  	[tilespmem:v10+s19+$0x0] =	vst.idx.msk $0xffff, v14;
	v10 =	vmov v16  }
0x85: {  	v14 =	vld.idx.msk [tilespmem:v15+s26+$0x0], $0xffff  }
0x86: {  	v16 =	vld.idx.msk [tilespmem:v22+s26+$0x0], $0xffff  }
0x87: {  	v18 =	vld.idx.msk [tilespmem:v15+s29+$0x0], $0xffff  }
0x88: {  	v19 =	vld.idx.msk [tilespmem:v17+s26+$0x0], $0xffff  }
0x89: {  	v23 =	vor.u32 s30, v0;
	s30 =	smov.u32 s7;
	v21 =	vld.idx.msk [tilespmem:v17+s25+$0x0], $0xffff  }
0x8a: {  	v24 =	vld.idx.msk [tilespmem:v17+s29+$0x0], $0xffff  }
0x8b: {  	v25 =	vld.idx.msk [tilespmem:v22+s25+$0x0], $0xffff  }
0x8c: {  	v26 =	vld.idx.msk [tilespmem:v22+s29+$0x0], $0xffff  }
0x8d: {  	v28 =	vperm.xlane v20, v5;
	v27 =	vld.idx.msk [tilespmem:v15+s25+$0x0], $0xffff  }
0x8e: {  	v29 =	vld.idx.msk [tilespmem:v23+s25+$0x0], $0xffff  }
0x8f: {  	v21 =	vmul.f32 v28, v21;
	v28 =	vperm.xlane v20, v6;
	v30 =	vld.idx.msk [tilespmem:v23+s26+$0x0], $0xffff  }
0x90: {  	v19 =	vmul.f32 v24, v19;
	v31 =	vld.idx.msk [tilespmem:v23+s29+$0x0], $0xffff  }
0x91: {  	v24 =	vperm.xlane v20, v7;
	[tilespmem:v17+s16+$0x0] =	vst.idx.msk $0xffff, v21;
	v21 =	vmul.f32 v28, v25  }
0x92: {  	v16 =	vmul.f32 v26, v16;
	[tilespmem:v17+s19+$0x0] =	vst.idx.msk $0xffff, v19  }
0x93: {  	v17 =	vmul.f32 v24, v27;
	v19 =	vperm.xlane v20, v8;
	[tilespmem:v22+s16+$0x0] =	vst.idx.msk $0xffff, v21  }
.Ltmp3:
0x94: {  	v14 =	vmul.f32 v18, v14;
	[tilespmem:v22+s19+$0x0] =	vst.idx.msk $0xffff, v16;
	(pc) =	sbr.rel @!p1 .LBB2_8-.Ltmp3, $4  }
0x95: {  	v16 =	vmul.f32 v19, v29;
	[tilespmem:v15+s16+$0x0] =	vst.idx.msk $0xffff, v17  }
0x96: {  	[tilespmem:v15+s19+$0x0] =	vst.idx.msk $0xffff, v14;
	v14 =	vmul.f32 v31, v30  }
0x97: {  	[tilespmem:v23+s16+$0x0] =	vst.idx.msk $0xffff, v16  }
0x98: {  	[tilespmem:v23+s19+$0x0] =	vst.idx.msk $0xffff, v14  }
0x99: {  	_ =	sdelay $0x3  }
0x9a: {  	v14 =	vld.idx.msk [tilespmem:v13+s25+$0x0], $0xffff  }
0x9b: {  	v15 =	vld.idx.msk [tilespmem:v13+s29+$0x0], $0xffff  }
0x9c: {  	v16 =	vld.idx.msk [tilespmem:v13+s26+$0x0], $0xffff  }
0x9d: {  	v18 =	vld [tilespmem:s12+$0x0]  }
0x9e: {  	v17 =	vld.idx.msk [tilespmem:v10+s29+$0x0], $0xffff  }
0x9f: {  	v19 =	vld.idx.msk [tilespmem:v11+s25+$0x0], $0xffff  }
0xa0: {  	v20 =	vld.idx.msk [tilespmem:v12+s29+$0x0], $0xffff  }
0xa1: {  	v21 =	vld.idx.msk [tilespmem:v12+s25+$0x0], $0xffff  }
0xa2: {  	v22 =	vld.idx.msk [tilespmem:v12+s26+$0x0], $0xffff;
	v24 =	vperm.xlane v18, v1  }
0xa3: {  	v23 =	vld.idx.msk [tilespmem:v11+s29+$0x0], $0xffff  }
0xa4: {  	v25 =	vld.idx.msk [tilespmem:v11+s26+$0x0], $0xffff;
	v26 =	vperm.xlane v18, v2;
	v14 =	vmul.f32 v24, v14  }
0xa5: {  	v27 =	vld.idx.msk [tilespmem:v10+s25+$0x0], $0xffff;
	v15 =	vmul.f32 v15, v16  }
0xa6: {  	v45 =	vld.idx.msk [tilespmem:v10+s26+$0x0], $0xffff;
	v46 =	vperm.xlane v18, v3;
	[tilespmem:v13+s16+$0x0] =	vst.idx.msk $0xffff, v14;
	v14 =	vmul.f32 v26, v21  }
0xa7: {  	[tilespmem:v13+s19+$0x0] =	vst.idx.msk $0xffff, v15;
	v13 =	vmul.f32 v20, v22  }
0xa8: {  	s6 =	sadd.s32 $0xFFFFFFF0, s30;
	v19 =	vmul.f32 v46, v19;
	v15 =	vperm.xlane v18, v4;
	[tilespmem:v12+s16+$0x0] =	vst.idx.msk $0xffff, v14  }
0xa9: {  	s7 =	sadd.s32 $0xFFFFFFE0, s30;
	[tilespmem:v12+s19+$0x0] =	vst.idx.msk $0xffff, v13;
	v12 =	vmul.f32 v23, v25;
	v13 =	vor.u32 s6, v0  }
0xaa: {  	v14 =	vmul.f32 v15, v27;
	v15 =	vor.u32 s7, v0;
	[tilespmem:v11+s16+$0x0] =	vst.idx.msk $0xffff, v19  }
0xab: {  	s12 =	sadd.s32 $0xFFFFFFD0, s30;
	[tilespmem:v11+s19+$0x0] =	vst.idx.msk $0xffff, v12;
	v11 =	vmul.f32 v17, v45  }
0xac: {  	v12 =	vor.u32 s12, v0;
	[tilespmem:v10+s16+$0x0] =	vst.idx.msk $0xffff, v14  }
0xad: {  	[tilespmem:v10+s19+$0x0] =	vst.idx.msk $0xffff, v11  }
0xae: {  	v10 =	vld.idx.msk [tilespmem:v13+s26+$0x0], $0xffff  }
0xaf: {  	v11 =	vld.idx.msk [tilespmem:v15+s26+$0x0], $0xffff  }
0xb0: {  	v14 =	vld.idx.msk [tilespmem:v13+s29+$0x0], $0xffff  }
0xb1: {  	v47 =	vld.idx.msk [tilespmem:v12+s26+$0x0], $0xffff  }
0xb2: {  	v49 =	vor.u32 s30, v0;
	v48 =	vld.idx.msk [tilespmem:v12+s25+$0x0], $0xffff  }
0xb3: {  	v50 =	vld.idx.msk [tilespmem:v12+s29+$0x0], $0xffff  }
0xb4: {  	v51 =	vld.idx.msk [tilespmem:v15+s25+$0x0], $0xffff  }
0xb5: {  	v54 =	vperm.xlane v18, v5;
	v52 =	vld.idx.msk [tilespmem:v15+s29+$0x0], $0xffff  }
0xb6: {  	v53 =	vld.idx.msk [tilespmem:v13+s25+$0x0], $0xffff  }
0xb7: {  	v57 =	vperm.xlane v18, v6;
	v55 =	vld.idx.msk [tilespmem:v49+s25+$0x0], $0xffff;
	v17 =	vmul.f32 v54, v48  }
0xb8: {  	v56 =	vld.idx.msk [tilespmem:v49+s26+$0x0], $0xffff;
	v16 =	vmul.f32 v50, v47  }
0xb9: {  	v60 =	vperm.xlane v18, v7;
	v58 =	vld.idx.msk [tilespmem:v49+s29+$0x0], $0xffff;
	v59 =	vmul.f32 v57, v51;
	[tilespmem:v12+s16+$0x0] =	vst.idx.msk $0xffff, v17  }
0xba: {  	v11 =	vmul.f32 v52, v11;
	[tilespmem:v12+s19+$0x0] =	vst.idx.msk $0xffff, v16  }
0xbb: {  	v61 =	vperm.xlane v18, v8;
	v12 =	vmul.f32 v60, v53;
	[tilespmem:v15+s16+$0x0] =	vst.idx.msk $0xffff, v59  }
0xbc: {  	v10 =	vmul.f32 v14, v10;
	[tilespmem:v15+s19+$0x0] =	vst.idx.msk $0xffff, v11  }
0xbd: {  	v11 =	vmul.f32 v61, v55;
	[tilespmem:v13+s16+$0x0] =	vst.idx.msk $0xffff, v12  }
0xbe: {  	[tilespmem:v13+s19+$0x0] =	vst.idx.msk $0xffff, v10;
	v10 =	vmul.f32 v58, v56  }
0xbf: {  	s15 =	simm.s32 $0x0;
	[tilespmem:v49+s16+$0x0] =	vst.idx.msk $0xffff, v11  }
0xc0: {  	[tilespmem:v49+s19+$0x0] =	vst.idx.msk $0xffff, v10;
	v10 =	vmov s15  }
0xc1: {  	v10 =	vshll.u32 v10, $0x3  }
0xc2: {  	v10 =	vor.u32 v9, v10  }
0xc3: {  	v11 =	vor.u32 $0x1, v10  }
0xc4: {  	v12 =	vor.u32 $0x2, v10  }
0xc5: {  	v13 =	vor.u32 $0x3, v10  }
0xc6: {  	v14 =	vor.u32 $0x4, v10  }
0xc7: {  	v15 =	vor.u32 $0x5, v10;
	v62 =	vld.idx.msk [tilespmem:v10+s19+$0x0], $0xffff  }
0xc8: {  	v63 =	vor.u32 $0x6, v10;
	v11 =	vld.idx.msk [tilespmem:v11+s19+$0x0], $0xffff  }
0xc9: {  	v10 =	vor.u32 $0x7, v10;
	v12 =	vld.idx.msk [tilespmem:v12+s19+$0x0], $0xffff  }
0xca: {  	v13 =	vld.idx.msk [tilespmem:v13+s19+$0x0], $0xffff  }
0xcb: {  	v14 =	vld.idx.msk [tilespmem:v14+s19+$0x0], $0xffff  }
0xcc: {  	v15 =	vld.idx.msk [tilespmem:v15+s19+$0x0], $0xffff  }
0xcd: {  	v17 =	vld.idx.msk [tilespmem:v63+s19+$0x0], $0xffff  }
0xce: {  	v10 =	vld.idx.msk [tilespmem:v10+s19+$0x0], $0xffff;
	_ =	sdelay $0x3  }
0xcf: {  	v11 =	vadd.f32 v11, v62;
	v12 =	vadd.f32 v13, v12  }
0xd0: {  	v13 =	vadd.f32 v15, v14;
	v10 =	vadd.f32 v10, v17  }
0xd1: {  	v14 =	vld [tilespmem:s22+$0x0]  }
0xd2: {  	v11 =	vadd.f32 v12, v11;
	v10 =	vadd.f32 v10, v13;
	_ =	sdelay $0x1  }
0xd3: {  	v10 =	vadd.f32 v10, v11  }
0xd4: {  	v12 =	vld [tilespmem:s18+$0x0]  }
0xd5: {  	s21 =	simm.s32 $0x10;
	v10 =	vmul.f32 v10, v14  }
0xd6: {  	v11 =	vmov s21  }
0xd7: {  	v13 =	vmul.f32 $1.237500010e-01, v10;
	v10 =	vshll.u32 v11, $0x3  }
0xd8: {  	v10 =	vor.u32 v9, v10  }
0xd9: {  	v12 =	vmul.f32 $9.900000090e-01, v12;
	v14 =	vor.u32 $0x1, v10;
	_ =	sdelay $0x1  }
0xda: {  	v15 =	vadd.f32 v13, v12;
	v13 =	vor.u32 $0x2, v10  }
0xdb: {  	s30 =	sshll.u32 s24, $0x8;
	v11 =	vor.u32 $0x3, v10  }
0xdc: {  	s11 =	smov.u32 s18;
	s7 =	smov.u32 s22;
	s12 =	simm.s32 $0x20;
	v12 =	vor.u32 $0x4, v10;
	[tilespmem:s18+$0x0] =	vst v15  }
.LBB2_10:
0xdd: {  	p1 =	sne.s32 s12, $0x70;
	v14 =	vld.idx.msk [tilespmem:v14+s19+$0x0], $0xffff;
	v15 =	vor.u32 $0x5, v10  }
0xde: {  	v17 =	vor.u32 $0x6, v10;
	v16 =	vld.idx.msk [tilespmem:v10+s19+$0x0], $0xffff  }
0xdf: {  	v10 =	vor.u32 $0x7, v10;
	v13 =	vld.idx.msk [tilespmem:v13+s19+$0x0], $0xffff  }
0xe0: {  	v11 =	vld.idx.msk [tilespmem:v11+s19+$0x0], $0xffff  }
0xe1: {  	v12 =	vld.idx.msk [tilespmem:v12+s19+$0x0], $0xffff  }
0xe2: {  	v15 =	vld.idx.msk [tilespmem:v15+s19+$0x0], $0xffff  }
0xe3: {  	v17 =	vld.idx.msk [tilespmem:v17+s19+$0x0], $0xffff  }
0xe4: {  	v10 =	vld.idx.msk [tilespmem:v10+s19+$0x0], $0xffff;
	_ =	sdelay $0x4  }
0xe5: {  	v14 =	vadd.f32 v14, v16;
	v11 =	vadd.f32 v11, v13  }
0xe6: {  	s7 =	sadd.s32 $0x10, s7;
	v12 =	vadd.f32 v15, v12;
	v10 =	vadd.f32 v10, v17  }
0xe7: {  	v13 =	vld [tilespmem:s7+$0x0]  }
0xe8: {  	s11 =	sadd.s32 $0x10, s11;
	v11 =	vadd.f32 v11, v14;
	v10 =	vadd.f32 v10, v12  }
0xe9: {  	v12 =	vld [tilespmem:s11+$0x0]  }
0xea: {  	v10 =	vadd.f32 v10, v11  }
0xeb: {  	v11 =	vmov s12  }
0xec: {  	v11 =	vshll.u32 v11, $0x3;
	v13 =	vmul.f32 v10, v13  }
0xed: {  	v10 =	vor.u32 v9, v11  }
.Ltmp4:
0xee: {  	v14 =	vor.u32 $0x1, v10;
	v11 =	vmul.f32 $9.900000090e-01, v12;
	v12 =	vmul.f32 $1.237500010e-01, v13;
	(pc) =	sbr.rel @p1 .LBB2_10-.Ltmp4, $4  }
0xef: {  	_ = 	snop  }
0xf0: {  	v13 =	vor.u32 $0x2, v10;
	v15 =	vadd.f32 v12, v11  }
0xf1: {  	v11 =	vor.u32 $0x3, v10  }
0xf2: {  	s12 =	sadd.s32 $0x10, s12;
	v12 =	vor.u32 $0x4, v10;
	[tilespmem:s11+$0x0] =	vst v15  }
0xf3: {  	_ =	sdelay $0x3  }
0xf4: {  	v14 =	vld.idx.msk [tilespmem:v14+s19+$0x0], $0xffff;
	v15 =	vor.u32 $0x5, v10  }
0xf5: {  	v16 =	vld.idx.msk [tilespmem:v10+s19+$0x0], $0xffff;
	v17 =	vor.u32 $0x6, v10  }
0xf6: {  	v13 =	vld.idx.msk [tilespmem:v13+s19+$0x0], $0xffff;
	v10 =	vor.u32 $0x7, v10  }
0xf7: {  	v11 =	vld.idx.msk [tilespmem:v11+s19+$0x0], $0xffff  }
0xf8: {  	v12 =	vld.idx.msk [tilespmem:v12+s19+$0x0], $0xffff  }
0xf9: {  	v15 =	vld.idx.msk [tilespmem:v15+s19+$0x0], $0xffff  }
0xfa: {  	v17 =	vld.idx.msk [tilespmem:v17+s19+$0x0], $0xffff  }
0xfb: {  	v10 =	vld.idx.msk [tilespmem:v10+s19+$0x0], $0xffff;
	_ =	sdelay $0x3  }
0xfc: {  	v14 =	vadd.f32 v14, v16;
	v11 =	vadd.f32 v11, v13  }
0xfd: {  	s6 =	sadd.s32 $0x10, s7;
	v12 =	vadd.f32 v15, v12;
	v10 =	vadd.f32 v10, v17  }
0xfe: {  	v13 =	vld [tilespmem:s6+$0x0]  }
0xff: {  	s15 =	sadd.s32 $0x10, s11;
	v11 =	vadd.f32 v11, v14;
	v10 =	vadd.f32 v10, v12  }
0x100: {  	v12 =	vld [tilespmem:s15+$0x0]  }
0x101: {  	v10 =	vadd.f32 v10, v11;
	_ =	sdelay $0x1  }
0x102: {  	v10 =	vmul.f32 v10, v13;
	_ =	sdelay $0x1  }
0x103: {  	v11 =	vmul.f32 $9.900000090e-01, v12;
	v10 =	vmul.f32 $1.237500010e-01, v10;
	_ =	sdelay $0x1  }
0x104: {  	v10 =	vadd.f32 v10, v11  }
0x105: {  	s21 =	sshrl.u32 s10, $0x2  }
0x106: {  	p1 =	seq.s32 s24, $0x4F;
	s7 =	sadd.s32 $0xB400, s21;
	[tilespmem:s15+$0x0] =	vst v10  }
0x107: {  	[spmem:s3] =	stream.indirect.scatter.add.f32 [tilespmem:s16], [sflag:$0x3], $0x8, s7, s23, $0xb8;
	[tilespmem:$0x1F000] =	vst v63  }
0x108: {  	s10 =	simm.s32 @!p1 $0x1A400;
	s6 =	sadd.s32 @!p1 $0x6500, s30;
	s7 =	simm.s32 @!p1 $0x80  }
0x109: {  	[tilespmem:s10], [sflag:$0x1] =	stream.indirect.gather @!p1 [spmem:s4], $0x8, s6, s7, $0xb8;
	[tilespmem:$0x1F000] =	vst v63  }
0x10a: {  	s10 =	simm.s32 @!p1 $0x1AC00  }
0x10b: {  	[tilespmem:s10], [sflag:$0x1] =	stream.indirect.gather @!p1 [spmem:s2], $0x8, s6, s7, $0xb8;
	[tilespmem:$0x1F000] =	vst v63  }
0x10c: {  	s6 =	sadd.s32 @!p1 $0xB500, s30;
	s10 =	simm.s32 @!p1 $0x1B400  }
0x10d: {  	[tilespmem:s10], [sflag:$0x1] =	stream.indirect.gather @!p1 [spmem:s4], $0x8, s6, s7, $0xb8;
	[tilespmem:$0x1F000] =	vst v63  }
0x10e: {  	_ =	swait.ge [sflag:s9], $0x400  }
0x10f: {  	[sflag:s9] =	ssyncset.done $0x0  }
0x110: {  	[sflag:s9] =	ssyncadd.s32 $0xFFFFFC00  }
0x111: {  	_ =	swait.ge [sflag:s9], $0x400  }
0x112: {  	[sflag:s9] =	ssyncset.done $0x0  }
0x113: {  	[sflag:s9] =	ssyncadd.s32 $0xFFFFFC00  }
0x114: {  	s11 =	simm.s32 $0x30;
	_ =	swait.ge [sflag:s9], $0x400  }
0x115: {  	s12 =	simm.s32 $0x20;
	s21 =	simm.s32 $0x0;
	[sflag:s9] =	ssyncset.done $0x0  }
0x116: {  	v13 =	vor.u32 s21, v0;
	v11 =	vor.u32 s12, v0;
	s12 =	simm.s32 $0xF0;
	s6 =	simm.s32 @!p0 $0x4;
	[sflag:s9] =	ssyncadd.s32 $0xFFFFFC00  }
0x117: {  	v10 =	vor.u32 s11, v0;
	s15 =	simm.s32 $0x10;
	s11 =	smov.u32 s14;
	_ =	swait.ge @!p0 [sflag:s6], $0x400  }
0x118: {  	v12 =	vor.u32 s15, v0;
	s15 =	smov.u32 s14;
	s10 =	sor.u32 $0x1, s8;
	[sflag:s6] =	ssyncset.done @!p0 $0x0  }
0x119: {  	s8 =	sshll.u32 s10, $0x9;
	s10 =	simm.s32 $0x70;
	[sflag:s6] =	ssyncadd.s32 @!p0 $0xFFFFFC00  }
.LBB2_12:
0x11a: {  	p0 =	sne.s32 s12, $0x3F0  }
0x11b: {  	v14 =	vld.idx.msk [tilespmem:v13+s31+$0x0], $0xffff;
	s15 =	sadd.s32 $0x10, s15;
	s7 =	smov.u32 s12;
	s12 =	sadd.s32 $0x80, s12  }
0x11c: {  	s6 =	sadd.s32 $0xFFFFFFC0, s7;
	v15 =	vld.idx.msk [tilespmem:v13+s1+$0x0], $0xffff  }
0x11d: {  	s21 =	sadd.s32 $0xFFFFFFB0, s7;
	v16 =	vor.u32 s6, v0;
	v17 =	vld.idx.msk [tilespmem:v13+s0+$0x0], $0xffff  }
0x11e: {  	v18 =	vor.u32 s21, v0;
	v19 =	vld.idx.msk [tilespmem:v10+s1+$0x0], $0xffff  }
0x11f: {  	s6 =	sadd.s32 $0xFFFFFF90, s7;
	v20 =	vld [tilespmem:s11+$0x0];
	s11 =	smov.u32 s15  }
0x120: {  	v21 =	vor.u32 s6, v0;
	v22 =	vld.idx.msk [tilespmem:v11+s31+$0x0], $0xffff  }
0x121: {  	v23 =	vld.idx.msk [tilespmem:v12+s1+$0x0], $0xffff  }
0x122: {  	s6 =	sadd.s32 $0xFFFFFFA0, s7;
	v24 =	vld.idx.msk [tilespmem:v12+s31+$0x0], $0xffff  }
0x123: {  	v25 =	vor.u32 s6, v0;
	v26 =	vld.idx.msk [tilespmem:v12+s0+$0x0], $0xffff  }
0x124: {  	v27 =	vld.idx.msk [tilespmem:v11+s1+$0x0], $0xffff;
	v28 =	vperm.xlane v20, v1;
	v29 =	vperm.xlane v20, v4  }
0x125: {  	v31 =	vperm.xlane v20, v2;
	v32 =	vperm.xlane v20, v3;
	v30 =	vld.idx.msk [tilespmem:v11+s0+$0x0], $0xffff  }
0x126: {  	v15 =	vmul.f32 v15, v17;
	v33 =	vld.idx.msk [tilespmem:v10+s31+$0x0], $0xffff;
	v14 =	vmul.f32 v28, v14  }
0x127: {  	v22 =	vmul.f32 v32, v22;
	v17 =	vld.idx.msk [tilespmem:v10+s0+$0x0], $0xffff  }
0x128: {  	[tilespmem:v13+s13+$0x0] =	vst.idx.msk $0xffff, v14;
	v14 =	vmul.f32 v31, v24  }
0x129: {  	[tilespmem:v13+s19+$0x0] =	vst.idx.msk $0xffff, v15;
	v15 =	vmul.f32 v23, v26;
	v13 =	vmov v21  }
0x12a: {  	s6 =	sadd.s32 $0xFFFFFFF0, s10;
	[tilespmem:v12+s13+$0x0] =	vst.idx.msk $0xffff, v14  }
0x12b: {  	s21 =	sadd.s32 $0xFFFFFFE0, s10;
	v14 =	vmul.f32 v27, v30;
	[tilespmem:v12+s19+$0x0] =	vst.idx.msk $0xffff, v15;
	v15 =	vor.u32 s6, v0;
	v12 =	vmov v25  }
0x12c: {  	v21 =	vmul.f32 v29, v33;
	[tilespmem:v11+s13+$0x0] =	vst.idx.msk $0xffff, v22;
	v22 =	vor.u32 s21, v0  }
0x12d: {  	s6 =	sadd.s32 $0xFFFFFFD0, s10;
	[tilespmem:v11+s19+$0x0] =	vst.idx.msk $0xffff, v14;
	v14 =	vmul.f32 v19, v17;
	v11 =	vmov v18  }
0x12e: {  	v17 =	vor.u32 s6, v0;
	[tilespmem:v10+s13+$0x0] =	vst.idx.msk $0xffff, v21  }
0x12f: {  	[tilespmem:v10+s19+$0x0] =	vst.idx.msk $0xffff, v14;
	v10 =	vmov v16  }
0x130: {  	v14 =	vld.idx.msk [tilespmem:v15+s0+$0x0], $0xffff  }
0x131: {  	v16 =	vld.idx.msk [tilespmem:v22+s0+$0x0], $0xffff  }
0x132: {  	v18 =	vld.idx.msk [tilespmem:v15+s1+$0x0], $0xffff  }
0x133: {  	v19 =	vld.idx.msk [tilespmem:v17+s0+$0x0], $0xffff  }
0x134: {  	v23 =	vor.u32 s10, v0;
	s10 =	smov.u32 s7;
	v21 =	vld.idx.msk [tilespmem:v17+s31+$0x0], $0xffff  }
0x135: {  	v24 =	vld.idx.msk [tilespmem:v17+s1+$0x0], $0xffff  }
0x136: {  	v25 =	vld.idx.msk [tilespmem:v22+s31+$0x0], $0xffff  }
0x137: {  	v26 =	vld.idx.msk [tilespmem:v22+s1+$0x0], $0xffff  }
0x138: {  	v28 =	vperm.xlane v20, v5;
	v27 =	vld.idx.msk [tilespmem:v15+s31+$0x0], $0xffff  }
0x139: {  	v29 =	vld.idx.msk [tilespmem:v23+s31+$0x0], $0xffff  }
0x13a: {  	v21 =	vmul.f32 v28, v21;
	v28 =	vperm.xlane v20, v6;
	v30 =	vld.idx.msk [tilespmem:v23+s0+$0x0], $0xffff  }
0x13b: {  	v19 =	vmul.f32 v24, v19;
	v31 =	vld.idx.msk [tilespmem:v23+s1+$0x0], $0xffff  }
0x13c: {  	v24 =	vperm.xlane v20, v7;
	[tilespmem:v17+s13+$0x0] =	vst.idx.msk $0xffff, v21;
	v21 =	vmul.f32 v28, v25  }
0x13d: {  	v16 =	vmul.f32 v26, v16;
	[tilespmem:v17+s19+$0x0] =	vst.idx.msk $0xffff, v19  }
0x13e: {  	v17 =	vmul.f32 v24, v27;
	v19 =	vperm.xlane v20, v8;
	[tilespmem:v22+s13+$0x0] =	vst.idx.msk $0xffff, v21  }
.Ltmp5:
0x13f: {  	v14 =	vmul.f32 v18, v14;
	[tilespmem:v22+s19+$0x0] =	vst.idx.msk $0xffff, v16;
	(pc) =	sbr.rel @p0 .LBB2_12-.Ltmp5, $4  }
0x140: {  	v16 =	vmul.f32 v19, v29;
	[tilespmem:v15+s13+$0x0] =	vst.idx.msk $0xffff, v17  }
0x141: {  	[tilespmem:v15+s19+$0x0] =	vst.idx.msk $0xffff, v14;
	v14 =	vmul.f32 v31, v30  }
0x142: {  	[tilespmem:v23+s13+$0x0] =	vst.idx.msk $0xffff, v16  }
0x143: {  	[tilespmem:v23+s19+$0x0] =	vst.idx.msk $0xffff, v14  }
0x144: {  	_ =	sdelay $0x3  }
0x145: {  	v14 =	vld.idx.msk [tilespmem:v13+s31+$0x0], $0xffff  }
0x146: {  	v15 =	vld.idx.msk [tilespmem:v13+s1+$0x0], $0xffff  }
0x147: {  	v16 =	vld.idx.msk [tilespmem:v13+s0+$0x0], $0xffff  }
0x148: {  	v18 =	vld [tilespmem:s11+$0x0]  }
0x149: {  	v17 =	vld.idx.msk [tilespmem:v10+s1+$0x0], $0xffff  }
0x14a: {  	v19 =	vld.idx.msk [tilespmem:v11+s31+$0x0], $0xffff  }
0x14b: {  	v20 =	vld.idx.msk [tilespmem:v12+s1+$0x0], $0xffff  }
0x14c: {  	v21 =	vld.idx.msk [tilespmem:v12+s31+$0x0], $0xffff  }
0x14d: {  	v22 =	vld.idx.msk [tilespmem:v12+s0+$0x0], $0xffff;
	v24 =	vperm.xlane v18, v1  }
0x14e: {  	v23 =	vld.idx.msk [tilespmem:v11+s1+$0x0], $0xffff  }
0x14f: {  	v25 =	vld.idx.msk [tilespmem:v11+s0+$0x0], $0xffff;
	v26 =	vperm.xlane v18, v2;
	v14 =	vmul.f32 v24, v14  }
0x150: {  	v27 =	vld.idx.msk [tilespmem:v10+s31+$0x0], $0xffff;
	v15 =	vmul.f32 v15, v16  }
0x151: {  	v45 =	vld.idx.msk [tilespmem:v10+s0+$0x0], $0xffff;
	v46 =	vperm.xlane v18, v3;
	[tilespmem:v13+s13+$0x0] =	vst.idx.msk $0xffff, v14;
	v14 =	vmul.f32 v26, v21  }
0x152: {  	[tilespmem:v13+s19+$0x0] =	vst.idx.msk $0xffff, v15;
	v13 =	vmul.f32 v20, v22  }
0x153: {  	s6 =	sadd.s32 $0xFFFFFFF0, s10;
	v19 =	vmul.f32 v46, v19;
	v15 =	vperm.xlane v18, v4;
	[tilespmem:v12+s13+$0x0] =	vst.idx.msk $0xffff, v14  }
0x154: {  	s7 =	sadd.s32 $0xFFFFFFE0, s10;
	[tilespmem:v12+s19+$0x0] =	vst.idx.msk $0xffff, v13;
	v12 =	vmul.f32 v23, v25;
	v13 =	vor.u32 s6, v0  }
0x155: {  	v14 =	vmul.f32 v15, v27;
	v15 =	vor.u32 s7, v0;
	[tilespmem:v11+s13+$0x0] =	vst.idx.msk $0xffff, v19  }
0x156: {  	s12 =	sadd.s32 $0xFFFFFFD0, s10;
	[tilespmem:v11+s19+$0x0] =	vst.idx.msk $0xffff, v12;
	v11 =	vmul.f32 v17, v45  }
0x157: {  	v12 =	vor.u32 s12, v0;
	[tilespmem:v10+s13+$0x0] =	vst.idx.msk $0xffff, v14  }
0x158: {  	[tilespmem:v10+s19+$0x0] =	vst.idx.msk $0xffff, v11  }
0x159: {  	v10 =	vld.idx.msk [tilespmem:v13+s0+$0x0], $0xffff  }
0x15a: {  	v11 =	vld.idx.msk [tilespmem:v15+s0+$0x0], $0xffff  }
0x15b: {  	v14 =	vld.idx.msk [tilespmem:v13+s1+$0x0], $0xffff  }
0x15c: {  	v47 =	vld.idx.msk [tilespmem:v12+s0+$0x0], $0xffff  }
0x15d: {  	v49 =	vor.u32 s10, v0;
	v48 =	vld.idx.msk [tilespmem:v12+s31+$0x0], $0xffff  }
0x15e: {  	v50 =	vld.idx.msk [tilespmem:v12+s1+$0x0], $0xffff  }
0x15f: {  	v51 =	vld.idx.msk [tilespmem:v15+s31+$0x0], $0xffff  }
0x160: {  	v54 =	vperm.xlane v18, v5;
	v52 =	vld.idx.msk [tilespmem:v15+s1+$0x0], $0xffff  }
0x161: {  	v53 =	vld.idx.msk [tilespmem:v13+s31+$0x0], $0xffff  }
0x162: {  	v57 =	vperm.xlane v18, v6;
	v55 =	vld.idx.msk [tilespmem:v49+s31+$0x0], $0xffff;
	v17 =	vmul.f32 v54, v48  }
0x163: {  	v56 =	vld.idx.msk [tilespmem:v49+s0+$0x0], $0xffff;
	v16 =	vmul.f32 v50, v47  }
0x164: {  	s15 =	simm.s32 $0x0;
	v60 =	vperm.xlane v18, v7;
	v58 =	vld.idx.msk [tilespmem:v49+s1+$0x0], $0xffff;
	v59 =	vmul.f32 v57, v51;
	[tilespmem:v12+s13+$0x0] =	vst.idx.msk $0xffff, v17  }
0x165: {  	v11 =	vmul.f32 v52, v11;
	[tilespmem:v12+s19+$0x0] =	vst.idx.msk $0xffff, v16;
	v12 =	vmov s15  }
0x166: {  	v62 =	vperm.xlane v18, v8;
	v61 =	vmul.f32 v60, v53;
	[tilespmem:v15+s13+$0x0] =	vst.idx.msk $0xffff, v59;
	v12 =	vshll.u32 v12, $0x3  }
0x167: {  	v10 =	vmul.f32 v14, v10;
	v12 =	vor.u32 v9, v12;
	[tilespmem:v15+s19+$0x0] =	vst.idx.msk $0xffff, v11  }
0x168: {  	v14 =	vmul.f32 v62, v55;
	v11 =	vor.u32 $0x1, v12;
	[tilespmem:v13+s13+$0x0] =	vst.idx.msk $0xffff, v61  }
0x169: {  	v15 =	vor.u32 $0x5, v12;
	[tilespmem:v13+s19+$0x0] =	vst.idx.msk $0xffff, v10;
	v10 =	vmul.f32 v58, v56  }
0x16a: {  	v63 =	vor.u32 $0x6, v12;
	[tilespmem:v49+s13+$0x0] =	vst.idx.msk $0xffff, v14  }
0x16b: {  	v13 =	vor.u32 $0x2, v12;
	[tilespmem:v49+s19+$0x0] =	vst.idx.msk $0xffff, v10  }
0x16c: {  	v14 =	vor.u32 $0x3, v12;
	v16 =	vld.idx.msk [tilespmem:v12+s19+$0x0], $0xffff  }
0x16d: {  	v10 =	vor.u32 $0x4, v12;
	v11 =	vld.idx.msk [tilespmem:v11+s19+$0x0], $0xffff  }
0x16e: {  	v12 =	vor.u32 $0x7, v12;
	v15 =	vld.idx.msk [tilespmem:v15+s19+$0x0], $0xffff  }
0x16f: {  	v17 =	vld.idx.msk [tilespmem:v63+s19+$0x0], $0xffff  }
0x170: {  	v13 =	vld.idx.msk [tilespmem:v13+s19+$0x0], $0xffff  }
0x171: {  	v14 =	vld.idx.msk [tilespmem:v14+s19+$0x0], $0xffff  }
0x172: {  	v10 =	vld.idx.msk [tilespmem:v10+s19+$0x0], $0xffff  }
0x173: {  	v12 =	vld.idx.msk [tilespmem:v12+s19+$0x0], $0xffff;
	_ =	sdelay $0x3  }
0x174: {  	v11 =	vadd.f32 v11, v16;
	v13 =	vadd.f32 v14, v13  }
0x175: {  	v10 =	vadd.f32 v15, v10;
	v12 =	vadd.f32 v12, v17  }
0x176: {  	v14 =	vld [tilespmem:s17+$0x0]  }
0x177: {  	v11 =	vadd.f32 v13, v11;
	v10 =	vadd.f32 v12, v10;
	_ =	sdelay $0x1  }
0x178: {  	v10 =	vadd.f32 v10, v11  }
0x179: {  	v12 =	vld [tilespmem:s14+$0x0]  }
0x17a: {  	s21 =	simm.s32 $0x10;
	v10 =	vmul.f32 v10, v14  }
0x17b: {  	v11 =	vmov s21  }
0x17c: {  	v13 =	vmul.f32 $1.237500010e-01, v10;
	v10 =	vshll.u32 v11, $0x3  }
0x17d: {  	v10 =	vor.u32 v9, v10  }
0x17e: {  	v12 =	vmul.f32 $9.900000090e-01, v12;
	v14 =	vor.u32 $0x1, v10;
	_ =	sdelay $0x1  }
0x17f: {  	v15 =	vadd.f32 v13, v12;
	v13 =	vor.u32 $0x2, v10  }
0x180: {  	v11 =	vor.u32 $0x3, v10  }
0x181: {  	s11 =	simm.s32 $0x20;
	s10 =	smov.u32 s14;
	s7 =	smov.u32 s17;
	v12 =	vor.u32 $0x4, v10;
	[tilespmem:s14+$0x0] =	vst v15  }
.LBB2_14:
0x182: {  	p0 =	sne.s32 s11, $0x70;
	v14 =	vld.idx.msk [tilespmem:v14+s19+$0x0], $0xffff;
	v15 =	vor.u32 $0x5, v10  }
0x183: {  	v17 =	vor.u32 $0x6, v10;
	v16 =	vld.idx.msk [tilespmem:v10+s19+$0x0], $0xffff  }
0x184: {  	v10 =	vor.u32 $0x7, v10;
	v13 =	vld.idx.msk [tilespmem:v13+s19+$0x0], $0xffff  }
0x185: {  	v11 =	vld.idx.msk [tilespmem:v11+s19+$0x0], $0xffff  }
0x186: {  	v12 =	vld.idx.msk [tilespmem:v12+s19+$0x0], $0xffff  }
0x187: {  	v15 =	vld.idx.msk [tilespmem:v15+s19+$0x0], $0xffff  }
0x188: {  	v17 =	vld.idx.msk [tilespmem:v17+s19+$0x0], $0xffff  }
0x189: {  	v10 =	vld.idx.msk [tilespmem:v10+s19+$0x0], $0xffff;
	_ =	sdelay $0x4  }
0x18a: {  	v14 =	vadd.f32 v14, v16;
	v11 =	vadd.f32 v11, v13  }
0x18b: {  	s7 =	sadd.s32 $0x10, s7;
	v12 =	vadd.f32 v15, v12;
	v10 =	vadd.f32 v10, v17  }
0x18c: {  	v13 =	vld [tilespmem:s7+$0x0]  }
0x18d: {  	s10 =	sadd.s32 $0x10, s10;
	v11 =	vadd.f32 v11, v14;
	v10 =	vadd.f32 v10, v12  }
0x18e: {  	v12 =	vld [tilespmem:s10+$0x0]  }
0x18f: {  	v10 =	vadd.f32 v10, v11  }
0x190: {  	v11 =	vmov s11  }
0x191: {  	v11 =	vshll.u32 v11, $0x3;
	v13 =	vmul.f32 v10, v13  }
0x192: {  	v10 =	vor.u32 v9, v11  }
.Ltmp6:
0x193: {  	v14 =	vor.u32 $0x1, v10;
	v11 =	vmul.f32 $9.900000090e-01, v12;
	v12 =	vmul.f32 $1.237500010e-01, v13;
	(pc) =	sbr.rel @p0 .LBB2_14-.Ltmp6, $4  }
0x194: {  	_ = 	snop  }
0x195: {  	v13 =	vor.u32 $0x2, v10;
	v15 =	vadd.f32 v12, v11  }
0x196: {  	v11 =	vor.u32 $0x3, v10  }
0x197: {  	s11 =	sadd.s32 $0x10, s11;
	v12 =	vor.u32 $0x4, v10;
	[tilespmem:s10+$0x0] =	vst v15  }
0x198: {  	_ =	sdelay $0x3  }
0x199: {  	v14 =	vld.idx.msk [tilespmem:v14+s19+$0x0], $0xffff;
	v15 =	vor.u32 $0x5, v10  }
0x19a: {  	v16 =	vld.idx.msk [tilespmem:v10+s19+$0x0], $0xffff;
	v17 =	vor.u32 $0x6, v10  }
0x19b: {  	v13 =	vld.idx.msk [tilespmem:v13+s19+$0x0], $0xffff;
	v10 =	vor.u32 $0x7, v10  }
0x19c: {  	v11 =	vld.idx.msk [tilespmem:v11+s19+$0x0], $0xffff  }
0x19d: {  	v12 =	vld.idx.msk [tilespmem:v12+s19+$0x0], $0xffff  }
0x19e: {  	v15 =	vld.idx.msk [tilespmem:v15+s19+$0x0], $0xffff  }
0x19f: {  	v17 =	vld.idx.msk [tilespmem:v17+s19+$0x0], $0xffff  }
0x1a0: {  	v10 =	vld.idx.msk [tilespmem:v10+s19+$0x0], $0xffff;
	_ =	sdelay $0x3  }
0x1a1: {  	v14 =	vadd.f32 v14, v16;
	v11 =	vadd.f32 v11, v13  }
0x1a2: {  	s6 =	sadd.s32 $0x10, s7;
	v12 =	vadd.f32 v15, v12;
	v10 =	vadd.f32 v10, v17  }
0x1a3: {  	v62 =	vld [tilespmem:s6+$0x0]  }
0x1a4: {  	s12 =	sadd.s32 $0x10, s10;
	v11 =	vadd.f32 v11, v14;
	v10 =	vadd.f32 v10, v12  }
0x1a5: {  	v63 =	vld [tilespmem:s12+$0x0]  }
0x1a6: {  	v10 =	vadd.f32 v10, v11;
	_ =	sdelay $0x1  }
0x1a7: {  	v10 =	vmul.f32 v10, v62;
	_ =	sdelay $0x1  }
0x1a8: {  	v11 =	vmul.f32 $9.900000090e-01, v63;
	v10 =	vmul.f32 $1.237500010e-01, v10  }
.Ltmp7:
0x1a9: {  	_ = 	snop;
	(pc) =	sbr.rel @p1 .LBB2_17-.Ltmp7, $4  }
0x1aa: {  	v10 =	vadd.f32 v10, v11  }
0x1ab: {  	s15 =	sshrl.u32 s8, $0x2  }
0x1ac: {  	s21 =	sadd.s32 $0xB400, s15;
	[tilespmem:s12+$0x0] =	vst v10  }
0x1ad: {  	[spmem:s3] =	stream.indirect.scatter.add.f32 [tilespmem:s13], [sflag:$0x4], $0x8, s21, s23, $0xb8;
	[tilespmem:$0x1F000] =	vst v63  }
0x1ae: {  	s6 =	sadd.s32 $0x6580, s30  }
0x1af: {  	[tilespmem:s31], [sflag:$0x2] =	stream.indirect.gather [spmem:s4], $0x8, s6, s23, $0xb8;
	[tilespmem:$0x1F000] =	vst v63  }
.Ltmp8:
0x1b0: {  	_ = 	snop;
	(pc) =	sbr.rel .LBB2_7-.Ltmp8, $4  }
0x1b1: {  	s30 =	sadd.s32 $0xB580, s30;
	s24 =	sadd.s32 $0x1, s24;
	s18 =	sadd.s32 $0x100, s18  }
0x1b2: {  	[tilespmem:s0], [sflag:$0x2] =	stream.indirect.gather [spmem:s2], $0x8, s6, s23, $0xb8;
	[tilespmem:$0x1F000] =	vst v63  }
0x1b3: {  	s22 =	sadd.s32 $0x100, s22;
	s14 =	sadd.s32 $0x100, s14;
	s17 =	sadd.s32 $0x100, s17  }
0x1b4: {  	[tilespmem:s1], [sflag:$0x2] =	stream.indirect.gather [spmem:s4], $0x8, s30, s23, $0xb8;
	[tilespmem:$0x1F000] =	vst v63  }
.LBB2_17:
0x1b5: {  	s6 =	simm.s32 $0x3  }
0x1b6: {  	_ =	swait.ge [sflag:s6], $0x400  }
0x1b7: {  	[sflag:s6] =	ssyncset.done $0x0  }
0x1b8: {  	s17 =	simm.s32 $0x4;
	[sflag:s6] =	ssyncadd.s32 $0xFFFFFC00  }
0x1b9: {  	_ =	swait.ge [sflag:s17], $0x400  }
0x1ba: {  	[sflag:s17] =	ssyncset.done $0x0  }
0x1bb: {  	[sflag:s17] =	ssyncadd.s32 $0xFFFFFC00  }
0x1bc: {  	s12 =	simm.s32 $0x0;
	[bflag:$0x0] =	sbarrier.arrive $0xFFFF  }
0x1bd: {  	s14 =	simm.s32 $0x15400;
	s21 =	simm.s32 $0x5;
	s18 =	rddreg [dreg:$0xf]  }
0x1be: {  	[tilespmem:s14], [sflag:$0x5] =	stream.linear.gather [hbm4b:s18+s12], $0x5000, $0x38;
	[tilespmem:$0x1F000] =	vst v63  }
0x1bf: {  	_ =	swait.ge [sflag:s21], $0x5000  }
0x1c0: {  	[sflag:s21] =	ssyncset.done $0x0  }
0x1c1: {  	s7 =	simm.s32 $0x1C800;
	s30 =	rddreg [dreg:$0x11];
	[sflag:s21] =	ssyncadd.s32 $0xFFFFB000  }
0x1c2: {  	[spmem:s30] =	stream.linear.scatter [tilespmem:s7], [sflag:$0x5], $0x1400, $0x38;
	[tilespmem:$0x1F000] =	vst v63  }
0x1c3: {  	_ =	swait.ge [sflag:s21], $0x1400  }
0x1c4: {  	[sflag:s21] =	ssyncset.done $0x0  }
0x1c5: {  	s22 =	simm.s32 $0x6400;
	[sflag:s21] =	ssyncadd.s32 $0xFFFFEC00  }
0x1c6: {  	[tilespmem:s25], [sflag:$0x1] =	stream.indirect.gather [spmem:s3], $0x8, s22, s23, $0xb8;
	[tilespmem:$0x1F000] =	vst v63  }
0x1c7: {  	s24 =	simm.s32 $0x6480  }
0x1c8: {  	[tilespmem:s31], [sflag:$0x2] =	stream.indirect.gather [spmem:s3], $0x8, s24, s23, $0xb8;
	[tilespmem:$0x1F000] =	vst v63  }
0x1c9: {  	s17 =	simm.s32 $0x15480;
	s24 =	rddreg [dreg:$0x5]  }
.LBB2_18:
0x1ca: {  	_ =	swait.ge [sflag:s28], $0x400  }
0x1cb: {  	p0 =	seq.s32 s12, $0x0;
	s6 =	simm.s32 $0x0;
	[sflag:s28] =	ssyncset.done $0x0  }
0x1cc: {  	s8 =	simm.s32 $0x10;
	s7 =	simm.s32 @!p0 $0x3;
	v11 =	vor.u32 s6, v0;
	[sflag:s28] =	ssyncadd.s32 $0xFFFFFC00  }
0x1cd: {  	s21 =	simm.s32 $0x20;
	v12 =	vor.u32 s8, v0;
	_ =	swait.ge @!p0 [sflag:s7], $0x400  }
0x1ce: {  	s22 =	simm.s32 $0x30;
	v13 =	vor.u32 s21, v0;
	[sflag:s7] =	ssyncset.done @!p0 $0x0  }
0x1cf: {  	v14 =	vor.u32 s22, v0;
	[sflag:s7] =	ssyncadd.s32 @!p0 $0xFFFFFC00;
	s7 =	simm.s32 $0x40  }
0x1d0: {  	s10 =	simm.s32 $0x50;
	v15 =	vld [tilespmem:s14+$0x0];
	v16 =	vor.u32 s7, v0  }
0x1d1: {  	s11 =	simm.s32 $0x60;
	v18 =	vor.u32 s10, v0;
	v17 =	vld.idx.msk [tilespmem:v11+s25+$0x0], $0xffff  }
0x1d2: {  	s15 =	simm.s32 $0x70;
	v20 =	vor.u32 s11, v0;
	v19 =	vld.idx.msk [tilespmem:v12+s25+$0x0], $0xffff  }
0x1d3: {  	v10 =	vor.u32 s15, v0;
	v21 =	vld.idx.msk [tilespmem:v13+s25+$0x0], $0xffff  }
0x1d4: {  	v22 =	vld.idx.msk [tilespmem:v14+s25+$0x0], $0xffff  }
0x1d5: {  	v23 =	vld.idx.msk [tilespmem:v16+s25+$0x0], $0xffff;
	v24 =	vperm.xlane v15, v1  }
0x1d6: {  	v25 =	vld.idx.msk [tilespmem:v18+s25+$0x0], $0xffff;
	v17 =	vmax.f32 v17, $0.0e+00;
	v26 =	vperm.xlane v15, v2  }
0x1d7: {  	v27 =	vld.idx.msk [tilespmem:v20+s25+$0x0], $0xffff;
	v19 =	vmax.f32 v19, $0.0e+00;
	v56 =	vperm.xlane v15, v3;
	v17 =	vmul.f32 v24, v17  }
0x1d8: {  	v28 =	vld.idx.msk [tilespmem:v10+s25+$0x0], $0xffff;
	v21 =	vmax.f32 v21, $0.0e+00;
	v57 =	vperm.xlane v15, v4;
	v19 =	vmul.f32 v26, v19  }
0x1d9: {  	v58 =	vmax.f32 v22, $0.0e+00;
	v59 =	vperm.xlane v15, v5;
	[tilespmem:v11+s16+$0x0] =	vst.idx.msk $0xffff, v17;
	v11 =	vmul.f32 v56, v21  }
0x1da: {  	v61 =	vperm.xlane v15, v6;
	[tilespmem:v12+s16+$0x0] =	vst.idx.msk $0xffff, v19;
	v12 =	vmul.f32 v57, v58;
	v60 =	vmax.f32 v23, $0.0e+00  }
0x1db: {  	v62 =	vperm.xlane v15, v7;
	[tilespmem:v13+s16+$0x0] =	vst.idx.msk $0xffff, v11;
	v11 =	vmul.f32 v59, v60;
	v13 =	vmax.f32 v25, $0.0e+00  }
0x1dc: {  	[tilespmem:v14+s16+$0x0] =	vst.idx.msk $0xffff, v12;
	v12 =	vmul.f32 v61, v13;
	v13 =	vmax.f32 v27, $0.0e+00  }
0x1dd: {  	s18 =	simm.s32 $0x80;
	s10 =	sshll.u32 s12, $0xA;
	v14 =	vperm.xlane v15, v8;
	[tilespmem:v16+s16+$0x0] =	vst.idx.msk $0xffff, v11;
	v15 =	vmul.f32 v62, v13  }
0x1de: {  	s21 =	simm.s32 $0x90;
	s22 =	simm.s32 $0xA0;
	s8 =	simm.s32 $0xF0;
	v63 =	vmax.f32 v28, $0.0e+00;
	v11 =	vor.u32 s18, v0;
	[tilespmem:v18+s16+$0x0] =	vst.idx.msk $0xffff, v12  }
0x1df: {  	s15 =	simm.s32 $0x170;
	s11 =	smov.u32 s14;
	v13 =	vor.u32 s21, v0;
	s18 =	simm.s32 $0xB0;
	v14 =	vmul.f32 v14, v63;
	v12 =	vor.u32 s22, v0;
	[tilespmem:v20+s16+$0x0] =	vst.idx.msk $0xffff, v15  }
.LBB2_19:
0x1e0: {  	s6 =	sadd.s32 $0xFFFFFFD0, s8  }
0x1e1: {  	v15 =	vor.u32 s18, v0;
	[tilespmem:v10+s16+$0x0] =	vst.idx.msk $0xffff, v14;
	s11 =	sadd.s32 $0x10, s11;
	s18 =	smov.u32 s15;
	s7 =	sadd.s32 $0x80, s15  }
0x1e2: {  	p1 =	sne.s32 s15, $0x3F0;
	s15 =	sadd.s32 $0xFFFFFFE0, s8;
	v14 =	vld [tilespmem:s11+$0x0];
	v16 =	vor.u32 s6, v0  }
0x1e3: {  	s6 =	sadd.s32 $0xFFFFFFF0, s8;
	v18 =	vor.u32 s15, v0;
	v17 =	vld.idx.msk [tilespmem:v11+s25+$0x0], $0xffff  }
0x1e4: {  	v20 =	vor.u32 s6, v0;
	v19 =	vld.idx.msk [tilespmem:v13+s25+$0x0], $0xffff  }
0x1e5: {  	v10 =	vor.u32 s8, v0;
	s8 =	smov.u32 s18;
	v21 =	vld.idx.msk [tilespmem:v12+s25+$0x0], $0xffff  }
0x1e6: {  	v22 =	vld.idx.msk [tilespmem:v15+s25+$0x0], $0xffff  }
0x1e7: {  	v23 =	vld.idx.msk [tilespmem:v16+s25+$0x0], $0xffff  }
0x1e8: {  	v25 =	vperm.xlane v14, v1;
	v24 =	vld.idx.msk [tilespmem:v18+s25+$0x0], $0xffff  }
0x1e9: {  	v27 =	vperm.xlane v14, v2;
	v17 =	vmax.f32 v17, $0.0e+00;
	v26 =	vld.idx.msk [tilespmem:v20+s25+$0x0], $0xffff  }
0x1ea: {  	v17 =	vmul.f32 v25, v17;
	v19 =	vmax.f32 v19, $0.0e+00;
	v25 =	vperm.xlane v14, v3;
	v28 =	vld.idx.msk [tilespmem:v10+s25+$0x0], $0xffff  }
0x1eb: {  	v19 =	vmul.f32 v27, v19;
	v21 =	vmax.f32 v21, $0.0e+00;
	v27 =	vperm.xlane v14, v4  }
0x1ec: {  	[tilespmem:v11+s16+$0x0] =	vst.idx.msk $0xffff, v17;
	v11 =	vmul.f32 v25, v21;
	v17 =	vmax.f32 v22, $0.0e+00;
	v21 =	vperm.xlane v14, v5  }
0x1ed: {  	[tilespmem:v13+s16+$0x0] =	vst.idx.msk $0xffff, v19;
	v13 =	vmul.f32 v27, v17;
	v17 =	vmax.f32 v23, $0.0e+00;
	v19 =	vperm.xlane v14, v6  }
.Ltmp9:
0x1ee: {  	[tilespmem:v12+s16+$0x0] =	vst.idx.msk $0xffff, v11;
	v12 =	vmul.f32 v21, v17;
	v11 =	vmax.f32 v24, $0.0e+00;
	v17 =	vperm.xlane v14, v7;
	(pc) =	sbr.rel @p1 .LBB2_19-.Ltmp9, $4  }
0x1ef: {  	s6 =	sadd.s32 $0xFFFFFF90, s8;
	v14 =	vperm.xlane v14, v8;
	[tilespmem:v15+s16+$0x0] =	vst.idx.msk $0xffff, v13;
	v15 =	vmul.f32 v19, v11;
	v13 =	vmax.f32 v26, $0.0e+00  }
0x1f0: {  	s15 =	sadd.s32 $0xFFFFFFA0, s8;
	v11 =	vor.u32 s6, v0;
	[tilespmem:v16+s16+$0x0] =	vst.idx.msk $0xffff, v12;
	v16 =	vmul.f32 v17, v13;
	v12 =	vmax.f32 v28, $0.0e+00  }
0x1f1: {  	s6 =	sadd.s32 $0xFFFFFFB0, s8;
	v13 =	vor.u32 s15, v0;
	[tilespmem:v18+s16+$0x0] =	vst.idx.msk $0xffff, v15;
	v14 =	vmul.f32 v14, v12  }
0x1f2: {  	s18 =	sadd.s32 $0xFFFFFFC0, s8;
	s15 =	smov.u32 s7;
	v12 =	vor.u32 s6, v0;
	[tilespmem:v20+s16+$0x0] =	vst.idx.msk $0xffff, v16  }
0x1f3: {  	_ =	sdelay $0x3  }
0x1f4: {  	s6 =	sadd.s32 $0xFFFFFFD0, s8;
	v15 =	vor.u32 s18, v0;
	[tilespmem:v10+s16+$0x0] =	vst.idx.msk $0xffff, v14;
	s7 =	sadd.s32 $0x10, s11  }
0x1f5: {  	s21 =	sadd.s32 $0xFFFFFFE0, s8;
	v10 =	vld [tilespmem:s7+$0x0];
	v14 =	vor.u32 s6, v0  }
0x1f6: {  	s22 =	sadd.s32 $0xFFFFFFF0, s8;
	v16 =	vld.idx.msk [tilespmem:v11+s25+$0x0], $0xffff;
	v17 =	vor.u32 s21, v0  }
0x1f7: {  	v18 =	vld.idx.msk [tilespmem:v13+s25+$0x0], $0xffff;
	v19 =	vor.u32 s22, v0  }
0x1f8: {  	v21 =	vor.u32 s8, v0;
	v20 =	vld.idx.msk [tilespmem:v12+s25+$0x0], $0xffff  }
0x1f9: {  	v22 =	vld.idx.msk [tilespmem:v15+s25+$0x0], $0xffff  }
0x1fa: {  	v23 =	vld.idx.msk [tilespmem:v14+s25+$0x0], $0xffff;
	v24 =	vperm.xlane v10, v1  }
0x1fb: {  	v25 =	vld.idx.msk [tilespmem:v17+s25+$0x0], $0xffff;
	v16 =	vmax.f32 v16, $0.0e+00;
	v26 =	vperm.xlane v10, v2  }
0x1fc: {  	v27 =	vld.idx.msk [tilespmem:v19+s25+$0x0], $0xffff;
	v18 =	vmax.f32 v18, $0.0e+00;
	v36 =	vperm.xlane v10, v3;
	v16 =	vmul.f32 v24, v16  }
0x1fd: {  	v28 =	vld.idx.msk [tilespmem:v21+s25+$0x0], $0xffff;
	v20 =	vmax.f32 v20, $0.0e+00;
	v37 =	vperm.xlane v10, v4;
	v18 =	vmul.f32 v26, v18  }
0x1fe: {  	v39 =	vperm.xlane v10, v5;
	[tilespmem:v11+s16+$0x0] =	vst.idx.msk $0xffff, v16;
	v11 =	vmul.f32 v36, v20;
	v38 =	vmax.f32 v22, $0.0e+00  }
0x1ff: {  	v41 =	vperm.xlane v10, v6;
	[tilespmem:v13+s16+$0x0] =	vst.idx.msk $0xffff, v18;
	v13 =	vmul.f32 v37, v38;
	v40 =	vmax.f32 v23, $0.0e+00  }
0x200: {  	v42 =	vperm.xlane v10, v7;
	[tilespmem:v12+s16+$0x0] =	vst.idx.msk $0xffff, v11;
	v11 =	vmul.f32 v39, v40;
	v12 =	vmax.f32 v25, $0.0e+00  }
0x201: {  	v10 =	vperm.xlane v10, v8;
	[tilespmem:v15+s16+$0x0] =	vst.idx.msk $0xffff, v13;
	v12 =	vmul.f32 v41, v12;
	v13 =	vmax.f32 v27, $0.0e+00  }
0x202: {  	[tilespmem:v14+s16+$0x0] =	vst.idx.msk $0xffff, v11;
	v11 =	vmul.f32 v42, v13;
	v13 =	vmax.f32 v28, $0.0e+00  }
0x203: {  	[tilespmem:v17+s16+$0x0] =	vst.idx.msk $0xffff, v12;
	v10 =	vmul.f32 v10, v13  }
0x204: {  	s8 =	sshra.s32 s10, $0x2;
	p1 =	seq.s32 s12, $0x4F;
	[tilespmem:v19+s16+$0x0] =	vst.idx.msk $0xffff, v11  }
0x205: {  	s11 =	sadd.s32 $0xB400, s8;
	s6 =	sshra.s32 @!p1 s10, $0x2;
	[tilespmem:v21+s16+$0x0] =	vst.idx.msk $0xffff, v10  }
0x206: {  	[spmem:s5] =	stream.indirect.scatter.add.f32 [tilespmem:s16], [sflag:$0x3], $0x8, s11, s23, $0xb8;
	[tilespmem:$0x1F000] =	vst v63  }
0x207: {  	s7 =	simm.s32 @!p1 $0x80;
	s6 =	sadd.s32 @!p1 $0x6500, s6;
	s11 =	simm.s32 @!p1 $0x1A400  }
0x208: {  	[tilespmem:s11], [sflag:$0x1] =	stream.indirect.gather @!p1 [spmem:s3], $0x8, s6, s7, $0xb8;
	[tilespmem:$0x1F000] =	vst v63  }
0x209: {  	_ =	swait.ge [sflag:s9], $0x400  }
0x20a: {  	s15 =	simm.s32 $0x0;
	[sflag:s9] =	ssyncset.done $0x0  }
0x20b: {  	s18 =	simm.s32 $0x10;
	v11 =	vor.u32 s15, v0;
	s7 =	simm.s32 @!p0 $0x4;
	[sflag:s9] =	ssyncadd.s32 $0xFFFFFC00  }
0x20c: {  	s21 =	simm.s32 $0x20;
	v12 =	vor.u32 s18, v0;
	_ =	swait.ge @!p0 [sflag:s7], $0x400  }
0x20d: {  	s22 =	simm.s32 $0x30;
	v13 =	vor.u32 s21, v0;
	[sflag:s7] =	ssyncset.done @!p0 $0x0  }
0x20e: {  	v14 =	vor.u32 s22, v0;
	s15 =	simm.s32 $0x40;
	[sflag:s7] =	ssyncadd.s32 @!p0 $0xFFFFFC00  }
0x20f: {  	s18 =	simm.s32 $0x50;
	v43 =	vor.u32 s15, v0;
	v15 =	vld [tilespmem:s17+$0x0]  }
0x210: {  	s21 =	simm.s32 $0x60;
	v45 =	vor.u32 s18, v0;
	v44 =	vld.idx.msk [tilespmem:v11+s31+$0x0], $0xffff  }
0x211: {  	s22 =	simm.s32 $0x70;
	v47 =	vor.u32 s21, v0;
	v46 =	vld.idx.msk [tilespmem:v12+s31+$0x0], $0xffff  }
0x212: {  	v10 =	vor.u32 s22, v0;
	v48 =	vld.idx.msk [tilespmem:v13+s31+$0x0], $0xffff  }
0x213: {  	v49 =	vld.idx.msk [tilespmem:v14+s31+$0x0], $0xffff  }
0x214: {  	v50 =	vld.idx.msk [tilespmem:v43+s31+$0x0], $0xffff;
	v51 =	vperm.xlane v15, v1  }
0x215: {  	v52 =	vld.idx.msk [tilespmem:v45+s31+$0x0], $0xffff;
	v17 =	vmax.f32 v44, $0.0e+00;
	v53 =	vperm.xlane v15, v2  }
0x216: {  	v54 =	vld.idx.msk [tilespmem:v47+s31+$0x0], $0xffff;
	v19 =	vmax.f32 v46, $0.0e+00;
	v55 =	vperm.xlane v15, v3;
	v17 =	vmul.f32 v51, v17  }
0x217: {  	v56 =	vld.idx.msk [tilespmem:v10+s31+$0x0], $0xffff;
	v21 =	vmax.f32 v48, $0.0e+00;
	v57 =	vperm.xlane v15, v4;
	v19 =	vmul.f32 v53, v19  }
0x218: {  	v58 =	vmax.f32 v49, $0.0e+00;
	v59 =	vperm.xlane v15, v5;
	[tilespmem:v11+s13+$0x0] =	vst.idx.msk $0xffff, v17;
	v11 =	vmul.f32 v55, v21  }
0x219: {  	v60 =	vmax.f32 v50, $0.0e+00;
	v61 =	vperm.xlane v15, v6;
	[tilespmem:v12+s13+$0x0] =	vst.idx.msk $0xffff, v19;
	v12 =	vmul.f32 v57, v58  }
0x21a: {  	v62 =	vperm.xlane v15, v7;
	[tilespmem:v13+s13+$0x0] =	vst.idx.msk $0xffff, v11;
	v11 =	vmul.f32 v59, v60;
	v13 =	vmax.f32 v52, $0.0e+00  }
0x21b: {  	[tilespmem:v14+s13+$0x0] =	vst.idx.msk $0xffff, v12;
	v12 =	vmul.f32 v61, v13;
	v13 =	vmax.f32 v54, $0.0e+00  }
0x21c: {  	s10 =	sor.u32 $0x200, s10;
	s11 =	simm.s32 $0x80;
	v14 =	vperm.xlane v15, v8;
	[tilespmem:v43+s13+$0x0] =	vst.idx.msk $0xffff, v11;
	v15 =	vmul.f32 v62, v13  }
0x21d: {  	s21 =	simm.s32 $0xA0;
	s18 =	simm.s32 $0x170;
	s15 =	simm.s32 $0x90;
	v63 =	vmax.f32 v56, $0.0e+00;
	v11 =	vor.u32 s11, v0;
	[tilespmem:v45+s13+$0x0] =	vst.idx.msk $0xffff, v12  }
0x21e: {  	s22 =	simm.s32 $0xB0;
	s11 =	simm.s32 $0xF0;
	v13 =	vor.u32 s15, v0;
	s15 =	smov.u32 s17;
	v14 =	vmul.f32 v14, v63;
	v12 =	vor.u32 s21, v0;
	[tilespmem:v47+s13+$0x0] =	vst.idx.msk $0xffff, v15  }
.LBB2_21:
0x21f: {  	s6 =	sadd.s32 $0xFFFFFFD0, s11  }
0x220: {  	v15 =	vor.u32 s22, v0;
	[tilespmem:v10+s13+$0x0] =	vst.idx.msk $0xffff, v14;
	s15 =	sadd.s32 $0x10, s15;
	s21 =	smov.u32 s18;
	s7 =	sadd.s32 $0x80, s18  }
0x221: {  	p0 =	sne.s32 s18, $0x3F0;
	s18 =	sadd.s32 $0xFFFFFFE0, s11;
	v14 =	vld [tilespmem:s15+$0x0];
	v16 =	vor.u32 s6, v0  }
0x222: {  	s6 =	sadd.s32 $0xFFFFFFF0, s11;
	v18 =	vor.u32 s18, v0;
	v17 =	vld.idx.msk [tilespmem:v11+s31+$0x0], $0xffff  }
0x223: {  	v20 =	vor.u32 s6, v0;
	v19 =	vld.idx.msk [tilespmem:v13+s31+$0x0], $0xffff  }
0x224: {  	v10 =	vor.u32 s11, v0;
	s11 =	smov.u32 s21;
	v21 =	vld.idx.msk [tilespmem:v12+s31+$0x0], $0xffff  }
0x225: {  	v22 =	vld.idx.msk [tilespmem:v15+s31+$0x0], $0xffff  }
0x226: {  	v23 =	vld.idx.msk [tilespmem:v16+s31+$0x0], $0xffff  }
0x227: {  	v25 =	vperm.xlane v14, v1;
	v24 =	vld.idx.msk [tilespmem:v18+s31+$0x0], $0xffff  }
0x228: {  	v27 =	vperm.xlane v14, v2;
	v17 =	vmax.f32 v17, $0.0e+00;
	v26 =	vld.idx.msk [tilespmem:v20+s31+$0x0], $0xffff  }
0x229: {  	v17 =	vmul.f32 v25, v17;
	v19 =	vmax.f32 v19, $0.0e+00;
	v25 =	vperm.xlane v14, v3;
	v28 =	vld.idx.msk [tilespmem:v10+s31+$0x0], $0xffff  }
0x22a: {  	v19 =	vmul.f32 v27, v19;
	v21 =	vmax.f32 v21, $0.0e+00;
	v27 =	vperm.xlane v14, v4  }
0x22b: {  	[tilespmem:v11+s13+$0x0] =	vst.idx.msk $0xffff, v17;
	v11 =	vmul.f32 v25, v21;
	v17 =	vmax.f32 v22, $0.0e+00;
	v21 =	vperm.xlane v14, v5  }
0x22c: {  	[tilespmem:v13+s13+$0x0] =	vst.idx.msk $0xffff, v19;
	v13 =	vmul.f32 v27, v17;
	v17 =	vmax.f32 v23, $0.0e+00;
	v19 =	vperm.xlane v14, v6  }
.Ltmp10:
0x22d: {  	[tilespmem:v12+s13+$0x0] =	vst.idx.msk $0xffff, v11;
	v12 =	vmul.f32 v21, v17;
	v11 =	vmax.f32 v24, $0.0e+00;
	v17 =	vperm.xlane v14, v7;
	(pc) =	sbr.rel @p0 .LBB2_21-.Ltmp10, $4  }
0x22e: {  	s6 =	sadd.s32 $0xFFFFFF90, s11;
	v14 =	vperm.xlane v14, v8;
	[tilespmem:v15+s13+$0x0] =	vst.idx.msk $0xffff, v13;
	v15 =	vmul.f32 v19, v11;
	v13 =	vmax.f32 v26, $0.0e+00  }
0x22f: {  	s18 =	sadd.s32 $0xFFFFFFA0, s11;
	v11 =	vor.u32 s6, v0;
	[tilespmem:v16+s13+$0x0] =	vst.idx.msk $0xffff, v12;
	v16 =	vmul.f32 v17, v13;
	v12 =	vmax.f32 v28, $0.0e+00  }
0x230: {  	s6 =	sadd.s32 $0xFFFFFFB0, s11;
	v13 =	vor.u32 s18, v0;
	[tilespmem:v18+s13+$0x0] =	vst.idx.msk $0xffff, v15;
	v14 =	vmul.f32 v14, v12  }
0x231: {  	s22 =	sadd.s32 $0xFFFFFFC0, s11;
	s18 =	smov.u32 s7;
	v12 =	vor.u32 s6, v0;
	[tilespmem:v20+s13+$0x0] =	vst.idx.msk $0xffff, v16  }
0x232: {  	_ =	sdelay $0x3  }
0x233: {  	s6 =	sadd.s32 $0xFFFFFFD0, s11;
	v15 =	vor.u32 s22, v0;
	[tilespmem:v10+s13+$0x0] =	vst.idx.msk $0xffff, v14;
	s7 =	sadd.s32 $0x10, s15  }
0x234: {  	s18 =	sadd.s32 $0xFFFFFFE0, s11;
	v10 =	vld [tilespmem:s7+$0x0];
	v52 =	vor.u32 s6, v0  }
0x235: {  	s21 =	sadd.s32 $0xFFFFFFF0, s11;
	v16 =	vld.idx.msk [tilespmem:v11+s31+$0x0], $0xffff;
	v17 =	vor.u32 s18, v0  }
0x236: {  	v18 =	vld.idx.msk [tilespmem:v13+s31+$0x0], $0xffff;
	v19 =	vor.u32 s21, v0  }
0x237: {  	v21 =	vor.u32 s11, v0;
	v20 =	vld.idx.msk [tilespmem:v12+s31+$0x0], $0xffff  }
0x238: {  	v22 =	vld.idx.msk [tilespmem:v15+s31+$0x0], $0xffff  }
0x239: {  	v23 =	vld.idx.msk [tilespmem:v52+s31+$0x0], $0xffff;
	v24 =	vperm.xlane v10, v1  }
0x23a: {  	v25 =	vld.idx.msk [tilespmem:v17+s31+$0x0], $0xffff;
	v16 =	vmax.f32 v16, $0.0e+00;
	v26 =	vperm.xlane v10, v2  }
0x23b: {  	v27 =	vld.idx.msk [tilespmem:v19+s31+$0x0], $0xffff;
	v18 =	vmax.f32 v18, $0.0e+00;
	v53 =	vperm.xlane v10, v3;
	v16 =	vmul.f32 v24, v16  }
0x23c: {  	v28 =	vld.idx.msk [tilespmem:v21+s31+$0x0], $0xffff;
	v20 =	vmax.f32 v20, $0.0e+00;
	v54 =	vperm.xlane v10, v4;
	v18 =	vmul.f32 v26, v18  }
0x23d: {  	v56 =	vperm.xlane v10, v5;
	[tilespmem:v11+s13+$0x0] =	vst.idx.msk $0xffff, v16;
	v11 =	vmul.f32 v53, v20;
	v55 =	vmax.f32 v22, $0.0e+00  }
0x23e: {  	v59 =	vperm.xlane v10, v6;
	[tilespmem:v13+s13+$0x0] =	vst.idx.msk $0xffff, v18;
	v57 =	vmul.f32 v54, v55;
	v58 =	vmax.f32 v23, $0.0e+00  }
0x23f: {  	v61 =	vperm.xlane v10, v7;
	v60 =	vmax.f32 v25, $0.0e+00;
	[tilespmem:v12+s13+$0x0] =	vst.idx.msk $0xffff, v11;
	v11 =	vmul.f32 v56, v58  }
0x240: {  	v10 =	vperm.xlane v10, v8;
	v62 =	vmax.f32 v27, $0.0e+00;
	v12 =	vmul.f32 v59, v60;
	[tilespmem:v15+s13+$0x0] =	vst.idx.msk $0xffff, v57  }
.Ltmp11:
0x241: {  	v63 =	vmax.f32 v28, $0.0e+00;
	[tilespmem:v52+s13+$0x0] =	vst.idx.msk $0xffff, v11;
	v11 =	vmul.f32 v61, v62;
	(pc) =	sbr.rel @p1 .LBB2_24-.Ltmp11, $4  }
0x242: {  	v10 =	vmul.f32 v10, v63;
	[tilespmem:v17+s13+$0x0] =	vst.idx.msk $0xffff, v12  }
0x243: {  	s22 =	sshra.s32 s10, $0x2;
	[tilespmem:v19+s13+$0x0] =	vst.idx.msk $0xffff, v11  }
0x244: {  	s6 =	sadd.s32 $0xB400, s22;
	[tilespmem:v21+s13+$0x0] =	vst.idx.msk $0xffff, v10  }
0x245: {  	[spmem:s5] =	stream.indirect.scatter.add.f32 [tilespmem:s13], [sflag:$0x4], $0x8, s6, s23, $0xb8;
	[tilespmem:$0x1F000] =	vst v63  }
.Ltmp12:
0x246: {  	(pc) =	sbr.rel .LBB2_18-.Ltmp12, $4  }
0x247: {  	_ = 	snop  }
0x248: {  	s6 =	sadd.s32 $0x6580, s8  }
0x249: {  	s12 =	sadd.s32 $0x1, s12;
	s14 =	sadd.s32 $0x100, s14;
	s17 =	sadd.s32 $0x100, s17  }
0x24a: {  	[tilespmem:s31], [sflag:$0x2] =	stream.indirect.gather [spmem:s3], $0x8, s6, s23, $0xb8;
	[tilespmem:$0x1F000] =	vst v63  }
.LBB2_24:
0x24b: {  	s6 =	simm.s32 $0x3  }
0x24c: {  	_ =	swait.ge [sflag:s6], $0x400  }
0x24d: {  	[sflag:s6] =	ssyncset.done $0x0  }
0x24e: {  	s15 =	simm.s32 $0x4;
	[sflag:s6] =	ssyncadd.s32 $0xFFFFFC00  }
0x24f: {  	_ =	swait.ge [sflag:s15], $0x400  }
0x250: {  	[sflag:s15] =	ssyncset.done $0x0  }
0x251: {  	[sflag:s15] =	ssyncadd.s32 $0xFFFFFC00  }
0x252: {  	s12 =	simm.s32 $0x0;
	[bflag:$0x0] =	sbarrier.arrive $0xFFFF  }
0x253: {  	s14 =	simm.s32 $0x15400;
	s7 =	simm.s32 $0x5;
	s17 =	rddreg [dreg:$0x12]  }
0x254: {  	[tilespmem:s14], [sflag:$0x5] =	stream.linear.gather [hbm4b:s17+s12], $0x5000, $0x38;
	[tilespmem:$0x1F000] =	vst v63  }
0x255: {  	_ =	swait.ge [sflag:s7], $0x5000  }
0x256: {  	[sflag:s7] =	ssyncset.done $0x0  }
0x257: {  	s8 =	simm.s32 $0x1C800;
	s18 =	rddreg [dreg:$0xb];
	[sflag:s7] =	ssyncadd.s32 $0xFFFFB000  }
0x258: {  	[spmem:s18] =	stream.linear.scatter [tilespmem:s8], [sflag:$0x5], $0x1400, $0x38;
	[tilespmem:$0x1F000] =	vst v63  }
0x259: {  	_ =	swait.ge [sflag:s7], $0x1400  }
0x25a: {  	[sflag:s7] =	ssyncset.done $0x0  }
0x25b: {  	s21 =	simm.s32 $0x6400;
	[sflag:s7] =	ssyncadd.s32 $0xFFFFEC00  }
0x25c: {  	[tilespmem:s25], [sflag:$0x1] =	stream.indirect.gather [spmem:s5], $0x8, s21, s23, $0xb8;
	[tilespmem:$0x1F000] =	vst v63  }
0x25d: {  	s22 =	simm.s32 $0x6480;
	s8 =	simm.s32 $0x15480  }
0x25e: {  	[tilespmem:s31], [sflag:$0x2] =	stream.indirect.gather [spmem:s5], $0x8, s22, s23, $0xb8;
	[tilespmem:$0x1F000] =	vst v63  }
.LBB2_25:
0x25f: {  	_ =	swait.ge [sflag:s28], $0x400  }
0x260: {  	p0 =	seq.s32 s12, $0x0;
	[sflag:s28] =	ssyncset.done $0x0  }
0x261: {  	s6 =	simm.s32 $0x0;
	s7 =	simm.s32 @!p0 $0x3;
	[sflag:s28] =	ssyncadd.s32 $0xFFFFFC00  }
0x262: {  	s10 =	simm.s32 $0x10;
	v11 =	vor.u32 s6, v0;
	_ =	swait.ge @!p0 [sflag:s7], $0x400  }
0x263: {  	s21 =	simm.s32 $0x20;
	v12 =	vor.u32 s10, v0;
	[sflag:s7] =	ssyncset.done @!p0 $0x0  }
0x264: {  	s22 =	simm.s32 $0x30;
	v13 =	vor.u32 s21, v0;
	[sflag:s7] =	ssyncadd.s32 @!p0 $0xFFFFFC00  }
0x265: {  	v14 =	vor.u32 s22, v0;
	s7 =	simm.s32 $0x40;
	v15 =	vld [tilespmem:s14+$0x0]  }
0x266: {  	s11 =	simm.s32 $0x50;
	v16 =	vor.u32 s7, v0  }
0x267: {  	s15 =	simm.s32 $0x60;
	v18 =	vor.u32 s11, v0;
	v17 =	vld.idx.msk [tilespmem:v11+s25+$0x0], $0xffff  }
0x268: {  	s17 =	simm.s32 $0x70;
	v20 =	vor.u32 s15, v0;
	v19 =	vld.idx.msk [tilespmem:v12+s25+$0x0], $0xffff  }
0x269: {  	v10 =	vor.u32 s17, v0;
	v21 =	vld.idx.msk [tilespmem:v13+s25+$0x0], $0xffff  }
0x26a: {  	v22 =	vld.idx.msk [tilespmem:v14+s25+$0x0], $0xffff;
	v24 =	vperm.xlane v15, v1  }
0x26b: {  	v23 =	vld.idx.msk [tilespmem:v16+s25+$0x0], $0xffff;
	v25 =	vperm.xlane v15, v2  }
0x26c: {  	v26 =	vld.idx.msk [tilespmem:v18+s25+$0x0], $0xffff;
	v27 =	vperm.xlane v15, v3;
	v17 =	vmul.f32 v24, v17  }
0x26d: {  	v28 =	vld.idx.msk [tilespmem:v20+s25+$0x0], $0xffff;
	v60 =	vperm.xlane v15, v4;
	v19 =	vmul.f32 v25, v19  }
0x26e: {  	v29 =	vld.idx.msk [tilespmem:v10+s25+$0x0], $0xffff;
	v61 =	vperm.xlane v15, v5;
	[tilespmem:v11+s16+$0x0] =	vst.idx.msk $0xffff, v17;
	v11 =	vmul.f32 v27, v21  }
0x26f: {  	v62 =	vperm.xlane v15, v6;
	[tilespmem:v12+s16+$0x0] =	vst.idx.msk $0xffff, v19;
	v12 =	vmul.f32 v60, v22  }
0x270: {  	v63 =	vperm.xlane v15, v7;
	[tilespmem:v13+s16+$0x0] =	vst.idx.msk $0xffff, v11;
	v11 =	vmul.f32 v61, v23  }
0x271: {  	[tilespmem:v14+s16+$0x0] =	vst.idx.msk $0xffff, v12;
	v12 =	vmul.f32 v62, v26  }
0x272: {  	s18 =	simm.s32 $0x80;
	s17 =	sshll.u32 s12, $0xA;
	v13 =	vperm.xlane v15, v8;
	v15 =	vmul.f32 v63, v28;
	[tilespmem:v16+s16+$0x0] =	vst.idx.msk $0xffff, v11  }
0x273: {  	s21 =	simm.s32 $0x90;
	s22 =	simm.s32 $0xA0;
	s10 =	simm.s32 $0xF0;
	v11 =	vor.u32 s18, v0;
	[tilespmem:v18+s16+$0x0] =	vst.idx.msk $0xffff, v12  }
0x274: {  	s15 =	simm.s32 $0x170;
	s7 =	smov.u32 s14;
	v14 =	vmul.f32 v13, v29;
	s18 =	simm.s32 $0xB0;
	v13 =	vor.u32 s22, v0;
	v12 =	vor.u32 s21, v0;
	[tilespmem:v20+s16+$0x0] =	vst.idx.msk $0xffff, v15  }
.LBB2_26:
0x275: {  	s6 =	sadd.s32 $0xFFFFFFD0, s10  }
0x276: {  	v15 =	vor.u32 s18, v0;
	[tilespmem:v10+s16+$0x0] =	vst.idx.msk $0xffff, v14;
	s7 =	sadd.s32 $0x10, s7;
	s18 =	smov.u32 s15;
	s11 =	sadd.s32 $0x80, s15  }
0x277: {  	p1 =	sne.s32 s15, $0x3F0;
	s15 =	sadd.s32 $0xFFFFFFE0, s10;
	v14 =	vld [tilespmem:s7+$0x0];
	v16 =	vor.u32 s6, v0  }
0x278: {  	s6 =	sadd.s32 $0xFFFFFFF0, s10;
	v18 =	vor.u32 s15, v0;
	v17 =	vld.idx.msk [tilespmem:v11+s25+$0x0], $0xffff  }
0x279: {  	v20 =	vor.u32 s6, v0;
	v19 =	vld.idx.msk [tilespmem:v12+s25+$0x0], $0xffff  }
0x27a: {  	v10 =	vor.u32 s10, v0;
	s10 =	smov.u32 s18;
	v21 =	vld.idx.msk [tilespmem:v13+s25+$0x0], $0xffff  }
0x27b: {  	v22 =	vld.idx.msk [tilespmem:v15+s25+$0x0], $0xffff  }
0x27c: {  	v23 =	vld.idx.msk [tilespmem:v16+s25+$0x0], $0xffff;
	v24 =	vperm.xlane v14, v1;
	v25 =	vperm.xlane v14, v2  }
0x27d: {  	v27 =	vperm.xlane v14, v3;
	v28 =	vperm.xlane v14, v4;
	v26 =	vld.idx.msk [tilespmem:v18+s25+$0x0], $0xffff  }
0x27e: {  	v29 =	vld.idx.msk [tilespmem:v20+s25+$0x0], $0xffff;
	v17 =	vmul.f32 v24, v17;
	v24 =	vperm.xlane v14, v5  }
0x27f: {  	v19 =	vmul.f32 v25, v19;
	v25 =	vperm.xlane v14, v6;
	v30 =	vld.idx.msk [tilespmem:v10+s25+$0x0], $0xffff  }
0x280: {  	[tilespmem:v11+s16+$0x0] =	vst.idx.msk $0xffff, v17;
	v11 =	vmul.f32 v27, v21;
	v17 =	vperm.xlane v14, v7  }
0x281: {  	v14 =	vperm.xlane v14, v8;
	[tilespmem:v12+s16+$0x0] =	vst.idx.msk $0xffff, v19;
	v12 =	vmul.f32 v28, v22  }
.Ltmp13:
0x282: {  	[tilespmem:v13+s16+$0x0] =	vst.idx.msk $0xffff, v11;
	v13 =	vmul.f32 v24, v23;
	(pc) =	sbr.rel @p1 .LBB2_26-.Ltmp13, $4  }
0x283: {  	s6 =	sadd.s32 $0xFFFFFF90, s10;
	[tilespmem:v15+s16+$0x0] =	vst.idx.msk $0xffff, v12;
	v15 =	vmul.f32 v25, v26  }
0x284: {  	s15 =	sadd.s32 $0xFFFFFFA0, s10;
	v11 =	vor.u32 s6, v0;
	[tilespmem:v16+s16+$0x0] =	vst.idx.msk $0xffff, v13;
	v16 =	vmul.f32 v17, v29  }
0x285: {  	s6 =	sadd.s32 $0xFFFFFFB0, s10;
	v12 =	vor.u32 s15, v0;
	v14 =	vmul.f32 v14, v30;
	[tilespmem:v18+s16+$0x0] =	vst.idx.msk $0xffff, v15  }
0x286: {  	s18 =	sadd.s32 $0xFFFFFFC0, s10;
	s15 =	smov.u32 s11;
	v13 =	vor.u32 s6, v0;
	[tilespmem:v20+s16+$0x0] =	vst.idx.msk $0xffff, v16  }
0x287: {  	_ =	sdelay $0x3  }
0x288: {  	[tilespmem:v10+s16+$0x0] =	vst.idx.msk $0xffff, v14;
	s7 =	sadd.s32 $0x10, s7  }
0x289: {  	s6 =	sadd.s32 $0xFFFFFFD0, s10;
	v15 =	vor.u32 s18, v0;
	v10 =	vld [tilespmem:s7+$0x0]  }
0x28a: {  	s22 =	sadd.s32 $0xFFFFFFE0, s10;
	v14 =	vor.u32 s6, v0  }
0x28b: {  	s11 =	sadd.s32 $0xFFFFFFF0, s10;
	v16 =	vld.idx.msk [tilespmem:v11+s25+$0x0], $0xffff;
	v17 =	vor.u32 s22, v0  }
0x28c: {  	v18 =	vld.idx.msk [tilespmem:v12+s25+$0x0], $0xffff;
	v19 =	vor.u32 s11, v0  }
0x28d: {  	v21 =	vor.u32 s10, v0;
	v20 =	vld.idx.msk [tilespmem:v13+s25+$0x0], $0xffff  }
0x28e: {  	v22 =	vld.idx.msk [tilespmem:v15+s25+$0x0], $0xffff;
	v24 =	vperm.xlane v10, v1  }
0x28f: {  	v23 =	vld.idx.msk [tilespmem:v14+s25+$0x0], $0xffff;
	v25 =	vperm.xlane v10, v2  }
0x290: {  	v26 =	vld.idx.msk [tilespmem:v17+s25+$0x0], $0xffff;
	v27 =	vperm.xlane v10, v3;
	v16 =	vmul.f32 v24, v16  }
0x291: {  	v28 =	vld.idx.msk [tilespmem:v19+s25+$0x0], $0xffff;
	v42 =	vperm.xlane v10, v4;
	v18 =	vmul.f32 v25, v18  }
0x292: {  	v29 =	vld.idx.msk [tilespmem:v21+s25+$0x0], $0xffff;
	v43 =	vperm.xlane v10, v5;
	[tilespmem:v11+s16+$0x0] =	vst.idx.msk $0xffff, v16;
	v11 =	vmul.f32 v27, v20  }
0x293: {  	v44 =	vperm.xlane v10, v6;
	[tilespmem:v12+s16+$0x0] =	vst.idx.msk $0xffff, v18;
	v12 =	vmul.f32 v42, v22  }
0x294: {  	v45 =	vperm.xlane v10, v7;
	[tilespmem:v13+s16+$0x0] =	vst.idx.msk $0xffff, v11;
	v11 =	vmul.f32 v43, v23  }
0x295: {  	v10 =	vperm.xlane v10, v8;
	[tilespmem:v15+s16+$0x0] =	vst.idx.msk $0xffff, v12;
	v12 =	vmul.f32 v44, v26  }
0x296: {  	[tilespmem:v14+s16+$0x0] =	vst.idx.msk $0xffff, v11;
	v11 =	vmul.f32 v45, v28  }
0x297: {  	v10 =	vmul.f32 v10, v29;
	[tilespmem:v17+s16+$0x0] =	vst.idx.msk $0xffff, v12  }
0x298: {  	s10 =	sshra.s32 s17, $0x2;
	p1 =	seq.s32 s12, $0x4F;
	[tilespmem:v19+s16+$0x0] =	vst.idx.msk $0xffff, v11  }
0x299: {  	s15 =	sadd.s32 $0xB400, s10;
	s6 =	sshra.s32 @!p1 s17, $0x2;
	[tilespmem:v21+s16+$0x0] =	vst.idx.msk $0xffff, v10  }
0x29a: {  	[spmem:s24] =	stream.indirect.scatter.add.f32 [tilespmem:s16], [sflag:$0x3], $0x8, s15, s23, $0xb8;
	[tilespmem:$0x1F000] =	vst v63  }
0x29b: {  	s7 =	simm.s32 @!p1 $0x80;
	s11 =	simm.s32 @!p1 $0x1A400;
	s6 =	sadd.s32 @!p1 $0x6500, s6  }
0x29c: {  	[tilespmem:s11], [sflag:$0x1] =	stream.indirect.gather @!p1 [spmem:s5], $0x8, s6, s7, $0xb8;
	[tilespmem:$0x1F000] =	vst v63  }
0x29d: {  	_ =	swait.ge [sflag:s9], $0x400  }
0x29e: {  	[sflag:s9] =	ssyncset.done $0x0  }
0x29f: {  	s18 =	simm.s32 $0x0;
	s7 =	simm.s32 @!p0 $0x4;
	[sflag:s9] =	ssyncadd.s32 $0xFFFFFC00  }
0x2a0: {  	s21 =	simm.s32 $0x10;
	v11 =	vor.u32 s18, v0;
	_ =	swait.ge @!p0 [sflag:s7], $0x400  }
0x2a1: {  	s22 =	simm.s32 $0x20;
	v12 =	vor.u32 s21, v0;
	[sflag:s7] =	ssyncset.done @!p0 $0x0  }
0x2a2: {  	v13 =	vor.u32 s22, v0;
	s15 =	simm.s32 $0x30;
	[sflag:s7] =	ssyncadd.s32 @!p0 $0xFFFFFC00  }
0x2a3: {  	s18 =	simm.s32 $0x40;
	v14 =	vor.u32 s15, v0;
	v15 =	vld [tilespmem:s8+$0x0]  }
0x2a4: {  	s21 =	simm.s32 $0x50;
	v46 =	vor.u32 s18, v0  }
0x2a5: {  	s22 =	simm.s32 $0x60;
	v48 =	vor.u32 s21, v0;
	v47 =	vld.idx.msk [tilespmem:v11+s31+$0x0], $0xffff  }
0x2a6: {  	v50 =	vor.u32 s22, v0;
	s11 =	simm.s32 $0x70;
	v49 =	vld.idx.msk [tilespmem:v12+s31+$0x0], $0xffff  }
0x2a7: {  	v10 =	vor.u32 s11, v0;
	v51 =	vld.idx.msk [tilespmem:v13+s31+$0x0], $0xffff  }
0x2a8: {  	v52 =	vld.idx.msk [tilespmem:v14+s31+$0x0], $0xffff;
	v54 =	vperm.xlane v15, v1  }
0x2a9: {  	v53 =	vld.idx.msk [tilespmem:v46+s31+$0x0], $0xffff;
	v55 =	vperm.xlane v15, v2  }
0x2aa: {  	v56 =	vld.idx.msk [tilespmem:v48+s31+$0x0], $0xffff;
	v57 =	vperm.xlane v15, v3;
	v17 =	vmul.f32 v54, v47  }
0x2ab: {  	v58 =	vld.idx.msk [tilespmem:v50+s31+$0x0], $0xffff;
	v59 =	vperm.xlane v15, v4;
	v19 =	vmul.f32 v55, v49  }
0x2ac: {  	v60 =	vld.idx.msk [tilespmem:v10+s31+$0x0], $0xffff;
	v61 =	vperm.xlane v15, v5;
	[tilespmem:v11+s13+$0x0] =	vst.idx.msk $0xffff, v17;
	v11 =	vmul.f32 v57, v51  }
0x2ad: {  	v62 =	vperm.xlane v15, v6;
	[tilespmem:v12+s13+$0x0] =	vst.idx.msk $0xffff, v19;
	v12 =	vmul.f32 v59, v52  }
0x2ae: {  	v63 =	vperm.xlane v15, v7;
	[tilespmem:v13+s13+$0x0] =	vst.idx.msk $0xffff, v11;
	v11 =	vmul.f32 v61, v53  }
0x2af: {  	[tilespmem:v14+s13+$0x0] =	vst.idx.msk $0xffff, v12;
	v12 =	vmul.f32 v62, v56  }
0x2b0: {  	s22 =	simm.s32 $0xB0;
	s15 =	simm.s32 $0x80;
	v13 =	vperm.xlane v15, v8;
	v15 =	vmul.f32 v63, v58;
	[tilespmem:v46+s13+$0x0] =	vst.idx.msk $0xffff, v11  }
0x2b1: {  	s21 =	simm.s32 $0xA0;
	s11 =	sor.u32 $0x200, s17;
	s17 =	simm.s32 $0x90;
	v11 =	vor.u32 s15, v0;
	[tilespmem:v48+s13+$0x0] =	vst.idx.msk $0xffff, v12  }
0x2b2: {  	s18 =	simm.s32 $0x170;
	s7 =	smov.u32 s8;
	s15 =	simm.s32 $0xF0;
	v14 =	vmul.f32 v13, v60;
	v13 =	vor.u32 s21, v0;
	v12 =	vor.u32 s17, v0;
	[tilespmem:v50+s13+$0x0] =	vst.idx.msk $0xffff, v15  }
.LBB2_28:
0x2b3: {  	s6 =	sadd.s32 $0xFFFFFFD0, s15  }
0x2b4: {  	v15 =	vor.u32 s22, v0;
	[tilespmem:v10+s13+$0x0] =	vst.idx.msk $0xffff, v14;
	s7 =	sadd.s32 $0x10, s7;
	s21 =	smov.u32 s18;
	s17 =	sadd.s32 $0x80, s18  }
0x2b5: {  	p0 =	sne.s32 s18, $0x3F0;
	s18 =	sadd.s32 $0xFFFFFFE0, s15;
	v14 =	vld [tilespmem:s7+$0x0];
	v16 =	vor.u32 s6, v0  }
0x2b6: {  	s6 =	sadd.s32 $0xFFFFFFF0, s15;
	v18 =	vor.u32 s18, v0;
	v17 =	vld.idx.msk [tilespmem:v11+s31+$0x0], $0xffff  }
0x2b7: {  	v20 =	vor.u32 s6, v0;
	v19 =	vld.idx.msk [tilespmem:v12+s31+$0x0], $0xffff  }
0x2b8: {  	v10 =	vor.u32 s15, v0;
	s15 =	smov.u32 s21;
	v21 =	vld.idx.msk [tilespmem:v13+s31+$0x0], $0xffff  }
0x2b9: {  	v22 =	vld.idx.msk [tilespmem:v15+s31+$0x0], $0xffff  }
0x2ba: {  	v23 =	vld.idx.msk [tilespmem:v16+s31+$0x0], $0xffff;
	v24 =	vperm.xlane v14, v1;
	v25 =	vperm.xlane v14, v2  }
0x2bb: {  	v27 =	vperm.xlane v14, v3;
	v28 =	vperm.xlane v14, v4;
	v26 =	vld.idx.msk [tilespmem:v18+s31+$0x0], $0xffff  }
0x2bc: {  	v29 =	vld.idx.msk [tilespmem:v20+s31+$0x0], $0xffff;
	v17 =	vmul.f32 v24, v17;
	v24 =	vperm.xlane v14, v5  }
0x2bd: {  	v19 =	vmul.f32 v25, v19;
	v25 =	vperm.xlane v14, v6;
	v30 =	vld.idx.msk [tilespmem:v10+s31+$0x0], $0xffff  }
0x2be: {  	[tilespmem:v11+s13+$0x0] =	vst.idx.msk $0xffff, v17;
	v11 =	vmul.f32 v27, v21;
	v17 =	vperm.xlane v14, v7  }
0x2bf: {  	v14 =	vperm.xlane v14, v8;
	[tilespmem:v12+s13+$0x0] =	vst.idx.msk $0xffff, v19;
	v12 =	vmul.f32 v28, v22  }
.Ltmp14:
0x2c0: {  	[tilespmem:v13+s13+$0x0] =	vst.idx.msk $0xffff, v11;
	v13 =	vmul.f32 v24, v23;
	(pc) =	sbr.rel @p0 .LBB2_28-.Ltmp14, $4  }
0x2c1: {  	s6 =	sadd.s32 $0xFFFFFF90, s15;
	[tilespmem:v15+s13+$0x0] =	vst.idx.msk $0xffff, v12;
	v15 =	vmul.f32 v25, v26  }
0x2c2: {  	s18 =	sadd.s32 $0xFFFFFFA0, s15;
	v11 =	vor.u32 s6, v0;
	[tilespmem:v16+s13+$0x0] =	vst.idx.msk $0xffff, v13;
	v16 =	vmul.f32 v17, v29  }
0x2c3: {  	s6 =	sadd.s32 $0xFFFFFFB0, s15;
	v12 =	vor.u32 s18, v0;
	v14 =	vmul.f32 v14, v30;
	[tilespmem:v18+s13+$0x0] =	vst.idx.msk $0xffff, v15  }
0x2c4: {  	s22 =	sadd.s32 $0xFFFFFFC0, s15;
	s18 =	smov.u32 s17;
	v13 =	vor.u32 s6, v0;
	[tilespmem:v20+s13+$0x0] =	vst.idx.msk $0xffff, v16  }
0x2c5: {  	_ =	sdelay $0x3  }
0x2c6: {  	[tilespmem:v10+s13+$0x0] =	vst.idx.msk $0xffff, v14;
	s7 =	sadd.s32 $0x10, s7  }
0x2c7: {  	s6 =	sadd.s32 $0xFFFFFFD0, s15;
	v15 =	vor.u32 s22, v0;
	v10 =	vld [tilespmem:s7+$0x0]  }
0x2c8: {  	s18 =	sadd.s32 $0xFFFFFFE0, s15;
	v57 =	vor.u32 s6, v0  }
0x2c9: {  	s21 =	sadd.s32 $0xFFFFFFF0, s15;
	v16 =	vld.idx.msk [tilespmem:v11+s31+$0x0], $0xffff;
	v17 =	vor.u32 s18, v0  }
0x2ca: {  	v18 =	vld.idx.msk [tilespmem:v12+s31+$0x0], $0xffff;
	v19 =	vor.u32 s21, v0  }
0x2cb: {  	v21 =	vor.u32 s15, v0;
	v20 =	vld.idx.msk [tilespmem:v13+s31+$0x0], $0xffff  }
0x2cc: {  	v22 =	vld.idx.msk [tilespmem:v15+s31+$0x0], $0xffff;
	v24 =	vperm.xlane v10, v1  }
0x2cd: {  	v23 =	vld.idx.msk [tilespmem:v57+s31+$0x0], $0xffff;
	v25 =	vperm.xlane v10, v2  }
0x2ce: {  	v26 =	vld.idx.msk [tilespmem:v17+s31+$0x0], $0xffff;
	v27 =	vperm.xlane v10, v3;
	v16 =	vmul.f32 v24, v16  }
0x2cf: {  	v28 =	vld.idx.msk [tilespmem:v19+s31+$0x0], $0xffff;
	v58 =	vperm.xlane v10, v4;
	v18 =	vmul.f32 v25, v18  }
0x2d0: {  	v29 =	vld.idx.msk [tilespmem:v21+s31+$0x0], $0xffff;
	v59 =	vperm.xlane v10, v5;
	[tilespmem:v11+s13+$0x0] =	vst.idx.msk $0xffff, v16;
	v11 =	vmul.f32 v27, v20  }
0x2d1: {  	v60 =	vperm.xlane v10, v6;
	v61 =	vmul.f32 v58, v22;
	[tilespmem:v12+s13+$0x0] =	vst.idx.msk $0xffff, v18  }
0x2d2: {  	v62 =	vperm.xlane v10, v7;
	[tilespmem:v13+s13+$0x0] =	vst.idx.msk $0xffff, v11;
	v11 =	vmul.f32 v59, v23  }
0x2d3: {  	v10 =	vperm.xlane v10, v8;
	v63 =	vmul.f32 v60, v26;
	[tilespmem:v15+s13+$0x0] =	vst.idx.msk $0xffff, v61  }
.Ltmp15:
0x2d4: {  	[tilespmem:v57+s13+$0x0] =	vst.idx.msk $0xffff, v11;
	v11 =	vmul.f32 v62, v28;
	(pc) =	sbr.rel @p1 .LBB2_31-.Ltmp15, $4  }
0x2d5: {  	v10 =	vmul.f32 v10, v29;
	[tilespmem:v17+s13+$0x0] =	vst.idx.msk $0xffff, v63  }
0x2d6: {  	s22 =	sshra.s32 s11, $0x2;
	[tilespmem:v19+s13+$0x0] =	vst.idx.msk $0xffff, v11  }
0x2d7: {  	s6 =	sadd.s32 $0xB400, s22;
	[tilespmem:v21+s13+$0x0] =	vst.idx.msk $0xffff, v10  }
0x2d8: {  	[spmem:s24] =	stream.indirect.scatter.add.f32 [tilespmem:s13], [sflag:$0x4], $0x8, s6, s23, $0xb8;
	[tilespmem:$0x1F000] =	vst v63  }
.Ltmp16:
0x2d9: {  	(pc) =	sbr.rel .LBB2_25-.Ltmp16, $4  }
0x2da: {  	_ = 	snop  }
0x2db: {  	s6 =	sadd.s32 $0x6580, s10  }
0x2dc: {  	s12 =	sadd.s32 $0x1, s12;
	s14 =	sadd.s32 $0x100, s14;
	s8 =	sadd.s32 $0x100, s8  }
0x2dd: {  	[tilespmem:s31], [sflag:$0x2] =	stream.indirect.gather [spmem:s5], $0x8, s6, s23, $0xb8;
	[tilespmem:$0x1F000] =	vst v63  }
.LBB2_31:
0x2de: {  	s6 =	simm.s32 $0x3  }
0x2df: {  	_ =	swait.ge [sflag:s6], $0x400  }
0x2e0: {  	[sflag:s6] =	ssyncset.done $0x0  }
0x2e1: {  	s15 =	simm.s32 $0x4;
	[sflag:s6] =	ssyncadd.s32 $0xFFFFFC00  }
0x2e2: {  	_ =	swait.ge [sflag:s15], $0x400  }
0x2e3: {  	[sflag:s15] =	ssyncset.done $0x0  }
0x2e4: {  	s17 =	simm.s32 $0x0;
	s7 =	simm.s32 $0x10;
	[sflag:s15] =	ssyncadd.s32 $0xFFFFFC00  }
0x2e5: {  	s18 =	simm.s32 $0x20;
	s12 =	simm.s32 $0x5;
	v11 =	vor.u32 s17, v0;
	[bflag:$0x0] =	sbarrier.arrive $0xFFFF  }
0x2e6: {  	v12 =	vor.u32 s7, v0;
	[tilespmem:s20], [sflag:$0x5] =	stream.linear.gather [spmem:s30], $0x1400, $0x38;
	[tilespmem:$0x1F000] =	vst v63  }
0x2e7: {  	v13 =	vor.u32 s18, v0;
	_ =	swait.ge [sflag:s12], $0x1400  }
0x2e8: {  	[sflag:s12] =	ssyncset.done $0x0  }
0x2e9: {  	s21 =	simm.s32 $0x30;
	[sflag:s12] =	ssyncadd.s32 $0xFFFFEC00  }
0x2ea: {  	v10 =	vor.u32 s21, v0;
	v14 =	vld.idx.msk [tilespmem:v11+s20+$0x0], $0xffff  }
0x2eb: {  	v15 =	vld.idx.msk [tilespmem:v12+s20+$0x0], $0xffff  }
0x2ec: {  	v16 =	vld.idx.msk [tilespmem:v13+s20+$0x0], $0xffff;
	_ =	sdelay $0x2  }
0x2ed: {  	v18 =	vld.idx.msk [tilespmem:v10+s20+$0x0], $0xffff;
	v17 =	vmax.f32 v14, $0.0e+00  }
0x2ee: {  	s22 =	simm.s32 $0x40;
	[tilespmem:v11+s20+$0x0] =	vst.idx.msk $0xffff, v17;
	v11 =	vmax.f32 v15, $0.0e+00  }
0x2ef: {  	s24 =	simm.s32 $0x50;
	v14 =	vor.u32 s22, v0;
	[tilespmem:v12+s20+$0x0] =	vst.idx.msk $0xffff, v11;
	v11 =	vmax.f32 v16, $0.0e+00  }
0x2f0: {  	s30 =	simm.s32 $0x60;
	v15 =	vor.u32 s24, v0  }
0x2f1: {  	s8 =	simm.s32 $0x70;
	s11 =	rddreg [dreg:$0xc];
	v17 =	vor.u32 s30, v0  }
0x2f2: {  	s7 =	simm.s32 $0xB0;
	s15 =	rddreg [dreg:$0xe];
	v18 =	vmax.f32 v18, $0.0e+00;
	v16 =	vor.u32 s8, v0;
	v12 =	vmovc v15;
	[tilespmem:v13+s20+$0x0] =	vst.idx.msk $0xffff, v11;
	v13 =	vmovc v14;
	v11 =	vmov v17  }
.LBB2_32:
0x2f3: {  	p0 =	sne.s32 s7, $0x13F0;
	[tilespmem:v10+s20+$0x0] =	vst.idx.msk $0xffff, v18;
	v10 =	vmov v16;
	s6 =	smov.u32 s7;
	s7 =	sadd.s32 $0x40, s7  }
0x2f4: {  	v18 =	vld.idx.msk [tilespmem:v14+s20+$0x0], $0xffff  }
0x2f5: {  	v19 =	vld.idx.msk [tilespmem:v15+s20+$0x0], $0xffff  }
0x2f6: {  	v20 =	vld.idx.msk [tilespmem:v17+s20+$0x0], $0xffff  }
0x2f7: {  	v21 =	vld.idx.msk [tilespmem:v16+s20+$0x0], $0xffff;
	_ =	sdelay $0x1  }
.Ltmp17:
0x2f8: {  	s8 =	sadd.s32 $0xFFFFFFD0, s6;
	(pc) =	sbr.rel @p0 .LBB2_32-.Ltmp17, $4  }
0x2f9: {  	s10 =	sadd.s32 $0xFFFFFFE0, s6;
	v14 =	vor.u32 s8, v0;
	v16 =	vmax.f32 v18, $0.0e+00  }
0x2fa: {  	s8 =	sadd.s32 $0xFFFFFFF0, s6;
	v15 =	vor.u32 s10, v0;
	[tilespmem:v13+s20+$0x0] =	vst.idx.msk $0xffff, v16;
	v16 =	vmax.f32 v19, $0.0e+00;
	v13 =	vmov v14  }
0x2fb: {  	v17 =	vor.u32 s8, v0;
	v18 =	vmax.f32 v20, $0.0e+00;
	[tilespmem:v12+s20+$0x0] =	vst.idx.msk $0xffff, v16;
	v12 =	vmov v15  }
0x2fc: {  	v16 =	vor.u32 s6, v0;
	[tilespmem:v11+s20+$0x0] =	vst.idx.msk $0xffff, v18;
	v18 =	vmax.f32 v21, $0.0e+00;
	v11 =	vmov v17  }
0x2fd: {  	_ =	sdelay $0x3  }
0x2fe: {  	[tilespmem:v10+s20+$0x0] =	vst.idx.msk $0xffff, v18  }
0x2ff: {  	v10 =	vld.idx.msk [tilespmem:v14+s20+$0x0], $0xffff  }
0x300: {  	v61 =	vld.idx.msk [tilespmem:v15+s20+$0x0], $0xffff  }
0x301: {  	v62 =	vld.idx.msk [tilespmem:v17+s20+$0x0], $0xffff  }
0x302: {  	v63 =	vld.idx.msk [tilespmem:v16+s20+$0x0], $0xffff;
	_ =	sdelay $0x1  }
0x303: {  	v10 =	vmax.f32 v10, $0.0e+00  }
0x304: {  	[tilespmem:v13+s20+$0x0] =	vst.idx.msk $0xffff, v10;
	v10 =	vmax.f32 v61, $0.0e+00  }
0x305: {  	[tilespmem:v12+s20+$0x0] =	vst.idx.msk $0xffff, v10;
	v10 =	vmax.f32 v62, $0.0e+00  }
0x306: {  	s6 =	rddreg [dreg:$0x15];
	[tilespmem:v11+s20+$0x0] =	vst.idx.msk $0xffff, v10;
	v10 =	vmax.f32 v63, $0.0e+00  }
0x307: {  	p0 =	seq.s32 s6, $0x0;
	s6 =	rddreg [dreg:$0x14];
	[tilespmem:v16+s20+$0x0] =	vst.idx.msk $0xffff, v10  }
0x308: {  	[spmem:s11] =	stream.linear.scatter [tilespmem:s20], [sflag:$0x5], $0x1400, $0x38;
	[tilespmem:$0x1F000] =	vst v63  }
0x309: {  	s6 =	smul.u32 @!p0 $0x14000, s6;
	_ =	swait.ge [sflag:s12], $0x1400  }
0x30a: {  	s14 =	rddreg [dreg:$0x8]  }
0x30b: {  	s8 =	simm.s32 @!p0 $0x1DC00;
	s6 =	sadd.s32 @!p0 s14, s6  }
0x30c: {  	[sflag:s12] =	ssyncset.done $0x0;
	s7 =	rddreg [dreg:$0x9];
	s6 =	sshrl.u32 @!p0 s6, $0x3  }
0x30d: {  	[sflag:s12] =	ssyncadd.s32 $0xFFFFEC00;
	s6 =	sadd.s32 @!p0 s7, s6;
	s7 =	simm.s32 @!p0 $0x0  }
0x30e: {  	[hbm4b:s6+s7] =	stream.linear.scatter @!p0 [tilespmem:s8], [sflag:$0x5], $0x1400, $0x38;
	[tilespmem:$0x1F000] =	vst v63  }
0x30f: {  	s6 =	simm.s32 @!p0 $0x5  }
0x310: {  	_ =	swait.ge @!p0 [sflag:s6], $0x1400  }
0x311: {  	[sflag:s6] =	ssyncset.done @!p0 $0x0  }
0x312: {  	[sflag:s6] =	ssyncadd.s32 @!p0 $0xFFFFEC00  }
0x313: {  	[tilespmem:s20], [sflag:$0x5] =	stream.linear.gather [spmem:s15], $0x1400, $0x38;
	[tilespmem:$0x1F000] =	vst v63  }
0x314: {  	_ =	swait.ge [sflag:s12], $0x1400  }
0x315: {  	[sflag:s12] =	ssyncset.done $0x0  }
0x316: {  	s24 =	rddreg [dreg:$0xa];
	[sflag:s12] =	ssyncadd.s32 $0xFFFFEC00  }
0x317: {  	[spmem:s24] =	stream.linear.scatter [tilespmem:s20], [sflag:$0x5], $0x1400, $0x38;
	[tilespmem:$0x1F000] =	vst v63  }
0x318: {  	_ =	swait.ge [sflag:s12], $0x1400  }
0x319: {  	s30 =	rddreg [dreg:$0x13]  }
0x31a: {  	s6 =	sadd.s32 $0x1, s30  }
0x31b: {  	p0 =	sne.s32 s6, $0x10  }
.Ltmp18:
0x31c: {  	_ = 	snop;
	(pc) =	sbr.rel @p0 .LBB2_6-.Ltmp18, $3  }
0x31d: {  	[sflag:s12] =	ssyncset.done $0x0  }
0x31e: {  	[sflag:s12] =	ssyncadd.s32 $0xFFFFEC00  }
0x31f: {  	[bflag:$0x0] =	sbarrier.arrive $0xFFFF;
	_ =	sdelay $0x1  }
0x320: {  	s0 =	simm.s32 $0x0  }
0x321: {  	s1 =	simm.s32 $0x10400;
	s2 =	rddreg [dreg:$0x10];
	s31 =	simm.s32 $0x5  }
0x322: {  	[hbm4b:s2+s0] =	stream.linear.scatter [tilespmem:s1], [sflag:$0x5], $0x5000, $0x38;
	[tilespmem:$0x1F000] =	vst v63  }
0x323: {  	_ =	swait.ge [sflag:s31], $0x5000  }
0x324: {  	[sflag:s31] =	ssyncset.done $0x0  }
0x325: {  	[sflag:s31] =	ssyncadd.s32 $0xFFFFB000  }
0x326: {  	s9 =	stileid.u32;
	s6 =	rddreg [dreg:$0x6]  }
.LBB2_35:
0x327: {  	_ =	sfence.sel $0x180000  }
0x328: {  	[bflag:$0x0] =	sbarrier.arrive $0xFFFF  }
0x329: {  	p0 =	sne.s32 s9, $0x0;
	_ =	strace $0x90000047  }
0x32a: {  	s0 =	sadd.s32 @!p0 $0x100000, s6;
	[bflag:$0x2] =	sbarrier.arrive $0xFFFF  }
0x32b: {  	[sflag:s0] =	ssyncadd.tile.s32 @!p0 $0x1;
	_ =	shalt  }
.Lfunc_end2:
_tile_overlayer_lowered:
.L_overlay_start_2:
0x32c: {  	(tag) =	ssettag $0x2  }
0x32d: {  	s0 =	rddreg [dreg:$0x0];
	s2 =	stileid.u32  }
0x32e: {  	s1 =	rddreg [dreg:$0x1];
	p0 =	sne.s32 s2, $0x0  }
0x32f: {  	s3 =	rddreg [dreg:$0x2];
	[bflag:$0x3] =	sbarrier.arrive $0xFFFF;
	s2 =	simm.s32 @!p0 $0x1C05  }
0x330: {  	[timem:s3], [sflag:s2] =	dma.local @!p0 [hbm:s0], s1  }
0x331: {  	s0 =	simm.s32 @!p0 $0x5  }
0x332: {  	_ =	swait.ge @!p0 [sflag:s0], s1  }
0x333: {  	s1 =	ssub.s32 @!p0 $0x0, s1;
	[sflag:s0] =	ssyncset.done @!p0 $0x0  }
0x334: {  	[sflag:s0] =	ssyncadd.s32 @!p0 s1  }
0x335: {  	[bflag:$0x3] =	sbarrier.arrive $0xFFFF  }
0x336: {  	_ =	shalt  }

</sc_bundles>
